<compile_context>
chip_gen: v7x
topology: tpu7x:2x2x1
jax: 0.10.2.dev20260603
libtpu: 0.0.44.dev20260713+nightly
codegen_flags: <defaults>
</compile_context>

<pallas_src>
import functools

import jax
import jax.numpy as jnp
from jax import lax
from jax.experimental import pallas as pl
from jax.experimental.pallas import tpu as pltpu
from jax.experimental.pallas import tpu_sc as plsc

F = 32
BATCH = 16384
NU = 1000000
NM = 100000
NC = 2
NS = 16
LANES = 16
FPC = F // NC
EPT = BATCH // NS
GROUPS = EPT // LANES

HALF = 499968
UMAIN = 2 * HALF
NTAIL = NU - UMAIN
SENT = 128
UBUF = UMAIN + SENT
SEG_A = 33280
SEG_B = 34048


def _mf_main(u_hbm, m_hbm, UT_hbm, MT_hbm, utail_hbm, part_hbm,
             usr_v, midx_v, uidx_v, uv0, uv1, mt0, mt1,
             acc_v, tbase_v, tmask_v, utail_v, zb_v,
             u_sh, m_sh0, m_sh1,
             stage_sem, mstage_sem, gather_sem):
    c = lax.axis_index("c")
    s = lax.axis_index("s")
    lanes = lax.iota(jnp.int32, LANES)
    uvs = (uv0, uv1)
    mts = (mt0, mt1)
    m_shs = (m_sh0, m_sh1)

    pltpu.sync_copy(u_hbm.at[pl.ds(s * EPT, EPT)], usr_v)
    pltpu.sync_copy(m_hbm.at[pl.ds(s * EPT, EPT)], midx_v)
    pltpu.sync_copy(utail_hbm, utail_v)

    @pl.when(s == NS - 1)
    def _zero_sentinels():
        zero = jnp.zeros((LANES,), jnp.float32)
        for g in range(SENT // LANES):
            zb_v[pl.ds(g * LANES, LANES)] = zero
        pltpu.sync_copy(zb_v, u_sh.at[pl.ds(UMAIN, SENT)])

    base_col = c * FPC

    def prep_body(g, ht):
        sl = pl.ds(g * LANES, LANES)
        u = usr_v[sl]
        sent = UMAIN + (g % 8) * LANES + lanes
        uidx_v[sl] = jnp.where(u < UMAIN, u, sent)
        acc_v[sl] = jnp.zeros((LANES,), jnp.float32)
        istail = u >= UMAIN
        tmask_v[sl] = jnp.where(istail, 1.0, 0.0).astype(jnp.float32)
        tbase_v[sl] = jnp.where(istail, (u - UMAIN) * F + base_col, 0)
        anyt = lax.reduce_max(
            jnp.where(istail, 1, 0).astype(jnp.int32), (0,))
        return jnp.maximum(ht, anyt)

    has_tail = lax.fori_loop(0, GROUPS, prep_body, jnp.int32(0))

    def issue_u_stage(f, h):
        d = c * FPC + f

        @pl.when(s < NS - 2)
        def _():
            off = pl.multiple_of(h * HALF + s * SEG_A, 128)
            pltpu.async_copy(
                UT_hbm.at[d, pl.ds(off, SEG_A)],
                u_sh.at[pl.ds(off, SEG_A)], stage_sem)

        @pl.when(s == NS - 2)
        def _():
            off = h * HALF + 14 * SEG_A
            pltpu.async_copy(
                UT_hbm.at[d, pl.ds(off, SEG_B)],
                u_sh.at[pl.ds(off, SEG_B)], stage_sem)

    def drain_u_stage():
        @pl.when(s < NS - 2)
        def _():
            pltpu.make_async_copy(
                UT_hbm.at[0, pl.ds(0, SEG_A)],
                u_sh.at[pl.ds(0, SEG_A)], stage_sem).wait()

        @pl.when(s == NS - 2)
        def _():
            pltpu.make_async_copy(
                UT_hbm.at[0, pl.ds(0, SEG_B)],
                u_sh.at[pl.ds(0, SEG_B)], stage_sem).wait()

    def issue_m_stage(f):
        @pl.when(s == NS - 1)
        def _():
            pltpu.async_copy(
                MT_hbm.at[c * FPC + f], m_shs[f % 2], mstage_sem)

    def drain_m_stage():
        @pl.when(s == NS - 1)
        def _():
            pltpu.make_async_copy(MT_hbm.at[0], m_sh0, mstage_sem).wait()

    def fma(f):
        uv = uvs[f % 2]
        mt = mts[f % 2]

        @pl.when(has_tail == 0)
        def _plain():
            def body(g, carry):
                sl = pl.ds(g * LANES, LANES)
                acc_v[sl] = acc_v[sl] + uv[sl] * mt[sl]
                return carry

            lax.fori_loop(0, GROUPS, body, 0)

        @pl.when(has_tail == 1)
        def _with_tail():
            def body(g, carry, f=f):
                sl = pl.ds(g * LANES, LANES)
                tv = plsc.load_gather(utail_v, [tbase_v[sl] + f])
                uval = uv[sl] + tv * tmask_v[sl]
                acc_v[sl] = acc_v[sl] + uval * mt[sl]
                return carry

            lax.fori_loop(0, GROUPS, body, 0)

    issue_m_stage(0)
    ug = None
    mg = None
    for f in range(FPC):
        if ug is not None:
            ug.wait()
            ug = None
        drain_m_stage()
        plsc.subcore_barrier()
        if f + 1 < FPC:
            issue_m_stage(f + 1)
        issue_u_stage(f, 0)
        issue_u_stage(f, 1)
        mg = pltpu.async_copy(
            m_shs[f % 2].at[midx_v], mts[f % 2], gather_sem)
        if f >= 1:
            fma(f - 1)
        mg.wait()
        drain_u_stage()
        drain_u_stage()
        plsc.subcore_barrier()
        ug = pltpu.async_copy(u_sh.at[uidx_v], uvs[f % 2], gather_sem)
    ug.wait()
    fma(FPC - 1)

    pltpu.sync_copy(acc_v, part_hbm.at[c, pl.ds(s * EPT, EPT)])


def _add_kernel(part_hbm, out_hbm, a_v, b_v):
    wid = lax.axis_index("s") * NC + lax.axis_index("c")
    n = BATCH // (NC * NS)
    base = wid * n
    pltpu.sync_copy(part_hbm.at[0, pl.ds(base, n)], a_v)
    pltpu.sync_copy(part_hbm.at[1, pl.ds(base, n)], b_v)

    def body(g, carry):
        sl = pl.ds(g * LANES, LANES)
        a_v[sl] = a_v[sl] + b_v[sl]
        return carry

    lax.fori_loop(0, n // LANES, body, 0)
    pltpu.sync_copy(a_v, out_hbm.at[pl.ds(base, n)])


def kernel(users, movies, U, M):
    users = users.astype(jnp.int32)
    movies = movies.astype(jnp.int32)
    UT = U.T
    MT = M.T
    utail = U[UMAIN:].reshape(-1)

    mesh = plsc.VectorSubcoreMesh(core_axis_name="c", subcore_axis_name="s")
    params = pltpu.CompilerParams(
        needs_layout_passes=False, skip_device_barrier=True)

    k1 = functools.partial(
        pl.kernel,
        mesh=mesh,
        compiler_params=params,
        out_type=jax.ShapeDtypeStruct((NC, BATCH), jnp.float32),
        scratch_types=[
            pltpu.VMEM((EPT,), jnp.int32),
            pltpu.VMEM((EPT,), jnp.int32),
            pltpu.VMEM((EPT,), jnp.int32),
            pltpu.VMEM((EPT,), jnp.float32),
            pltpu.VMEM((EPT,), jnp.float32),
            pltpu.VMEM((EPT,), jnp.float32),
            pltpu.VMEM((EPT,), jnp.float32),
            pltpu.VMEM((EPT,), jnp.float32),
            pltpu.VMEM((EPT,), jnp.int32),
            pltpu.VMEM((EPT,), jnp.float32),
            pltpu.VMEM((NTAIL * F,), jnp.float32),
            pltpu.VMEM((SENT,), jnp.float32),
            pltpu.VMEM_SHARED((UBUF,), jnp.float32),
            pltpu.VMEM_SHARED((NM,), jnp.float32),
            pltpu.VMEM_SHARED((NM,), jnp.float32),
            pltpu.SemaphoreType.DMA,
            pltpu.SemaphoreType.DMA,
            pltpu.SemaphoreType.DMA,
        ],
    )(_mf_main)
    partials = k1(users, movies, UT, MT, utail)

    k2 = functools.partial(
        pl.kernel,
        mesh=mesh,
        compiler_params=params,
        out_type=jax.ShapeDtypeStruct((BATCH,), jnp.float32),
        scratch_types=[
            pltpu.VMEM((BATCH // (NC * NS),), jnp.float32),
            pltpu.VMEM((BATCH // (NC * NS),), jnp.float32),
        ],
    )(_add_kernel)
    return k2(partials)

# --- scband reference (transcript-rebuilt; emitter-appended) ---
"""Pipeline reference for scband-mf-26628797235735 (READ-ONLY COPY).

The authoritative reference and input builder live on the scoring server;
editing this copy changes nothing except your own understanding.
"""

import jax, jax.numpy as jnp
import numpy as np

N_USERS = 1000000
N_MOVIES = 100000
N_FACTORS = 32
BATCH = 16384

def setup_inputs(seed: int = 0) -> dict:
    key = jax.random.key(seed)
    k1, k2, k3, k4 = jax.random.split(key, 4)
    users = jax.random.randint(k1, (BATCH,), 0, N_USERS, dtype=jnp.int64 if jax.config.jax_enable_x64 else jnp.int32)
    movies = jax.random.randint(k2, (BATCH,), 0, N_MOVIES, dtype=jnp.int64 if jax.config.jax_enable_x64 else jnp.int32)
    # learned params: embedding tables init N(0, 0.1)
    U = 0.1 * jax.random.normal(k3, (N_USERS, N_FACTORS), dtype=jnp.float32)
    M = 0.1 * jax.random.normal(k4, (N_MOVIES, N_FACTORS), dtype=jnp.float32)
    return {"users": users, "movies": movies, "U": U, "M": M}

def reference(users, movies, U, M):
    users_latent = jnp.take(U, users, axis=0)
    movies_latent = jnp.take(M, movies, axis=0)
    return (users_latent * movies_latent).sum(axis=1)

if __name__ == "__main__":
    import jax
    _d = setup_inputs()
    print(jax.jit(kernel)(*tuple(_d.values())))

</pallas_src>

<mosaic_0001>
#map = affine_map<(d0, d1) -> (0)>
#map1 = affine_map<(d0, d1) -> (0, 0)>
module attributes {stable_mosaic.version = 14 : i64} {
  func.func @_mf_main(%arg0: i32, %arg1: i32, %arg2: memref<16384xi32, #tpu.memory_space<hbm>>, %arg3: memref<16384xi32, #tpu.memory_space<hbm>>, %arg4: memref<32x1000000xf32, #tpu.memory_space<hbm>>, %arg5: memref<32x100000xf32, #tpu.memory_space<hbm>>, %arg6: memref<2048xf32, #tpu.memory_space<hbm>>, %arg7: memref<2x16384xf32, #tpu.memory_space<hbm>>, %arg8: memref<1024xi32, #tpu.memory_space<vmem>>, %arg9: memref<1024xi32, #tpu.memory_space<vmem>>, %arg10: memref<1024xi32, #tpu.memory_space<vmem>>, %arg11: memref<1024xf32, #tpu.memory_space<vmem>>, %arg12: memref<1024xf32, #tpu.memory_space<vmem>>, %arg13: memref<1024xf32, #tpu.memory_space<vmem>>, %arg14: memref<1024xf32, #tpu.memory_space<vmem>>, %arg15: memref<1024xf32, #tpu.memory_space<vmem>>, %arg16: memref<1024xi32, #tpu.memory_space<vmem>>, %arg17: memref<1024xf32, #tpu.memory_space<vmem>>, %arg18: memref<2048xf32, #tpu.memory_space<vmem>>, %arg19: memref<128xf32, #tpu.memory_space<vmem>>, %arg20: memref<1000064xf32, #tpu.memory_space<vmem_shared>>, %arg21: memref<100000xf32, #tpu.memory_space<vmem_shared>>, %arg22: memref<100000xf32, #tpu.memory_space<vmem_shared>>, %arg23: memref<!tpu.dma_semaphore, #tpu.memory_space<semaphore_mem>>, %arg24: memref<!tpu.dma_semaphore, #tpu.memory_space<semaphore_mem>>, %arg25: memref<!tpu.dma_semaphore, #tpu.memory_space<semaphore_mem>>) attributes {dimension_semantics = [#tpu.dimension_semantics<core_parallel>, #tpu.dimension_semantics<subcore_parallel>], iteration_bounds = array<i64: 2, 16>, scalar_prefetch = 0 : i64, scratch_operands = 18 : i64, tpu.core_type = #tpu.core_type<sc_vector_subcore>, window_params = [{transform_indices = #map}, {transform_indices = #map}, {transform_indices = #map1}, {transform_indices = #map1}, {transform_indices = #map}, {transform_indices = #map1}]} {
    %iota3A = tpu.iota {dimensions = array<i32: 0>} : vector<16xi32>
    %mul3A = arith.constant 1024 : i32
    %mul3A_0 = arith.muli %arg1, %mul3A : i32
    "tpu.region"() ({
      %run_scoped3A = tpu.sem_alloc : memref<!tpu.dma_semaphore, #tpu.memory_space<semaphore_mem>>
      %dma_start3A_1258 = tpu.memref_slice %arg2[%mul3A_0] : memref<16384xi32, #tpu.memory_space<hbm>> -> memref<1024xi32, #tpu.memory_space<hbm>>
      %dma_start3A_1259 = tpu.memref_slice %arg2[%mul3A_0] : memref<16384xi32, #tpu.memory_space<hbm>> -> memref<1024xi32, #tpu.memory_space<hbm>>
      tpu.enqueue_dma source(%dma_start3A_1259 : memref<1024xi32, #tpu.memory_space<hbm>>) target(%arg8 : memref<1024xi32, #tpu.memory_space<vmem>>) target_semaphore(%run_scoped3A : memref<!tpu.dma_semaphore, #tpu.memory_space<semaphore_mem>>)
      %dma_wait3A_1260 = tpu.memref_slice %arg2[%mul3A_0] : memref<16384xi32, #tpu.memory_space<hbm>> -> memref<1024xi32, #tpu.memory_space<hbm>>
      %dma_wait3A_1261 = tpu.memref_slice %arg2[%mul3A_0] : memref<16384xi32, #tpu.memory_space<hbm>> -> memref<1024xi32, #tpu.memory_space<hbm>>
      tpu.wait_dma2 semaphore(%run_scoped3A : memref<!tpu.dma_semaphore, #tpu.memory_space<semaphore_mem>>) src(%dma_wait3A_1261 : memref<1024xi32, #tpu.memory_space<hbm>>) dst(%arg8 : memref<1024xi32, #tpu.memory_space<vmem>>)
      tpu.yield
    }) : () -> ()
    %mul3A_1 = arith.constant 1024 : i32
    %mul3A_2 = arith.muli %arg1, %mul3A_1 : i32
    "tpu.region"() ({
      %run_scoped3A = tpu.sem_alloc : memref<!tpu.dma_semaphore, #tpu.memory_space<semaphore_mem>>
      %dma_start3A_1258 = tpu.memref_slice %arg3[%mul3A_2] : memref<16384xi32, #tpu.memory_space<hbm>> -> memref<1024xi32, #tpu.memory_space<hbm>>
      %dma_start3A_1259 = tpu.memref_slice %arg3[%mul3A_2] : memref<16384xi32, #tpu.memory_space<hbm>> -> memref<1024xi32, #tpu.memory_space<hbm>>
      tpu.enqueue_dma source(%dma_start3A_1259 : memref<1024xi32, #tpu.memory_space<hbm>>) target(%arg9 : memref<1024xi32, #tpu.memory_space<vmem>>) target_semaphore(%run_scoped3A : memref<!tpu.dma_semaphore, #tpu.memory_space<semaphore_mem>>)
      %dma_wait3A_1260 = tpu.memref_slice %arg3[%mul3A_2] : memref<16384xi32, #tpu.memory_space<hbm>> -> memref<1024xi32, #tpu.memory_space<hbm>>
      %dma_wait3A_1261 = tpu.memref_slice %arg3[%mul3A_2] : memref<16384xi32, #tpu.memory_space<hbm>> -> memref<1024xi32, #tpu.memory_space<hbm>>
      tpu.wait_dma2 semaphore(%run_scoped3A : memref<!tpu.dma_semaphore, #tpu.memory_space<semaphore_mem>>) src(%dma_wait3A_1261 : memref<1024xi32, #tpu.memory_space<hbm>>) dst(%arg9 : memref<1024xi32, #tpu.memory_space<vmem>>)
      tpu.yield
    }) : () -> ()
    "tpu.region"() ({
      %run_scoped3A = tpu.sem_alloc : memref<!tpu.dma_semaphore, #tpu.memory_space<semaphore_mem>>
      tpu.enqueue_dma source(%arg6 : memref<2048xf32, #tpu.memory_space<hbm>>) target(%arg18 : memref<2048xf32, #tpu.memory_space<vmem>>) target_semaphore(%run_scoped3A : memref<!tpu.dma_semaphore, #tpu.memory_space<semaphore_mem>>)
      tpu.wait_dma2 semaphore(%run_scoped3A : memref<!tpu.dma_semaphore, #tpu.memory_space<semaphore_mem>>) src(%arg6 : memref<2048xf32, #tpu.memory_space<hbm>>) dst(%arg18 : memref<2048xf32, #tpu.memory_space<vmem>>)
      tpu.yield
    }) : () -> ()
    %eq3A = arith.constant 15 : i32
    %eq3A_3 = arith.cmpi eq, %arg1, %eq3A : i32
    %convert_element_type3A = arith.extui %eq3A_3 : i1 to i32
    %cond3A = arith.constant 0 : i32
    %cond3A_4 = arith.cmpi ne, %convert_element_type3A, %cond3A : i32
    scf.if %cond3A_4 {
      %broadcast_in_dim3A = arith.constant 0.000000e+00 : f32
      %broadcast_in_dim3A_1258 = vector.broadcast %broadcast_in_dim3A : f32 to vector<16xf32>
      %swap3A = arith.constant 0 : index
      %swap3A_1259 = tpu.vector_load %arg19[%swap3A] {strides = array<i32>} : memref<128xf32, #tpu.memory_space<vmem>>, vector<16xf32>,
      tpu.vector_store %arg19[%swap3A], %broadcast_in_dim3A_1258 {strides = array<i32>} : memref<128xf32, #tpu.memory_space<vmem>>, vector<16xf32>,
      %swap3A_1260 = arith.constant 16 : index
      %swap3A_1261 = tpu.vector_load %arg19[%swap3A_1260] {strides = array<i32>} : memref<128xf32, #tpu.memory_space<vmem>>, vector<16xf32>,
      tpu.vector_store %arg19[%swap3A_1260], %broadcast_in_dim3A_1258 {strides = array<i32>} : memref<128xf32, #tpu.memory_space<vmem>>, vector<16xf32>,
      %swap3A_1262 = arith.constant 32 : index
      %swap3A_1263 = tpu.vector_load %arg19[%swap3A_1262] {strides = array<i32>} : memref<128xf32, #tpu.memory_space<vmem>>, vector<16xf32>,
      tpu.vector_store %arg19[%swap3A_1262], %broadcast_in_dim3A_1258 {strides = array<i32>} : memref<128xf32, #tpu.memory_space<vmem>>, vector<16xf32>,
      %swap3A_1264 = arith.constant 48 : index
      %swap3A_1265 = tpu.vector_load %arg19[%swap3A_1264] {strides = array<i32>} : memref<128xf32, #tpu.memory_space<vmem>>, vector<16xf32>,
      tpu.vector_store %arg19[%swap3A_1264], %broadcast_in_dim3A_1258 {strides = array<i32>} : memref<128xf32, #tpu.memory_space<vmem>>, vector<16xf32>,
      %swap3A_1266 = arith.constant 64 : index
      %swap3A_1267 = tpu.vector_load %arg19[%swap3A_1266] {strides = array<i32>} : memref<128xf32, #tpu.memory_space<vmem>>, vector<16xf32>,
      tpu.vector_store %arg19[%swap3A_1266], %broadcast_in_dim3A_1258 {strides = array<i32>} : memref<128xf32, #tpu.memory_space<vmem>>, vector<16xf32>,
      %swap3A_1268 = arith.constant 80 : index
      %swap3A_1269 = tpu.vector_load %arg19[%swap3A_1268] {strides = array<i32>} : memref<128xf32, #tpu.memory_space<vmem>>, vector<16xf32>,
      tpu.vector_store %arg19[%swap3A_1268], %broadcast_in_dim3A_1258 {strides = array<i32>} : memref<128xf32, #tpu.memory_space<vmem>>, vector<16xf32>,
      %swap3A_1270 = arith.constant 96 : index
      %swap3A_1271 = tpu.vector_load %arg19[%swap3A_1270] {strides = array<i32>} : memref<128xf32, #tpu.memory_space<vmem>>, vector<16xf32>,
      tpu.vector_store %arg19[%swap3A_1270], %broadcast_in_dim3A_1258 {strides = array<i32>} : memref<128xf32, #tpu.memory_space<vmem>>, vector<16xf32>,
      %swap3A_1272 = arith.constant 112 : index
      %swap3A_1273 = tpu.vector_load %arg19[%swap3A_1272] {strides = array<i32>} : memref<128xf32, #tpu.memory_space<vmem>>, vector<16xf32>,
      tpu.vector_store %arg19[%swap3A_1272], %broadcast_in_dim3A_1258 {strides = array<i32>} : memref<128xf32, #tpu.memory_space<vmem>>, vector<16xf32>,
      "tpu.region"() ({
        %run_scoped3A = tpu.sem_alloc : memref<!tpu.dma_semaphore, #tpu.memory_space<semaphore_mem>>
        %dma_start3A_1274 = arith.constant 999936 : i32
        %dma_start3A_1275 = tpu.memref_slice %arg20[%dma_start3A_1274] : memref<1000064xf32, #tpu.memory_space<vmem_shared>> -> memref<128xf32, #tpu.memory_space<vmem_shared>>
        %dma_start3A_1276 = arith.constant 999936 : i32
        %dma_start3A_1277 = tpu.memref_slice %arg20[%dma_start3A_1276] : memref<1000064xf32, #tpu.memory_space<vmem_shared>> -> memref<128xf32, #tpu.memory_space<vmem_shared>>
        tpu.enqueue_dma source(%arg19 : memref<128xf32, #tpu.memory_space<vmem>>) target(%dma_start3A_1277 : memref<128xf32, #tpu.memory_space<vmem_shared>>) target_semaphore(%run_scoped3A : memref<!tpu.dma_semaphore, #tpu.memory_space<semaphore_mem>>)
        %dma_wait3A_1278 = arith.constant 999936 : i32
        %dma_wait3A_1279 = tpu.memref_slice %arg20[%dma_wait3A_1278] : memref<1000064xf32, #tpu.memory_space<vmem_shared>> -> memref<128xf32, #tpu.memory_space<vmem_shared>>
        %dma_wait3A_1280 = arith.constant 999936 : i32
        %dma_wait3A_1281 = tpu.memref_slice %arg20[%dma_wait3A_1280] : memref<1000064xf32, #tpu.memory_space<vmem_shared>> -> memref<128xf32, #tpu.memory_space<vmem_shared>>
        tpu.wait_dma2 semaphore(%run_scoped3A : memref<!tpu.dma_semaphore, #tpu.memory_space<semaphore_mem>>) src(%arg19 : memref<128xf32, #tpu.memory_space<vmem>>) dst(%dma_wait3A_1281 : memref<128xf32, #tpu.memory_space<vmem_shared>>)
        tpu.yield
      }) : () -> ()
    } else {
    }
    %mul3A_5 = arith.constant 16 : i32
    %mul3A_6 = arith.muli %arg0, %mul3A_5 : i32
    %scan3A = arith.constant 0 : i32
    %scan3A_7 = arith.constant 0 : i32
    %scan3A_8 = arith.constant 64 : i32
    %scan3A_9 = arith.addi %scan3A_7, %scan3A_8 : i32
    %scan3A_10 = arith.constant 1 : i32
    %scan3A_11 = scf.for %scan3A_1258 = %scan3A_7 to %scan3A_9 step %scan3A_10 iter_args(%scan3A_1259 = %scan3A) -> (i32)  : i32 {
      %mul3A_1260 = arith.constant 16 : i32
      %mul3A_1261 = arith.muli %scan3A_1258, %mul3A_1260 : i32
      %get3A = arith.index_cast %mul3A_1261 : i32 to index
      %get3A_1262 = tpu.vector_load %arg8[%get3A] {strides = array<i32>} : memref<1024xi32, #tpu.memory_space<vmem>>, vector<16xi32>,
      %jit3A = arith.constant 8 : i32
      %eq3A_1263 = arith.constant 0 : i32
      %eq3A_1264 = arith.cmpi eq, %jit3A, %eq3A_1263 : i32
      %jit3A_1265 = arith.constant 1 : i32
      %select_n3A = arith.select %eq3A_1264, %jit3A_1265, %jit3A : i32
      %rem3A = arith.remsi %scan3A_1258, %select_n3A : i32
      %ne3A = arith.constant 0 : i32
      %ne3A_1266 = arith.cmpi ne, %rem3A, %ne3A : i32
      %lt3A_1267 = arith.constant 0 : i32
      %lt3A_1268 = arith.cmpi slt, %rem3A, %lt3A_1267 : i32
      %lt3A_1269 = arith.constant 0 : i32
      %lt3A_1270 = arith.cmpi slt, %select_n3A, %lt3A_1269 : i32
      %ne3A_1271 = arith.xori %lt3A_1268, %lt3A_1270 : i1
      %and3A = arith.andi %ne3A_1271, %ne3A_1266 : i1
      %add3A_1272 = arith.addi %rem3A, %select_n3A : i32
      %select_n3A_1273 = arith.select %and3A, %add3A_1272, %rem3A : i32
      %mul3A_1274 = arith.constant 16 : i32
      %mul3A_1275 = arith.muli %select_n3A_1273, %mul3A_1274 : i32
      %add3A_1276 = arith.constant 999936 : i32
      %add3A_1277 = arith.addi %add3A_1276, %mul3A_1275 : i32
      %add3A_1278 = vector.broadcast %add3A_1277 : i32 to vector<16xi32>
      %add3A_1279 = arith.addi %add3A_1278, %iota3A : vector<16xi32>
      %lt3A_1280 = arith.constant 999936 : i32
      %lt3A_1281 = vector.broadcast %lt3A_1280 : i32 to vector<16xi32>
      %lt3A_1282 = arith.cmpi slt, %get3A_1262, %lt3A_1281 : vector<16xi32>
      %select_n3A_1283 = arith.select %lt3A_1282, %get3A_1262, %add3A_1279 : vector<16xi1>, vector<16xi32>
      %swap3A = arith.index_cast %mul3A_1261 : i32 to index
      %swap3A_1284 = tpu.vector_load %arg10[%swap3A] {strides = array<i32>} : memref<1024xi32, #tpu.memory_space<vmem>>, vector<16xi32>,
      tpu.vector_store %arg10[%swap3A], %select_n3A_1283 {strides = array<i32>} : memref<1024xi32, #tpu.memory_space<vmem>>, vector<16xi32>,
      %broadcast_in_dim3A = arith.constant 0.000000e+00 : f32
      %broadcast_in_dim3A_1285 = vector.broadcast %broadcast_in_dim3A : f32 to vector<16xf32>
      %swap3A_1286 = arith.index_cast %mul3A_1261 : i32 to index
      %swap3A_1287 = tpu.vector_load %arg15[%swap3A_1286] {strides = array<i32>} : memref<1024xf32, #tpu.memory_space<vmem>>, vector<16xf32>,
      tpu.vector_store %arg15[%swap3A_1286], %broadcast_in_dim3A_1285 {strides = array<i32>} : memref<1024xf32, #tpu.memory_space<vmem>>, vector<16xf32>,
      %ge3A = arith.constant 999936 : i32
      %ge3A_1288 = vector.broadcast %ge3A : i32 to vector<16xi32>
      %ge3A_1289 = arith.cmpi sge, %get3A_1262, %ge3A_1288 : vector<16xi32>
      %jit3A_1290 = arith.constant 1.000000e+00 : f32
      %jit3A_1291 = arith.constant 0.000000e+00 : f32
      %broadcast_in_dim3A_1292 = vector.broadcast %jit3A_1290 : f32 to vector<16xf32>
      %broadcast_in_dim3A_1293 = vector.broadcast %jit3A_1291 : f32 to vector<16xf32>
      %select_n3A_1294 = arith.select %ge3A_1289, %broadcast_in_dim3A_1292, %broadcast_in_dim3A_1293 : vector<16xi1>, vector<16xf32>
      %swap3A_1295 = arith.index_cast %mul3A_1261 : i32 to index
      %swap3A_1296 = tpu.vector_load %arg17[%swap3A_1295] {strides = array<i32>} : memref<1024xf32, #tpu.memory_space<vmem>>, vector<16xf32>,
      tpu.vector_store %arg17[%swap3A_1295], %select_n3A_1294 {strides = array<i32>} : memref<1024xf32, #tpu.memory_space<vmem>>, vector<16xf32>,
      %sub3A = arith.constant 999936 : i32
      %sub3A_1297 = vector.broadcast %sub3A : i32 to vector<16xi32>
      %sub3A_1298 = arith.subi %get3A_1262, %sub3A_1297 : vector<16xi32>
      %mul3A_1299 = arith.constant 32 : i32
      %mul3A_1300 = vector.broadcast %mul3A_1299 : i32 to vector<16xi32>
      %mul3A_1301 = arith.muli %sub3A_1298, %mul3A_1300 : vector<16xi32>
      %add3A_1302 = vector.broadcast %mul3A_6 : i32 to vector<16xi32>
      %add3A_1303 = arith.addi %mul3A_1301, %add3A_1302 : vector<16xi32>
      %jit3A_1304 = arith.constant 0 : i32
      %broadcast_in_dim3A_1305 = vector.broadcast %jit3A_1304 : i32 to vector<16xi32>
      %select_n3A_1306 = arith.select %ge3A_1289, %add3A_1303, %broadcast_in_dim3A_1305 : vector<16xi1>, vector<16xi32>
      %swap3A_1307 = arith.index_cast %mul3A_1261 : i32 to index
      %swap3A_1308 = tpu.vector_load %arg16[%swap3A_1307] {strides = array<i32>} : memref<1024xi32, #tpu.memory_space<vmem>>, vector<16xi32>,
      tpu.vector_store %arg16[%swap3A_1307], %select_n3A_1306 {strides = array<i32>} : memref<1024xi32, #tpu.memory_space<vmem>>, vector<16xi32>,
      %jit3A_1309 = arith.constant 1 : i32
      %jit3A_1310 = arith.constant 0 : i32
      %broadcast_in_dim3A_1311 = vector.broadcast %jit3A_1309 : i32 to vector<16xi32>
      %broadcast_in_dim3A_1312 = vector.broadcast %jit3A_1310 : i32 to vector<16xi32>
      %select_n3A_1313 = arith.select %ge3A_1289, %broadcast_in_dim3A_1311, %broadcast_in_dim3A_1312 : vector<16xi1>, vector<16xi32>
      %reduce_max3A = arith.constant true
      %reduce_max3A_1314 = vector.broadcast %reduce_max3A : i1 to vector<16xi1>
      %reduce_max3A_1315 = arith.constant -2147483648 : i32
      %reduce_max3A_1316 = vector.broadcast %reduce_max3A_1315 : i32 to vector<16xi32>
      %reduce_max3A_1317 = arith.xori %select_n3A_1313, %reduce_max3A_1316 : vector<16xi32>
      %reduce_max3A_1318 = tpu.scan <max>, %reduce_max3A_1317 masked %reduce_max3A_1314 : vector<16xi32>, vector<16xi1> -> vector<16xi32>
      %reduce_max3A_1319 = arith.xori %reduce_max3A_1318, %reduce_max3A_1316 : vector<16xi32>
      %reduce_max3A_1320 = vector.extract %reduce_max3A_1319[15] : i32 from vector<16xi32>
      %max3A = arith.maxsi %scan3A_1259, %reduce_max3A_1320 : i32
      scf.yield %max3A : i32
    }
    %scan3A_12 = arith.constant 64 : i32
    %eq3A_13 = arith.constant 15 : i32
    %eq3A_14 = arith.cmpi eq, %arg1, %eq3A_13 : i32
    %convert_element_type3A_15 = arith.extui %eq3A_14 : i1 to i32
    %cond3A_16 = arith.constant 0 : i32
    %cond3A_17 = arith.cmpi ne, %convert_element_type3A_15, %cond3A_16 : i32
    scf.if %cond3A_17 {
      %mul3A_1258 = arith.constant 16 : i32
      %mul3A_1259 = arith.muli %arg0, %mul3A_1258 : i32
      %add3A_1260 = arith.constant 0 : i32
      %add3A_1261 = arith.addi %mul3A_1259, %add3A_1260 : i32
      %dma_start3A_1262 = arith.constant 0 : i32
      %dma_start3A_1263 = tpu.memref_slice %arg5[%add3A_1261, %dma_start3A_1262] : memref<32x100000xf32, #tpu.memory_space<hbm>> -> memref<1x100000xf32, #tpu.memory_space<hbm>>
      %dma_start3A_1264 = tpu.memref_squeeze %dma_start3A_1263 : memref<1x100000xf32, #tpu.memory_space<hbm>> -> memref<100000xf32, #tpu.memory_space<hbm>>
      tpu.enqueue_dma source(%dma_start3A_1264 : memref<100000xf32, #tpu.memory_space<hbm>>) target(%arg21 : memref<100000xf32, #tpu.memory_space<vmem_shared>>) target_semaphore(%arg24 : memref<!tpu.dma_semaphore, #tpu.memory_space<semaphore_mem>>)
    } else {
    }
    %eq3A_18 = arith.constant 15 : i32
    %eq3A_19 = arith.cmpi eq, %arg1, %eq3A_18 : i32
    %convert_element_type3A_20 = arith.extui %eq3A_19 : i1 to i32
    %cond3A_21 = arith.constant 0 : i32
    %cond3A_22 = arith.cmpi ne, %convert_element_type3A_20, %cond3A_21 : i32
    scf.if %cond3A_22 {
      %dma_wait3A_1258 = arith.constant 0 : i32
      %dma_wait3A_1259 = arith.constant 0 : i32
      %dma_wait3A_1260 = tpu.memref_slice %arg5[%dma_wait3A_1258, %dma_wait3A_1259] : memref<32x100000xf32, #tpu.memory_space<hbm>> -> memref<1x100000xf32, #tpu.memory_space<hbm>>
      %dma_wait3A_1261 = tpu.memref_squeeze %dma_wait3A_1260 : memref<1x100000xf32, #tpu.memory_space<hbm>> -> memref<100000xf32, #tpu.memory_space<hbm>>
      tpu.wait_dma2 semaphore(%arg24 : memref<!tpu.dma_semaphore, #tpu.memory_space<semaphore_mem>>) src(%dma_wait3A_1261 : memref<100000xf32, #tpu.memory_space<hbm>>) dst(%arg21 : memref<100000xf32, #tpu.memory_space<vmem_shared>>)
    } else {
    }
    %barrier3A = arith.constant 0 : index
    tpu.barrier barrier_id(%barrier3A)
    %eq3A_23 = arith.constant 15 : i32
    %eq3A_24 = arith.cmpi eq, %arg1, %eq3A_23 : i32
    %convert_element_type3A_25 = arith.extui %eq3A_24 : i1 to i32
    %cond3A_26 = arith.constant 0 : i32
    %cond3A_27 = arith.cmpi ne, %convert_element_type3A_25, %cond3A_26 : i32
    scf.if %cond3A_27 {
      %mul3A_1258 = arith.constant 16 : i32
      %mul3A_1259 = arith.muli %arg0, %mul3A_1258 : i32
      %add3A_1260 = arith.constant 1 : i32
      %add3A_1261 = arith.addi %mul3A_1259, %add3A_1260 : i32
      %dma_start3A_1262 = arith.constant 0 : i32
      %dma_start3A_1263 = tpu.memref_slice %arg5[%add3A_1261, %dma_start3A_1262] : memref<32x100000xf32, #tpu.memory_space<hbm>> -> memref<1x100000xf32, #tpu.memory_space<hbm>>
      %dma_start3A_1264 = tpu.memref_squeeze %dma_start3A_1263 : memref<1x100000xf32, #tpu.memory_space<hbm>> -> memref<100000xf32, #tpu.memory_space<hbm>>
      tpu.enqueue_dma source(%dma_start3A_1264 : memref<100000xf32, #tpu.memory_space<hbm>>) target(%arg22 : memref<100000xf32, #tpu.memory_space<vmem_shared>>) target_semaphore(%arg24 : memref<!tpu.dma_semaphore, #tpu.memory_space<semaphore_mem>>)
    } else {
    }
    %mul3A_28 = arith.constant 16 : i32
    %mul3A_29 = arith.muli %arg0, %mul3A_28 : i32
    %add3A = arith.constant 0 : i32
    %add3A_30 = arith.addi %mul3A_29, %add3A : i32
    %lt3A = arith.constant 14 : i32
    %lt3A_31 = arith.cmpi slt, %arg1, %lt3A : i32
    %convert_element_type3A_32 = arith.extui %lt3A_31 : i1 to i32
    %cond3A_33 = arith.constant 0 : i32
    %cond3A_34 = arith.cmpi ne, %convert_element_type3A_32, %cond3A_33 : i32
    scf.if %cond3A_34 {
      %mul3A_1258 = arith.constant 33280 : i32
      %mul3A_1259 = arith.muli %arg1, %mul3A_1258 : i32
      %add3A_1260 = arith.constant 0 : i32
      %add3A_1261 = arith.addi %add3A_1260, %mul3A_1259 : i32
      %multiple_of3A = tpu.assume_multiple %add3A_1261, 128 : i32
      %dma_start3A_1262 = tpu.memref_slice %arg20[%multiple_of3A] : memref<1000064xf32, #tpu.memory_space<vmem_shared>> -> memref<33280xf32, #tpu.memory_space<vmem_shared>>
      %dma_start3A_1263 = tpu.memref_slice %arg4[%add3A_30, %multiple_of3A] : memref<32x1000000xf32, #tpu.memory_space<hbm>> -> memref<1x33280xf32, #tpu.memory_space<hbm>>
      %dma_start3A_1264 = tpu.memref_squeeze %dma_start3A_1263 : memref<1x33280xf32, #tpu.memory_space<hbm>> -> memref<33280xf32, #tpu.memory_space<hbm>>
      tpu.enqueue_dma source(%dma_start3A_1264 : memref<33280xf32, #tpu.memory_space<hbm>>) target(%dma_start3A_1262 : memref<33280xf32, #tpu.memory_space<vmem_shared>>) target_semaphore(%arg23 : memref<!tpu.dma_semaphore, #tpu.memory_space<semaphore_mem>>)
    } else {
    }
    %eq3A_35 = arith.constant 14 : i32
    %eq3A_36 = arith.cmpi eq, %arg1, %eq3A_35 : i32
    %convert_element_type3A_37 = arith.extui %eq3A_36 : i1 to i32
    %cond3A_38 = arith.constant 0 : i32
    %cond3A_39 = arith.cmpi ne, %convert_element_type3A_37, %cond3A_38 : i32
    scf.if %cond3A_39 {
      %dma_start3A_1258 = arith.constant 465920 : i32
      %dma_start3A_1259 = tpu.memref_slice %arg20[%dma_start3A_1258] : memref<1000064xf32, #tpu.memory_space<vmem_shared>> -> memref<34048xf32, #tpu.memory_space<vmem_shared>>
      %dma_start3A_1260 = arith.constant 465920 : i32
      %dma_start3A_1261 = tpu.memref_slice %arg4[%add3A_30, %dma_start3A_1260] : memref<32x1000000xf32, #tpu.memory_space<hbm>> -> memref<1x34048xf32, #tpu.memory_space<hbm>>
      %dma_start3A_1262 = tpu.memref_squeeze %dma_start3A_1261 : memref<1x34048xf32, #tpu.memory_space<hbm>> -> memref<34048xf32, #tpu.memory_space<hbm>>
      tpu.enqueue_dma source(%dma_start3A_1262 : memref<34048xf32, #tpu.memory_space<hbm>>) target(%dma_start3A_1259 : memref<34048xf32, #tpu.memory_space<vmem_shared>>) target_semaphore(%arg23 : memref<!tpu.dma_semaphore, #tpu.memory_space<semaphore_mem>>)
    } else {
    }
    %mul3A_40 = arith.constant 16 : i32
    %mul3A_41 = arith.muli %arg0, %mul3A_40 : i32
    %add3A_42 = arith.constant 0 : i32
    %add3A_43 = arith.addi %mul3A_41, %add3A_42 : i32
    %lt3A_44 = arith.constant 14 : i32
    %lt3A_45 = arith.cmpi slt, %arg1, %lt3A_44 : i32
    %convert_element_type3A_46 = arith.extui %lt3A_45 : i1 to i32
    %cond3A_47 = arith.constant 0 : i32
    %cond3A_48 = arith.cmpi ne, %convert_element_type3A_46, %cond3A_47 : i32
    scf.if %cond3A_48 {
      %mul3A_1258 = arith.constant 33280 : i32
      %mul3A_1259 = arith.muli %arg1, %mul3A_1258 : i32
      %add3A_1260 = arith.constant 499968 : i32
      %add3A_1261 = arith.addi %add3A_1260, %mul3A_1259 : i32
      %multiple_of3A = tpu.assume_multiple %add3A_1261, 128 : i32
      %dma_start3A_1262 = tpu.memref_slice %arg20[%multiple_of3A] : memref<1000064xf32, #tpu.memory_space<vmem_shared>> -> memref<33280xf32, #tpu.memory_space<vmem_shared>>
      %dma_start3A_1263 = tpu.memref_slice %arg4[%add3A_43, %multiple_of3A] : memref<32x1000000xf32, #tpu.memory_space<hbm>> -> memref<1x33280xf32, #tpu.memory_space<hbm>>
      %dma_start3A_1264 = tpu.memref_squeeze %dma_start3A_1263 : memref<1x33280xf32, #tpu.memory_space<hbm>> -> memref<33280xf32, #tpu.memory_space<hbm>>
      tpu.enqueue_dma source(%dma_start3A_1264 : memref<33280xf32, #tpu.memory_space<hbm>>) target(%dma_start3A_1262 : memref<33280xf32, #tpu.memory_space<vmem_shared>>) target_semaphore(%arg23 : memref<!tpu.dma_semaphore, #tpu.memory_space<semaphore_mem>>)
    } else {
    }
    %eq3A_49 = arith.constant 14 : i32
    %eq3A_50 = arith.cmpi eq, %arg1, %eq3A_49 : i32
    %convert_element_type3A_51 = arith.extui %eq3A_50 : i1 to i32
    %cond3A_52 = arith.constant 0 : i32
    %cond3A_53 = arith.cmpi ne, %convert_element_type3A_51, %cond3A_52 : i32
    scf.if %cond3A_53 {
      %dma_start3A_1258 = arith.constant 965888 : i32
      %dma_start3A_1259 = tpu.memref_slice %arg20[%dma_start3A_1258] : memref<1000064xf32, #tpu.memory_space<vmem_shared>> -> memref<34048xf32, #tpu.memory_space<vmem_shared>>
      %dma_start3A_1260 = arith.constant 965888 : i32
      %dma_start3A_1261 = tpu.memref_slice %arg4[%add3A_43, %dma_start3A_1260] : memref<32x1000000xf32, #tpu.memory_space<hbm>> -> memref<1x34048xf32, #tpu.memory_space<hbm>>
      %dma_start3A_1262 = tpu.memref_squeeze %dma_start3A_1261 : memref<1x34048xf32, #tpu.memory_space<hbm>> -> memref<34048xf32, #tpu.memory_space<hbm>>
      tpu.enqueue_dma source(%dma_start3A_1262 : memref<34048xf32, #tpu.memory_space<hbm>>) target(%dma_start3A_1259 : memref<34048xf32, #tpu.memory_space<vmem_shared>>) target_semaphore(%arg23 : memref<!tpu.dma_semaphore, #tpu.memory_space<semaphore_mem>>)
    } else {
    }
    %dma_start3A = arith.constant 0 : i32
    %dma_start3A_54 = tpu.memref_slice %arg21[%dma_start3A] : memref<100000xf32, #tpu.memory_space<vmem_shared>> -> memref<100000xf32, #tpu.memory_space<vmem_shared>>
    tpu.enqueue_indirect_dma source(%dma_start3A_54 : memref<100000xf32, #tpu.memory_space<vmem_shared>>) target(%arg13 : memref<1024xf32, #tpu.memory_space<vmem>>) offsets(%arg9 : memref<1024xi32, #tpu.memory_space<vmem>>) semaphore(%arg25 : memref<!tpu.dma_semaphore, #tpu.memory_space<semaphore_mem>>)
    %dma_wait3A = arith.constant 0 : i32
    %dma_wait3A_55 = tpu.memref_slice %arg21[%dma_wait3A] : memref<100000xf32, #tpu.memory_space<vmem_shared>> -> memref<100000xf32, #tpu.memory_space<vmem_shared>>
    tpu.wait_indirect_dma semaphore(%arg25 : memref<!tpu.dma_semaphore, #tpu.memory_space<semaphore_mem>>) src(%dma_wait3A_55 : memref<100000xf32, #tpu.memory_space<vmem_shared>>) dst(%arg13 : memref<1024xf32, #tpu.memory_space<vmem>>)
    %lt3A_56 = arith.constant 14 : i32
    %lt3A_57 = arith.cmpi slt, %arg1, %lt3A_56 : i32
    %convert_element_type3A_58 = arith.extui %lt3A_57 : i1 to i32
    %cond3A_59 = arith.constant 0 : i32
    %cond3A_60 = arith.cmpi ne, %convert_element_type3A_58, %cond3A_59 : i32
    scf.if %cond3A_60 {
      %dma_wait3A_1258 = arith.constant 0 : i32
      %dma_wait3A_1259 = arith.constant 0 : i32
      %dma_wait3A_1260 = tpu.memref_slice %arg20[%dma_wait3A_1259] : memref<1000064xf32, #tpu.memory_space<vmem_shared>> -> memref<33280xf32, #tpu.memory_space<vmem_shared>>
      %dma_wait3A_1261 = arith.constant 0 : i32
      %dma_wait3A_1262 = tpu.memref_slice %arg4[%dma_wait3A_1258, %dma_wait3A_1261] : memref<32x1000000xf32, #tpu.memory_space<hbm>> -> memref<1x33280xf32, #tpu.memory_space<hbm>>
      %dma_wait3A_1263 = tpu.memref_squeeze %dma_wait3A_1262 : memref<1x33280xf32, #tpu.memory_space<hbm>> -> memref<33280xf32, #tpu.memory_space<hbm>>
      tpu.wait_dma2 semaphore(%arg23 : memref<!tpu.dma_semaphore, #tpu.memory_space<semaphore_mem>>) src(%dma_wait3A_1263 : memref<33280xf32, #tpu.memory_space<hbm>>) dst(%dma_wait3A_1260 : memref<33280xf32, #tpu.memory_space<vmem_shared>>)
    } else {
    }
    %eq3A_61 = arith.constant 14 : i32
    %eq3A_62 = arith.cmpi eq, %arg1, %eq3A_61 : i32
    %convert_element_type3A_63 = arith.extui %eq3A_62 : i1 to i32
    %cond3A_64 = arith.constant 0 : i32
    %cond3A_65 = arith.cmpi ne, %convert_element_type3A_63, %cond3A_64 : i32
    scf.if %cond3A_65 {
      %dma_wait3A_1258 = arith.constant 0 : i32
      %dma_wait3A_1259 = arith.constant 0 : i32
      %dma_wait3A_1260 = tpu.memref_slice %arg20[%dma_wait3A_1259] : memref<1000064xf32, #tpu.memory_space<vmem_shared>> -> memref<34048xf32, #tpu.memory_space<vmem_shared>>
      %dma_wait3A_1261 = arith.constant 0 : i32
      %dma_wait3A_1262 = tpu.memref_slice %arg4[%dma_wait3A_1258, %dma_wait3A_1261] : memref<32x1000000xf32, #tpu.memory_space<hbm>> -> memref<1x34048xf32, #tpu.memory_space<hbm>>
      %dma_wait3A_1263 = tpu.memref_squeeze %dma_wait3A_1262 : memref<1x34048xf32, #tpu.memory_space<hbm>> -> memref<34048xf32, #tpu.memory_space<hbm>>
      tpu.wait_dma2 semaphore(%arg23 : memref<!tpu.dma_semaphore, #tpu.memory_space<semaphore_mem>>) src(%dma_wait3A_1263 : memref<34048xf32, #tpu.memory_space<hbm>>) dst(%dma_wait3A_1260 : memref<34048xf32, #tpu.memory_space<vmem_shared>>)
    } else {
    }
    %lt3A_66 = arith.constant 14 : i32
    %lt3A_67 = arith.cmpi slt, %arg1, %lt3A_66 : i32
    %convert_element_type3A_68 = arith.extui %lt3A_67 : i1 to i32
    %cond3A_69 = arith.constant 0 : i32
    %cond3A_70 = arith.cmpi ne, %convert_element_type3A_68, %cond3A_69 : i32
    scf.if %cond3A_70 {
      %dma_wait3A_1258 = arith.constant 0 : i32
      %dma_wait3A_1259 = arith.constant 0 : i32
      %dma_wait3A_1260 = tpu.memref_slice %arg20[%dma_wait3A_1259] : memref<1000064xf32, #tpu.memory_space<vmem_shared>> -> memref<33280xf32, #tpu.memory_space<vmem_shared>>
      %dma_wait3A_1261 = arith.constant 0 : i32
      %dma_wait3A_1262 = tpu.memref_slice %arg4[%dma_wait3A_1258, %dma_wait3A_1261] : memref<32x1000000xf32, #tpu.memory_space<hbm>> -> memref<1x33280xf32, #tpu.memory_space<hbm>>
      %dma_wait3A_1263 = tpu.memref_squeeze %dma_wait3A_1262 : memref<1x33280xf32, #tpu.memory_space<hbm>> -> memref<33280xf32, #tpu.memory_space<hbm>>
      tpu.wait_dma2 semaphore(%arg23 : memref<!tpu.dma_semaphore, #tpu.memory_space<semaphore_mem>>) src(%dma_wait3A_1263 : memref<33280xf32, #tpu.memory_space<hbm>>) dst(%dma_wait3A_1260 : memref<33280xf32, #tpu.memory_space<vmem_shared>>)
    } else {
    }
    %eq3A_71 = arith.constant 14 : i32
    %eq3A_72 = arith.cmpi eq, %arg1, %eq3A_71 : i32
    %convert_element_type3A_73 = arith.extui %eq3A_72 : i1 to i32
    %cond3A_74 = arith.constant 0 : i32
    %cond3A_75 = arith.cmpi ne, %convert_element_type3A_73, %cond3A_74 : i32
    scf.if %cond3A_75 {
      %dma_wait3A_1258 = arith.constant 0 : i32
      %dma_wait3A_1259 = arith.constant 0 : i32
      %dma_wait3A_1260 = tpu.memref_slice %arg20[%dma_wait3A_1259] : memref<1000064xf32, #tpu.memory_space<vmem_shared>> -> memref<34048xf32, #tpu.memory_space<vmem_shared>>
      %dma_wait3A_1261 = arith.constant 0 : i32
      %dma_wait3A_1262 = tpu.memref_slice %arg4[%dma_wait3A_1258, %dma_wait3A_1261] : memref<32x1000000xf32, #tpu.memory_space<hbm>> -> memref<1x34048xf32, #tpu.memory_space<hbm>>
      %dma_wait3A_1263 = tpu.memref_squeeze %dma_wait3A_1262 : memref<1x34048xf32, #tpu.memory_space<hbm>> -> memref<34048xf32, #tpu.memory_space<hbm>>
      tpu.wait_dma2 semaphore(%arg23 : memref<!tpu.dma_semaphore, #tpu.memory_space<semaphore_mem>>) src(%dma_wait3A_1263 : memref<34048xf32, #tpu.memory_space<hbm>>) dst(%dma_wait3A_1260 : memref<34048xf32, #tpu.memory_space<vmem_shared>>)
    } else {
    }
    %barrier3A_76 = arith.constant 0 : index
    tpu.barrier barrier_id(%barrier3A_76)
    %dma_start3A_77 = arith.constant 0 : i32
    %dma_start3A_78 = tpu.memref_slice %arg20[%dma_start3A_77] : memref<1000064xf32, #tpu.memory_space<vmem_shared>> -> memref<1000064xf32, #tpu.memory_space<vmem_shared>>
    tpu.enqueue_indirect_dma source(%dma_start3A_78 : memref<1000064xf32, #tpu.memory_space<vmem_shared>>) target(%arg11 : memref<1024xf32, #tpu.memory_space<vmem>>) offsets(%arg10 : memref<1024xi32, #tpu.memory_space<vmem>>) semaphore(%arg25 : memref<!tpu.dma_semaphore, #tpu.memory_space<semaphore_mem>>)
    %dma_wait3A_79 = arith.constant 0 : i32
    %dma_wait3A_80 = tpu.memref_slice %arg20[%dma_wait3A_79] : memref<1000064xf32, #tpu.memory_space<vmem_shared>> -> memref<1000064xf32, #tpu.memory_space<vmem_shared>>
    tpu.wait_indirect_dma semaphore(%arg25 : memref<!tpu.dma_semaphore, #tpu.memory_space<semaphore_mem>>) src(%dma_wait3A_80 : memref<1000064xf32, #tpu.memory_space<vmem_shared>>) dst(%arg11 : memref<1024xf32, #tpu.memory_space<vmem>>)
    %eq3A_81 = arith.constant 15 : i32
    %eq3A_82 = arith.cmpi eq, %arg1, %eq3A_81 : i32
    %convert_element_type3A_83 = arith.extui %eq3A_82 : i1 to i32
    %cond3A_84 = arith.constant 0 : i32
    %cond3A_85 = arith.cmpi ne, %convert_element_type3A_83, %cond3A_84 : i32
    scf.if %cond3A_85 {
      %dma_wait3A_1258 = arith.constant 0 : i32
      %dma_wait3A_1259 = arith.constant 0 : i32
      %dma_wait3A_1260 = tpu.memref_slice %arg5[%dma_wait3A_1258, %dma_wait3A_1259] : memref<32x100000xf32, #tpu.memory_space<hbm>> -> memref<1x100000xf32, #tpu.memory_space<hbm>>
      %dma_wait3A_1261 = tpu.memref_squeeze %dma_wait3A_1260 : memref<1x100000xf32, #tpu.memory_space<hbm>> -> memref<100000xf32, #tpu.memory_space<hbm>>
      tpu.wait_dma2 semaphore(%arg24 : memref<!tpu.dma_semaphore, #tpu.memory_space<semaphore_mem>>) src(%dma_wait3A_1261 : memref<100000xf32, #tpu.memory_space<hbm>>) dst(%arg21 : memref<100000xf32, #tpu.memory_space<vmem_shared>>)
    } else {
    }
    %barrier3A_86 = arith.constant 0 : index
    tpu.barrier barrier_id(%barrier3A_86)
    %eq3A_87 = arith.constant 15 : i32
    %eq3A_88 = arith.cmpi eq, %arg1, %eq3A_87 : i32
    %convert_element_type3A_89 = arith.extui %eq3A_88 : i1 to i32
    %cond3A_90 = arith.constant 0 : i32
    %cond3A_91 = arith.cmpi ne, %convert_element_type3A_89, %cond3A_90 : i32
    scf.if %cond3A_91 {
      %mul3A_1258 = arith.constant 16 : i32
      %mul3A_1259 = arith.muli %arg0, %mul3A_1258 : i32
      %add3A_1260 = arith.constant 2 : i32
      %add3A_1261 = arith.addi %mul3A_1259, %add3A_1260 : i32
      %dma_start3A_1262 = arith.constant 0 : i32
      %dma_start3A_1263 = tpu.memref_slice %arg5[%add3A_1261, %dma_start3A_1262] : memref<32x100000xf32, #tpu.memory_space<hbm>> -> memref<1x100000xf32, #tpu.memory_space<hbm>>
      %dma_start3A_1264 = tpu.memref_squeeze %dma_start3A_1263 : memref<1x100000xf32, #tpu.memory_space<hbm>> -> memref<100000xf32, #tpu.memory_space<hbm>>
      tpu.enqueue_dma source(%dma_start3A_1264 : memref<100000xf32, #tpu.memory_space<hbm>>) target(%arg21 : memref<100000xf32, #tpu.memory_space<vmem_shared>>) target_semaphore(%arg24 : memref<!tpu.dma_semaphore, #tpu.memory_space<semaphore_mem>>)
    } else {
    }
    %mul3A_92 = arith.constant 16 : i32
    %mul3A_93 = arith.muli %arg0, %mul3A_92 : i32
    %add3A_94 = arith.constant 1 : i32
    %add3A_95 = arith.addi %mul3A_93, %add3A_94 : i32
    %lt3A_96 = arith.constant 14 : i32
    %lt3A_97 = arith.cmpi slt, %arg1, %lt3A_96 : i32
    %convert_element_type3A_98 = arith.extui %lt3A_97 : i1 to i32
    %cond3A_99 = arith.constant 0 : i32
    %cond3A_100 = arith.cmpi ne, %convert_element_type3A_98, %cond3A_99 : i32
    scf.if %cond3A_100 {
      %mul3A_1258 = arith.constant 33280 : i32
      %mul3A_1259 = arith.muli %arg1, %mul3A_1258 : i32
      %add3A_1260 = arith.constant 0 : i32
      %add3A_1261 = arith.addi %add3A_1260, %mul3A_1259 : i32
      %multiple_of3A = tpu.assume_multiple %add3A_1261, 128 : i32
      %dma_start3A_1262 = tpu.memref_slice %arg20[%multiple_of3A] : memref<1000064xf32, #tpu.memory_space<vmem_shared>> -> memref<33280xf32, #tpu.memory_space<vmem_shared>>
      %dma_start3A_1263 = tpu.memref_slice %arg4[%add3A_95, %multiple_of3A] : memref<32x1000000xf32, #tpu.memory_space<hbm>> -> memref<1x33280xf32, #tpu.memory_space<hbm>>
      %dma_start3A_1264 = tpu.memref_squeeze %dma_start3A_1263 : memref<1x33280xf32, #tpu.memory_space<hbm>> -> memref<33280xf32, #tpu.memory_space<hbm>>
      tpu.enqueue_dma source(%dma_start3A_1264 : memref<33280xf32, #tpu.memory_space<hbm>>) target(%dma_start3A_1262 : memref<33280xf32, #tpu.memory_space<vmem_shared>>) target_semaphore(%arg23 : memref<!tpu.dma_semaphore, #tpu.memory_space<semaphore_mem>>)
    } else {
    }
    %eq3A_101 = arith.constant 14 : i32
    %eq3A_102 = arith.cmpi eq, %arg1, %eq3A_101 : i32
    %convert_element_type3A_103 = arith.extui %eq3A_102 : i1 to i32
    %cond3A_104 = arith.constant 0 : i32
    %cond3A_105 = arith.cmpi ne, %convert_element_type3A_103, %cond3A_104 : i32
    scf.if %cond3A_105 {
      %dma_start3A_1258 = arith.constant 465920 : i32
      %dma_start3A_1259 = tpu.memref_slice %arg20[%dma_start3A_1258] : memref<1000064xf32, #tpu.memory_space<vmem_shared>> -> memref<34048xf32, #tpu.memory_space<vmem_shared>>
      %dma_start3A_1260 = arith.constant 465920 : i32
      %dma_start3A_1261 = tpu.memref_slice %arg4[%add3A_95, %dma_start3A_1260] : memref<32x1000000xf32, #tpu.memory_space<hbm>> -> memref<1x34048xf32, #tpu.memory_space<hbm>>
      %dma_start3A_1262 = tpu.memref_squeeze %dma_start3A_1261 : memref<1x34048xf32, #tpu.memory_space<hbm>> -> memref<34048xf32, #tpu.memory_space<hbm>>
      tpu.enqueue_dma source(%dma_start3A_1262 : memref<34048xf32, #tpu.memory_space<hbm>>) target(%dma_start3A_1259 : memref<34048xf32, #tpu.memory_space<vmem_shared>>) target_semaphore(%arg23 : memref<!tpu.dma_semaphore, #tpu.memory_space<semaphore_mem>>)
    } else {
    }
    %mul3A_106 = arith.constant 16 : i32
    %mul3A_107 = arith.muli %arg0, %mul3A_106 : i32
    %add3A_108 = arith.constant 1 : i32
    %add3A_109 = arith.addi %mul3A_107, %add3A_108 : i32
    %lt3A_110 = arith.constant 14 : i32
    %lt3A_111 = arith.cmpi slt, %arg1, %lt3A_110 : i32
    %convert_element_type3A_112 = arith.extui %lt3A_111 : i1 to i32
    %cond3A_113 = arith.constant 0 : i32
    %cond3A_114 = arith.cmpi ne, %convert_element_type3A_112, %cond3A_113 : i32
    scf.if %cond3A_114 {
      %mul3A_1258 = arith.constant 33280 : i32
      %mul3A_1259 = arith.muli %arg1, %mul3A_1258 : i32
      %add3A_1260 = arith.constant 499968 : i32
      %add3A_1261 = arith.addi %add3A_1260, %mul3A_1259 : i32
      %multiple_of3A = tpu.assume_multiple %add3A_1261, 128 : i32
      %dma_start3A_1262 = tpu.memref_slice %arg20[%multiple_of3A] : memref<1000064xf32, #tpu.memory_space<vmem_shared>> -> memref<33280xf32, #tpu.memory_space<vmem_shared>>
      %dma_start3A_1263 = tpu.memref_slice %arg4[%add3A_109, %multiple_of3A] : memref<32x1000000xf32, #tpu.memory_space<hbm>> -> memref<1x33280xf32, #tpu.memory_space<hbm>>
      %dma_start3A_1264 = tpu.memref_squeeze %dma_start3A_1263 : memref<1x33280xf32, #tpu.memory_space<hbm>> -> memref<33280xf32, #tpu.memory_space<hbm>>
      tpu.enqueue_dma source(%dma_start3A_1264 : memref<33280xf32, #tpu.memory_space<hbm>>) target(%dma_start3A_1262 : memref<33280xf32, #tpu.memory_space<vmem_shared>>) target_semaphore(%arg23 : memref<!tpu.dma_semaphore, #tpu.memory_space<semaphore_mem>>)
    } else {
    }
    %eq3A_115 = arith.constant 14 : i32
    %eq3A_116 = arith.cmpi eq, %arg1, %eq3A_115 : i32
    %convert_element_type3A_117 = arith.extui %eq3A_116 : i1 to i32
    %cond3A_118 = arith.constant 0 : i32
    %cond3A_119 = arith.cmpi ne, %convert_element_type3A_117, %cond3A_118 : i32
    scf.if %cond3A_119 {
      %dma_start3A_1258 = arith.constant 965888 : i32
      %dma_start3A_1259 = tpu.memref_slice %arg20[%dma_start3A_1258] : memref<1000064xf32, #tpu.memory_space<vmem_shared>> -> memref<34048xf32, #tpu.memory_space<vmem_shared>>
      %dma_start3A_1260 = arith.constant 965888 : i32
      %dma_start3A_1261 = tpu.memref_slice %arg4[%add3A_109, %dma_start3A_1260] : memref<32x1000000xf32, #tpu.memory_space<hbm>> -> memref<1x34048xf32, #tpu.memory_space<hbm>>
      %dma_start3A_1262 = tpu.memref_squeeze %dma_start3A_1261 : memref<1x34048xf32, #tpu.memory_space<hbm>> -> memref<34048xf32, #tpu.memory_space<hbm>>
      tpu.enqueue_dma source(%dma_start3A_1262 : memref<34048xf32, #tpu.memory_space<hbm>>) target(%dma_start3A_1259 : memref<34048xf32, #tpu.memory_space<vmem_shared>>) target_semaphore(%arg23 : memref<!tpu.dma_semaphore, #tpu.memory_space<semaphore_mem>>)
    } else {
    }
    %dma_start3A_120 = arith.constant 0 : i32
    %dma_start3A_121 = tpu.memref_slice %arg22[%dma_start3A_120] : memref<100000xf32, #tpu.memory_space<vmem_shared>> -> memref<100000xf32, #tpu.memory_space<vmem_shared>>
    tpu.enqueue_indirect_dma source(%dma_start3A_121 : memref<100000xf32, #tpu.memory_space<vmem_shared>>) target(%arg14 : memref<1024xf32, #tpu.memory_space<vmem>>) offsets(%arg9 : memref<1024xi32, #tpu.memory_space<vmem>>) semaphore(%arg25 : memref<!tpu.dma_semaphore, #tpu.memory_space<semaphore_mem>>)
    %eq3A_122 = arith.constant 0 : i32
    %eq3A_123 = arith.cmpi eq, %scan3A_11, %eq3A_122 : i32
    %convert_element_type3A_124 = arith.extui %eq3A_123 : i1 to i32
    %cond3A_125 = arith.constant 0 : i32
    %cond3A_126 = arith.cmpi ne, %convert_element_type3A_124, %cond3A_125 : i32
    scf.if %cond3A_126 {
      %scan3A_1258 = arith.constant 0 : i32
      %scan3A_1259 = arith.constant 0 : i32
      %scan3A_1260 = arith.constant 64 : i32
      %scan3A_1261 = arith.addi %scan3A_1259, %scan3A_1260 : i32
      %scan3A_1262 = arith.constant 1 : i32
      scf.for %scan3A_1264 = %scan3A_1259 to %scan3A_1261 step %scan3A_1262  : i32 {
        %mul3A_1265 = arith.constant 16 : i32
        %mul3A_1266 = arith.muli %scan3A_1264, %mul3A_1265 : i32
        %get3A = arith.index_cast %mul3A_1266 : i32 to index
        %get3A_1267 = tpu.vector_load %arg15[%get3A] {strides = array<i32>} : memref<1024xf32, #tpu.memory_space<vmem>>, vector<16xf32>,
        %get3A_1268 = arith.index_cast %mul3A_1266 : i32 to index
        %get3A_1269 = tpu.vector_load %arg11[%get3A_1268] {strides = array<i32>} : memref<1024xf32, #tpu.memory_space<vmem>>, vector<16xf32>,
        %get3A_1270 = arith.index_cast %mul3A_1266 : i32 to index
        %get3A_1271 = tpu.vector_load %arg13[%get3A_1270] {strides = array<i32>} : memref<1024xf32, #tpu.memory_space<vmem>>, vector<16xf32>,
        %mul3A_1272 = arith.mulf %get3A_1269, %get3A_1271 : vector<16xf32>
        %add3A_1273 = arith.addf %get3A_1267, %mul3A_1272 : vector<16xf32>
        %swap3A = arith.index_cast %mul3A_1266 : i32 to index
        %swap3A_1274 = tpu.vector_load %arg15[%swap3A] {strides = array<i32>} : memref<1024xf32, #tpu.memory_space<vmem>>, vector<16xf32>,
        tpu.vector_store %arg15[%swap3A], %add3A_1273 {strides = array<i32>} : memref<1024xf32, #tpu.memory_space<vmem>>, vector<16xf32>,
      }
      %scan3A_1263 = arith.constant 64 : i32
    } else {
    }
    %eq3A_127 = arith.constant 1 : i32
    %eq3A_128 = arith.cmpi eq, %scan3A_11, %eq3A_127 : i32
    %convert_element_type3A_129 = arith.extui %eq3A_128 : i1 to i32
    %cond3A_130 = arith.constant 0 : i32
    %cond3A_131 = arith.cmpi ne, %convert_element_type3A_129, %cond3A_130 : i32
    scf.if %cond3A_131 {
      %scan3A_1258 = arith.constant 0 : i32
      %scan3A_1259 = arith.constant 0 : i32
      %scan3A_1260 = arith.constant 64 : i32
      %scan3A_1261 = arith.addi %scan3A_1259, %scan3A_1260 : i32
      %scan3A_1262 = arith.constant 1 : i32
      scf.for %scan3A_1264 = %scan3A_1259 to %scan3A_1261 step %scan3A_1262  : i32 {
        %mul3A_1265 = arith.constant 16 : i32
        %mul3A_1266 = arith.muli %scan3A_1264, %mul3A_1265 : i32
        %get3A = arith.index_cast %mul3A_1266 : i32 to index
        %get3A_1267 = tpu.vector_load %arg16[%get3A] {strides = array<i32>} : memref<1024xi32, #tpu.memory_space<vmem>>, vector<16xi32>,
        %add3A_1268 = arith.constant 0 : i32
        %add3A_1269 = vector.broadcast %add3A_1268 : i32 to vector<16xi32>
        %add3A_1270 = arith.addi %get3A_1267, %add3A_1269 : vector<16xi32>
        %gather3A = tpu.vector_load_idx %arg18[%add3A_1270] : memref<2048xf32, #tpu.memory_space<vmem>>[vector<16xi32>], vector<16xf32>,
        %get3A_1271 = arith.index_cast %mul3A_1266 : i32 to index
        %get3A_1272 = tpu.vector_load %arg11[%get3A_1271] {strides = array<i32>} : memref<1024xf32, #tpu.memory_space<vmem>>, vector<16xf32>,
        %get3A_1273 = arith.index_cast %mul3A_1266 : i32 to index
        %get3A_1274 = tpu.vector_load %arg17[%get3A_1273] {strides = array<i32>} : memref<1024xf32, #tpu.memory_space<vmem>>, vector<16xf32>,
        %mul3A_1275 = arith.mulf %gather3A, %get3A_1274 : vector<16xf32>
        %add3A_1276 = arith.addf %get3A_1272, %mul3A_1275 : vector<16xf32>
        %get3A_1277 = arith.index_cast %mul3A_1266 : i32 to index
        %get3A_1278 = tpu.vector_load %arg15[%get3A_1277] {strides = array<i32>} : memref<1024xf32, #tpu.memory_space<vmem>>, vector<16xf32>,
        %get3A_1279 = arith.index_cast %mul3A_1266 : i32 to index
        %get3A_1280 = tpu.vector_load %arg13[%get3A_1279] {strides = array<i32>} : memref<1024xf32, #tpu.memory_space<vmem>>, vector<16xf32>,
        %mul3A_1281 = arith.mulf %add3A_1276, %get3A_1280 : vector<16xf32>
        %add3A_1282 = arith.addf %get3A_1278, %mul3A_1281 : vector<16xf32>
        %swap3A = arith.index_cast %mul3A_1266 : i32 to index
        %swap3A_1283 = tpu.vector_load %arg15[%swap3A] {strides = array<i32>} : memref<1024xf32, #tpu.memory_space<vmem>>, vector<16xf32>,
        tpu.vector_store %arg15[%swap3A], %add3A_1282 {strides = array<i32>} : memref<1024xf32, #tpu.memory_space<vmem>>, vector<16xf32>,
      }
      %scan3A_1263 = arith.constant 64 : i32
    } else {
    }
    %dma_wait3A_132 = arith.constant 0 : i32
    %dma_wait3A_133 = tpu.memref_slice %arg22[%dma_wait3A_132] : memref<100000xf32, #tpu.memory_space<vmem_shared>> -> memref<100000xf32, #tpu.memory_space<vmem_shared>>
    tpu.wait_indirect_dma semaphore(%arg25 : memref<!tpu.dma_semaphore, #tpu.memory_space<semaphore_mem>>) src(%dma_wait3A_133 : memref<100000xf32, #tpu.memory_space<vmem_shared>>) dst(%arg14 : memref<1024xf32, #tpu.memory_space<vmem>>)
    %lt3A_134 = arith.constant 14 : i32
    %lt3A_135 = arith.cmpi slt, %arg1, %lt3A_134 : i32
    %convert_element_type3A_136 = arith.extui %lt3A_135 : i1 to i32
    %cond3A_137 = arith.constant 0 : i32
    %cond3A_138 = arith.cmpi ne, %convert_element_type3A_136, %cond3A_137 : i32
    scf.if %cond3A_138 {
      %dma_wait3A_1258 = arith.constant 0 : i32
      %dma_wait3A_1259 = arith.constant 0 : i32
      %dma_wait3A_1260 = tpu.memref_slice %arg20[%dma_wait3A_1259] : memref<1000064xf32, #tpu.memory_space<vmem_shared>> -> memref<33280xf32, #tpu.memory_space<vmem_shared>>
      %dma_wait3A_1261 = arith.constant 0 : i32
      %dma_wait3A_1262 = tpu.memref_slice %arg4[%dma_wait3A_1258, %dma_wait3A_1261] : memref<32x1000000xf32, #tpu.memory_space<hbm>> -> memref<1x33280xf32, #tpu.memory_space<hbm>>
      %dma_wait3A_1263 = tpu.memref_squeeze %dma_wait3A_1262 : memref<1x33280xf32, #tpu.memory_space<hbm>> -> memref<33280xf32, #tpu.memory_space<hbm>>
      tpu.wait_dma2 semaphore(%arg23 : memref<!tpu.dma_semaphore, #tpu.memory_space<semaphore_mem>>) src(%dma_wait3A_1263 : memref<33280xf32, #tpu.memory_space<hbm>>) dst(%dma_wait3A_1260 : memref<33280xf32, #tpu.memory_space<vmem_shared>>)
    } else {
    }
    %eq3A_139 = arith.constant 14 : i32
    %eq3A_140 = arith.cmpi eq, %arg1, %eq3A_139 : i32
    %convert_element_type3A_141 = arith.extui %eq3A_140 : i1 to i32
    %cond3A_142 = arith.constant 0 : i32
    %cond3A_143 = arith.cmpi ne, %convert_element_type3A_141, %cond3A_142 : i32
    scf.if %cond3A_143 {
      %dma_wait3A_1258 = arith.constant 0 : i32
      %dma_wait3A_1259 = arith.constant 0 : i32
      %dma_wait3A_1260 = tpu.memref_slice %arg20[%dma_wait3A_1259] : memref<1000064xf32, #tpu.memory_space<vmem_shared>> -> memref<34048xf32, #tpu.memory_space<vmem_shared>>
      %dma_wait3A_1261 = arith.constant 0 : i32
      %dma_wait3A_1262 = tpu.memref_slice %arg4[%dma_wait3A_1258, %dma_wait3A_1261] : memref<32x1000000xf32, #tpu.memory_space<hbm>> -> memref<1x34048xf32, #tpu.memory_space<hbm>>
      %dma_wait3A_1263 = tpu.memref_squeeze %dma_wait3A_1262 : memref<1x34048xf32, #tpu.memory_space<hbm>> -> memref<34048xf32, #tpu.memory_space<hbm>>
      tpu.wait_dma2 semaphore(%arg23 : memref<!tpu.dma_semaphore, #tpu.memory_space<semaphore_mem>>) src(%dma_wait3A_1263 : memref<34048xf32, #tpu.memory_space<hbm>>) dst(%dma_wait3A_1260 : memref<34048xf32, #tpu.memory_space<vmem_shared>>)
    } else {
    }
    %lt3A_144 = arith.constant 14 : i32
    %lt3A_145 = arith.cmpi slt, %arg1, %lt3A_144 : i32
    %convert_element_type3A_146 = arith.extui %lt3A_145 : i1 to i32
    %cond3A_147 = arith.constant 0 : i32
    %cond3A_148 = arith.cmpi ne, %convert_element_type3A_146, %cond3A_147 : i32
    scf.if %cond3A_148 {
      %dma_wait3A_1258 = arith.constant 0 : i32
      %dma_wait3A_1259 = arith.constant 0 : i32
      %dma_wait3A_1260 = tpu.memref_slice %arg20[%dma_wait3A_1259] : memref<1000064xf32, #tpu.memory_space<vmem_shared>> -> memref<33280xf32, #tpu.memory_space<vmem_shared>>
      %dma_wait3A_1261 = arith.constant 0 : i32
      %dma_wait3A_1262 = tpu.memref_slice %arg4[%dma_wait3A_1258, %dma_wait3A_1261] : memref<32x1000000xf32, #tpu.memory_space<hbm>> -> memref<1x33280xf32, #tpu.memory_space<hbm>>
      %dma_wait3A_1263 = tpu.memref_squeeze %dma_wait3A_1262 : memref<1x33280xf32, #tpu.memory_space<hbm>> -> memref<33280xf32, #tpu.memory_space<hbm>>
      tpu.wait_dma2 semaphore(%arg23 : memref<!tpu.dma_semaphore, #tpu.memory_space<semaphore_mem>>) src(%dma_wait3A_1263 : memref<33280xf32, #tpu.memory_space<hbm>>) dst(%dma_wait3A_1260 : memref<33280xf32, #tpu.memory_space<vmem_shared>>)
    } else {
    }
    %eq3A_149 = arith.constant 14 : i32
    %eq3A_150 = arith.cmpi eq, %arg1, %eq3A_149 : i32
    %convert_element_type3A_151 = arith.extui %eq3A_150 : i1 to i32
    %cond3A_152 = arith.constant 0 : i32
    %cond3A_153 = arith.cmpi ne, %convert_element_type3A_151, %cond3A_152 : i32
    scf.if %cond3A_153 {
      %dma_wait3A_1258 = arith.constant 0 : i32
      %dma_wait3A_1259 = arith.constant 0 : i32
      %dma_wait3A_1260 = tpu.memref_slice %arg20[%dma_wait3A_1259] : memref<1000064xf32, #tpu.memory_space<vmem_shared>> -> memref<34048xf32, #tpu.memory_space<vmem_shared>>
      %dma_wait3A_1261 = arith.constant 0 : i32
      %dma_wait3A_1262 = tpu.memref_slice %arg4[%dma_wait3A_1258, %dma_wait3A_1261] : memref<32x1000000xf32, #tpu.memory_space<hbm>> -> memref<1x34048xf32, #tpu.memory_space<hbm>>
      %dma_wait3A_1263 = tpu.memref_squeeze %dma_wait3A_1262 : memref<1x34048xf32, #tpu.memory_space<hbm>> -> memref<34048xf32, #tpu.memory_space<hbm>>
      tpu.wait_dma2 semaphore(%arg23 : memref<!tpu.dma_semaphore, #tpu.memory_space<semaphore_mem>>) src(%dma_wait3A_1263 : memref<34048xf32, #tpu.memory_space<hbm>>) dst(%dma_wait3A_1260 : memref<34048xf32, #tpu.memory_space<vmem_shared>>)
    } else {
    }
    %barrier3A_154 = arith.constant 0 : index
    tpu.barrier barrier_id(%barrier3A_154)
    %dma_start3A_155 = arith.constant 0 : i32
    %dma_start3A_156 = tpu.memref_slice %arg20[%dma_start3A_155] : memref<1000064xf32, #tpu.memory_space<vmem_shared>> -> memref<1000064xf32, #tpu.memory_space<vmem_shared>>
    tpu.enqueue_indirect_dma source(%dma_start3A_156 : memref<1000064xf32, #tpu.memory_space<vmem_shared>>) target(%arg12 : memref<1024xf32, #tpu.memory_space<vmem>>) offsets(%arg10 : memref<1024xi32, #tpu.memory_space<vmem>>) semaphore(%arg25 : memref<!tpu.dma_semaphore, #tpu.memory_space<semaphore_mem>>)
    %dma_wait3A_157 = arith.constant 0 : i32
    %dma_wait3A_158 = tpu.memref_slice %arg20[%dma_wait3A_157] : memref<1000064xf32, #tpu.memory_space<vmem_shared>> -> memref<1000064xf32, #tpu.memory_space<vmem_shared>>
    tpu.wait_indirect_dma semaphore(%arg25 : memref<!tpu.dma_semaphore, #tpu.memory_space<semaphore_mem>>) src(%dma_wait3A_158 : memref<1000064xf32, #tpu.memory_space<vmem_shared>>) dst(%arg12 : memref<1024xf32, #tpu.memory_space<vmem>>)
    %eq3A_159 = arith.constant 15 : i32
    %eq3A_160 = arith.cmpi eq, %arg1, %eq3A_159 : i32
    %convert_element_type3A_161 = arith.extui %eq3A_160 : i1 to i32
    %cond3A_162 = arith.constant 0 : i32
    %cond3A_163 = arith.cmpi ne, %convert_element_type3A_161, %cond3A_162 : i32
    scf.if %cond3A_163 {
      %dma_wait3A_1258 = arith.constant 0 : i32
      %dma_wait3A_1259 = arith.constant 0 : i32
      %dma_wait3A_1260 = tpu.memref_slice %arg5[%dma_wait3A_1258, %dma_wait3A_1259] : memref<32x100000xf32, #tpu.memory_space<hbm>> -> memref<1x100000xf32, #tpu.memory_space<hbm>>
      %dma_wait3A_1261 = tpu.memref_squeeze %dma_wait3A_1260 : memref<1x100000xf32, #tpu.memory_space<hbm>> -> memref<100000xf32, #tpu.memory_space<hbm>>
      tpu.wait_dma2 semaphore(%arg24 : memref<!tpu.dma_semaphore, #tpu.memory_space<semaphore_mem>>) src(%dma_wait3A_1261 : memref<100000xf32, #tpu.memory_space<hbm>>) dst(%arg21 : memref<100000xf32, #tpu.memory_space<vmem_shared>>)
    } else {
    }
    %barrier3A_164 = arith.constant 0 : index
    tpu.barrier barrier_id(%barrier3A_164)
    %eq3A_165 = arith.constant 15 : i32
    %eq3A_166 = arith.cmpi eq, %arg1, %eq3A_165 : i32
    %convert_element_type3A_167 = arith.extui %eq3A_166 : i1 to i32
    %cond3A_168 = arith.constant 0 : i32
    %cond3A_169 = arith.cmpi ne, %convert_element_type3A_167, %cond3A_168 : i32
    scf.if %cond3A_169 {
      %mul3A_1258 = arith.constant 16 : i32
      %mul3A_1259 = arith.muli %arg0, %mul3A_1258 : i32
      %add3A_1260 = arith.constant 3 : i32
      %add3A_1261 = arith.addi %mul3A_1259, %add3A_1260 : i32
      %dma_start3A_1262 = arith.constant 0 : i32
      %dma_start3A_1263 = tpu.memref_slice %arg5[%add3A_1261, %dma_start3A_1262] : memref<32x100000xf32, #tpu.memory_space<hbm>> -> memref<1x100000xf32, #tpu.memory_space<hbm>>
      %dma_start3A_1264 = tpu.memref_squeeze %dma_start3A_1263 : memref<1x100000xf32, #tpu.memory_space<hbm>> -> memref<100000xf32, #tpu.memory_space<hbm>>
      tpu.enqueue_dma source(%dma_start3A_1264 : memref<100000xf32, #tpu.memory_space<hbm>>) target(%arg22 : memref<100000xf32, #tpu.memory_space<vmem_shared>>) target_semaphore(%arg24 : memref<!tpu.dma_semaphore, #tpu.memory_space<semaphore_mem>>)
    } else {
    }
    %mul3A_170 = arith.constant 16 : i32
    %mul3A_171 = arith.muli %arg0, %mul3A_170 : i32
    %add3A_172 = arith.constant 2 : i32
    %add3A_173 = arith.addi %mul3A_171, %add3A_172 : i32
    %lt3A_174 = arith.constant 14 : i32
    %lt3A_175 = arith.cmpi slt, %arg1, %lt3A_174 : i32
    %convert_element_type3A_176 = arith.extui %lt3A_175 : i1 to i32
    %cond3A_177 = arith.constant 0 : i32
    %cond3A_178 = arith.cmpi ne, %convert_element_type3A_176, %cond3A_177 : i32
    scf.if %cond3A_178 {
      %mul3A_1258 = arith.constant 33280 : i32
      %mul3A_1259 = arith.muli %arg1, %mul3A_1258 : i32
      %add3A_1260 = arith.constant 0 : i32
      %add3A_1261 = arith.addi %add3A_1260, %mul3A_1259 : i32
      %multiple_of3A = tpu.assume_multiple %add3A_1261, 128 : i32
      %dma_start3A_1262 = tpu.memref_slice %arg20[%multiple_of3A] : memref<1000064xf32, #tpu.memory_space<vmem_shared>> -> memref<33280xf32, #tpu.memory_space<vmem_shared>>
      %dma_start3A_1263 = tpu.memref_slice %arg4[%add3A_173, %multiple_of3A] : memref<32x1000000xf32, #tpu.memory_space<hbm>> -> memref<1x33280xf32, #tpu.memory_space<hbm>>
      %dma_start3A_1264 = tpu.memref_squeeze %dma_start3A_1263 : memref<1x33280xf32, #tpu.memory_space<hbm>> -> memref<33280xf32, #tpu.memory_space<hbm>>
      tpu.enqueue_dma source(%dma_start3A_1264 : memref<33280xf32, #tpu.memory_space<hbm>>) target(%dma_start3A_1262 : memref<33280xf32, #tpu.memory_space<vmem_shared>>) target_semaphore(%arg23 : memref<!tpu.dma_semaphore, #tpu.memory_space<semaphore_mem>>)
    } else {
    }
    %eq3A_179 = arith.constant 14 : i32
    %eq3A_180 = arith.cmpi eq, %arg1, %eq3A_179 : i32
    %convert_element_type3A_181 = arith.extui %eq3A_180 : i1 to i32
    %cond3A_182 = arith.constant 0 : i32
    %cond3A_183 = arith.cmpi ne, %convert_element_type3A_181, %cond3A_182 : i32
    scf.if %cond3A_183 {
      %dma_start3A_1258 = arith.constant 465920 : i32
      %dma_start3A_1259 = tpu.memref_slice %arg20[%dma_start3A_1258] : memref<1000064xf32, #tpu.memory_space<vmem_shared>> -> memref<34048xf32, #tpu.memory_space<vmem_shared>>
      %dma_start3A_1260 = arith.constant 465920 : i32
      %dma_start3A_1261 = tpu.memref_slice %arg4[%add3A_173, %dma_start3A_1260] : memref<32x1000000xf32, #tpu.memory_space<hbm>> -> memref<1x34048xf32, #tpu.memory_space<hbm>>
      %dma_start3A_1262 = tpu.memref_squeeze %dma_start3A_1261 : memref<1x34048xf32, #tpu.memory_space<hbm>> -> memref<34048xf32, #tpu.memory_space<hbm>>
      tpu.enqueue_dma source(%dma_start3A_1262 : memref<34048xf32, #tpu.memory_space<hbm>>) target(%dma_start3A_1259 : memref<34048xf32, #tpu.memory_space<vmem_shared>>) target_semaphore(%arg23 : memref<!tpu.dma_semaphore, #tpu.memory_space<semaphore_mem>>)
    } else {
    }
    %mul3A_184 = arith.constant 16 : i32
    %mul3A_185 = arith.muli %arg0, %mul3A_184 : i32
    %add3A_186 = arith.constant 2 : i32
    %add3A_187 = arith.addi %mul3A_185, %add3A_186 : i32
    %lt3A_188 = arith.constant 14 : i32
    %lt3A_189 = arith.cmpi slt, %arg1, %lt3A_188 : i32
    %convert_element_type3A_190 = arith.extui %lt3A_189 : i1 to i32
    %cond3A_191 = arith.constant 0 : i32
    %cond3A_192 = arith.cmpi ne, %convert_element_type3A_190, %cond3A_191 : i32
    scf.if %cond3A_192 {
      %mul3A_1258 = arith.constant 33280 : i32
      %mul3A_1259 = arith.muli %arg1, %mul3A_1258 : i32
      %add3A_1260 = arith.constant 499968 : i32
      %add3A_1261 = arith.addi %add3A_1260, %mul3A_1259 : i32
      %multiple_of3A = tpu.assume_multiple %add3A_1261, 128 : i32
      %dma_start3A_1262 = tpu.memref_slice %arg20[%multiple_of3A] : memref<1000064xf32, #tpu.memory_space<vmem_shared>> -> memref<33280xf32, #tpu.memory_space<vmem_shared>>
      %dma_start3A_1263 = tpu.memref_slice %arg4[%add3A_187, %multiple_of3A] : memref<32x1000000xf32, #tpu.memory_space<hbm>> -> memref<1x33280xf32, #tpu.memory_space<hbm>>
      %dma_start3A_1264 = tpu.memref_squeeze %dma_start3A_1263 : memref<1x33280xf32, #tpu.memory_space<hbm>> -> memref<33280xf32, #tpu.memory_space<hbm>>
      tpu.enqueue_dma source(%dma_start3A_1264 : memref<33280xf32, #tpu.memory_space<hbm>>) target(%dma_start3A_1262 : memref<33280xf32, #tpu.memory_space<vmem_shared>>) target_semaphore(%arg23 : memref<!tpu.dma_semaphore, #tpu.memory_space<semaphore_mem>>)
    } else {
    }
    %eq3A_193 = arith.constant 14 : i32
    %eq3A_194 = arith.cmpi eq, %arg1, %eq3A_193 : i32
    %convert_element_type3A_195 = arith.extui %eq3A_194 : i1 to i32
    %cond3A_196 = arith.constant 0 : i32
    %cond3A_197 = arith.cmpi ne, %convert_element_type3A_195, %cond3A_196 : i32
    scf.if %cond3A_197 {
      %dma_start3A_1258 = arith.constant 965888 : i32
      %dma_start3A_1259 = tpu.memref_slice %arg20[%dma_start3A_1258] : memref<1000064xf32, #tpu.memory_space<vmem_shared>> -> memref<34048xf32, #tpu.memory_space<vmem_shared>>
      %dma_start3A_1260 = arith.constant 965888 : i32
      %dma_start3A_1261 = tpu.memref_slice %arg4[%add3A_187, %dma_start3A_1260] : memref<32x1000000xf32, #tpu.memory_space<hbm>> -> memref<1x34048xf32, #tpu.memory_space<hbm>>
      %dma_start3A_1262 = tpu.memref_squeeze %dma_start3A_1261 : memref<1x34048xf32, #tpu.memory_space<hbm>> -> memref<34048xf32, #tpu.memory_space<hbm>>
      tpu.enqueue_dma source(%dma_start3A_1262 : memref<34048xf32, #tpu.memory_space<hbm>>) target(%dma_start3A_1259 : memref<34048xf32, #tpu.memory_space<vmem_shared>>) target_semaphore(%arg23 : memref<!tpu.dma_semaphore, #tpu.memory_space<semaphore_mem>>)
    } else {
    }
    %dma_start3A_198 = arith.constant 0 : i32
    %dma_start3A_199 = tpu.memref_slice %arg21[%dma_start3A_198] : memref<100000xf32, #tpu.memory_space<vmem_shared>> -> memref<100000xf32, #tpu.memory_space<vmem_shared>>
    tpu.enqueue_indirect_dma source(%dma_start3A_199 : memref<100000xf32, #tpu.memory_space<vmem_shared>>) target(%arg13 : memref<1024xf32, #tpu.memory_space<vmem>>) offsets(%arg9 : memref<1024xi32, #tpu.memory_space<vmem>>) semaphore(%arg25 : memref<!tpu.dma_semaphore, #tpu.memory_space<semaphore_mem>>)
    %eq3A_200 = arith.constant 0 : i32
    %eq3A_201 = arith.cmpi eq, %scan3A_11, %eq3A_200 : i32
    %convert_element_type3A_202 = arith.extui %eq3A_201 : i1 to i32
    %cond3A_203 = arith.constant 0 : i32
    %cond3A_204 = arith.cmpi ne, %convert_element_type3A_202, %cond3A_203 : i32
    scf.if %cond3A_204 {
      %scan3A_1258 = arith.constant 0 : i32
      %scan3A_1259 = arith.constant 0 : i32
      %scan3A_1260 = arith.constant 64 : i32
      %scan3A_1261 = arith.addi %scan3A_1259, %scan3A_1260 : i32
      %scan3A_1262 = arith.constant 1 : i32
      scf.for %scan3A_1264 = %scan3A_1259 to %scan3A_1261 step %scan3A_1262  : i32 {
        %mul3A_1265 = arith.constant 16 : i32
        %mul3A_1266 = arith.muli %scan3A_1264, %mul3A_1265 : i32
        %get3A = arith.index_cast %mul3A_1266 : i32 to index
        %get3A_1267 = tpu.vector_load %arg15[%get3A] {strides = array<i32>} : memref<1024xf32, #tpu.memory_space<vmem>>, vector<16xf32>,
        %get3A_1268 = arith.index_cast %mul3A_1266 : i32 to index
        %get3A_1269 = tpu.vector_load %arg12[%get3A_1268] {strides = array<i32>} : memref<1024xf32, #tpu.memory_space<vmem>>, vector<16xf32>,
        %get3A_1270 = arith.index_cast %mul3A_1266 : i32 to index
        %get3A_1271 = tpu.vector_load %arg14[%get3A_1270] {strides = array<i32>} : memref<1024xf32, #tpu.memory_space<vmem>>, vector<16xf32>,
        %mul3A_1272 = arith.mulf %get3A_1269, %get3A_1271 : vector<16xf32>
        %add3A_1273 = arith.addf %get3A_1267, %mul3A_1272 : vector<16xf32>
        %swap3A = arith.index_cast %mul3A_1266 : i32 to index
        %swap3A_1274 = tpu.vector_load %arg15[%swap3A] {strides = array<i32>} : memref<1024xf32, #tpu.memory_space<vmem>>, vector<16xf32>,
        tpu.vector_store %arg15[%swap3A], %add3A_1273 {strides = array<i32>} : memref<1024xf32, #tpu.memory_space<vmem>>, vector<16xf32>,
      }
      %scan3A_1263 = arith.constant 64 : i32
    } else {
    }
    %eq3A_205 = arith.constant 1 : i32
    %eq3A_206 = arith.cmpi eq, %scan3A_11, %eq3A_205 : i32
    %convert_element_type3A_207 = arith.extui %eq3A_206 : i1 to i32
    %cond3A_208 = arith.constant 0 : i32
    %cond3A_209 = arith.cmpi ne, %convert_element_type3A_207, %cond3A_208 : i32
    scf.if %cond3A_209 {
      %scan3A_1258 = arith.constant 0 : i32
      %scan3A_1259 = arith.constant 0 : i32
      %scan3A_1260 = arith.constant 64 : i32
      %scan3A_1261 = arith.addi %scan3A_1259, %scan3A_1260 : i32
      %scan3A_1262 = arith.constant 1 : i32
      scf.for %scan3A_1264 = %scan3A_1259 to %scan3A_1261 step %scan3A_1262  : i32 {
        %mul3A_1265 = arith.constant 16 : i32
        %mul3A_1266 = arith.muli %scan3A_1264, %mul3A_1265 : i32
        %get3A = arith.index_cast %mul3A_1266 : i32 to index
        %get3A_1267 = tpu.vector_load %arg16[%get3A] {strides = array<i32>} : memref<1024xi32, #tpu.memory_space<vmem>>, vector<16xi32>,
        %add3A_1268 = arith.constant 1 : i32
        %add3A_1269 = vector.broadcast %add3A_1268 : i32 to vector<16xi32>
        %add3A_1270 = arith.addi %get3A_1267, %add3A_1269 : vector<16xi32>
        %gather3A = tpu.vector_load_idx %arg18[%add3A_1270] : memref<2048xf32, #tpu.memory_space<vmem>>[vector<16xi32>], vector<16xf32>,
        %get3A_1271 = arith.index_cast %mul3A_1266 : i32 to index
        %get3A_1272 = tpu.vector_load %arg12[%get3A_1271] {strides = array<i32>} : memref<1024xf32, #tpu.memory_space<vmem>>, vector<16xf32>,
        %get3A_1273 = arith.index_cast %mul3A_1266 : i32 to index
        %get3A_1274 = tpu.vector_load %arg17[%get3A_1273] {strides = array<i32>} : memref<1024xf32, #tpu.memory_space<vmem>>, vector<16xf32>,
        %mul3A_1275 = arith.mulf %gather3A, %get3A_1274 : vector<16xf32>
        %add3A_1276 = arith.addf %get3A_1272, %mul3A_1275 : vector<16xf32>
        %get3A_1277 = arith.index_cast %mul3A_1266 : i32 to index
        %get3A_1278 = tpu.vector_load %arg15[%get3A_1277] {strides = array<i32>} : memref<1024xf32, #tpu.memory_space<vmem>>, vector<16xf32>,
        %get3A_1279 = arith.index_cast %mul3A_1266 : i32 to index
        %get3A_1280 = tpu.vector_load %arg14[%get3A_1279] {strides = array<i32>} : memref<1024xf32, #tpu.memory_space<vmem>>, vector<16xf32>,
        %mul3A_1281 = arith.mulf %add3A_1276, %get3A_1280 : vector<16xf32>
        %add3A_1282 = arith.addf %get3A_1278, %mul3A_1281 : vector<16xf32>
        %swap3A = arith.index_cast %mul3A_1266 : i32 to index
        %swap3A_1283 = tpu.vector_load %arg15[%swap3A] {strides = array<i32>} : memref<1024xf32, #tpu.memory_space<vmem>>, vector<16xf32>,
        tpu.vector_store %arg15[%swap3A], %add3A_1282 {strides = array<i32>} : memref<1024xf32, #tpu.memory_space<vmem>>, vector<16xf32>,
      }
      %scan3A_1263 = arith.constant 64 : i32
    } else {
    }
    %dma_wait3A_210 = arith.constant 0 : i32
    %dma_wait3A_211 = tpu.memref_slice %arg21[%dma_wait3A_210] : memref<100000xf32, #tpu.memory_space<vmem_shared>> -> memref<100000xf32, #tpu.memory_space<vmem_shared>>
    tpu.wait_indirect_dma semaphore(%arg25 : memref<!tpu.dma_semaphore, #tpu.memory_space<semaphore_mem>>) src(%dma_wait3A_211 : memref<100000xf32, #tpu.memory_space<vmem_shared>>) dst(%arg13 : memref<1024xf32, #tpu.memory_space<vmem>>)
    %lt3A_212 = arith.constant 14 : i32
    %lt3A_213 = arith.cmpi slt, %arg1, %lt3A_212 : i32
    %convert_element_type3A_214 = arith.extui %lt3A_213 : i1 to i32
    %cond3A_215 = arith.constant 0 : i32
    %cond3A_216 = arith.cmpi ne, %convert_element_type3A_214, %cond3A_215 : i32
    scf.if %cond3A_216 {
      %dma_wait3A_1258 = arith.constant 0 : i32
      %dma_wait3A_1259 = arith.constant 0 : i32
      %dma_wait3A_1260 = tpu.memref_slice %arg20[%dma_wait3A_1259] : memref<1000064xf32, #tpu.memory_space<vmem_shared>> -> memref<33280xf32, #tpu.memory_space<vmem_shared>>
      %dma_wait3A_1261 = arith.constant 0 : i32
      %dma_wait3A_1262 = tpu.memref_slice %arg4[%dma_wait3A_1258, %dma_wait3A_1261] : memref<32x1000000xf32, #tpu.memory_space<hbm>> -> memref<1x33280xf32, #tpu.memory_space<hbm>>
      %dma_wait3A_1263 = tpu.memref_squeeze %dma_wait3A_1262 : memref<1x33280xf32, #tpu.memory_space<hbm>> -> memref<33280xf32, #tpu.memory_space<hbm>>
      tpu.wait_dma2 semaphore(%arg23 : memref<!tpu.dma_semaphore, #tpu.memory_space<semaphore_mem>>) src(%dma_wait3A_1263 : memref<33280xf32, #tpu.memory_space<hbm>>) dst(%dma_wait3A_1260 : memref<33280xf32, #tpu.memory_space<vmem_shared>>)
    } else {
    }
    %eq3A_217 = arith.constant 14 : i32
    %eq3A_218 = arith.cmpi eq, %arg1, %eq3A_217 : i32
    %convert_element_type3A_219 = arith.extui %eq3A_218 : i1 to i32
    %cond3A_220 = arith.constant 0 : i32
    %cond3A_221 = arith.cmpi ne, %convert_element_type3A_219, %cond3A_220 : i32
    scf.if %cond3A_221 {
      %dma_wait3A_1258 = arith.constant 0 : i32
      %dma_wait3A_1259 = arith.constant 0 : i32
      %dma_wait3A_1260 = tpu.memref_slice %arg20[%dma_wait3A_1259] : memref<1000064xf32, #tpu.memory_space<vmem_shared>> -> memref<34048xf32, #tpu.memory_space<vmem_shared>>
      %dma_wait3A_1261 = arith.constant 0 : i32
      %dma_wait3A_1262 = tpu.memref_slice %arg4[%dma_wait3A_1258, %dma_wait3A_1261] : memref<32x1000000xf32, #tpu.memory_space<hbm>> -> memref<1x34048xf32, #tpu.memory_space<hbm>>
      %dma_wait3A_1263 = tpu.memref_squeeze %dma_wait3A_1262 : memref<1x34048xf32, #tpu.memory_space<hbm>> -> memref<34048xf32, #tpu.memory_space<hbm>>
      tpu.wait_dma2 semaphore(%arg23 : memref<!tpu.dma_semaphore, #tpu.memory_space<semaphore_mem>>) src(%dma_wait3A_1263 : memref<34048xf32, #tpu.memory_space<hbm>>) dst(%dma_wait3A_1260 : memref<34048xf32, #tpu.memory_space<vmem_shared>>)
    } else {
    }
    %lt3A_222 = arith.constant 14 : i32
    %lt3A_223 = arith.cmpi slt, %arg1, %lt3A_222 : i32
    %convert_element_type3A_224 = arith.extui %lt3A_223 : i1 to i32
    %cond3A_225 = arith.constant 0 : i32
    %cond3A_226 = arith.cmpi ne, %convert_element_type3A_224, %cond3A_225 : i32
    scf.if %cond3A_226 {
      %dma_wait3A_1258 = arith.constant 0 : i32
      %dma_wait3A_1259 = arith.constant 0 : i32
      %dma_wait3A_1260 = tpu.memref_slice %arg20[%dma_wait3A_1259] : memref<1000064xf32, #tpu.memory_space<vmem_shared>> -> memref<33280xf32, #tpu.memory_space<vmem_shared>>
      %dma_wait3A_1261 = arith.constant 0 : i32
      %dma_wait3A_1262 = tpu.memref_slice %arg4[%dma_wait3A_1258, %dma_wait3A_1261] : memref<32x1000000xf32, #tpu.memory_space<hbm>> -> memref<1x33280xf32, #tpu.memory_space<hbm>>
      %dma_wait3A_1263 = tpu.memref_squeeze %dma_wait3A_1262 : memref<1x33280xf32, #tpu.memory_space<hbm>> -> memref<33280xf32, #tpu.memory_space<hbm>>
      tpu.wait_dma2 semaphore(%arg23 : memref<!tpu.dma_semaphore, #tpu.memory_space<semaphore_mem>>) src(%dma_wait3A_1263 : memref<33280xf32, #tpu.memory_space<hbm>>) dst(%dma_wait3A_1260 : memref<33280xf32, #tpu.memory_space<vmem_shared>>)
    } else {
    }
    %eq3A_227 = arith.constant 14 : i32
    %eq3A_228 = arith.cmpi eq, %arg1, %eq3A_227 : i32
    %convert_element_type3A_229 = arith.extui %eq3A_228 : i1 to i32
    %cond3A_230 = arith.constant 0 : i32
    %cond3A_231 = arith.cmpi ne, %convert_element_type3A_229, %cond3A_230 : i32
    scf.if %cond3A_231 {
      %dma_wait3A_1258 = arith.constant 0 : i32
      %dma_wait3A_1259 = arith.constant 0 : i32
      %dma_wait3A_1260 = tpu.memref_slice %arg20[%dma_wait3A_1259] : memref<1000064xf32, #tpu.memory_space<vmem_shared>> -> memref<34048xf32, #tpu.memory_space<vmem_shared>>
      %dma_wait3A_1261 = arith.constant 0 : i32
      %dma_wait3A_1262 = tpu.memref_slice %arg4[%dma_wait3A_1258, %dma_wait3A_1261] : memref<32x1000000xf32, #tpu.memory_space<hbm>> -> memref<1x34048xf32, #tpu.memory_space<hbm>>
      %dma_wait3A_1263 = tpu.memref_squeeze %dma_wait3A_1262 : memref<1x34048xf32, #tpu.memory_space<hbm>> -> memref<34048xf32, #tpu.memory_space<hbm>>
      tpu.wait_dma2 semaphore(%arg23 : memref<!tpu.dma_semaphore, #tpu.memory_space<semaphore_mem>>) src(%dma_wait3A_1263 : memref<34048xf32, #tpu.memory_space<hbm>>) dst(%dma_wait3A_1260 : memref<34048xf32, #tpu.memory_space<vmem_shared>>)
    } else {
    }
    %barrier3A_232 = arith.constant 0 : index
    tpu.barrier barrier_id(%barrier3A_232)
    %dma_start3A_233 = arith.constant 0 : i32
    %dma_start3A_234 = tpu.memref_slice %arg20[%dma_start3A_233] : memref<1000064xf32, #tpu.memory_space<vmem_shared>> -> memref<1000064xf32, #tpu.memory_space<vmem_shared>>
    tpu.enqueue_indirect_dma source(%dma_start3A_234 : memref<1000064xf32, #tpu.memory_space<vmem_shared>>) target(%arg11 : memref<1024xf32, #tpu.memory_space<vmem>>) offsets(%arg10 : memref<1024xi32, #tpu.memory_space<vmem>>) semaphore(%arg25 : memref<!tpu.dma_semaphore, #tpu.memory_space<semaphore_mem>>)
    %dma_wait3A_235 = arith.constant 0 : i32
    %dma_wait3A_236 = tpu.memref_slice %arg20[%dma_wait3A_235] : memref<1000064xf32, #tpu.memory_space<vmem_shared>> -> memref<1000064xf32, #tpu.memory_space<vmem_shared>>
    tpu.wait_indirect_dma semaphore(%arg25 : memref<!tpu.dma_semaphore, #tpu.memory_space<semaphore_mem>>) src(%dma_wait3A_236 : memref<1000064xf32, #tpu.memory_space<vmem_shared>>) dst(%arg11 : memref<1024xf32, #tpu.memory_space<vmem>>)
    %eq3A_237 = arith.constant 15 : i32
    %eq3A_238 = arith.cmpi eq, %arg1, %eq3A_237 : i32
    %convert_element_type3A_239 = arith.extui %eq3A_238 : i1 to i32
    %cond3A_240 = arith.constant 0 : i32
    %cond3A_241 = arith.cmpi ne, %convert_element_type3A_239, %cond3A_240 : i32
    scf.if %cond3A_241 {
      %dma_wait3A_1258 = arith.constant 0 : i32
      %dma_wait3A_1259 = arith.constant 0 : i32
      %dma_wait3A_1260 = tpu.memref_slice %arg5[%dma_wait3A_1258, %dma_wait3A_1259] : memref<32x100000xf32, #tpu.memory_space<hbm>> -> memref<1x100000xf32, #tpu.memory_space<hbm>>
      %dma_wait3A_1261 = tpu.memref_squeeze %dma_wait3A_1260 : memref<1x100000xf32, #tpu.memory_space<hbm>> -> memref<100000xf32, #tpu.memory_space<hbm>>
      tpu.wait_dma2 semaphore(%arg24 : memref<!tpu.dma_semaphore, #tpu.memory_space<semaphore_mem>>) src(%dma_wait3A_1261 : memref<100000xf32, #tpu.memory_space<hbm>>) dst(%arg21 : memref<100000xf32, #tpu.memory_space<vmem_shared>>)
    } else {
    }
    %barrier3A_242 = arith.constant 0 : index
    tpu.barrier barrier_id(%barrier3A_242)
    %eq3A_243 = arith.constant 15 : i32
    %eq3A_244 = arith.cmpi eq, %arg1, %eq3A_243 : i32
    %convert_element_type3A_245 = arith.extui %eq3A_244 : i1 to i32
    %cond3A_246 = arith.constant 0 : i32
    %cond3A_247 = arith.cmpi ne, %convert_element_type3A_245, %cond3A_246 : i32
    scf.if %cond3A_247 {
      %mul3A_1258 = arith.constant 16 : i32
      %mul3A_1259 = arith.muli %arg0, %mul3A_1258 : i32
      %add3A_1260 = arith.constant 4 : i32
      %add3A_1261 = arith.addi %mul3A_1259, %add3A_1260 : i32
      %dma_start3A_1262 = arith.constant 0 : i32
      %dma_start3A_1263 = tpu.memref_slice %arg5[%add3A_1261, %dma_start3A_1262] : memref<32x100000xf32, #tpu.memory_space<hbm>> -> memref<1x100000xf32, #tpu.memory_space<hbm>>
      %dma_start3A_1264 = tpu.memref_squeeze %dma_start3A_1263 : memref<1x100000xf32, #tpu.memory_space<hbm>> -> memref<100000xf32, #tpu.memory_space<hbm>>
      tpu.enqueue_dma source(%dma_start3A_1264 : memref<100000xf32, #tpu.memory_space<hbm>>) target(%arg21 : memref<100000xf32, #tpu.memory_space<vmem_shared>>) target_semaphore(%arg24 : memref<!tpu.dma_semaphore, #tpu.memory_space<semaphore_mem>>)
    } else {
    }
    %mul3A_248 = arith.constant 16 : i32
    %mul3A_249 = arith.muli %arg0, %mul3A_248 : i32
    %add3A_250 = arith.constant 3 : i32
    %add3A_251 = arith.addi %mul3A_249, %add3A_250 : i32
    %lt3A_252 = arith.constant 14 : i32
    %lt3A_253 = arith.cmpi slt, %arg1, %lt3A_252 : i32
    %convert_element_type3A_254 = arith.extui %lt3A_253 : i1 to i32
    %cond3A_255 = arith.constant 0 : i32
    %cond3A_256 = arith.cmpi ne, %convert_element_type3A_254, %cond3A_255 : i32
    scf.if %cond3A_256 {
      %mul3A_1258 = arith.constant 33280 : i32
      %mul3A_1259 = arith.muli %arg1, %mul3A_1258 : i32
      %add3A_1260 = arith.constant 0 : i32
      %add3A_1261 = arith.addi %add3A_1260, %mul3A_1259 : i32
      %multiple_of3A = tpu.assume_multiple %add3A_1261, 128 : i32
      %dma_start3A_1262 = tpu.memref_slice %arg20[%multiple_of3A] : memref<1000064xf32, #tpu.memory_space<vmem_shared>> -> memref<33280xf32, #tpu.memory_space<vmem_shared>>
      %dma_start3A_1263 = tpu.memref_slice %arg4[%add3A_251, %multiple_of3A] : memref<32x1000000xf32, #tpu.memory_space<hbm>> -> memref<1x33280xf32, #tpu.memory_space<hbm>>
      %dma_start3A_1264 = tpu.memref_squeeze %dma_start3A_1263 : memref<1x33280xf32, #tpu.memory_space<hbm>> -> memref<33280xf32, #tpu.memory_space<hbm>>
      tpu.enqueue_dma source(%dma_start3A_1264 : memref<33280xf32, #tpu.memory_space<hbm>>) target(%dma_start3A_1262 : memref<33280xf32, #tpu.memory_space<vmem_shared>>) target_semaphore(%arg23 : memref<!tpu.dma_semaphore, #tpu.memory_space<semaphore_mem>>)
    } else {
    }
    %eq3A_257 = arith.constant 14 : i32
    %eq3A_258 = arith.cmpi eq, %arg1, %eq3A_257 : i32
    %convert_element_type3A_259 = arith.extui %eq3A_258 : i1 to i32
    %cond3A_260 = arith.constant 0 : i32
    %cond3A_261 = arith.cmpi ne, %convert_element_type3A_259, %cond3A_260 : i32
    scf.if %cond3A_261 {
      %dma_start3A_1258 = arith.constant 465920 : i32
      %dma_start3A_1259 = tpu.memref_slice %arg20[%dma_start3A_1258] : memref<1000064xf32, #tpu.memory_space<vmem_shared>> -> memref<34048xf32, #tpu.memory_space<vmem_shared>>
      %dma_start3A_1260 = arith.constant 465920 : i32
      %dma_start3A_1261 = tpu.memref_slice %arg4[%add3A_251, %dma_start3A_1260] : memref<32x1000000xf32, #tpu.memory_space<hbm>> -> memref<1x34048xf32, #tpu.memory_space<hbm>>
      %dma_start3A_1262 = tpu.memref_squeeze %dma_start3A_1261 : memref<1x34048xf32, #tpu.memory_space<hbm>> -> memref<34048xf32, #tpu.memory_space<hbm>>
      tpu.enqueue_dma source(%dma_start3A_1262 : memref<34048xf32, #tpu.memory_space<hbm>>) target(%dma_start3A_1259 : memref<34048xf32, #tpu.memory_space<vmem_shared>>) target_semaphore(%arg23 : memref<!tpu.dma_semaphore, #tpu.memory_space<semaphore_mem>>)
    } else {
    }
    %mul3A_262 = arith.constant 16 : i32
    %mul3A_263 = arith.muli %arg0, %mul3A_262 : i32
    %add3A_264 = arith.constant 3 : i32
    %add3A_265 = arith.addi %mul3A_263, %add3A_264 : i32
    %lt3A_266 = arith.constant 14 : i32
    %lt3A_267 = arith.cmpi slt, %arg1, %lt3A_266 : i32
    %convert_element_type3A_268 = arith.extui %lt3A_267 : i1 to i32
    %cond3A_269 = arith.constant 0 : i32
    %cond3A_270 = arith.cmpi ne, %convert_element_type3A_268, %cond3A_269 : i32
    scf.if %cond3A_270 {
      %mul3A_1258 = arith.constant 33280 : i32
      %mul3A_1259 = arith.muli %arg1, %mul3A_1258 : i32
      %add3A_1260 = arith.constant 499968 : i32
      %add3A_1261 = arith.addi %add3A_1260, %mul3A_1259 : i32
      %multiple_of3A = tpu.assume_multiple %add3A_1261, 128 : i32
      %dma_start3A_1262 = tpu.memref_slice %arg20[%multiple_of3A] : memref<1000064xf32, #tpu.memory_space<vmem_shared>> -> memref<33280xf32, #tpu.memory_space<vmem_shared>>
      %dma_start3A_1263 = tpu.memref_slice %arg4[%add3A_265, %multiple_of3A] : memref<32x1000000xf32, #tpu.memory_space<hbm>> -> memref<1x33280xf32, #tpu.memory_space<hbm>>
      %dma_start3A_1264 = tpu.memref_squeeze %dma_start3A_1263 : memref<1x33280xf32, #tpu.memory_space<hbm>> -> memref<33280xf32, #tpu.memory_space<hbm>>
      tpu.enqueue_dma source(%dma_start3A_1264 : memref<33280xf32, #tpu.memory_space<hbm>>) target(%dma_start3A_1262 : memref<33280xf32, #tpu.memory_space<vmem_shared>>) target_semaphore(%arg23 : memref<!tpu.dma_semaphore, #tpu.memory_space<semaphore_mem>>)
    } else {
    }
    %eq3A_271 = arith.constant 14 : i32
    %eq3A_272 = arith.cmpi eq, %arg1, %eq3A_271 : i32
    %convert_element_type3A_273 = arith.extui %eq3A_272 : i1 to i32
    %cond3A_274 = arith.constant 0 : i32
    %cond3A_275 = arith.cmpi ne, %convert_element_type3A_273, %cond3A_274 : i32
    scf.if %cond3A_275 {
      %dma_start3A_1258 = arith.constant 965888 : i32
      %dma_start3A_1259 = tpu.memref_slice %arg20[%dma_start3A_1258] : memref<1000064xf32, #tpu.memory_space<vmem_shared>> -> memref<34048xf32, #tpu.memory_space<vmem_shared>>
      %dma_start3A_1260 = arith.constant 965888 : i32
      %dma_start3A_1261 = tpu.memref_slice %arg4[%add3A_265, %dma_start3A_1260] : memref<32x1000000xf32, #tpu.memory_space<hbm>> -> memref<1x34048xf32, #tpu.memory_space<hbm>>
      %dma_start3A_1262 = tpu.memref_squeeze %dma_start3A_1261 : memref<1x34048xf32, #tpu.memory_space<hbm>> -> memref<34048xf32, #tpu.memory_space<hbm>>
      tpu.enqueue_dma source(%dma_start3A_1262 : memref<34048xf32, #tpu.memory_space<hbm>>) target(%dma_start3A_1259 : memref<34048xf32, #tpu.memory_space<vmem_shared>>) target_semaphore(%arg23 : memref<!tpu.dma_semaphore, #tpu.memory_space<semaphore_mem>>)
    } else {
    }
    %dma_start3A_276 = arith.constant 0 : i32
    %dma_start3A_277 = tpu.memref_slice %arg22[%dma_start3A_276] : memref<100000xf32, #tpu.memory_space<vmem_shared>> -> memref<100000xf32, #tpu.memory_space<vmem_shared>>
    tpu.enqueue_indirect_dma source(%dma_start3A_277 : memref<100000xf32, #tpu.memory_space<vmem_shared>>) target(%arg14 : memref<1024xf32, #tpu.memory_space<vmem>>) offsets(%arg9 : memref<1024xi32, #tpu.memory_space<vmem>>) semaphore(%arg25 : memref<!tpu.dma_semaphore, #tpu.memory_space<semaphore_mem>>)
    %eq3A_278 = arith.constant 0 : i32
    %eq3A_279 = arith.cmpi eq, %scan3A_11, %eq3A_278 : i32
    %convert_element_type3A_280 = arith.extui %eq3A_279 : i1 to i32
    %cond3A_281 = arith.constant 0 : i32
    %cond3A_282 = arith.cmpi ne, %convert_element_type3A_280, %cond3A_281 : i32
    scf.if %cond3A_282 {
      %scan3A_1258 = arith.constant 0 : i32
      %scan3A_1259 = arith.constant 0 : i32
      %scan3A_1260 = arith.constant 64 : i32
      %scan3A_1261 = arith.addi %scan3A_1259, %scan3A_1260 : i32
      %scan3A_1262 = arith.constant 1 : i32
      scf.for %scan3A_1264 = %scan3A_1259 to %scan3A_1261 step %scan3A_1262  : i32 {
        %mul3A_1265 = arith.constant 16 : i32
        %mul3A_1266 = arith.muli %scan3A_1264, %mul3A_1265 : i32
        %get3A = arith.index_cast %mul3A_1266 : i32 to index
        %get3A_1267 = tpu.vector_load %arg15[%get3A] {strides = array<i32>} : memref<1024xf32, #tpu.memory_space<vmem>>, vector<16xf32>,
        %get3A_1268 = arith.index_cast %mul3A_1266 : i32 to index
        %get3A_1269 = tpu.vector_load %arg11[%get3A_1268] {strides = array<i32>} : memref<1024xf32, #tpu.memory_space<vmem>>, vector<16xf32>,
        %get3A_1270 = arith.index_cast %mul3A_1266 : i32 to index
        %get3A_1271 = tpu.vector_load %arg13[%get3A_1270] {strides = array<i32>} : memref<1024xf32, #tpu.memory_space<vmem>>, vector<16xf32>,
        %mul3A_1272 = arith.mulf %get3A_1269, %get3A_1271 : vector<16xf32>
        %add3A_1273 = arith.addf %get3A_1267, %mul3A_1272 : vector<16xf32>
        %swap3A = arith.index_cast %mul3A_1266 : i32 to index
        %swap3A_1274 = tpu.vector_load %arg15[%swap3A] {strides = array<i32>} : memref<1024xf32, #tpu.memory_space<vmem>>, vector<16xf32>,
        tpu.vector_store %arg15[%swap3A], %add3A_1273 {strides = array<i32>} : memref<1024xf32, #tpu.memory_space<vmem>>, vector<16xf32>,
      }
      %scan3A_1263 = arith.constant 64 : i32
    } else {
    }
    %eq3A_283 = arith.constant 1 : i32
    %eq3A_284 = arith.cmpi eq, %scan3A_11, %eq3A_283 : i32
    %convert_element_type3A_285 = arith.extui %eq3A_284 : i1 to i32
    %cond3A_286 = arith.constant 0 : i32
    %cond3A_287 = arith.cmpi ne, %convert_element_type3A_285, %cond3A_286 : i32
    scf.if %cond3A_287 {
      %scan3A_1258 = arith.constant 0 : i32
      %scan3A_1259 = arith.constant 0 : i32
      %scan3A_1260 = arith.constant 64 : i32
      %scan3A_1261 = arith.addi %scan3A_1259, %scan3A_1260 : i32
      %scan3A_1262 = arith.constant 1 : i32
      scf.for %scan3A_1264 = %scan3A_1259 to %scan3A_1261 step %scan3A_1262  : i32 {
        %mul3A_1265 = arith.constant 16 : i32
        %mul3A_1266 = arith.muli %scan3A_1264, %mul3A_1265 : i32
        %get3A = arith.index_cast %mul3A_1266 : i32 to index
        %get3A_1267 = tpu.vector_load %arg16[%get3A] {strides = array<i32>} : memref<1024xi32, #tpu.memory_space<vmem>>, vector<16xi32>,
        %add3A_1268 = arith.constant 2 : i32
        %add3A_1269 = vector.broadcast %add3A_1268 : i32 to vector<16xi32>
        %add3A_1270 = arith.addi %get3A_1267, %add3A_1269 : vector<16xi32>
        %gather3A = tpu.vector_load_idx %arg18[%add3A_1270] : memref<2048xf32, #tpu.memory_space<vmem>>[vector<16xi32>], vector<16xf32>,
        %get3A_1271 = arith.index_cast %mul3A_1266 : i32 to index
        %get3A_1272 = tpu.vector_load %arg11[%get3A_1271] {strides = array<i32>} : memref<1024xf32, #tpu.memory_space<vmem>>, vector<16xf32>,
        %get3A_1273 = arith.index_cast %mul3A_1266 : i32 to index
        %get3A_1274 = tpu.vector_load %arg17[%get3A_1273] {strides = array<i32>} : memref<1024xf32, #tpu.memory_space<vmem>>, vector<16xf32>,
        %mul3A_1275 = arith.mulf %gather3A, %get3A_1274 : vector<16xf32>
        %add3A_1276 = arith.addf %get3A_1272, %mul3A_1275 : vector<16xf32>
        %get3A_1277 = arith.index_cast %mul3A_1266 : i32 to index
        %get3A_1278 = tpu.vector_load %arg15[%get3A_1277] {strides = array<i32>} : memref<1024xf32, #tpu.memory_space<vmem>>, vector<16xf32>,
        %get3A_1279 = arith.index_cast %mul3A_1266 : i32 to index
        %get3A_1280 = tpu.vector_load %arg13[%get3A_1279] {strides = array<i32>} : memref<1024xf32, #tpu.memory_space<vmem>>, vector<16xf32>,
        %mul3A_1281 = arith.mulf %add3A_1276, %get3A_1280 : vector<16xf32>
        %add3A_1282 = arith.addf %get3A_1278, %mul3A_1281 : vector<16xf32>
        %swap3A = arith.index_cast %mul3A_1266 : i32 to index
        %swap3A_1283 = tpu.vector_load %arg15[%swap3A] {strides = array<i32>} : memref<1024xf32, #tpu.memory_space<vmem>>, vector<16xf32>,
        tpu.vector_store %arg15[%swap3A], %add3A_1282 {strides = array<i32>} : memref<1024xf32, #tpu.memory_space<vmem>>, vector<16xf32>,
      }
      %scan3A_1263 = arith.constant 64 : i32
    } else {
    }
    %dma_wait3A_288 = arith.constant 0 : i32
    %dma_wait3A_289 = tpu.memref_slice %arg22[%dma_wait3A_288] : memref<100000xf32, #tpu.memory_space<vmem_shared>> -> memref<100000xf32, #tpu.memory_space<vmem_shared>>
    tpu.wait_indirect_dma semaphore(%arg25 : memref<!tpu.dma_semaphore, #tpu.memory_space<semaphore_mem>>) src(%dma_wait3A_289 : memref<100000xf32, #tpu.memory_space<vmem_shared>>) dst(%arg14 : memref<1024xf32, #tpu.memory_space<vmem>>)
    %lt3A_290 = arith.constant 14 : i32
    %lt3A_291 = arith.cmpi slt, %arg1, %lt3A_290 : i32
    %convert_element_type3A_292 = arith.extui %lt3A_291 : i1 to i32
    %cond3A_293 = arith.constant 0 : i32
    %cond3A_294 = arith.cmpi ne, %convert_element_type3A_292, %cond3A_293 : i32
    scf.if %cond3A_294 {
      %dma_wait3A_1258 = arith.constant 0 : i32
      %dma_wait3A_1259 = arith.constant 0 : i32
      %dma_wait3A_1260 = tpu.memref_slice %arg20[%dma_wait3A_1259] : memref<1000064xf32, #tpu.memory_space<vmem_shared>> -> memref<33280xf32, #tpu.memory_space<vmem_shared>>
      %dma_wait3A_1261 = arith.constant 0 : i32
      %dma_wait3A_1262 = tpu.memref_slice %arg4[%dma_wait3A_1258, %dma_wait3A_1261] : memref<32x1000000xf32, #tpu.memory_space<hbm>> -> memref<1x33280xf32, #tpu.memory_space<hbm>>
      %dma_wait3A_1263 = tpu.memref_squeeze %dma_wait3A_1262 : memref<1x33280xf32, #tpu.memory_space<hbm>> -> memref<33280xf32, #tpu.memory_space<hbm>>
      tpu.wait_dma2 semaphore(%arg23 : memref<!tpu.dma_semaphore, #tpu.memory_space<semaphore_mem>>) src(%dma_wait3A_1263 : memref<33280xf32, #tpu.memory_space<hbm>>) dst(%dma_wait3A_1260 : memref<33280xf32, #tpu.memory_space<vmem_shared>>)
    } else {
    }
    %eq3A_295 = arith.constant 14 : i32
    %eq3A_296 = arith.cmpi eq, %arg1, %eq3A_295 : i32
    %convert_element_type3A_297 = arith.extui %eq3A_296 : i1 to i32
    %cond3A_298 = arith.constant 0 : i32
    %cond3A_299 = arith.cmpi ne, %convert_element_type3A_297, %cond3A_298 : i32
    scf.if %cond3A_299 {
      %dma_wait3A_1258 = arith.constant 0 : i32
      %dma_wait3A_1259 = arith.constant 0 : i32
      %dma_wait3A_1260 = tpu.memref_slice %arg20[%dma_wait3A_1259] : memref<1000064xf32, #tpu.memory_space<vmem_shared>> -> memref<34048xf32, #tpu.memory_space<vmem_shared>>
      %dma_wait3A_1261 = arith.constant 0 : i32
      %dma_wait3A_1262 = tpu.memref_slice %arg4[%dma_wait3A_1258, %dma_wait3A_1261] : memref<32x1000000xf32, #tpu.memory_space<hbm>> -> memref<1x34048xf32, #tpu.memory_space<hbm>>
      %dma_wait3A_1263 = tpu.memref_squeeze %dma_wait3A_1262 : memref<1x34048xf32, #tpu.memory_space<hbm>> -> memref<34048xf32, #tpu.memory_space<hbm>>
      tpu.wait_dma2 semaphore(%arg23 : memref<!tpu.dma_semaphore, #tpu.memory_space<semaphore_mem>>) src(%dma_wait3A_1263 : memref<34048xf32, #tpu.memory_space<hbm>>) dst(%dma_wait3A_1260 : memref<34048xf32, #tpu.memory_space<vmem_shared>>)
    } else {
    }
    %lt3A_300 = arith.constant 14 : i32
    %lt3A_301 = arith.cmpi slt, %arg1, %lt3A_300 : i32
    %convert_element_type3A_302 = arith.extui %lt3A_301 : i1 to i32
    %cond3A_303 = arith.constant 0 : i32
    %cond3A_304 = arith.cmpi ne, %convert_element_type3A_302, %cond3A_303 : i32
    scf.if %cond3A_304 {
      %dma_wait3A_1258 = arith.constant 0 : i32
      %dma_wait3A_1259 = arith.constant 0 : i32
      %dma_wait3A_1260 = tpu.memref_slice %arg20[%dma_wait3A_1259] : memref<1000064xf32, #tpu.memory_space<vmem_shared>> -> memref<33280xf32, #tpu.memory_space<vmem_shared>>
      %dma_wait3A_1261 = arith.constant 0 : i32
      %dma_wait3A_1262 = tpu.memref_slice %arg4[%dma_wait3A_1258, %dma_wait3A_1261] : memref<32x1000000xf32, #tpu.memory_space<hbm>> -> memref<1x33280xf32, #tpu.memory_space<hbm>>
      %dma_wait3A_1263 = tpu.memref_squeeze %dma_wait3A_1262 : memref<1x33280xf32, #tpu.memory_space<hbm>> -> memref<33280xf32, #tpu.memory_space<hbm>>
      tpu.wait_dma2 semaphore(%arg23 : memref<!tpu.dma_semaphore, #tpu.memory_space<semaphore_mem>>) src(%dma_wait3A_1263 : memref<33280xf32, #tpu.memory_space<hbm>>) dst(%dma_wait3A_1260 : memref<33280xf32, #tpu.memory_space<vmem_shared>>)
    } else {
    }
    %eq3A_305 = arith.constant 14 : i32
    %eq3A_306 = arith.cmpi eq, %arg1, %eq3A_305 : i32
    %convert_element_type3A_307 = arith.extui %eq3A_306 : i1 to i32
    %cond3A_308 = arith.constant 0 : i32
    %cond3A_309 = arith.cmpi ne, %convert_element_type3A_307, %cond3A_308 : i32
    scf.if %cond3A_309 {
      %dma_wait3A_1258 = arith.constant 0 : i32
      %dma_wait3A_1259 = arith.constant 0 : i32
      %dma_wait3A_1260 = tpu.memref_slice %arg20[%dma_wait3A_1259] : memref<1000064xf32, #tpu.memory_space<vmem_shared>> -> memref<34048xf32, #tpu.memory_space<vmem_shared>>
      %dma_wait3A_1261 = arith.constant 0 : i32
      %dma_wait3A_1262 = tpu.memref_slice %arg4[%dma_wait3A_1258, %dma_wait3A_1261] : memref<32x1000000xf32, #tpu.memory_space<hbm>> -> memref<1x34048xf32, #tpu.memory_space<hbm>>
      %dma_wait3A_1263 = tpu.memref_squeeze %dma_wait3A_1262 : memref<1x34048xf32, #tpu.memory_space<hbm>> -> memref<34048xf32, #tpu.memory_space<hbm>>
      tpu.wait_dma2 semaphore(%arg23 : memref<!tpu.dma_semaphore, #tpu.memory_space<semaphore_mem>>) src(%dma_wait3A_1263 : memref<34048xf32, #tpu.memory_space<hbm>>) dst(%dma_wait3A_1260 : memref<34048xf32, #tpu.memory_space<vmem_shared>>)
    } else {
    }
    %barrier3A_310 = arith.constant 0 : index
    tpu.barrier barrier_id(%barrier3A_310)
    %dma_start3A_311 = arith.constant 0 : i32
    %dma_start3A_312 = tpu.memref_slice %arg20[%dma_start3A_311] : memref<1000064xf32, #tpu.memory_space<vmem_shared>> -> memref<1000064xf32, #tpu.memory_space<vmem_shared>>
    tpu.enqueue_indirect_dma source(%dma_start3A_312 : memref<1000064xf32, #tpu.memory_space<vmem_shared>>) target(%arg12 : memref<1024xf32, #tpu.memory_space<vmem>>) offsets(%arg10 : memref<1024xi32, #tpu.memory_space<vmem>>) semaphore(%arg25 : memref<!tpu.dma_semaphore, #tpu.memory_space<semaphore_mem>>)
    %dma_wait3A_313 = arith.constant 0 : i32
    %dma_wait3A_314 = tpu.memref_slice %arg20[%dma_wait3A_313] : memref<1000064xf32, #tpu.memory_space<vmem_shared>> -> memref<1000064xf32, #tpu.memory_space<vmem_shared>>
    tpu.wait_indirect_dma semaphore(%arg25 : memref<!tpu.dma_semaphore, #tpu.memory_space<semaphore_mem>>) src(%dma_wait3A_314 : memref<1000064xf32, #tpu.memory_space<vmem_shared>>) dst(%arg12 : memref<1024xf32, #tpu.memory_space<vmem>>)
    %eq3A_315 = arith.constant 15 : i32
    %eq3A_316 = arith.cmpi eq, %arg1, %eq3A_315 : i32
    %convert_element_type3A_317 = arith.extui %eq3A_316 : i1 to i32
    %cond3A_318 = arith.constant 0 : i32
    %cond3A_319 = arith.cmpi ne, %convert_element_type3A_317, %cond3A_318 : i32
    scf.if %cond3A_319 {
      %dma_wait3A_1258 = arith.constant 0 : i32
      %dma_wait3A_1259 = arith.constant 0 : i32
      %dma_wait3A_1260 = tpu.memref_slice %arg5[%dma_wait3A_1258, %dma_wait3A_1259] : memref<32x100000xf32, #tpu.memory_space<hbm>> -> memref<1x100000xf32, #tpu.memory_space<hbm>>
      %dma_wait3A_1261 = tpu.memref_squeeze %dma_wait3A_1260 : memref<1x100000xf32, #tpu.memory_space<hbm>> -> memref<100000xf32, #tpu.memory_space<hbm>>
      tpu.wait_dma2 semaphore(%arg24 : memref<!tpu.dma_semaphore, #tpu.memory_space<semaphore_mem>>) src(%dma_wait3A_1261 : memref<100000xf32, #tpu.memory_space<hbm>>) dst(%arg21 : memref<100000xf32, #tpu.memory_space<vmem_shared>>)
    } else {
    }
    %barrier3A_320 = arith.constant 0 : index
    tpu.barrier barrier_id(%barrier3A_320)
    %eq3A_321 = arith.constant 15 : i32
    %eq3A_322 = arith.cmpi eq, %arg1, %eq3A_321 : i32
    %convert_element_type3A_323 = arith.extui %eq3A_322 : i1 to i32
    %cond3A_324 = arith.constant 0 : i32
    %cond3A_325 = arith.cmpi ne, %convert_element_type3A_323, %cond3A_324 : i32
    scf.if %cond3A_325 {
      %mul3A_1258 = arith.constant 16 : i32
      %mul3A_1259 = arith.muli %arg0, %mul3A_1258 : i32
      %add3A_1260 = arith.constant 5 : i32
      %add3A_1261 = arith.addi %mul3A_1259, %add3A_1260 : i32
      %dma_start3A_1262 = arith.constant 0 : i32
      %dma_start3A_1263 = tpu.memref_slice %arg5[%add3A_1261, %dma_start3A_1262] : memref<32x100000xf32, #tpu.memory_space<hbm>> -> memref<1x100000xf32, #tpu.memory_space<hbm>>
      %dma_start3A_1264 = tpu.memref_squeeze %dma_start3A_1263 : memref<1x100000xf32, #tpu.memory_space<hbm>> -> memref<100000xf32, #tpu.memory_space<hbm>>
      tpu.enqueue_dma source(%dma_start3A_1264 : memref<100000xf32, #tpu.memory_space<hbm>>) target(%arg22 : memref<100000xf32, #tpu.memory_space<vmem_shared>>) target_semaphore(%arg24 : memref<!tpu.dma_semaphore, #tpu.memory_space<semaphore_mem>>)
    } else {
    }
    %mul3A_326 = arith.constant 16 : i32
    %mul3A_327 = arith.muli %arg0, %mul3A_326 : i32
    %add3A_328 = arith.constant 4 : i32
    %add3A_329 = arith.addi %mul3A_327, %add3A_328 : i32
    %lt3A_330 = arith.constant 14 : i32
    %lt3A_331 = arith.cmpi slt, %arg1, %lt3A_330 : i32
    %convert_element_type3A_332 = arith.extui %lt3A_331 : i1 to i32
    %cond3A_333 = arith.constant 0 : i32
    %cond3A_334 = arith.cmpi ne, %convert_element_type3A_332, %cond3A_333 : i32
    scf.if %cond3A_334 {
      %mul3A_1258 = arith.constant 33280 : i32
      %mul3A_1259 = arith.muli %arg1, %mul3A_1258 : i32
      %add3A_1260 = arith.constant 0 : i32
      %add3A_1261 = arith.addi %add3A_1260, %mul3A_1259 : i32
      %multiple_of3A = tpu.assume_multiple %add3A_1261, 128 : i32
      %dma_start3A_1262 = tpu.memref_slice %arg20[%multiple_of3A] : memref<1000064xf32, #tpu.memory_space<vmem_shared>> -> memref<33280xf32, #tpu.memory_space<vmem_shared>>
      %dma_start3A_1263 = tpu.memref_slice %arg4[%add3A_329, %multiple_of3A] : memref<32x1000000xf32, #tpu.memory_space<hbm>> -> memref<1x33280xf32, #tpu.memory_space<hbm>>
      %dma_start3A_1264 = tpu.memref_squeeze %dma_start3A_1263 : memref<1x33280xf32, #tpu.memory_space<hbm>> -> memref<33280xf32, #tpu.memory_space<hbm>>
      tpu.enqueue_dma source(%dma_start3A_1264 : memref<33280xf32, #tpu.memory_space<hbm>>) target(%dma_start3A_1262 : memref<33280xf32, #tpu.memory_space<vmem_shared>>) target_semaphore(%arg23 : memref<!tpu.dma_semaphore, #tpu.memory_space<semaphore_mem>>)
    } else {
    }
    %eq3A_335 = arith.constant 14 : i32
    %eq3A_336 = arith.cmpi eq, %arg1, %eq3A_335 : i32
    %convert_element_type3A_337 = arith.extui %eq3A_336 : i1 to i32
    %cond3A_338 = arith.constant 0 : i32
    %cond3A_339 = arith.cmpi ne, %convert_element_type3A_337, %cond3A_338 : i32
    scf.if %cond3A_339 {
      %dma_start3A_1258 = arith.constant 465920 : i32
      %dma_start3A_1259 = tpu.memref_slice %arg20[%dma_start3A_1258] : memref<1000064xf32, #tpu.memory_space<vmem_shared>> -> memref<34048xf32, #tpu.memory_space<vmem_shared>>
      %dma_start3A_1260 = arith.constant 465920 : i32
      %dma_start3A_1261 = tpu.memref_slice %arg4[%add3A_329, %dma_start3A_1260] : memref<32x1000000xf32, #tpu.memory_space<hbm>> -> memref<1x34048xf32, #tpu.memory_space<hbm>>
      %dma_start3A_1262 = tpu.memref_squeeze %dma_start3A_1261 : memref<1x34048xf32, #tpu.memory_space<hbm>> -> memref<34048xf32, #tpu.memory_space<hbm>>
      tpu.enqueue_dma source(%dma_start3A_1262 : memref<34048xf32, #tpu.memory_space<hbm>>) target(%dma_start3A_1259 : memref<34048xf32, #tpu.memory_space<vmem_shared>>) target_semaphore(%arg23 : memref<!tpu.dma_semaphore, #tpu.memory_space<semaphore_mem>>)
    } else {
    }
    %mul3A_340 = arith.constant 16 : i32
    %mul3A_341 = arith.muli %arg0, %mul3A_340 : i32
    %add3A_342 = arith.constant 4 : i32
    %add3A_343 = arith.addi %mul3A_341, %add3A_342 : i32
    %lt3A_344 = arith.constant 14 : i32
    %lt3A_345 = arith.cmpi slt, %arg1, %lt3A_344 : i32
    %convert_element_type3A_346 = arith.extui %lt3A_345 : i1 to i32
    %cond3A_347 = arith.constant 0 : i32
    %cond3A_348 = arith.cmpi ne, %convert_element_type3A_346, %cond3A_347 : i32
    scf.if %cond3A_348 {
      %mul3A_1258 = arith.constant 33280 : i32
      %mul3A_1259 = arith.muli %arg1, %mul3A_1258 : i32
      %add3A_1260 = arith.constant 499968 : i32
      %add3A_1261 = arith.addi %add3A_1260, %mul3A_1259 : i32
      %multiple_of3A = tpu.assume_multiple %add3A_1261, 128 : i32
      %dma_start3A_1262 = tpu.memref_slice %arg20[%multiple_of3A] : memref<1000064xf32, #tpu.memory_space<vmem_shared>> -> memref<33280xf32, #tpu.memory_space<vmem_shared>>
      %dma_start3A_1263 = tpu.memref_slice %arg4[%add3A_343, %multiple_of3A] : memref<32x1000000xf32, #tpu.memory_space<hbm>> -> memref<1x33280xf32, #tpu.memory_space<hbm>>
      %dma_start3A_1264 = tpu.memref_squeeze %dma_start3A_1263 : memref<1x33280xf32, #tpu.memory_space<hbm>> -> memref<33280xf32, #tpu.memory_space<hbm>>
      tpu.enqueue_dma source(%dma_start3A_1264 : memref<33280xf32, #tpu.memory_space<hbm>>) target(%dma_start3A_1262 : memref<33280xf32, #tpu.memory_space<vmem_shared>>) target_semaphore(%arg23 : memref<!tpu.dma_semaphore, #tpu.memory_space<semaphore_mem>>)
    } else {
    }
    %eq3A_349 = arith.constant 14 : i32
    %eq3A_350 = arith.cmpi eq, %arg1, %eq3A_349 : i32
    %convert_element_type3A_351 = arith.extui %eq3A_350 : i1 to i32
    %cond3A_352 = arith.constant 0 : i32
    %cond3A_353 = arith.cmpi ne, %convert_element_type3A_351, %cond3A_352 : i32
    scf.if %cond3A_353 {
      %dma_start3A_1258 = arith.constant 965888 : i32
      %dma_start3A_1259 = tpu.memref_slice %arg20[%dma_start3A_1258] : memref<1000064xf32, #tpu.memory_space<vmem_shared>> -> memref<34048xf32, #tpu.memory_space<vmem_shared>>
      %dma_start3A_1260 = arith.constant 965888 : i32
      %dma_start3A_1261 = tpu.memref_slice %arg4[%add3A_343, %dma_start3A_1260] : memref<32x1000000xf32, #tpu.memory_space<hbm>> -> memref<1x34048xf32, #tpu.memory_space<hbm>>
      %dma_start3A_1262 = tpu.memref_squeeze %dma_start3A_1261 : memref<1x34048xf32, #tpu.memory_space<hbm>> -> memref<34048xf32, #tpu.memory_space<hbm>>
      tpu.enqueue_dma source(%dma_start3A_1262 : memref<34048xf32, #tpu.memory_space<hbm>>) target(%dma_start3A_1259 : memref<34048xf32, #tpu.memory_space<vmem_shared>>) target_semaphore(%arg23 : memref<!tpu.dma_semaphore, #tpu.memory_space<semaphore_mem>>)
    } else {
    }
    %dma_start3A_354 = arith.constant 0 : i32
    %dma_start3A_355 = tpu.memref_slice %arg21[%dma_start3A_354] : memref<100000xf32, #tpu.memory_space<vmem_shared>> -> memref<100000xf32, #tpu.memory_space<vmem_shared>>
    tpu.enqueue_indirect_dma source(%dma_start3A_355 : memref<100000xf32, #tpu.memory_space<vmem_shared>>) target(%arg13 : memref<1024xf32, #tpu.memory_space<vmem>>) offsets(%arg9 : memref<1024xi32, #tpu.memory_space<vmem>>) semaphore(%arg25 : memref<!tpu.dma_semaphore, #tpu.memory_space<semaphore_mem>>)
    %eq3A_356 = arith.constant 0 : i32
    %eq3A_357 = arith.cmpi eq, %scan3A_11, %eq3A_356 : i32
    %convert_element_type3A_358 = arith.extui %eq3A_357 : i1 to i32
    %cond3A_359 = arith.constant 0 : i32
    %cond3A_360 = arith.cmpi ne, %convert_element_type3A_358, %cond3A_359 : i32
    scf.if %cond3A_360 {
      %scan3A_1258 = arith.constant 0 : i32
      %scan3A_1259 = arith.constant 0 : i32
      %scan3A_1260 = arith.constant 64 : i32
      %scan3A_1261 = arith.addi %scan3A_1259, %scan3A_1260 : i32
      %scan3A_1262 = arith.constant 1 : i32
      scf.for %scan3A_1264 = %scan3A_1259 to %scan3A_1261 step %scan3A_1262  : i32 {
        %mul3A_1265 = arith.constant 16 : i32
        %mul3A_1266 = arith.muli %scan3A_1264, %mul3A_1265 : i32
        %get3A = arith.index_cast %mul3A_1266 : i32 to index
        %get3A_1267 = tpu.vector_load %arg15[%get3A] {strides = array<i32>} : memref<1024xf32, #tpu.memory_space<vmem>>, vector<16xf32>,
        %get3A_1268 = arith.index_cast %mul3A_1266 : i32 to index
        %get3A_1269 = tpu.vector_load %arg12[%get3A_1268] {strides = array<i32>} : memref<1024xf32, #tpu.memory_space<vmem>>, vector<16xf32>,
        %get3A_1270 = arith.index_cast %mul3A_1266 : i32 to index
        %get3A_1271 = tpu.vector_load %arg14[%get3A_1270] {strides = array<i32>} : memref<1024xf32, #tpu.memory_space<vmem>>, vector<16xf32>,
        %mul3A_1272 = arith.mulf %get3A_1269, %get3A_1271 : vector<16xf32>
        %add3A_1273 = arith.addf %get3A_1267, %mul3A_1272 : vector<16xf32>
        %swap3A = arith.index_cast %mul3A_1266 : i32 to index
        %swap3A_1274 = tpu.vector_load %arg15[%swap3A] {strides = array<i32>} : memref<1024xf32, #tpu.memory_space<vmem>>, vector<16xf32>,
        tpu.vector_store %arg15[%swap3A], %add3A_1273 {strides = array<i32>} : memref<1024xf32, #tpu.memory_space<vmem>>, vector<16xf32>,
      }
      %scan3A_1263 = arith.constant 64 : i32
    } else {
    }
    %eq3A_361 = arith.constant 1 : i32
    %eq3A_362 = arith.cmpi eq, %scan3A_11, %eq3A_361 : i32
    %convert_element_type3A_363 = arith.extui %eq3A_362 : i1 to i32
    %cond3A_364 = arith.constant 0 : i32
    %cond3A_365 = arith.cmpi ne, %convert_element_type3A_363, %cond3A_364 : i32
    scf.if %cond3A_365 {
      %scan3A_1258 = arith.constant 0 : i32
      %scan3A_1259 = arith.constant 0 : i32
      %scan3A_1260 = arith.constant 64 : i32
      %scan3A_1261 = arith.addi %scan3A_1259, %scan3A_1260 : i32
      %scan3A_1262 = arith.constant 1 : i32
      scf.for %scan3A_1264 = %scan3A_1259 to %scan3A_1261 step %scan3A_1262  : i32 {
        %mul3A_1265 = arith.constant 16 : i32
        %mul3A_1266 = arith.muli %scan3A_1264, %mul3A_1265 : i32
        %get3A = arith.index_cast %mul3A_1266 : i32 to index
        %get3A_1267 = tpu.vector_load %arg16[%get3A] {strides = array<i32>} : memref<1024xi32, #tpu.memory_space<vmem>>, vector<16xi32>,
        %add3A_1268 = arith.constant 3 : i32
        %add3A_1269 = vector.broadcast %add3A_1268 : i32 to vector<16xi32>
        %add3A_1270 = arith.addi %get3A_1267, %add3A_1269 : vector<16xi32>
        %gather3A = tpu.vector_load_idx %arg18[%add3A_1270] : memref<2048xf32, #tpu.memory_space<vmem>>[vector<16xi32>], vector<16xf32>,
        %get3A_1271 = arith.index_cast %mul3A_1266 : i32 to index
        %get3A_1272 = tpu.vector_load %arg12[%get3A_1271] {strides = array<i32>} : memref<1024xf32, #tpu.memory_space<vmem>>, vector<16xf32>,
        %get3A_1273 = arith.index_cast %mul3A_1266 : i32 to index
        %get3A_1274 = tpu.vector_load %arg17[%get3A_1273] {strides = array<i32>} : memref<1024xf32, #tpu.memory_space<vmem>>, vector<16xf32>,
        %mul3A_1275 = arith.mulf %gather3A, %get3A_1274 : vector<16xf32>
        %add3A_1276 = arith.addf %get3A_1272, %mul3A_1275 : vector<16xf32>
        %get3A_1277 = arith.index_cast %mul3A_1266 : i32 to index
        %get3A_1278 = tpu.vector_load %arg15[%get3A_1277] {strides = array<i32>} : memref<1024xf32, #tpu.memory_space<vmem>>, vector<16xf32>,
        %get3A_1279 = arith.index_cast %mul3A_1266 : i32 to index
        %get3A_1280 = tpu.vector_load %arg14[%get3A_1279] {strides = array<i32>} : memref<1024xf32, #tpu.memory_space<vmem>>, vector<16xf32>,
        %mul3A_1281 = arith.mulf %add3A_1276, %get3A_1280 : vector<16xf32>
        %add3A_1282 = arith.addf %get3A_1278, %mul3A_1281 : vector<16xf32>
        %swap3A = arith.index_cast %mul3A_1266 : i32 to index
        %swap3A_1283 = tpu.vector_load %arg15[%swap3A] {strides = array<i32>} : memref<1024xf32, #tpu.memory_space<vmem>>, vector<16xf32>,
        tpu.vector_store %arg15[%swap3A], %add3A_1282 {strides = array<i32>} : memref<1024xf32, #tpu.memory_space<vmem>>, vector<16xf32>,
      }
      %scan3A_1263 = arith.constant 64 : i32
    } else {
    }
    %dma_wait3A_366 = arith.constant 0 : i32
    %dma_wait3A_367 = tpu.memref_slice %arg21[%dma_wait3A_366] : memref<100000xf32, #tpu.memory_space<vmem_shared>> -> memref<100000xf32, #tpu.memory_space<vmem_shared>>
    tpu.wait_indirect_dma semaphore(%arg25 : memref<!tpu.dma_semaphore, #tpu.memory_space<semaphore_mem>>) src(%dma_wait3A_367 : memref<100000xf32, #tpu.memory_space<vmem_shared>>) dst(%arg13 : memref<1024xf32, #tpu.memory_space<vmem>>)
    %lt3A_368 = arith.constant 14 : i32
    %lt3A_369 = arith.cmpi slt, %arg1, %lt3A_368 : i32
    %convert_element_type3A_370 = arith.extui %lt3A_369 : i1 to i32
    %cond3A_371 = arith.constant 0 : i32
    %cond3A_372 = arith.cmpi ne, %convert_element_type3A_370, %cond3A_371 : i32
    scf.if %cond3A_372 {
      %dma_wait3A_1258 = arith.constant 0 : i32
      %dma_wait3A_1259 = arith.constant 0 : i32
      %dma_wait3A_1260 = tpu.memref_slice %arg20[%dma_wait3A_1259] : memref<1000064xf32, #tpu.memory_space<vmem_shared>> -> memref<33280xf32, #tpu.memory_space<vmem_shared>>
      %dma_wait3A_1261 = arith.constant 0 : i32
      %dma_wait3A_1262 = tpu.memref_slice %arg4[%dma_wait3A_1258, %dma_wait3A_1261] : memref<32x1000000xf32, #tpu.memory_space<hbm>> -> memref<1x33280xf32, #tpu.memory_space<hbm>>
      %dma_wait3A_1263 = tpu.memref_squeeze %dma_wait3A_1262 : memref<1x33280xf32, #tpu.memory_space<hbm>> -> memref<33280xf32, #tpu.memory_space<hbm>>
      tpu.wait_dma2 semaphore(%arg23 : memref<!tpu.dma_semaphore, #tpu.memory_space<semaphore_mem>>) src(%dma_wait3A_1263 : memref<33280xf32, #tpu.memory_space<hbm>>) dst(%dma_wait3A_1260 : memref<33280xf32, #tpu.memory_space<vmem_shared>>)
    } else {
    }
    %eq3A_373 = arith.constant 14 : i32
    %eq3A_374 = arith.cmpi eq, %arg1, %eq3A_373 : i32
    %convert_element_type3A_375 = arith.extui %eq3A_374 : i1 to i32
    %cond3A_376 = arith.constant 0 : i32
    %cond3A_377 = arith.cmpi ne, %convert_element_type3A_375, %cond3A_376 : i32
    scf.if %cond3A_377 {
      %dma_wait3A_1258 = arith.constant 0 : i32
      %dma_wait3A_1259 = arith.constant 0 : i32
      %dma_wait3A_1260 = tpu.memref_slice %arg20[%dma_wait3A_1259] : memref<1000064xf32, #tpu.memory_space<vmem_shared>> -> memref<34048xf32, #tpu.memory_space<vmem_shared>>
      %dma_wait3A_1261 = arith.constant 0 : i32
      %dma_wait3A_1262 = tpu.memref_slice %arg4[%dma_wait3A_1258, %dma_wait3A_1261] : memref<32x1000000xf32, #tpu.memory_space<hbm>> -> memref<1x34048xf32, #tpu.memory_space<hbm>>
      %dma_wait3A_1263 = tpu.memref_squeeze %dma_wait3A_1262 : memref<1x34048xf32, #tpu.memory_space<hbm>> -> memref<34048xf32, #tpu.memory_space<hbm>>
      tpu.wait_dma2 semaphore(%arg23 : memref<!tpu.dma_semaphore, #tpu.memory_space<semaphore_mem>>) src(%dma_wait3A_1263 : memref<34048xf32, #tpu.memory_space<hbm>>) dst(%dma_wait3A_1260 : memref<34048xf32, #tpu.memory_space<vmem_shared>>)
    } else {
    }
    %lt3A_378 = arith.constant 14 : i32
    %lt3A_379 = arith.cmpi slt, %arg1, %lt3A_378 : i32
    %convert_element_type3A_380 = arith.extui %lt3A_379 : i1 to i32
    %cond3A_381 = arith.constant 0 : i32
    %cond3A_382 = arith.cmpi ne, %convert_element_type3A_380, %cond3A_381 : i32
    scf.if %cond3A_382 {
      %dma_wait3A_1258 = arith.constant 0 : i32
      %dma_wait3A_1259 = arith.constant 0 : i32
      %dma_wait3A_1260 = tpu.memref_slice %arg20[%dma_wait3A_1259] : memref<1000064xf32, #tpu.memory_space<vmem_shared>> -> memref<33280xf32, #tpu.memory_space<vmem_shared>>
      %dma_wait3A_1261 = arith.constant 0 : i32
      %dma_wait3A_1262 = tpu.memref_slice %arg4[%dma_wait3A_1258, %dma_wait3A_1261] : memref<32x1000000xf32, #tpu.memory_space<hbm>> -> memref<1x33280xf32, #tpu.memory_space<hbm>>
      %dma_wait3A_1263 = tpu.memref_squeeze %dma_wait3A_1262 : memref<1x33280xf32, #tpu.memory_space<hbm>> -> memref<33280xf32, #tpu.memory_space<hbm>>
      tpu.wait_dma2 semaphore(%arg23 : memref<!tpu.dma_semaphore, #tpu.memory_space<semaphore_mem>>) src(%dma_wait3A_1263 : memref<33280xf32, #tpu.memory_space<hbm>>) dst(%dma_wait3A_1260 : memref<33280xf32, #tpu.memory_space<vmem_shared>>)
    } else {
    }
    %eq3A_383 = arith.constant 14 : i32
    %eq3A_384 = arith.cmpi eq, %arg1, %eq3A_383 : i32
    %convert_element_type3A_385 = arith.extui %eq3A_384 : i1 to i32
    %cond3A_386 = arith.constant 0 : i32
    %cond3A_387 = arith.cmpi ne, %convert_element_type3A_385, %cond3A_386 : i32
    scf.if %cond3A_387 {
      %dma_wait3A_1258 = arith.constant 0 : i32
      %dma_wait3A_1259 = arith.constant 0 : i32
      %dma_wait3A_1260 = tpu.memref_slice %arg20[%dma_wait3A_1259] : memref<1000064xf32, #tpu.memory_space<vmem_shared>> -> memref<34048xf32, #tpu.memory_space<vmem_shared>>
      %dma_wait3A_1261 = arith.constant 0 : i32
      %dma_wait3A_1262 = tpu.memref_slice %arg4[%dma_wait3A_1258, %dma_wait3A_1261] : memref<32x1000000xf32, #tpu.memory_space<hbm>> -> memref<1x34048xf32, #tpu.memory_space<hbm>>
      %dma_wait3A_1263 = tpu.memref_squeeze %dma_wait3A_1262 : memref<1x34048xf32, #tpu.memory_space<hbm>> -> memref<34048xf32, #tpu.memory_space<hbm>>
      tpu.wait_dma2 semaphore(%arg23 : memref<!tpu.dma_semaphore, #tpu.memory_space<semaphore_mem>>) src(%dma_wait3A_1263 : memref<34048xf32, #tpu.memory_space<hbm>>) dst(%dma_wait3A_1260 : memref<34048xf32, #tpu.memory_space<vmem_shared>>)
    } else {
    }
    %barrier3A_388 = arith.constant 0 : index
    tpu.barrier barrier_id(%barrier3A_388)
    %dma_start3A_389 = arith.constant 0 : i32
    %dma_start3A_390 = tpu.memref_slice %arg20[%dma_start3A_389] : memref<1000064xf32, #tpu.memory_space<vmem_shared>> -> memref<1000064xf32, #tpu.memory_space<vmem_shared>>
    tpu.enqueue_indirect_dma source(%dma_start3A_390 : memref<1000064xf32, #tpu.memory_space<vmem_shared>>) target(%arg11 : memref<1024xf32, #tpu.memory_space<vmem>>) offsets(%arg10 : memref<1024xi32, #tpu.memory_space<vmem>>) semaphore(%arg25 : memref<!tpu.dma_semaphore, #tpu.memory_space<semaphore_mem>>)
    %dma_wait3A_391 = arith.constant 0 : i32
    %dma_wait3A_392 = tpu.memref_slice %arg20[%dma_wait3A_391] : memref<1000064xf32, #tpu.memory_space<vmem_shared>> -> memref<1000064xf32, #tpu.memory_space<vmem_shared>>
    tpu.wait_indirect_dma semaphore(%arg25 : memref<!tpu.dma_semaphore, #tpu.memory_space<semaphore_mem>>) src(%dma_wait3A_392 : memref<1000064xf32, #tpu.memory_space<vmem_shared>>) dst(%arg11 : memref<1024xf32, #tpu.memory_space<vmem>>)
    %eq3A_393 = arith.constant 15 : i32
    %eq3A_394 = arith.cmpi eq, %arg1, %eq3A_393 : i32
    %convert_element_type3A_395 = arith.extui %eq3A_394 : i1 to i32
    %cond3A_396 = arith.constant 0 : i32
    %cond3A_397 = arith.cmpi ne, %convert_element_type3A_395, %cond3A_396 : i32
    scf.if %cond3A_397 {
      %dma_wait3A_1258 = arith.constant 0 : i32
      %dma_wait3A_1259 = arith.constant 0 : i32
      %dma_wait3A_1260 = tpu.memref_slice %arg5[%dma_wait3A_1258, %dma_wait3A_1259] : memref<32x100000xf32, #tpu.memory_space<hbm>> -> memref<1x100000xf32, #tpu.memory_space<hbm>>
      %dma_wait3A_1261 = tpu.memref_squeeze %dma_wait3A_1260 : memref<1x100000xf32, #tpu.memory_space<hbm>> -> memref<100000xf32, #tpu.memory_space<hbm>>
      tpu.wait_dma2 semaphore(%arg24 : memref<!tpu.dma_semaphore, #tpu.memory_space<semaphore_mem>>) src(%dma_wait3A_1261 : memref<100000xf32, #tpu.memory_space<hbm>>) dst(%arg21 : memref<100000xf32, #tpu.memory_space<vmem_shared>>)
    } else {
    }
    %barrier3A_398 = arith.constant 0 : index
    tpu.barrier barrier_id(%barrier3A_398)
    %eq3A_399 = arith.constant 15 : i32
    %eq3A_400 = arith.cmpi eq, %arg1, %eq3A_399 : i32
    %convert_element_type3A_401 = arith.extui %eq3A_400 : i1 to i32
    %cond3A_402 = arith.constant 0 : i32
    %cond3A_403 = arith.cmpi ne, %convert_element_type3A_401, %cond3A_402 : i32
    scf.if %cond3A_403 {
      %mul3A_1258 = arith.constant 16 : i32
      %mul3A_1259 = arith.muli %arg0, %mul3A_1258 : i32
      %add3A_1260 = arith.constant 6 : i32
      %add3A_1261 = arith.addi %mul3A_1259, %add3A_1260 : i32
      %dma_start3A_1262 = arith.constant 0 : i32
      %dma_start3A_1263 = tpu.memref_slice %arg5[%add3A_1261, %dma_start3A_1262] : memref<32x100000xf32, #tpu.memory_space<hbm>> -> memref<1x100000xf32, #tpu.memory_space<hbm>>
      %dma_start3A_1264 = tpu.memref_squeeze %dma_start3A_1263 : memref<1x100000xf32, #tpu.memory_space<hbm>> -> memref<100000xf32, #tpu.memory_space<hbm>>
      tpu.enqueue_dma source(%dma_start3A_1264 : memref<100000xf32, #tpu.memory_space<hbm>>) target(%arg21 : memref<100000xf32, #tpu.memory_space<vmem_shared>>) target_semaphore(%arg24 : memref<!tpu.dma_semaphore, #tpu.memory_space<semaphore_mem>>)
    } else {
    }
    %mul3A_404 = arith.constant 16 : i32
    %mul3A_405 = arith.muli %arg0, %mul3A_404 : i32
    %add3A_406 = arith.constant 5 : i32
    %add3A_407 = arith.addi %mul3A_405, %add3A_406 : i32
    %lt3A_408 = arith.constant 14 : i32
    %lt3A_409 = arith.cmpi slt, %arg1, %lt3A_408 : i32
    %convert_element_type3A_410 = arith.extui %lt3A_409 : i1 to i32
    %cond3A_411 = arith.constant 0 : i32
    %cond3A_412 = arith.cmpi ne, %convert_element_type3A_410, %cond3A_411 : i32
    scf.if %cond3A_412 {
      %mul3A_1258 = arith.constant 33280 : i32
      %mul3A_1259 = arith.muli %arg1, %mul3A_1258 : i32
      %add3A_1260 = arith.constant 0 : i32
      %add3A_1261 = arith.addi %add3A_1260, %mul3A_1259 : i32
      %multiple_of3A = tpu.assume_multiple %add3A_1261, 128 : i32
      %dma_start3A_1262 = tpu.memref_slice %arg20[%multiple_of3A] : memref<1000064xf32, #tpu.memory_space<vmem_shared>> -> memref<33280xf32, #tpu.memory_space<vmem_shared>>
      %dma_start3A_1263 = tpu.memref_slice %arg4[%add3A_407, %multiple_of3A] : memref<32x1000000xf32, #tpu.memory_space<hbm>> -> memref<1x33280xf32, #tpu.memory_space<hbm>>
      %dma_start3A_1264 = tpu.memref_squeeze %dma_start3A_1263 : memref<1x33280xf32, #tpu.memory_space<hbm>> -> memref<33280xf32, #tpu.memory_space<hbm>>
      tpu.enqueue_dma source(%dma_start3A_1264 : memref<33280xf32, #tpu.memory_space<hbm>>) target(%dma_start3A_1262 : memref<33280xf32, #tpu.memory_space<vmem_shared>>) target_semaphore(%arg23 : memref<!tpu.dma_semaphore, #tpu.memory_space<semaphore_mem>>)
    } else {
    }
    %eq3A_413 = arith.constant 14 : i32
    %eq3A_414 = arith.cmpi eq, %arg1, %eq3A_413 : i32
    %convert_element_type3A_415 = arith.extui %eq3A_414 : i1 to i32
    %cond3A_416 = arith.constant 0 : i32
    %cond3A_417 = arith.cmpi ne, %convert_element_type3A_415, %cond3A_416 : i32
    scf.if %cond3A_417 {
      %dma_start3A_1258 = arith.constant 465920 : i32
      %dma_start3A_1259 = tpu.memref_slice %arg20[%dma_start3A_1258] : memref<1000064xf32, #tpu.memory_space<vmem_shared>> -> memref<34048xf32, #tpu.memory_space<vmem_shared>>
      %dma_start3A_1260 = arith.constant 465920 : i32
      %dma_start3A_1261 = tpu.memref_slice %arg4[%add3A_407, %dma_start3A_1260] : memref<32x1000000xf32, #tpu.memory_space<hbm>> -> memref<1x34048xf32, #tpu.memory_space<hbm>>
      %dma_start3A_1262 = tpu.memref_squeeze %dma_start3A_1261 : memref<1x34048xf32, #tpu.memory_space<hbm>> -> memref<34048xf32, #tpu.memory_space<hbm>>
      tpu.enqueue_dma source(%dma_start3A_1262 : memref<34048xf32, #tpu.memory_space<hbm>>) target(%dma_start3A_1259 : memref<34048xf32, #tpu.memory_space<vmem_shared>>) target_semaphore(%arg23 : memref<!tpu.dma_semaphore, #tpu.memory_space<semaphore_mem>>)
    } else {
    }
    %mul3A_418 = arith.constant 16 : i32
    %mul3A_419 = arith.muli %arg0, %mul3A_418 : i32
    %add3A_420 = arith.constant 5 : i32
    %add3A_421 = arith.addi %mul3A_419, %add3A_420 : i32
    %lt3A_422 = arith.constant 14 : i32
    %lt3A_423 = arith.cmpi slt, %arg1, %lt3A_422 : i32
    %convert_element_type3A_424 = arith.extui %lt3A_423 : i1 to i32
    %cond3A_425 = arith.constant 0 : i32
    %cond3A_426 = arith.cmpi ne, %convert_element_type3A_424, %cond3A_425 : i32
    scf.if %cond3A_426 {
      %mul3A_1258 = arith.constant 33280 : i32
      %mul3A_1259 = arith.muli %arg1, %mul3A_1258 : i32
      %add3A_1260 = arith.constant 499968 : i32
      %add3A_1261 = arith.addi %add3A_1260, %mul3A_1259 : i32
      %multiple_of3A = tpu.assume_multiple %add3A_1261, 128 : i32
      %dma_start3A_1262 = tpu.memref_slice %arg20[%multiple_of3A] : memref<1000064xf32, #tpu.memory_space<vmem_shared>> -> memref<33280xf32, #tpu.memory_space<vmem_shared>>
      %dma_start3A_1263 = tpu.memref_slice %arg4[%add3A_421, %multiple_of3A] : memref<32x1000000xf32, #tpu.memory_space<hbm>> -> memref<1x33280xf32, #tpu.memory_space<hbm>>
      %dma_start3A_1264 = tpu.memref_squeeze %dma_start3A_1263 : memref<1x33280xf32, #tpu.memory_space<hbm>> -> memref<33280xf32, #tpu.memory_space<hbm>>
      tpu.enqueue_dma source(%dma_start3A_1264 : memref<33280xf32, #tpu.memory_space<hbm>>) target(%dma_start3A_1262 : memref<33280xf32, #tpu.memory_space<vmem_shared>>) target_semaphore(%arg23 : memref<!tpu.dma_semaphore, #tpu.memory_space<semaphore_mem>>)
    } else {
    }
    %eq3A_427 = arith.constant 14 : i32
    %eq3A_428 = arith.cmpi eq, %arg1, %eq3A_427 : i32
    %convert_element_type3A_429 = arith.extui %eq3A_428 : i1 to i32
    %cond3A_430 = arith.constant 0 : i32
    %cond3A_431 = arith.cmpi ne, %convert_element_type3A_429, %cond3A_430 : i32
    scf.if %cond3A_431 {
      %dma_start3A_1258 = arith.constant 965888 : i32
      %dma_start3A_1259 = tpu.memref_slice %arg20[%dma_start3A_1258] : memref<1000064xf32, #tpu.memory_space<vmem_shared>> -> memref<34048xf32, #tpu.memory_space<vmem_shared>>
      %dma_start3A_1260 = arith.constant 965888 : i32
      %dma_start3A_1261 = tpu.memref_slice %arg4[%add3A_421, %dma_start3A_1260] : memref<32x1000000xf32, #tpu.memory_space<hbm>> -> memref<1x34048xf32, #tpu.memory_space<hbm>>
      %dma_start3A_1262 = tpu.memref_squeeze %dma_start3A_1261 : memref<1x34048xf32, #tpu.memory_space<hbm>> -> memref<34048xf32, #tpu.memory_space<hbm>>
      tpu.enqueue_dma source(%dma_start3A_1262 : memref<34048xf32, #tpu.memory_space<hbm>>) target(%dma_start3A_1259 : memref<34048xf32, #tpu.memory_space<vmem_shared>>) target_semaphore(%arg23 : memref<!tpu.dma_semaphore, #tpu.memory_space<semaphore_mem>>)
    } else {
    }
    %dma_start3A_432 = arith.constant 0 : i32
    %dma_start3A_433 = tpu.memref_slice %arg22[%dma_start3A_432] : memref<100000xf32, #tpu.memory_space<vmem_shared>> -> memref<100000xf32, #tpu.memory_space<vmem_shared>>
    tpu.enqueue_indirect_dma source(%dma_start3A_433 : memref<100000xf32, #tpu.memory_space<vmem_shared>>) target(%arg14 : memref<1024xf32, #tpu.memory_space<vmem>>) offsets(%arg9 : memref<1024xi32, #tpu.memory_space<vmem>>) semaphore(%arg25 : memref<!tpu.dma_semaphore, #tpu.memory_space<semaphore_mem>>)
    %eq3A_434 = arith.constant 0 : i32
    %eq3A_435 = arith.cmpi eq, %scan3A_11, %eq3A_434 : i32
    %convert_element_type3A_436 = arith.extui %eq3A_435 : i1 to i32
    %cond3A_437 = arith.constant 0 : i32
    %cond3A_438 = arith.cmpi ne, %convert_element_type3A_436, %cond3A_437 : i32
    scf.if %cond3A_438 {
      %scan3A_1258 = arith.constant 0 : i32
      %scan3A_1259 = arith.constant 0 : i32
      %scan3A_1260 = arith.constant 64 : i32
      %scan3A_1261 = arith.addi %scan3A_1259, %scan3A_1260 : i32
      %scan3A_1262 = arith.constant 1 : i32
      scf.for %scan3A_1264 = %scan3A_1259 to %scan3A_1261 step %scan3A_1262  : i32 {
        %mul3A_1265 = arith.constant 16 : i32
        %mul3A_1266 = arith.muli %scan3A_1264, %mul3A_1265 : i32
        %get3A = arith.index_cast %mul3A_1266 : i32 to index
        %get3A_1267 = tpu.vector_load %arg15[%get3A] {strides = array<i32>} : memref<1024xf32, #tpu.memory_space<vmem>>, vector<16xf32>,
        %get3A_1268 = arith.index_cast %mul3A_1266 : i32 to index
        %get3A_1269 = tpu.vector_load %arg11[%get3A_1268] {strides = array<i32>} : memref<1024xf32, #tpu.memory_space<vmem>>, vector<16xf32>,
        %get3A_1270 = arith.index_cast %mul3A_1266 : i32 to index
        %get3A_1271 = tpu.vector_load %arg13[%get3A_1270] {strides = array<i32>} : memref<1024xf32, #tpu.memory_space<vmem>>, vector<16xf32>,
        %mul3A_1272 = arith.mulf %get3A_1269, %get3A_1271 : vector<16xf32>
        %add3A_1273 = arith.addf %get3A_1267, %mul3A_1272 : vector<16xf32>
        %swap3A = arith.index_cast %mul3A_1266 : i32 to index
        %swap3A_1274 = tpu.vector_load %arg15[%swap3A] {strides = array<i32>} : memref<1024xf32, #tpu.memory_space<vmem>>, vector<16xf32>,
        tpu.vector_store %arg15[%swap3A], %add3A_1273 {strides = array<i32>} : memref<1024xf32, #tpu.memory_space<vmem>>, vector<16xf32>,
      }
      %scan3A_1263 = arith.constant 64 : i32
    } else {
    }
    %eq3A_439 = arith.constant 1 : i32
    %eq3A_440 = arith.cmpi eq, %scan3A_11, %eq3A_439 : i32
    %convert_element_type3A_441 = arith.extui %eq3A_440 : i1 to i32
    %cond3A_442 = arith.constant 0 : i32
    %cond3A_443 = arith.cmpi ne, %convert_element_type3A_441, %cond3A_442 : i32
    scf.if %cond3A_443 {
      %scan3A_1258 = arith.constant 0 : i32
      %scan3A_1259 = arith.constant 0 : i32
      %scan3A_1260 = arith.constant 64 : i32
      %scan3A_1261 = arith.addi %scan3A_1259, %scan3A_1260 : i32
      %scan3A_1262 = arith.constant 1 : i32
      scf.for %scan3A_1264 = %scan3A_1259 to %scan3A_1261 step %scan3A_1262  : i32 {
        %mul3A_1265 = arith.constant 16 : i32
        %mul3A_1266 = arith.muli %scan3A_1264, %mul3A_1265 : i32
        %get3A = arith.index_cast %mul3A_1266 : i32 to index
        %get3A_1267 = tpu.vector_load %arg16[%get3A] {strides = array<i32>} : memref<1024xi32, #tpu.memory_space<vmem>>, vector<16xi32>,
        %add3A_1268 = arith.constant 4 : i32
        %add3A_1269 = vector.broadcast %add3A_1268 : i32 to vector<16xi32>
        %add3A_1270 = arith.addi %get3A_1267, %add3A_1269 : vector<16xi32>
        %gather3A = tpu.vector_load_idx %arg18[%add3A_1270] : memref<2048xf32, #tpu.memory_space<vmem>>[vector<16xi32>], vector<16xf32>,
        %get3A_1271 = arith.index_cast %mul3A_1266 : i32 to index
        %get3A_1272 = tpu.vector_load %arg11[%get3A_1271] {strides = array<i32>} : memref<1024xf32, #tpu.memory_space<vmem>>, vector<16xf32>,
        %get3A_1273 = arith.index_cast %mul3A_1266 : i32 to index
        %get3A_1274 = tpu.vector_load %arg17[%get3A_1273] {strides = array<i32>} : memref<1024xf32, #tpu.memory_space<vmem>>, vector<16xf32>,
        %mul3A_1275 = arith.mulf %gather3A, %get3A_1274 : vector<16xf32>
        %add3A_1276 = arith.addf %get3A_1272, %mul3A_1275 : vector<16xf32>
        %get3A_1277 = arith.index_cast %mul3A_1266 : i32 to index
        %get3A_1278 = tpu.vector_load %arg15[%get3A_1277] {strides = array<i32>} : memref<1024xf32, #tpu.memory_space<vmem>>, vector<16xf32>,
        %get3A_1279 = arith.index_cast %mul3A_1266 : i32 to index
        %get3A_1280 = tpu.vector_load %arg13[%get3A_1279] {strides = array<i32>} : memref<1024xf32, #tpu.memory_space<vmem>>, vector<16xf32>,
        %mul3A_1281 = arith.mulf %add3A_1276, %get3A_1280 : vector<16xf32>
        %add3A_1282 = arith.addf %get3A_1278, %mul3A_1281 : vector<16xf32>
        %swap3A = arith.index_cast %mul3A_1266 : i32 to index
        %swap3A_1283 = tpu.vector_load %arg15[%swap3A] {strides = array<i32>} : memref<1024xf32, #tpu.memory_space<vmem>>, vector<16xf32>,
        tpu.vector_store %arg15[%swap3A], %add3A_1282 {strides = array<i32>} : memref<1024xf32, #tpu.memory_space<vmem>>, vector<16xf32>,
      }
      %scan3A_1263 = arith.constant 64 : i32
    } else {
    }
    %dma_wait3A_444 = arith.constant 0 : i32
    %dma_wait3A_445 = tpu.memref_slice %arg22[%dma_wait3A_444] : memref<100000xf32, #tpu.memory_space<vmem_shared>> -> memref<100000xf32, #tpu.memory_space<vmem_shared>>
    tpu.wait_indirect_dma semaphore(%arg25 : memref<!tpu.dma_semaphore, #tpu.memory_space<semaphore_mem>>) src(%dma_wait3A_445 : memref<100000xf32, #tpu.memory_space<vmem_shared>>) dst(%arg14 : memref<1024xf32, #tpu.memory_space<vmem>>)
    %lt3A_446 = arith.constant 14 : i32
    %lt3A_447 = arith.cmpi slt, %arg1, %lt3A_446 : i32
    %convert_element_type3A_448 = arith.extui %lt3A_447 : i1 to i32
    %cond3A_449 = arith.constant 0 : i32
    %cond3A_450 = arith.cmpi ne, %convert_element_type3A_448, %cond3A_449 : i32
    scf.if %cond3A_450 {
      %dma_wait3A_1258 = arith.constant 0 : i32
      %dma_wait3A_1259 = arith.constant 0 : i32
      %dma_wait3A_1260 = tpu.memref_slice %arg20[%dma_wait3A_1259] : memref<1000064xf32, #tpu.memory_space<vmem_shared>> -> memref<33280xf32, #tpu.memory_space<vmem_shared>>
      %dma_wait3A_1261 = arith.constant 0 : i32
      %dma_wait3A_1262 = tpu.memref_slice %arg4[%dma_wait3A_1258, %dma_wait3A_1261] : memref<32x1000000xf32, #tpu.memory_space<hbm>> -> memref<1x33280xf32, #tpu.memory_space<hbm>>
      %dma_wait3A_1263 = tpu.memref_squeeze %dma_wait3A_1262 : memref<1x33280xf32, #tpu.memory_space<hbm>> -> memref<33280xf32, #tpu.memory_space<hbm>>
      tpu.wait_dma2 semaphore(%arg23 : memref<!tpu.dma_semaphore, #tpu.memory_space<semaphore_mem>>) src(%dma_wait3A_1263 : memref<33280xf32, #tpu.memory_space<hbm>>) dst(%dma_wait3A_1260 : memref<33280xf32, #tpu.memory_space<vmem_shared>>)
    } else {
    }
    %eq3A_451 = arith.constant 14 : i32
    %eq3A_452 = arith.cmpi eq, %arg1, %eq3A_451 : i32
    %convert_element_type3A_453 = arith.extui %eq3A_452 : i1 to i32
    %cond3A_454 = arith.constant 0 : i32
    %cond3A_455 = arith.cmpi ne, %convert_element_type3A_453, %cond3A_454 : i32
    scf.if %cond3A_455 {
      %dma_wait3A_1258 = arith.constant 0 : i32
      %dma_wait3A_1259 = arith.constant 0 : i32
      %dma_wait3A_1260 = tpu.memref_slice %arg20[%dma_wait3A_1259] : memref<1000064xf32, #tpu.memory_space<vmem_shared>> -> memref<34048xf32, #tpu.memory_space<vmem_shared>>
      %dma_wait3A_1261 = arith.constant 0 : i32
      %dma_wait3A_1262 = tpu.memref_slice %arg4[%dma_wait3A_1258, %dma_wait3A_1261] : memref<32x1000000xf32, #tpu.memory_space<hbm>> -> memref<1x34048xf32, #tpu.memory_space<hbm>>
      %dma_wait3A_1263 = tpu.memref_squeeze %dma_wait3A_1262 : memref<1x34048xf32, #tpu.memory_space<hbm>> -> memref<34048xf32, #tpu.memory_space<hbm>>
      tpu.wait_dma2 semaphore(%arg23 : memref<!tpu.dma_semaphore, #tpu.memory_space<semaphore_mem>>) src(%dma_wait3A_1263 : memref<34048xf32, #tpu.memory_space<hbm>>) dst(%dma_wait3A_1260 : memref<34048xf32, #tpu.memory_space<vmem_shared>>)
    } else {
    }
    %lt3A_456 = arith.constant 14 : i32
    %lt3A_457 = arith.cmpi slt, %arg1, %lt3A_456 : i32
    %convert_element_type3A_458 = arith.extui %lt3A_457 : i1 to i32
    %cond3A_459 = arith.constant 0 : i32
    %cond3A_460 = arith.cmpi ne, %convert_element_type3A_458, %cond3A_459 : i32
    scf.if %cond3A_460 {
      %dma_wait3A_1258 = arith.constant 0 : i32
      %dma_wait3A_1259 = arith.constant 0 : i32
      %dma_wait3A_1260 = tpu.memref_slice %arg20[%dma_wait3A_1259] : memref<1000064xf32, #tpu.memory_space<vmem_shared>> -> memref<33280xf32, #tpu.memory_space<vmem_shared>>
      %dma_wait3A_1261 = arith.constant 0 : i32
      %dma_wait3A_1262 = tpu.memref_slice %arg4[%dma_wait3A_1258, %dma_wait3A_1261] : memref<32x1000000xf32, #tpu.memory_space<hbm>> -> memref<1x33280xf32, #tpu.memory_space<hbm>>
      %dma_wait3A_1263 = tpu.memref_squeeze %dma_wait3A_1262 : memref<1x33280xf32, #tpu.memory_space<hbm>> -> memref<33280xf32, #tpu.memory_space<hbm>>
      tpu.wait_dma2 semaphore(%arg23 : memref<!tpu.dma_semaphore, #tpu.memory_space<semaphore_mem>>) src(%dma_wait3A_1263 : memref<33280xf32, #tpu.memory_space<hbm>>) dst(%dma_wait3A_1260 : memref<33280xf32, #tpu.memory_space<vmem_shared>>)
    } else {
    }
    %eq3A_461 = arith.constant 14 : i32
    %eq3A_462 = arith.cmpi eq, %arg1, %eq3A_461 : i32
    %convert_element_type3A_463 = arith.extui %eq3A_462 : i1 to i32
    %cond3A_464 = arith.constant 0 : i32
    %cond3A_465 = arith.cmpi ne, %convert_element_type3A_463, %cond3A_464 : i32
    scf.if %cond3A_465 {
      %dma_wait3A_1258 = arith.constant 0 : i32
      %dma_wait3A_1259 = arith.constant 0 : i32
      %dma_wait3A_1260 = tpu.memref_slice %arg20[%dma_wait3A_1259] : memref<1000064xf32, #tpu.memory_space<vmem_shared>> -> memref<34048xf32, #tpu.memory_space<vmem_shared>>
      %dma_wait3A_1261 = arith.constant 0 : i32
      %dma_wait3A_1262 = tpu.memref_slice %arg4[%dma_wait3A_1258, %dma_wait3A_1261] : memref<32x1000000xf32, #tpu.memory_space<hbm>> -> memref<1x34048xf32, #tpu.memory_space<hbm>>
      %dma_wait3A_1263 = tpu.memref_squeeze %dma_wait3A_1262 : memref<1x34048xf32, #tpu.memory_space<hbm>> -> memref<34048xf32, #tpu.memory_space<hbm>>
      tpu.wait_dma2 semaphore(%arg23 : memref<!tpu.dma_semaphore, #tpu.memory_space<semaphore_mem>>) src(%dma_wait3A_1263 : memref<34048xf32, #tpu.memory_space<hbm>>) dst(%dma_wait3A_1260 : memref<34048xf32, #tpu.memory_space<vmem_shared>>)
    } else {
    }
    %barrier3A_466 = arith.constant 0 : index
    tpu.barrier barrier_id(%barrier3A_466)
    %dma_start3A_467 = arith.constant 0 : i32
    %dma_start3A_468 = tpu.memref_slice %arg20[%dma_start3A_467] : memref<1000064xf32, #tpu.memory_space<vmem_shared>> -> memref<1000064xf32, #tpu.memory_space<vmem_shared>>
    tpu.enqueue_indirect_dma source(%dma_start3A_468 : memref<1000064xf32, #tpu.memory_space<vmem_shared>>) target(%arg12 : memref<1024xf32, #tpu.memory_space<vmem>>) offsets(%arg10 : memref<1024xi32, #tpu.memory_space<vmem>>) semaphore(%arg25 : memref<!tpu.dma_semaphore, #tpu.memory_space<semaphore_mem>>)
    %dma_wait3A_469 = arith.constant 0 : i32
    %dma_wait3A_470 = tpu.memref_slice %arg20[%dma_wait3A_469] : memref<1000064xf32, #tpu.memory_space<vmem_shared>> -> memref<1000064xf32, #tpu.memory_space<vmem_shared>>
    tpu.wait_indirect_dma semaphore(%arg25 : memref<!tpu.dma_semaphore, #tpu.memory_space<semaphore_mem>>) src(%dma_wait3A_470 : memref<1000064xf32, #tpu.memory_space<vmem_shared>>) dst(%arg12 : memref<1024xf32, #tpu.memory_space<vmem>>)
    %eq3A_471 = arith.constant 15 : i32
    %eq3A_472 = arith.cmpi eq, %arg1, %eq3A_471 : i32
    %convert_element_type3A_473 = arith.extui %eq3A_472 : i1 to i32
    %cond3A_474 = arith.constant 0 : i32
    %cond3A_475 = arith.cmpi ne, %convert_element_type3A_473, %cond3A_474 : i32
    scf.if %cond3A_475 {
      %dma_wait3A_1258 = arith.constant 0 : i32
      %dma_wait3A_1259 = arith.constant 0 : i32
      %dma_wait3A_1260 = tpu.memref_slice %arg5[%dma_wait3A_1258, %dma_wait3A_1259] : memref<32x100000xf32, #tpu.memory_space<hbm>> -> memref<1x100000xf32, #tpu.memory_space<hbm>>
      %dma_wait3A_1261 = tpu.memref_squeeze %dma_wait3A_1260 : memref<1x100000xf32, #tpu.memory_space<hbm>> -> memref<100000xf32, #tpu.memory_space<hbm>>
      tpu.wait_dma2 semaphore(%arg24 : memref<!tpu.dma_semaphore, #tpu.memory_space<semaphore_mem>>) src(%dma_wait3A_1261 : memref<100000xf32, #tpu.memory_space<hbm>>) dst(%arg21 : memref<100000xf32, #tpu.memory_space<vmem_shared>>)
    } else {
    }
    %barrier3A_476 = arith.constant 0 : index
    tpu.barrier barrier_id(%barrier3A_476)
    %eq3A_477 = arith.constant 15 : i32
    %eq3A_478 = arith.cmpi eq, %arg1, %eq3A_477 : i32
    %convert_element_type3A_479 = arith.extui %eq3A_478 : i1 to i32
    %cond3A_480 = arith.constant 0 : i32
    %cond3A_481 = arith.cmpi ne, %convert_element_type3A_479, %cond3A_480 : i32
    scf.if %cond3A_481 {
      %mul3A_1258 = arith.constant 16 : i32
      %mul3A_1259 = arith.muli %arg0, %mul3A_1258 : i32
      %add3A_1260 = arith.constant 7 : i32
      %add3A_1261 = arith.addi %mul3A_1259, %add3A_1260 : i32
      %dma_start3A_1262 = arith.constant 0 : i32
      %dma_start3A_1263 = tpu.memref_slice %arg5[%add3A_1261, %dma_start3A_1262] : memref<32x100000xf32, #tpu.memory_space<hbm>> -> memref<1x100000xf32, #tpu.memory_space<hbm>>
      %dma_start3A_1264 = tpu.memref_squeeze %dma_start3A_1263 : memref<1x100000xf32, #tpu.memory_space<hbm>> -> memref<100000xf32, #tpu.memory_space<hbm>>
      tpu.enqueue_dma source(%dma_start3A_1264 : memref<100000xf32, #tpu.memory_space<hbm>>) target(%arg22 : memref<100000xf32, #tpu.memory_space<vmem_shared>>) target_semaphore(%arg24 : memref<!tpu.dma_semaphore, #tpu.memory_space<semaphore_mem>>)
    } else {
    }
    %mul3A_482 = arith.constant 16 : i32
    %mul3A_483 = arith.muli %arg0, %mul3A_482 : i32
    %add3A_484 = arith.constant 6 : i32
    %add3A_485 = arith.addi %mul3A_483, %add3A_484 : i32
    %lt3A_486 = arith.constant 14 : i32
    %lt3A_487 = arith.cmpi slt, %arg1, %lt3A_486 : i32
    %convert_element_type3A_488 = arith.extui %lt3A_487 : i1 to i32
    %cond3A_489 = arith.constant 0 : i32
    %cond3A_490 = arith.cmpi ne, %convert_element_type3A_488, %cond3A_489 : i32
    scf.if %cond3A_490 {
      %mul3A_1258 = arith.constant 33280 : i32
      %mul3A_1259 = arith.muli %arg1, %mul3A_1258 : i32
      %add3A_1260 = arith.constant 0 : i32
      %add3A_1261 = arith.addi %add3A_1260, %mul3A_1259 : i32
      %multiple_of3A = tpu.assume_multiple %add3A_1261, 128 : i32
      %dma_start3A_1262 = tpu.memref_slice %arg20[%multiple_of3A] : memref<1000064xf32, #tpu.memory_space<vmem_shared>> -> memref<33280xf32, #tpu.memory_space<vmem_shared>>
      %dma_start3A_1263 = tpu.memref_slice %arg4[%add3A_485, %multiple_of3A] : memref<32x1000000xf32, #tpu.memory_space<hbm>> -> memref<1x33280xf32, #tpu.memory_space<hbm>>
      %dma_start3A_1264 = tpu.memref_squeeze %dma_start3A_1263 : memref<1x33280xf32, #tpu.memory_space<hbm>> -> memref<33280xf32, #tpu.memory_space<hbm>>
      tpu.enqueue_dma source(%dma_start3A_1264 : memref<33280xf32, #tpu.memory_space<hbm>>) target(%dma_start3A_1262 : memref<33280xf32, #tpu.memory_space<vmem_shared>>) target_semaphore(%arg23 : memref<!tpu.dma_semaphore, #tpu.memory_space<semaphore_mem>>)
    } else {
    }
    %eq3A_491 = arith.constant 14 : i32
    %eq3A_492 = arith.cmpi eq, %arg1, %eq3A_491 : i32
    %convert_element_type3A_493 = arith.extui %eq3A_492 : i1 to i32
    %cond3A_494 = arith.constant 0 : i32
    %cond3A_495 = arith.cmpi ne, %convert_element_type3A_493, %cond3A_494 : i32
    scf.if %cond3A_495 {
      %dma_start3A_1258 = arith.constant 465920 : i32
      %dma_start3A_1259 = tpu.memref_slice %arg20[%dma_start3A_1258] : memref<1000064xf32, #tpu.memory_space<vmem_shared>> -> memref<34048xf32, #tpu.memory_space<vmem_shared>>
      %dma_start3A_1260 = arith.constant 465920 : i32
      %dma_start3A_1261 = tpu.memref_slice %arg4[%add3A_485, %dma_start3A_1260] : memref<32x1000000xf32, #tpu.memory_space<hbm>> -> memref<1x34048xf32, #tpu.memory_space<hbm>>
      %dma_start3A_1262 = tpu.memref_squeeze %dma_start3A_1261 : memref<1x34048xf32, #tpu.memory_space<hbm>> -> memref<34048xf32, #tpu.memory_space<hbm>>
      tpu.enqueue_dma source(%dma_start3A_1262 : memref<34048xf32, #tpu.memory_space<hbm>>) target(%dma_start3A_1259 : memref<34048xf32, #tpu.memory_space<vmem_shared>>) target_semaphore(%arg23 : memref<!tpu.dma_semaphore, #tpu.memory_space<semaphore_mem>>)
    } else {
    }
    %mul3A_496 = arith.constant 16 : i32
    %mul3A_497 = arith.muli %arg0, %mul3A_496 : i32
    %add3A_498 = arith.constant 6 : i32
    %add3A_499 = arith.addi %mul3A_497, %add3A_498 : i32
    %lt3A_500 = arith.constant 14 : i32
    %lt3A_501 = arith.cmpi slt, %arg1, %lt3A_500 : i32
    %convert_element_type3A_502 = arith.extui %lt3A_501 : i1 to i32
    %cond3A_503 = arith.constant 0 : i32
    %cond3A_504 = arith.cmpi ne, %convert_element_type3A_502, %cond3A_503 : i32
    scf.if %cond3A_504 {
      %mul3A_1258 = arith.constant 33280 : i32
      %mul3A_1259 = arith.muli %arg1, %mul3A_1258 : i32
      %add3A_1260 = arith.constant 499968 : i32
      %add3A_1261 = arith.addi %add3A_1260, %mul3A_1259 : i32
      %multiple_of3A = tpu.assume_multiple %add3A_1261, 128 : i32
      %dma_start3A_1262 = tpu.memref_slice %arg20[%multiple_of3A] : memref<1000064xf32, #tpu.memory_space<vmem_shared>> -> memref<33280xf32, #tpu.memory_space<vmem_shared>>
      %dma_start3A_1263 = tpu.memref_slice %arg4[%add3A_499, %multiple_of3A] : memref<32x1000000xf32, #tpu.memory_space<hbm>> -> memref<1x33280xf32, #tpu.memory_space<hbm>>
      %dma_start3A_1264 = tpu.memref_squeeze %dma_start3A_1263 : memref<1x33280xf32, #tpu.memory_space<hbm>> -> memref<33280xf32, #tpu.memory_space<hbm>>
      tpu.enqueue_dma source(%dma_start3A_1264 : memref<33280xf32, #tpu.memory_space<hbm>>) target(%dma_start3A_1262 : memref<33280xf32, #tpu.memory_space<vmem_shared>>) target_semaphore(%arg23 : memref<!tpu.dma_semaphore, #tpu.memory_space<semaphore_mem>>)
    } else {
    }
    %eq3A_505 = arith.constant 14 : i32
    %eq3A_506 = arith.cmpi eq, %arg1, %eq3A_505 : i32
    %convert_element_type3A_507 = arith.extui %eq3A_506 : i1 to i32
    %cond3A_508 = arith.constant 0 : i32
    %cond3A_509 = arith.cmpi ne, %convert_element_type3A_507, %cond3A_508 : i32
    scf.if %cond3A_509 {
      %dma_start3A_1258 = arith.constant 965888 : i32
      %dma_start3A_1259 = tpu.memref_slice %arg20[%dma_start3A_1258] : memref<1000064xf32, #tpu.memory_space<vmem_shared>> -> memref<34048xf32, #tpu.memory_space<vmem_shared>>
      %dma_start3A_1260 = arith.constant 965888 : i32
      %dma_start3A_1261 = tpu.memref_slice %arg4[%add3A_499, %dma_start3A_1260] : memref<32x1000000xf32, #tpu.memory_space<hbm>> -> memref<1x34048xf32, #tpu.memory_space<hbm>>
      %dma_start3A_1262 = tpu.memref_squeeze %dma_start3A_1261 : memref<1x34048xf32, #tpu.memory_space<hbm>> -> memref<34048xf32, #tpu.memory_space<hbm>>
      tpu.enqueue_dma source(%dma_start3A_1262 : memref<34048xf32, #tpu.memory_space<hbm>>) target(%dma_start3A_1259 : memref<34048xf32, #tpu.memory_space<vmem_shared>>) target_semaphore(%arg23 : memref<!tpu.dma_semaphore, #tpu.memory_space<semaphore_mem>>)
    } else {
    }
    %dma_start3A_510 = arith.constant 0 : i32
    %dma_start3A_511 = tpu.memref_slice %arg21[%dma_start3A_510] : memref<100000xf32, #tpu.memory_space<vmem_shared>> -> memref<100000xf32, #tpu.memory_space<vmem_shared>>
    tpu.enqueue_indirect_dma source(%dma_start3A_511 : memref<100000xf32, #tpu.memory_space<vmem_shared>>) target(%arg13 : memref<1024xf32, #tpu.memory_space<vmem>>) offsets(%arg9 : memref<1024xi32, #tpu.memory_space<vmem>>) semaphore(%arg25 : memref<!tpu.dma_semaphore, #tpu.memory_space<semaphore_mem>>)
    %eq3A_512 = arith.constant 0 : i32
    %eq3A_513 = arith.cmpi eq, %scan3A_11, %eq3A_512 : i32
    %convert_element_type3A_514 = arith.extui %eq3A_513 : i1 to i32
    %cond3A_515 = arith.constant 0 : i32
    %cond3A_516 = arith.cmpi ne, %convert_element_type3A_514, %cond3A_515 : i32
    scf.if %cond3A_516 {
      %scan3A_1258 = arith.constant 0 : i32
      %scan3A_1259 = arith.constant 0 : i32
      %scan3A_1260 = arith.constant 64 : i32
      %scan3A_1261 = arith.addi %scan3A_1259, %scan3A_1260 : i32
      %scan3A_1262 = arith.constant 1 : i32
      scf.for %scan3A_1264 = %scan3A_1259 to %scan3A_1261 step %scan3A_1262  : i32 {
        %mul3A_1265 = arith.constant 16 : i32
        %mul3A_1266 = arith.muli %scan3A_1264, %mul3A_1265 : i32
        %get3A = arith.index_cast %mul3A_1266 : i32 to index
        %get3A_1267 = tpu.vector_load %arg15[%get3A] {strides = array<i32>} : memref<1024xf32, #tpu.memory_space<vmem>>, vector<16xf32>,
        %get3A_1268 = arith.index_cast %mul3A_1266 : i32 to index
        %get3A_1269 = tpu.vector_load %arg12[%get3A_1268] {strides = array<i32>} : memref<1024xf32, #tpu.memory_space<vmem>>, vector<16xf32>,
        %get3A_1270 = arith.index_cast %mul3A_1266 : i32 to index
        %get3A_1271 = tpu.vector_load %arg14[%get3A_1270] {strides = array<i32>} : memref<1024xf32, #tpu.memory_space<vmem>>, vector<16xf32>,
        %mul3A_1272 = arith.mulf %get3A_1269, %get3A_1271 : vector<16xf32>
        %add3A_1273 = arith.addf %get3A_1267, %mul3A_1272 : vector<16xf32>
        %swap3A = arith.index_cast %mul3A_1266 : i32 to index
        %swap3A_1274 = tpu.vector_load %arg15[%swap3A] {strides = array<i32>} : memref<1024xf32, #tpu.memory_space<vmem>>, vector<16xf32>,
        tpu.vector_store %arg15[%swap3A], %add3A_1273 {strides = array<i32>} : memref<1024xf32, #tpu.memory_space<vmem>>, vector<16xf32>,
      }
      %scan3A_1263 = arith.constant 64 : i32
    } else {
    }
    %eq3A_517 = arith.constant 1 : i32
    %eq3A_518 = arith.cmpi eq, %scan3A_11, %eq3A_517 : i32
    %convert_element_type3A_519 = arith.extui %eq3A_518 : i1 to i32
    %cond3A_520 = arith.constant 0 : i32
    %cond3A_521 = arith.cmpi ne, %convert_element_type3A_519, %cond3A_520 : i32
    scf.if %cond3A_521 {
      %scan3A_1258 = arith.constant 0 : i32
      %scan3A_1259 = arith.constant 0 : i32
      %scan3A_1260 = arith.constant 64 : i32
      %scan3A_1261 = arith.addi %scan3A_1259, %scan3A_1260 : i32
      %scan3A_1262 = arith.constant 1 : i32
      scf.for %scan3A_1264 = %scan3A_1259 to %scan3A_1261 step %scan3A_1262  : i32 {
        %mul3A_1265 = arith.constant 16 : i32
        %mul3A_1266 = arith.muli %scan3A_1264, %mul3A_1265 : i32
        %get3A = arith.index_cast %mul3A_1266 : i32 to index
        %get3A_1267 = tpu.vector_load %arg16[%get3A] {strides = array<i32>} : memref<1024xi32, #tpu.memory_space<vmem>>, vector<16xi32>,
        %add3A_1268 = arith.constant 5 : i32
        %add3A_1269 = vector.broadcast %add3A_1268 : i32 to vector<16xi32>
        %add3A_1270 = arith.addi %get3A_1267, %add3A_1269 : vector<16xi32>
        %gather3A = tpu.vector_load_idx %arg18[%add3A_1270] : memref<2048xf32, #tpu.memory_space<vmem>>[vector<16xi32>], vector<16xf32>,
        %get3A_1271 = arith.index_cast %mul3A_1266 : i32 to index
        %get3A_1272 = tpu.vector_load %arg12[%get3A_1271] {strides = array<i32>} : memref<1024xf32, #tpu.memory_space<vmem>>, vector<16xf32>,
        %get3A_1273 = arith.index_cast %mul3A_1266 : i32 to index
        %get3A_1274 = tpu.vector_load %arg17[%get3A_1273] {strides = array<i32>} : memref<1024xf32, #tpu.memory_space<vmem>>, vector<16xf32>,
        %mul3A_1275 = arith.mulf %gather3A, %get3A_1274 : vector<16xf32>
        %add3A_1276 = arith.addf %get3A_1272, %mul3A_1275 : vector<16xf32>
        %get3A_1277 = arith.index_cast %mul3A_1266 : i32 to index
        %get3A_1278 = tpu.vector_load %arg15[%get3A_1277] {strides = array<i32>} : memref<1024xf32, #tpu.memory_space<vmem>>, vector<16xf32>,
        %get3A_1279 = arith.index_cast %mul3A_1266 : i32 to index
        %get3A_1280 = tpu.vector_load %arg14[%get3A_1279] {strides = array<i32>} : memref<1024xf32, #tpu.memory_space<vmem>>, vector<16xf32>,
        %mul3A_1281 = arith.mulf %add3A_1276, %get3A_1280 : vector<16xf32>
        %add3A_1282 = arith.addf %get3A_1278, %mul3A_1281 : vector<16xf32>
        %swap3A = arith.index_cast %mul3A_1266 : i32 to index
        %swap3A_1283 = tpu.vector_load %arg15[%swap3A] {strides = array<i32>} : memref<1024xf32, #tpu.memory_space<vmem>>, vector<16xf32>,
        tpu.vector_store %arg15[%swap3A], %add3A_1282 {strides = array<i32>} : memref<1024xf32, #tpu.memory_space<vmem>>, vector<16xf32>,
      }
      %scan3A_1263 = arith.constant 64 : i32
    } else {
    }
    %dma_wait3A_522 = arith.constant 0 : i32
    %dma_wait3A_523 = tpu.memref_slice %arg21[%dma_wait3A_522] : memref<100000xf32, #tpu.memory_space<vmem_shared>> -> memref<100000xf32, #tpu.memory_space<vmem_shared>>
    tpu.wait_indirect_dma semaphore(%arg25 : memref<!tpu.dma_semaphore, #tpu.memory_space<semaphore_mem>>) src(%dma_wait3A_523 : memref<100000xf32, #tpu.memory_space<vmem_shared>>) dst(%arg13 : memref<1024xf32, #tpu.memory_space<vmem>>)
    %lt3A_524 = arith.constant 14 : i32
    %lt3A_525 = arith.cmpi slt, %arg1, %lt3A_524 : i32
    %convert_element_type3A_526 = arith.extui %lt3A_525 : i1 to i32
    %cond3A_527 = arith.constant 0 : i32
    %cond3A_528 = arith.cmpi ne, %convert_element_type3A_526, %cond3A_527 : i32
    scf.if %cond3A_528 {
      %dma_wait3A_1258 = arith.constant 0 : i32
      %dma_wait3A_1259 = arith.constant 0 : i32
      %dma_wait3A_1260 = tpu.memref_slice %arg20[%dma_wait3A_1259] : memref<1000064xf32, #tpu.memory_space<vmem_shared>> -> memref<33280xf32, #tpu.memory_space<vmem_shared>>
      %dma_wait3A_1261 = arith.constant 0 : i32
      %dma_wait3A_1262 = tpu.memref_slice %arg4[%dma_wait3A_1258, %dma_wait3A_1261] : memref<32x1000000xf32, #tpu.memory_space<hbm>> -> memref<1x33280xf32, #tpu.memory_space<hbm>>
      %dma_wait3A_1263 = tpu.memref_squeeze %dma_wait3A_1262 : memref<1x33280xf32, #tpu.memory_space<hbm>> -> memref<33280xf32, #tpu.memory_space<hbm>>
      tpu.wait_dma2 semaphore(%arg23 : memref<!tpu.dma_semaphore, #tpu.memory_space<semaphore_mem>>) src(%dma_wait3A_1263 : memref<33280xf32, #tpu.memory_space<hbm>>) dst(%dma_wait3A_1260 : memref<33280xf32, #tpu.memory_space<vmem_shared>>)
    } else {
    }
    %eq3A_529 = arith.constant 14 : i32
    %eq3A_530 = arith.cmpi eq, %arg1, %eq3A_529 : i32
    %convert_element_type3A_531 = arith.extui %eq3A_530 : i1 to i32
    %cond3A_532 = arith.constant 0 : i32
    %cond3A_533 = arith.cmpi ne, %convert_element_type3A_531, %cond3A_532 : i32
    scf.if %cond3A_533 {
      %dma_wait3A_1258 = arith.constant 0 : i32
      %dma_wait3A_1259 = arith.constant 0 : i32
      %dma_wait3A_1260 = tpu.memref_slice %arg20[%dma_wait3A_1259] : memref<1000064xf32, #tpu.memory_space<vmem_shared>> -> memref<34048xf32, #tpu.memory_space<vmem_shared>>
      %dma_wait3A_1261 = arith.constant 0 : i32
      %dma_wait3A_1262 = tpu.memref_slice %arg4[%dma_wait3A_1258, %dma_wait3A_1261] : memref<32x1000000xf32, #tpu.memory_space<hbm>> -> memref<1x34048xf32, #tpu.memory_space<hbm>>
      %dma_wait3A_1263 = tpu.memref_squeeze %dma_wait3A_1262 : memref<1x34048xf32, #tpu.memory_space<hbm>> -> memref<34048xf32, #tpu.memory_space<hbm>>
      tpu.wait_dma2 semaphore(%arg23 : memref<!tpu.dma_semaphore, #tpu.memory_space<semaphore_mem>>) src(%dma_wait3A_1263 : memref<34048xf32, #tpu.memory_space<hbm>>) dst(%dma_wait3A_1260 : memref<34048xf32, #tpu.memory_space<vmem_shared>>)
    } else {
    }
    %lt3A_534 = arith.constant 14 : i32
    %lt3A_535 = arith.cmpi slt, %arg1, %lt3A_534 : i32
    %convert_element_type3A_536 = arith.extui %lt3A_535 : i1 to i32
    %cond3A_537 = arith.constant 0 : i32
    %cond3A_538 = arith.cmpi ne, %convert_element_type3A_536, %cond3A_537 : i32
    scf.if %cond3A_538 {
      %dma_wait3A_1258 = arith.constant 0 : i32
      %dma_wait3A_1259 = arith.constant 0 : i32
      %dma_wait3A_1260 = tpu.memref_slice %arg20[%dma_wait3A_1259] : memref<1000064xf32, #tpu.memory_space<vmem_shared>> -> memref<33280xf32, #tpu.memory_space<vmem_shared>>
      %dma_wait3A_1261 = arith.constant 0 : i32
      %dma_wait3A_1262 = tpu.memref_slice %arg4[%dma_wait3A_1258, %dma_wait3A_1261] : memref<32x1000000xf32, #tpu.memory_space<hbm>> -> memref<1x33280xf32, #tpu.memory_space<hbm>>
      %dma_wait3A_1263 = tpu.memref_squeeze %dma_wait3A_1262 : memref<1x33280xf32, #tpu.memory_space<hbm>> -> memref<33280xf32, #tpu.memory_space<hbm>>
      tpu.wait_dma2 semaphore(%arg23 : memref<!tpu.dma_semaphore, #tpu.memory_space<semaphore_mem>>) src(%dma_wait3A_1263 : memref<33280xf32, #tpu.memory_space<hbm>>) dst(%dma_wait3A_1260 : memref<33280xf32, #tpu.memory_space<vmem_shared>>)
    } else {
    }
    %eq3A_539 = arith.constant 14 : i32
    %eq3A_540 = arith.cmpi eq, %arg1, %eq3A_539 : i32
    %convert_element_type3A_541 = arith.extui %eq3A_540 : i1 to i32
    %cond3A_542 = arith.constant 0 : i32
    %cond3A_543 = arith.cmpi ne, %convert_element_type3A_541, %cond3A_542 : i32
    scf.if %cond3A_543 {
      %dma_wait3A_1258 = arith.constant 0 : i32
      %dma_wait3A_1259 = arith.constant 0 : i32
      %dma_wait3A_1260 = tpu.memref_slice %arg20[%dma_wait3A_1259] : memref<1000064xf32, #tpu.memory_space<vmem_shared>> -> memref<34048xf32, #tpu.memory_space<vmem_shared>>
      %dma_wait3A_1261 = arith.constant 0 : i32
      %dma_wait3A_1262 = tpu.memref_slice %arg4[%dma_wait3A_1258, %dma_wait3A_1261] : memref<32x1000000xf32, #tpu.memory_space<hbm>> -> memref<1x34048xf32, #tpu.memory_space<hbm>>
      %dma_wait3A_1263 = tpu.memref_squeeze %dma_wait3A_1262 : memref<1x34048xf32, #tpu.memory_space<hbm>> -> memref<34048xf32, #tpu.memory_space<hbm>>
      tpu.wait_dma2 semaphore(%arg23 : memref<!tpu.dma_semaphore, #tpu.memory_space<semaphore_mem>>) src(%dma_wait3A_1263 : memref<34048xf32, #tpu.memory_space<hbm>>) dst(%dma_wait3A_1260 : memref<34048xf32, #tpu.memory_space<vmem_shared>>)
    } else {
    }
    %barrier3A_544 = arith.constant 0 : index
    tpu.barrier barrier_id(%barrier3A_544)
    %dma_start3A_545 = arith.constant 0 : i32
    %dma_start3A_546 = tpu.memref_slice %arg20[%dma_start3A_545] : memref<1000064xf32, #tpu.memory_space<vmem_shared>> -> memref<1000064xf32, #tpu.memory_space<vmem_shared>>
    tpu.enqueue_indirect_dma source(%dma_start3A_546 : memref<1000064xf32, #tpu.memory_space<vmem_shared>>) target(%arg11 : memref<1024xf32, #tpu.memory_space<vmem>>) offsets(%arg10 : memref<1024xi32, #tpu.memory_space<vmem>>) semaphore(%arg25 : memref<!tpu.dma_semaphore, #tpu.memory_space<semaphore_mem>>)
    %dma_wait3A_547 = arith.constant 0 : i32
    %dma_wait3A_548 = tpu.memref_slice %arg20[%dma_wait3A_547] : memref<1000064xf32, #tpu.memory_space<vmem_shared>> -> memref<1000064xf32, #tpu.memory_space<vmem_shared>>
    tpu.wait_indirect_dma semaphore(%arg25 : memref<!tpu.dma_semaphore, #tpu.memory_space<semaphore_mem>>) src(%dma_wait3A_548 : memref<1000064xf32, #tpu.memory_space<vmem_shared>>) dst(%arg11 : memref<1024xf32, #tpu.memory_space<vmem>>)
    %eq3A_549 = arith.constant 15 : i32
    %eq3A_550 = arith.cmpi eq, %arg1, %eq3A_549 : i32
    %convert_element_type3A_551 = arith.extui %eq3A_550 : i1 to i32
    %cond3A_552 = arith.constant 0 : i32
    %cond3A_553 = arith.cmpi ne, %convert_element_type3A_551, %cond3A_552 : i32
    scf.if %cond3A_553 {
      %dma_wait3A_1258 = arith.constant 0 : i32
      %dma_wait3A_1259 = arith.constant 0 : i32
      %dma_wait3A_1260 = tpu.memref_slice %arg5[%dma_wait3A_1258, %dma_wait3A_1259] : memref<32x100000xf32, #tpu.memory_space<hbm>> -> memref<1x100000xf32, #tpu.memory_space<hbm>>
      %dma_wait3A_1261 = tpu.memref_squeeze %dma_wait3A_1260 : memref<1x100000xf32, #tpu.memory_space<hbm>> -> memref<100000xf32, #tpu.memory_space<hbm>>
      tpu.wait_dma2 semaphore(%arg24 : memref<!tpu.dma_semaphore, #tpu.memory_space<semaphore_mem>>) src(%dma_wait3A_1261 : memref<100000xf32, #tpu.memory_space<hbm>>) dst(%arg21 : memref<100000xf32, #tpu.memory_space<vmem_shared>>)
    } else {
    }
    %barrier3A_554 = arith.constant 0 : index
    tpu.barrier barrier_id(%barrier3A_554)
    %eq3A_555 = arith.constant 15 : i32
    %eq3A_556 = arith.cmpi eq, %arg1, %eq3A_555 : i32
    %convert_element_type3A_557 = arith.extui %eq3A_556 : i1 to i32
    %cond3A_558 = arith.constant 0 : i32
    %cond3A_559 = arith.cmpi ne, %convert_element_type3A_557, %cond3A_558 : i32
    scf.if %cond3A_559 {
      %mul3A_1258 = arith.constant 16 : i32
      %mul3A_1259 = arith.muli %arg0, %mul3A_1258 : i32
      %add3A_1260 = arith.constant 8 : i32
      %add3A_1261 = arith.addi %mul3A_1259, %add3A_1260 : i32
      %dma_start3A_1262 = arith.constant 0 : i32
      %dma_start3A_1263 = tpu.memref_slice %arg5[%add3A_1261, %dma_start3A_1262] : memref<32x100000xf32, #tpu.memory_space<hbm>> -> memref<1x100000xf32, #tpu.memory_space<hbm>>
      %dma_start3A_1264 = tpu.memref_squeeze %dma_start3A_1263 : memref<1x100000xf32, #tpu.memory_space<hbm>> -> memref<100000xf32, #tpu.memory_space<hbm>>
      tpu.enqueue_dma source(%dma_start3A_1264 : memref<100000xf32, #tpu.memory_space<hbm>>) target(%arg21 : memref<100000xf32, #tpu.memory_space<vmem_shared>>) target_semaphore(%arg24 : memref<!tpu.dma_semaphore, #tpu.memory_space<semaphore_mem>>)
    } else {
    }
    %mul3A_560 = arith.constant 16 : i32
    %mul3A_561 = arith.muli %arg0, %mul3A_560 : i32
    %add3A_562 = arith.constant 7 : i32
    %add3A_563 = arith.addi %mul3A_561, %add3A_562 : i32
    %lt3A_564 = arith.constant 14 : i32
    %lt3A_565 = arith.cmpi slt, %arg1, %lt3A_564 : i32
    %convert_element_type3A_566 = arith.extui %lt3A_565 : i1 to i32
    %cond3A_567 = arith.constant 0 : i32
    %cond3A_568 = arith.cmpi ne, %convert_element_type3A_566, %cond3A_567 : i32
    scf.if %cond3A_568 {
      %mul3A_1258 = arith.constant 33280 : i32
      %mul3A_1259 = arith.muli %arg1, %mul3A_1258 : i32
      %add3A_1260 = arith.constant 0 : i32
      %add3A_1261 = arith.addi %add3A_1260, %mul3A_1259 : i32
      %multiple_of3A = tpu.assume_multiple %add3A_1261, 128 : i32
      %dma_start3A_1262 = tpu.memref_slice %arg20[%multiple_of3A] : memref<1000064xf32, #tpu.memory_space<vmem_shared>> -> memref<33280xf32, #tpu.memory_space<vmem_shared>>
      %dma_start3A_1263 = tpu.memref_slice %arg4[%add3A_563, %multiple_of3A] : memref<32x1000000xf32, #tpu.memory_space<hbm>> -> memref<1x33280xf32, #tpu.memory_space<hbm>>
      %dma_start3A_1264 = tpu.memref_squeeze %dma_start3A_1263 : memref<1x33280xf32, #tpu.memory_space<hbm>> -> memref<33280xf32, #tpu.memory_space<hbm>>
      tpu.enqueue_dma source(%dma_start3A_1264 : memref<33280xf32, #tpu.memory_space<hbm>>) target(%dma_start3A_1262 : memref<33280xf32, #tpu.memory_space<vmem_shared>>) target_semaphore(%arg23 : memref<!tpu.dma_semaphore, #tpu.memory_space<semaphore_mem>>)
    } else {
    }
    %eq3A_569 = arith.constant 14 : i32
    %eq3A_570 = arith.cmpi eq, %arg1, %eq3A_569 : i32
    %convert_element_type3A_571 = arith.extui %eq3A_570 : i1 to i32
    %cond3A_572 = arith.constant 0 : i32
    %cond3A_573 = arith.cmpi ne, %convert_element_type3A_571, %cond3A_572 : i32
    scf.if %cond3A_573 {
      %dma_start3A_1258 = arith.constant 465920 : i32
      %dma_start3A_1259 = tpu.memref_slice %arg20[%dma_start3A_1258] : memref<1000064xf32, #tpu.memory_space<vmem_shared>> -> memref<34048xf32, #tpu.memory_space<vmem_shared>>
      %dma_start3A_1260 = arith.constant 465920 : i32
      %dma_start3A_1261 = tpu.memref_slice %arg4[%add3A_563, %dma_start3A_1260] : memref<32x1000000xf32, #tpu.memory_space<hbm>> -> memref<1x34048xf32, #tpu.memory_space<hbm>>
      %dma_start3A_1262 = tpu.memref_squeeze %dma_start3A_1261 : memref<1x34048xf32, #tpu.memory_space<hbm>> -> memref<34048xf32, #tpu.memory_space<hbm>>
      tpu.enqueue_dma source(%dma_start3A_1262 : memref<34048xf32, #tpu.memory_space<hbm>>) target(%dma_start3A_1259 : memref<34048xf32, #tpu.memory_space<vmem_shared>>) target_semaphore(%arg23 : memref<!tpu.dma_semaphore, #tpu.memory_space<semaphore_mem>>)
    } else {
    }
    %mul3A_574 = arith.constant 16 : i32
    %mul3A_575 = arith.muli %arg0, %mul3A_574 : i32
    %add3A_576 = arith.constant 7 : i32
    %add3A_577 = arith.addi %mul3A_575, %add3A_576 : i32
    %lt3A_578 = arith.constant 14 : i32
    %lt3A_579 = arith.cmpi slt, %arg1, %lt3A_578 : i32
    %convert_element_type3A_580 = arith.extui %lt3A_579 : i1 to i32
    %cond3A_581 = arith.constant 0 : i32
    %cond3A_582 = arith.cmpi ne, %convert_element_type3A_580, %cond3A_581 : i32
    scf.if %cond3A_582 {
      %mul3A_1258 = arith.constant 33280 : i32
      %mul3A_1259 = arith.muli %arg1, %mul3A_1258 : i32
      %add3A_1260 = arith.constant 499968 : i32
      %add3A_1261 = arith.addi %add3A_1260, %mul3A_1259 : i32
      %multiple_of3A = tpu.assume_multiple %add3A_1261, 128 : i32
      %dma_start3A_1262 = tpu.memref_slice %arg20[%multiple_of3A] : memref<1000064xf32, #tpu.memory_space<vmem_shared>> -> memref<33280xf32, #tpu.memory_space<vmem_shared>>
      %dma_start3A_1263 = tpu.memref_slice %arg4[%add3A_577, %multiple_of3A] : memref<32x1000000xf32, #tpu.memory_space<hbm>> -> memref<1x33280xf32, #tpu.memory_space<hbm>>
      %dma_start3A_1264 = tpu.memref_squeeze %dma_start3A_1263 : memref<1x33280xf32, #tpu.memory_space<hbm>> -> memref<33280xf32, #tpu.memory_space<hbm>>
      tpu.enqueue_dma source(%dma_start3A_1264 : memref<33280xf32, #tpu.memory_space<hbm>>) target(%dma_start3A_1262 : memref<33280xf32, #tpu.memory_space<vmem_shared>>) target_semaphore(%arg23 : memref<!tpu.dma_semaphore, #tpu.memory_space<semaphore_mem>>)
    } else {
    }
    %eq3A_583 = arith.constant 14 : i32
    %eq3A_584 = arith.cmpi eq, %arg1, %eq3A_583 : i32
    %convert_element_type3A_585 = arith.extui %eq3A_584 : i1 to i32
    %cond3A_586 = arith.constant 0 : i32
    %cond3A_587 = arith.cmpi ne, %convert_element_type3A_585, %cond3A_586 : i32
    scf.if %cond3A_587 {
      %dma_start3A_1258 = arith.constant 965888 : i32
      %dma_start3A_1259 = tpu.memref_slice %arg20[%dma_start3A_1258] : memref<1000064xf32, #tpu.memory_space<vmem_shared>> -> memref<34048xf32, #tpu.memory_space<vmem_shared>>
      %dma_start3A_1260 = arith.constant 965888 : i32
      %dma_start3A_1261 = tpu.memref_slice %arg4[%add3A_577, %dma_start3A_1260] : memref<32x1000000xf32, #tpu.memory_space<hbm>> -> memref<1x34048xf32, #tpu.memory_space<hbm>>
      %dma_start3A_1262 = tpu.memref_squeeze %dma_start3A_1261 : memref<1x34048xf32, #tpu.memory_space<hbm>> -> memref<34048xf32, #tpu.memory_space<hbm>>
      tpu.enqueue_dma source(%dma_start3A_1262 : memref<34048xf32, #tpu.memory_space<hbm>>) target(%dma_start3A_1259 : memref<34048xf32, #tpu.memory_space<vmem_shared>>) target_semaphore(%arg23 : memref<!tpu.dma_semaphore, #tpu.memory_space<semaphore_mem>>)
    } else {
    }
    %dma_start3A_588 = arith.constant 0 : i32
    %dma_start3A_589 = tpu.memref_slice %arg22[%dma_start3A_588] : memref<100000xf32, #tpu.memory_space<vmem_shared>> -> memref<100000xf32, #tpu.memory_space<vmem_shared>>
    tpu.enqueue_indirect_dma source(%dma_start3A_589 : memref<100000xf32, #tpu.memory_space<vmem_shared>>) target(%arg14 : memref<1024xf32, #tpu.memory_space<vmem>>) offsets(%arg9 : memref<1024xi32, #tpu.memory_space<vmem>>) semaphore(%arg25 : memref<!tpu.dma_semaphore, #tpu.memory_space<semaphore_mem>>)
    %eq3A_590 = arith.constant 0 : i32
    %eq3A_591 = arith.cmpi eq, %scan3A_11, %eq3A_590 : i32
    %convert_element_type3A_592 = arith.extui %eq3A_591 : i1 to i32
    %cond3A_593 = arith.constant 0 : i32
    %cond3A_594 = arith.cmpi ne, %convert_element_type3A_592, %cond3A_593 : i32
    scf.if %cond3A_594 {
      %scan3A_1258 = arith.constant 0 : i32
      %scan3A_1259 = arith.constant 0 : i32
      %scan3A_1260 = arith.constant 64 : i32
      %scan3A_1261 = arith.addi %scan3A_1259, %scan3A_1260 : i32
      %scan3A_1262 = arith.constant 1 : i32
      scf.for %scan3A_1264 = %scan3A_1259 to %scan3A_1261 step %scan3A_1262  : i32 {
        %mul3A_1265 = arith.constant 16 : i32
        %mul3A_1266 = arith.muli %scan3A_1264, %mul3A_1265 : i32
        %get3A = arith.index_cast %mul3A_1266 : i32 to index
        %get3A_1267 = tpu.vector_load %arg15[%get3A] {strides = array<i32>} : memref<1024xf32, #tpu.memory_space<vmem>>, vector<16xf32>,
        %get3A_1268 = arith.index_cast %mul3A_1266 : i32 to index
        %get3A_1269 = tpu.vector_load %arg11[%get3A_1268] {strides = array<i32>} : memref<1024xf32, #tpu.memory_space<vmem>>, vector<16xf32>,
        %get3A_1270 = arith.index_cast %mul3A_1266 : i32 to index
        %get3A_1271 = tpu.vector_load %arg13[%get3A_1270] {strides = array<i32>} : memref<1024xf32, #tpu.memory_space<vmem>>, vector<16xf32>,
        %mul3A_1272 = arith.mulf %get3A_1269, %get3A_1271 : vector<16xf32>
        %add3A_1273 = arith.addf %get3A_1267, %mul3A_1272 : vector<16xf32>
        %swap3A = arith.index_cast %mul3A_1266 : i32 to index
        %swap3A_1274 = tpu.vector_load %arg15[%swap3A] {strides = array<i32>} : memref<1024xf32, #tpu.memory_space<vmem>>, vector<16xf32>,
        tpu.vector_store %arg15[%swap3A], %add3A_1273 {strides = array<i32>} : memref<1024xf32, #tpu.memory_space<vmem>>, vector<16xf32>,
      }
      %scan3A_1263 = arith.constant 64 : i32
    } else {
    }
    %eq3A_595 = arith.constant 1 : i32
    %eq3A_596 = arith.cmpi eq, %scan3A_11, %eq3A_595 : i32
    %convert_element_type3A_597 = arith.extui %eq3A_596 : i1 to i32
    %cond3A_598 = arith.constant 0 : i32
    %cond3A_599 = arith.cmpi ne, %convert_element_type3A_597, %cond3A_598 : i32
    scf.if %cond3A_599 {
      %scan3A_1258 = arith.constant 0 : i32
      %scan3A_1259 = arith.constant 0 : i32
      %scan3A_1260 = arith.constant 64 : i32
      %scan3A_1261 = arith.addi %scan3A_1259, %scan3A_1260 : i32
      %scan3A_1262 = arith.constant 1 : i32
      scf.for %scan3A_1264 = %scan3A_1259 to %scan3A_1261 step %scan3A_1262  : i32 {
        %mul3A_1265 = arith.constant 16 : i32
        %mul3A_1266 = arith.muli %scan3A_1264, %mul3A_1265 : i32
        %get3A = arith.index_cast %mul3A_1266 : i32 to index
        %get3A_1267 = tpu.vector_load %arg16[%get3A] {strides = array<i32>} : memref<1024xi32, #tpu.memory_space<vmem>>, vector<16xi32>,
        %add3A_1268 = arith.constant 6 : i32
        %add3A_1269 = vector.broadcast %add3A_1268 : i32 to vector<16xi32>
        %add3A_1270 = arith.addi %get3A_1267, %add3A_1269 : vector<16xi32>
        %gather3A = tpu.vector_load_idx %arg18[%add3A_1270] : memref<2048xf32, #tpu.memory_space<vmem>>[vector<16xi32>], vector<16xf32>,
        %get3A_1271 = arith.index_cast %mul3A_1266 : i32 to index
        %get3A_1272 = tpu.vector_load %arg11[%get3A_1271] {strides = array<i32>} : memref<1024xf32, #tpu.memory_space<vmem>>, vector<16xf32>,
        %get3A_1273 = arith.index_cast %mul3A_1266 : i32 to index
        %get3A_1274 = tpu.vector_load %arg17[%get3A_1273] {strides = array<i32>} : memref<1024xf32, #tpu.memory_space<vmem>>, vector<16xf32>,
        %mul3A_1275 = arith.mulf %gather3A, %get3A_1274 : vector<16xf32>
        %add3A_1276 = arith.addf %get3A_1272, %mul3A_1275 : vector<16xf32>
        %get3A_1277 = arith.index_cast %mul3A_1266 : i32 to index
        %get3A_1278 = tpu.vector_load %arg15[%get3A_1277] {strides = array<i32>} : memref<1024xf32, #tpu.memory_space<vmem>>, vector<16xf32>,
        %get3A_1279 = arith.index_cast %mul3A_1266 : i32 to index
        %get3A_1280 = tpu.vector_load %arg13[%get3A_1279] {strides = array<i32>} : memref<1024xf32, #tpu.memory_space<vmem>>, vector<16xf32>,
        %mul3A_1281 = arith.mulf %add3A_1276, %get3A_1280 : vector<16xf32>
        %add3A_1282 = arith.addf %get3A_1278, %mul3A_1281 : vector<16xf32>
        %swap3A = arith.index_cast %mul3A_1266 : i32 to index
        %swap3A_1283 = tpu.vector_load %arg15[%swap3A] {strides = array<i32>} : memref<1024xf32, #tpu.memory_space<vmem>>, vector<16xf32>,
        tpu.vector_store %arg15[%swap3A], %add3A_1282 {strides = array<i32>} : memref<1024xf32, #tpu.memory_space<vmem>>, vector<16xf32>,
      }
      %scan3A_1263 = arith.constant 64 : i32
    } else {
    }
    %dma_wait3A_600 = arith.constant 0 : i32
    %dma_wait3A_601 = tpu.memref_slice %arg22[%dma_wait3A_600] : memref<100000xf32, #tpu.memory_space<vmem_shared>> -> memref<100000xf32, #tpu.memory_space<vmem_shared>>
    tpu.wait_indirect_dma semaphore(%arg25 : memref<!tpu.dma_semaphore, #tpu.memory_space<semaphore_mem>>) src(%dma_wait3A_601 : memref<100000xf32, #tpu.memory_space<vmem_shared>>) dst(%arg14 : memref<1024xf32, #tpu.memory_space<vmem>>)
    %lt3A_602 = arith.constant 14 : i32
    %lt3A_603 = arith.cmpi slt, %arg1, %lt3A_602 : i32
    %convert_element_type3A_604 = arith.extui %lt3A_603 : i1 to i32
    %cond3A_605 = arith.constant 0 : i32
    %cond3A_606 = arith.cmpi ne, %convert_element_type3A_604, %cond3A_605 : i32
    scf.if %cond3A_606 {
      %dma_wait3A_1258 = arith.constant 0 : i32
      %dma_wait3A_1259 = arith.constant 0 : i32
      %dma_wait3A_1260 = tpu.memref_slice %arg20[%dma_wait3A_1259] : memref<1000064xf32, #tpu.memory_space<vmem_shared>> -> memref<33280xf32, #tpu.memory_space<vmem_shared>>
      %dma_wait3A_1261 = arith.constant 0 : i32
      %dma_wait3A_1262 = tpu.memref_slice %arg4[%dma_wait3A_1258, %dma_wait3A_1261] : memref<32x1000000xf32, #tpu.memory_space<hbm>> -> memref<1x33280xf32, #tpu.memory_space<hbm>>
      %dma_wait3A_1263 = tpu.memref_squeeze %dma_wait3A_1262 : memref<1x33280xf32, #tpu.memory_space<hbm>> -> memref<33280xf32, #tpu.memory_space<hbm>>
      tpu.wait_dma2 semaphore(%arg23 : memref<!tpu.dma_semaphore, #tpu.memory_space<semaphore_mem>>) src(%dma_wait3A_1263 : memref<33280xf32, #tpu.memory_space<hbm>>) dst(%dma_wait3A_1260 : memref<33280xf32, #tpu.memory_space<vmem_shared>>)
    } else {
    }
    %eq3A_607 = arith.constant 14 : i32
    %eq3A_608 = arith.cmpi eq, %arg1, %eq3A_607 : i32
    %convert_element_type3A_609 = arith.extui %eq3A_608 : i1 to i32
    %cond3A_610 = arith.constant 0 : i32
    %cond3A_611 = arith.cmpi ne, %convert_element_type3A_609, %cond3A_610 : i32
    scf.if %cond3A_611 {
      %dma_wait3A_1258 = arith.constant 0 : i32
      %dma_wait3A_1259 = arith.constant 0 : i32
      %dma_wait3A_1260 = tpu.memref_slice %arg20[%dma_wait3A_1259] : memref<1000064xf32, #tpu.memory_space<vmem_shared>> -> memref<34048xf32, #tpu.memory_space<vmem_shared>>
      %dma_wait3A_1261 = arith.constant 0 : i32
      %dma_wait3A_1262 = tpu.memref_slice %arg4[%dma_wait3A_1258, %dma_wait3A_1261] : memref<32x1000000xf32, #tpu.memory_space<hbm>> -> memref<1x34048xf32, #tpu.memory_space<hbm>>
      %dma_wait3A_1263 = tpu.memref_squeeze %dma_wait3A_1262 : memref<1x34048xf32, #tpu.memory_space<hbm>> -> memref<34048xf32, #tpu.memory_space<hbm>>
      tpu.wait_dma2 semaphore(%arg23 : memref<!tpu.dma_semaphore, #tpu.memory_space<semaphore_mem>>) src(%dma_wait3A_1263 : memref<34048xf32, #tpu.memory_space<hbm>>) dst(%dma_wait3A_1260 : memref<34048xf32, #tpu.memory_space<vmem_shared>>)
    } else {
    }
    %lt3A_612 = arith.constant 14 : i32
    %lt3A_613 = arith.cmpi slt, %arg1, %lt3A_612 : i32
    %convert_element_type3A_614 = arith.extui %lt3A_613 : i1 to i32
    %cond3A_615 = arith.constant 0 : i32
    %cond3A_616 = arith.cmpi ne, %convert_element_type3A_614, %cond3A_615 : i32
    scf.if %cond3A_616 {
      %dma_wait3A_1258 = arith.constant 0 : i32
      %dma_wait3A_1259 = arith.constant 0 : i32
      %dma_wait3A_1260 = tpu.memref_slice %arg20[%dma_wait3A_1259] : memref<1000064xf32, #tpu.memory_space<vmem_shared>> -> memref<33280xf32, #tpu.memory_space<vmem_shared>>
      %dma_wait3A_1261 = arith.constant 0 : i32
      %dma_wait3A_1262 = tpu.memref_slice %arg4[%dma_wait3A_1258, %dma_wait3A_1261] : memref<32x1000000xf32, #tpu.memory_space<hbm>> -> memref<1x33280xf32, #tpu.memory_space<hbm>>
      %dma_wait3A_1263 = tpu.memref_squeeze %dma_wait3A_1262 : memref<1x33280xf32, #tpu.memory_space<hbm>> -> memref<33280xf32, #tpu.memory_space<hbm>>
      tpu.wait_dma2 semaphore(%arg23 : memref<!tpu.dma_semaphore, #tpu.memory_space<semaphore_mem>>) src(%dma_wait3A_1263 : memref<33280xf32, #tpu.memory_space<hbm>>) dst(%dma_wait3A_1260 : memref<33280xf32, #tpu.memory_space<vmem_shared>>)
    } else {
    }
    %eq3A_617 = arith.constant 14 : i32
    %eq3A_618 = arith.cmpi eq, %arg1, %eq3A_617 : i32
    %convert_element_type3A_619 = arith.extui %eq3A_618 : i1 to i32
    %cond3A_620 = arith.constant 0 : i32
    %cond3A_621 = arith.cmpi ne, %convert_element_type3A_619, %cond3A_620 : i32
    scf.if %cond3A_621 {
      %dma_wait3A_1258 = arith.constant 0 : i32
      %dma_wait3A_1259 = arith.constant 0 : i32
      %dma_wait3A_1260 = tpu.memref_slice %arg20[%dma_wait3A_1259] : memref<1000064xf32, #tpu.memory_space<vmem_shared>> -> memref<34048xf32, #tpu.memory_space<vmem_shared>>
      %dma_wait3A_1261 = arith.constant 0 : i32
      %dma_wait3A_1262 = tpu.memref_slice %arg4[%dma_wait3A_1258, %dma_wait3A_1261] : memref<32x1000000xf32, #tpu.memory_space<hbm>> -> memref<1x34048xf32, #tpu.memory_space<hbm>>
      %dma_wait3A_1263 = tpu.memref_squeeze %dma_wait3A_1262 : memref<1x34048xf32, #tpu.memory_space<hbm>> -> memref<34048xf32, #tpu.memory_space<hbm>>
      tpu.wait_dma2 semaphore(%arg23 : memref<!tpu.dma_semaphore, #tpu.memory_space<semaphore_mem>>) src(%dma_wait3A_1263 : memref<34048xf32, #tpu.memory_space<hbm>>) dst(%dma_wait3A_1260 : memref<34048xf32, #tpu.memory_space<vmem_shared>>)
    } else {
    }
    %barrier3A_622 = arith.constant 0 : index
    tpu.barrier barrier_id(%barrier3A_622)
    %dma_start3A_623 = arith.constant 0 : i32
    %dma_start3A_624 = tpu.memref_slice %arg20[%dma_start3A_623] : memref<1000064xf32, #tpu.memory_space<vmem_shared>> -> memref<1000064xf32, #tpu.memory_space<vmem_shared>>
    tpu.enqueue_indirect_dma source(%dma_start3A_624 : memref<1000064xf32, #tpu.memory_space<vmem_shared>>) target(%arg12 : memref<1024xf32, #tpu.memory_space<vmem>>) offsets(%arg10 : memref<1024xi32, #tpu.memory_space<vmem>>) semaphore(%arg25 : memref<!tpu.dma_semaphore, #tpu.memory_space<semaphore_mem>>)
    %dma_wait3A_625 = arith.constant 0 : i32
    %dma_wait3A_626 = tpu.memref_slice %arg20[%dma_wait3A_625] : memref<1000064xf32, #tpu.memory_space<vmem_shared>> -> memref<1000064xf32, #tpu.memory_space<vmem_shared>>
    tpu.wait_indirect_dma semaphore(%arg25 : memref<!tpu.dma_semaphore, #tpu.memory_space<semaphore_mem>>) src(%dma_wait3A_626 : memref<1000064xf32, #tpu.memory_space<vmem_shared>>) dst(%arg12 : memref<1024xf32, #tpu.memory_space<vmem>>)
    %eq3A_627 = arith.constant 15 : i32
    %eq3A_628 = arith.cmpi eq, %arg1, %eq3A_627 : i32
    %convert_element_type3A_629 = arith.extui %eq3A_628 : i1 to i32
    %cond3A_630 = arith.constant 0 : i32
    %cond3A_631 = arith.cmpi ne, %convert_element_type3A_629, %cond3A_630 : i32
    scf.if %cond3A_631 {
      %dma_wait3A_1258 = arith.constant 0 : i32
      %dma_wait3A_1259 = arith.constant 0 : i32
      %dma_wait3A_1260 = tpu.memref_slice %arg5[%dma_wait3A_1258, %dma_wait3A_1259] : memref<32x100000xf32, #tpu.memory_space<hbm>> -> memref<1x100000xf32, #tpu.memory_space<hbm>>
      %dma_wait3A_1261 = tpu.memref_squeeze %dma_wait3A_1260 : memref<1x100000xf32, #tpu.memory_space<hbm>> -> memref<100000xf32, #tpu.memory_space<hbm>>
      tpu.wait_dma2 semaphore(%arg24 : memref<!tpu.dma_semaphore, #tpu.memory_space<semaphore_mem>>) src(%dma_wait3A_1261 : memref<100000xf32, #tpu.memory_space<hbm>>) dst(%arg21 : memref<100000xf32, #tpu.memory_space<vmem_shared>>)
    } else {
    }
    %barrier3A_632 = arith.constant 0 : index
    tpu.barrier barrier_id(%barrier3A_632)
    %eq3A_633 = arith.constant 15 : i32
    %eq3A_634 = arith.cmpi eq, %arg1, %eq3A_633 : i32
    %convert_element_type3A_635 = arith.extui %eq3A_634 : i1 to i32
    %cond3A_636 = arith.constant 0 : i32
    %cond3A_637 = arith.cmpi ne, %convert_element_type3A_635, %cond3A_636 : i32
    scf.if %cond3A_637 {
      %mul3A_1258 = arith.constant 16 : i32
      %mul3A_1259 = arith.muli %arg0, %mul3A_1258 : i32
      %add3A_1260 = arith.constant 9 : i32
      %add3A_1261 = arith.addi %mul3A_1259, %add3A_1260 : i32
      %dma_start3A_1262 = arith.constant 0 : i32
      %dma_start3A_1263 = tpu.memref_slice %arg5[%add3A_1261, %dma_start3A_1262] : memref<32x100000xf32, #tpu.memory_space<hbm>> -> memref<1x100000xf32, #tpu.memory_space<hbm>>
      %dma_start3A_1264 = tpu.memref_squeeze %dma_start3A_1263 : memref<1x100000xf32, #tpu.memory_space<hbm>> -> memref<100000xf32, #tpu.memory_space<hbm>>
      tpu.enqueue_dma source(%dma_start3A_1264 : memref<100000xf32, #tpu.memory_space<hbm>>) target(%arg22 : memref<100000xf32, #tpu.memory_space<vmem_shared>>) target_semaphore(%arg24 : memref<!tpu.dma_semaphore, #tpu.memory_space<semaphore_mem>>)
    } else {
    }
    %mul3A_638 = arith.constant 16 : i32
    %mul3A_639 = arith.muli %arg0, %mul3A_638 : i32
    %add3A_640 = arith.constant 8 : i32
    %add3A_641 = arith.addi %mul3A_639, %add3A_640 : i32
    %lt3A_642 = arith.constant 14 : i32
    %lt3A_643 = arith.cmpi slt, %arg1, %lt3A_642 : i32
    %convert_element_type3A_644 = arith.extui %lt3A_643 : i1 to i32
    %cond3A_645 = arith.constant 0 : i32
    %cond3A_646 = arith.cmpi ne, %convert_element_type3A_644, %cond3A_645 : i32
    scf.if %cond3A_646 {
      %mul3A_1258 = arith.constant 33280 : i32
      %mul3A_1259 = arith.muli %arg1, %mul3A_1258 : i32
      %add3A_1260 = arith.constant 0 : i32
      %add3A_1261 = arith.addi %add3A_1260, %mul3A_1259 : i32
      %multiple_of3A = tpu.assume_multiple %add3A_1261, 128 : i32
      %dma_start3A_1262 = tpu.memref_slice %arg20[%multiple_of3A] : memref<1000064xf32, #tpu.memory_space<vmem_shared>> -> memref<33280xf32, #tpu.memory_space<vmem_shared>>
      %dma_start3A_1263 = tpu.memref_slice %arg4[%add3A_641, %multiple_of3A] : memref<32x1000000xf32, #tpu.memory_space<hbm>> -> memref<1x33280xf32, #tpu.memory_space<hbm>>
      %dma_start3A_1264 = tpu.memref_squeeze %dma_start3A_1263 : memref<1x33280xf32, #tpu.memory_space<hbm>> -> memref<33280xf32, #tpu.memory_space<hbm>>
      tpu.enqueue_dma source(%dma_start3A_1264 : memref<33280xf32, #tpu.memory_space<hbm>>) target(%dma_start3A_1262 : memref<33280xf32, #tpu.memory_space<vmem_shared>>) target_semaphore(%arg23 : memref<!tpu.dma_semaphore, #tpu.memory_space<semaphore_mem>>)
    } else {
    }
    %eq3A_647 = arith.constant 14 : i32
    %eq3A_648 = arith.cmpi eq, %arg1, %eq3A_647 : i32
    %convert_element_type3A_649 = arith.extui %eq3A_648 : i1 to i32
    %cond3A_650 = arith.constant 0 : i32
    %cond3A_651 = arith.cmpi ne, %convert_element_type3A_649, %cond3A_650 : i32
    scf.if %cond3A_651 {
      %dma_start3A_1258 = arith.constant 465920 : i32
      %dma_start3A_1259 = tpu.memref_slice %arg20[%dma_start3A_1258] : memref<1000064xf32, #tpu.memory_space<vmem_shared>> -> memref<34048xf32, #tpu.memory_space<vmem_shared>>
      %dma_start3A_1260 = arith.constant 465920 : i32
      %dma_start3A_1261 = tpu.memref_slice %arg4[%add3A_641, %dma_start3A_1260] : memref<32x1000000xf32, #tpu.memory_space<hbm>> -> memref<1x34048xf32, #tpu.memory_space<hbm>>
      %dma_start3A_1262 = tpu.memref_squeeze %dma_start3A_1261 : memref<1x34048xf32, #tpu.memory_space<hbm>> -> memref<34048xf32, #tpu.memory_space<hbm>>
      tpu.enqueue_dma source(%dma_start3A_1262 : memref<34048xf32, #tpu.memory_space<hbm>>) target(%dma_start3A_1259 : memref<34048xf32, #tpu.memory_space<vmem_shared>>) target_semaphore(%arg23 : memref<!tpu.dma_semaphore, #tpu.memory_space<semaphore_mem>>)
    } else {
    }
    %mul3A_652 = arith.constant 16 : i32
    %mul3A_653 = arith.muli %arg0, %mul3A_652 : i32
    %add3A_654 = arith.constant 8 : i32
    %add3A_655 = arith.addi %mul3A_653, %add3A_654 : i32
    %lt3A_656 = arith.constant 14 : i32
    %lt3A_657 = arith.cmpi slt, %arg1, %lt3A_656 : i32
    %convert_element_type3A_658 = arith.extui %lt3A_657 : i1 to i32
    %cond3A_659 = arith.constant 0 : i32
    %cond3A_660 = arith.cmpi ne, %convert_element_type3A_658, %cond3A_659 : i32
    scf.if %cond3A_660 {
      %mul3A_1258 = arith.constant 33280 : i32
      %mul3A_1259 = arith.muli %arg1, %mul3A_1258 : i32
      %add3A_1260 = arith.constant 499968 : i32
      %add3A_1261 = arith.addi %add3A_1260, %mul3A_1259 : i32
      %multiple_of3A = tpu.assume_multiple %add3A_1261, 128 : i32
      %dma_start3A_1262 = tpu.memref_slice %arg20[%multiple_of3A] : memref<1000064xf32, #tpu.memory_space<vmem_shared>> -> memref<33280xf32, #tpu.memory_space<vmem_shared>>
      %dma_start3A_1263 = tpu.memref_slice %arg4[%add3A_655, %multiple_of3A] : memref<32x1000000xf32, #tpu.memory_space<hbm>> -> memref<1x33280xf32, #tpu.memory_space<hbm>>
      %dma_start3A_1264 = tpu.memref_squeeze %dma_start3A_1263 : memref<1x33280xf32, #tpu.memory_space<hbm>> -> memref<33280xf32, #tpu.memory_space<hbm>>
      tpu.enqueue_dma source(%dma_start3A_1264 : memref<33280xf32, #tpu.memory_space<hbm>>) target(%dma_start3A_1262 : memref<33280xf32, #tpu.memory_space<vmem_shared>>) target_semaphore(%arg23 : memref<!tpu.dma_semaphore, #tpu.memory_space<semaphore_mem>>)
    } else {
    }
    %eq3A_661 = arith.constant 14 : i32
    %eq3A_662 = arith.cmpi eq, %arg1, %eq3A_661 : i32
    %convert_element_type3A_663 = arith.extui %eq3A_662 : i1 to i32
    %cond3A_664 = arith.constant 0 : i32
    %cond3A_665 = arith.cmpi ne, %convert_element_type3A_663, %cond3A_664 : i32
    scf.if %cond3A_665 {
      %dma_start3A_1258 = arith.constant 965888 : i32
      %dma_start3A_1259 = tpu.memref_slice %arg20[%dma_start3A_1258] : memref<1000064xf32, #tpu.memory_space<vmem_shared>> -> memref<34048xf32, #tpu.memory_space<vmem_shared>>
      %dma_start3A_1260 = arith.constant 965888 : i32
      %dma_start3A_1261 = tpu.memref_slice %arg4[%add3A_655, %dma_start3A_1260] : memref<32x1000000xf32, #tpu.memory_space<hbm>> -> memref<1x34048xf32, #tpu.memory_space<hbm>>
      %dma_start3A_1262 = tpu.memref_squeeze %dma_start3A_1261 : memref<1x34048xf32, #tpu.memory_space<hbm>> -> memref<34048xf32, #tpu.memory_space<hbm>>
      tpu.enqueue_dma source(%dma_start3A_1262 : memref<34048xf32, #tpu.memory_space<hbm>>) target(%dma_start3A_1259 : memref<34048xf32, #tpu.memory_space<vmem_shared>>) target_semaphore(%arg23 : memref<!tpu.dma_semaphore, #tpu.memory_space<semaphore_mem>>)
    } else {
    }
    %dma_start3A_666 = arith.constant 0 : i32
    %dma_start3A_667 = tpu.memref_slice %arg21[%dma_start3A_666] : memref<100000xf32, #tpu.memory_space<vmem_shared>> -> memref<100000xf32, #tpu.memory_space<vmem_shared>>
    tpu.enqueue_indirect_dma source(%dma_start3A_667 : memref<100000xf32, #tpu.memory_space<vmem_shared>>) target(%arg13 : memref<1024xf32, #tpu.memory_space<vmem>>) offsets(%arg9 : memref<1024xi32, #tpu.memory_space<vmem>>) semaphore(%arg25 : memref<!tpu.dma_semaphore, #tpu.memory_space<semaphore_mem>>)
    %eq3A_668 = arith.constant 0 : i32
    %eq3A_669 = arith.cmpi eq, %scan3A_11, %eq3A_668 : i32
    %convert_element_type3A_670 = arith.extui %eq3A_669 : i1 to i32
    %cond3A_671 = arith.constant 0 : i32
    %cond3A_672 = arith.cmpi ne, %convert_element_type3A_670, %cond3A_671 : i32
    scf.if %cond3A_672 {
      %scan3A_1258 = arith.constant 0 : i32
      %scan3A_1259 = arith.constant 0 : i32
      %scan3A_1260 = arith.constant 64 : i32
      %scan3A_1261 = arith.addi %scan3A_1259, %scan3A_1260 : i32
      %scan3A_1262 = arith.constant 1 : i32
      scf.for %scan3A_1264 = %scan3A_1259 to %scan3A_1261 step %scan3A_1262  : i32 {
        %mul3A_1265 = arith.constant 16 : i32
        %mul3A_1266 = arith.muli %scan3A_1264, %mul3A_1265 : i32
        %get3A = arith.index_cast %mul3A_1266 : i32 to index
        %get3A_1267 = tpu.vector_load %arg15[%get3A] {strides = array<i32>} : memref<1024xf32, #tpu.memory_space<vmem>>, vector<16xf32>,
        %get3A_1268 = arith.index_cast %mul3A_1266 : i32 to index
        %get3A_1269 = tpu.vector_load %arg12[%get3A_1268] {strides = array<i32>} : memref<1024xf32, #tpu.memory_space<vmem>>, vector<16xf32>,
        %get3A_1270 = arith.index_cast %mul3A_1266 : i32 to index
        %get3A_1271 = tpu.vector_load %arg14[%get3A_1270] {strides = array<i32>} : memref<1024xf32, #tpu.memory_space<vmem>>, vector<16xf32>,
        %mul3A_1272 = arith.mulf %get3A_1269, %get3A_1271 : vector<16xf32>
        %add3A_1273 = arith.addf %get3A_1267, %mul3A_1272 : vector<16xf32>
        %swap3A = arith.index_cast %mul3A_1266 : i32 to index
        %swap3A_1274 = tpu.vector_load %arg15[%swap3A] {strides = array<i32>} : memref<1024xf32, #tpu.memory_space<vmem>>, vector<16xf32>,
        tpu.vector_store %arg15[%swap3A], %add3A_1273 {strides = array<i32>} : memref<1024xf32, #tpu.memory_space<vmem>>, vector<16xf32>,
      }
      %scan3A_1263 = arith.constant 64 : i32
    } else {
    }
    %eq3A_673 = arith.constant 1 : i32
    %eq3A_674 = arith.cmpi eq, %scan3A_11, %eq3A_673 : i32
    %convert_element_type3A_675 = arith.extui %eq3A_674 : i1 to i32
    %cond3A_676 = arith.constant 0 : i32
    %cond3A_677 = arith.cmpi ne, %convert_element_type3A_675, %cond3A_676 : i32
    scf.if %cond3A_677 {
      %scan3A_1258 = arith.constant 0 : i32
      %scan3A_1259 = arith.constant 0 : i32
      %scan3A_1260 = arith.constant 64 : i32
      %scan3A_1261 = arith.addi %scan3A_1259, %scan3A_1260 : i32
      %scan3A_1262 = arith.constant 1 : i32
      scf.for %scan3A_1264 = %scan3A_1259 to %scan3A_1261 step %scan3A_1262  : i32 {
        %mul3A_1265 = arith.constant 16 : i32
        %mul3A_1266 = arith.muli %scan3A_1264, %mul3A_1265 : i32
        %get3A = arith.index_cast %mul3A_1266 : i32 to index
        %get3A_1267 = tpu.vector_load %arg16[%get3A] {strides = array<i32>} : memref<1024xi32, #tpu.memory_space<vmem>>, vector<16xi32>,
        %add3A_1268 = arith.constant 7 : i32
        %add3A_1269 = vector.broadcast %add3A_1268 : i32 to vector<16xi32>
        %add3A_1270 = arith.addi %get3A_1267, %add3A_1269 : vector<16xi32>
        %gather3A = tpu.vector_load_idx %arg18[%add3A_1270] : memref<2048xf32, #tpu.memory_space<vmem>>[vector<16xi32>], vector<16xf32>,
        %get3A_1271 = arith.index_cast %mul3A_1266 : i32 to index
        %get3A_1272 = tpu.vector_load %arg12[%get3A_1271] {strides = array<i32>} : memref<1024xf32, #tpu.memory_space<vmem>>, vector<16xf32>,
        %get3A_1273 = arith.index_cast %mul3A_1266 : i32 to index
        %get3A_1274 = tpu.vector_load %arg17[%get3A_1273] {strides = array<i32>} : memref<1024xf32, #tpu.memory_space<vmem>>, vector<16xf32>,
        %mul3A_1275 = arith.mulf %gather3A, %get3A_1274 : vector<16xf32>
        %add3A_1276 = arith.addf %get3A_1272, %mul3A_1275 : vector<16xf32>
        %get3A_1277 = arith.index_cast %mul3A_1266 : i32 to index
        %get3A_1278 = tpu.vector_load %arg15[%get3A_1277] {strides = array<i32>} : memref<1024xf32, #tpu.memory_space<vmem>>, vector<16xf32>,
        %get3A_1279 = arith.index_cast %mul3A_1266 : i32 to index
        %get3A_1280 = tpu.vector_load %arg14[%get3A_1279] {strides = array<i32>} : memref<1024xf32, #tpu.memory_space<vmem>>, vector<16xf32>,
        %mul3A_1281 = arith.mulf %add3A_1276, %get3A_1280 : vector<16xf32>
        %add3A_1282 = arith.addf %get3A_1278, %mul3A_1281 : vector<16xf32>
        %swap3A = arith.index_cast %mul3A_1266 : i32 to index
        %swap3A_1283 = tpu.vector_load %arg15[%swap3A] {strides = array<i32>} : memref<1024xf32, #tpu.memory_space<vmem>>, vector<16xf32>,
        tpu.vector_store %arg15[%swap3A], %add3A_1282 {strides = array<i32>} : memref<1024xf32, #tpu.memory_space<vmem>>, vector<16xf32>,
      }
      %scan3A_1263 = arith.constant 64 : i32
    } else {
    }
    %dma_wait3A_678 = arith.constant 0 : i32
    %dma_wait3A_679 = tpu.memref_slice %arg21[%dma_wait3A_678] : memref<100000xf32, #tpu.memory_space<vmem_shared>> -> memref<100000xf32, #tpu.memory_space<vmem_shared>>
    tpu.wait_indirect_dma semaphore(%arg25 : memref<!tpu.dma_semaphore, #tpu.memory_space<semaphore_mem>>) src(%dma_wait3A_679 : memref<100000xf32, #tpu.memory_space<vmem_shared>>) dst(%arg13 : memref<1024xf32, #tpu.memory_space<vmem>>)
    %lt3A_680 = arith.constant 14 : i32
    %lt3A_681 = arith.cmpi slt, %arg1, %lt3A_680 : i32
    %convert_element_type3A_682 = arith.extui %lt3A_681 : i1 to i32
    %cond3A_683 = arith.constant 0 : i32
    %cond3A_684 = arith.cmpi ne, %convert_element_type3A_682, %cond3A_683 : i32
    scf.if %cond3A_684 {
      %dma_wait3A_1258 = arith.constant 0 : i32
      %dma_wait3A_1259 = arith.constant 0 : i32
      %dma_wait3A_1260 = tpu.memref_slice %arg20[%dma_wait3A_1259] : memref<1000064xf32, #tpu.memory_space<vmem_shared>> -> memref<33280xf32, #tpu.memory_space<vmem_shared>>
      %dma_wait3A_1261 = arith.constant 0 : i32
      %dma_wait3A_1262 = tpu.memref_slice %arg4[%dma_wait3A_1258, %dma_wait3A_1261] : memref<32x1000000xf32, #tpu.memory_space<hbm>> -> memref<1x33280xf32, #tpu.memory_space<hbm>>
      %dma_wait3A_1263 = tpu.memref_squeeze %dma_wait3A_1262 : memref<1x33280xf32, #tpu.memory_space<hbm>> -> memref<33280xf32, #tpu.memory_space<hbm>>
      tpu.wait_dma2 semaphore(%arg23 : memref<!tpu.dma_semaphore, #tpu.memory_space<semaphore_mem>>) src(%dma_wait3A_1263 : memref<33280xf32, #tpu.memory_space<hbm>>) dst(%dma_wait3A_1260 : memref<33280xf32, #tpu.memory_space<vmem_shared>>)
    } else {
    }
    %eq3A_685 = arith.constant 14 : i32
    %eq3A_686 = arith.cmpi eq, %arg1, %eq3A_685 : i32
    %convert_element_type3A_687 = arith.extui %eq3A_686 : i1 to i32
    %cond3A_688 = arith.constant 0 : i32
    %cond3A_689 = arith.cmpi ne, %convert_element_type3A_687, %cond3A_688 : i32
    scf.if %cond3A_689 {
      %dma_wait3A_1258 = arith.constant 0 : i32
      %dma_wait3A_1259 = arith.constant 0 : i32
      %dma_wait3A_1260 = tpu.memref_slice %arg20[%dma_wait3A_1259] : memref<1000064xf32, #tpu.memory_space<vmem_shared>> -> memref<34048xf32, #tpu.memory_space<vmem_shared>>
      %dma_wait3A_1261 = arith.constant 0 : i32
      %dma_wait3A_1262 = tpu.memref_slice %arg4[%dma_wait3A_1258, %dma_wait3A_1261] : memref<32x1000000xf32, #tpu.memory_space<hbm>> -> memref<1x34048xf32, #tpu.memory_space<hbm>>
      %dma_wait3A_1263 = tpu.memref_squeeze %dma_wait3A_1262 : memref<1x34048xf32, #tpu.memory_space<hbm>> -> memref<34048xf32, #tpu.memory_space<hbm>>
      tpu.wait_dma2 semaphore(%arg23 : memref<!tpu.dma_semaphore, #tpu.memory_space<semaphore_mem>>) src(%dma_wait3A_1263 : memref<34048xf32, #tpu.memory_space<hbm>>) dst(%dma_wait3A_1260 : memref<34048xf32, #tpu.memory_space<vmem_shared>>)
    } else {
    }
    %lt3A_690 = arith.constant 14 : i32
    %lt3A_691 = arith.cmpi slt, %arg1, %lt3A_690 : i32
    %convert_element_type3A_692 = arith.extui %lt3A_691 : i1 to i32
    %cond3A_693 = arith.constant 0 : i32
    %cond3A_694 = arith.cmpi ne, %convert_element_type3A_692, %cond3A_693 : i32
    scf.if %cond3A_694 {
      %dma_wait3A_1258 = arith.constant 0 : i32
      %dma_wait3A_1259 = arith.constant 0 : i32
      %dma_wait3A_1260 = tpu.memref_slice %arg20[%dma_wait3A_1259] : memref<1000064xf32, #tpu.memory_space<vmem_shared>> -> memref<33280xf32, #tpu.memory_space<vmem_shared>>
      %dma_wait3A_1261 = arith.constant 0 : i32
      %dma_wait3A_1262 = tpu.memref_slice %arg4[%dma_wait3A_1258, %dma_wait3A_1261] : memref<32x1000000xf32, #tpu.memory_space<hbm>> -> memref<1x33280xf32, #tpu.memory_space<hbm>>
      %dma_wait3A_1263 = tpu.memref_squeeze %dma_wait3A_1262 : memref<1x33280xf32, #tpu.memory_space<hbm>> -> memref<33280xf32, #tpu.memory_space<hbm>>
      tpu.wait_dma2 semaphore(%arg23 : memref<!tpu.dma_semaphore, #tpu.memory_space<semaphore_mem>>) src(%dma_wait3A_1263 : memref<33280xf32, #tpu.memory_space<hbm>>) dst(%dma_wait3A_1260 : memref<33280xf32, #tpu.memory_space<vmem_shared>>)
    } else {
    }
    %eq3A_695 = arith.constant 14 : i32
    %eq3A_696 = arith.cmpi eq, %arg1, %eq3A_695 : i32
    %convert_element_type3A_697 = arith.extui %eq3A_696 : i1 to i32
    %cond3A_698 = arith.constant 0 : i32
    %cond3A_699 = arith.cmpi ne, %convert_element_type3A_697, %cond3A_698 : i32
    scf.if %cond3A_699 {
      %dma_wait3A_1258 = arith.constant 0 : i32
      %dma_wait3A_1259 = arith.constant 0 : i32
      %dma_wait3A_1260 = tpu.memref_slice %arg20[%dma_wait3A_1259] : memref<1000064xf32, #tpu.memory_space<vmem_shared>> -> memref<34048xf32, #tpu.memory_space<vmem_shared>>
      %dma_wait3A_1261 = arith.constant 0 : i32
      %dma_wait3A_1262 = tpu.memref_slice %arg4[%dma_wait3A_1258, %dma_wait3A_1261] : memref<32x1000000xf32, #tpu.memory_space<hbm>> -> memref<1x34048xf32, #tpu.memory_space<hbm>>
      %dma_wait3A_1263 = tpu.memref_squeeze %dma_wait3A_1262 : memref<1x34048xf32, #tpu.memory_space<hbm>> -> memref<34048xf32, #tpu.memory_space<hbm>>
      tpu.wait_dma2 semaphore(%arg23 : memref<!tpu.dma_semaphore, #tpu.memory_space<semaphore_mem>>) src(%dma_wait3A_1263 : memref<34048xf32, #tpu.memory_space<hbm>>) dst(%dma_wait3A_1260 : memref<34048xf32, #tpu.memory_space<vmem_shared>>)
    } else {
    }
    %barrier3A_700 = arith.constant 0 : index
    tpu.barrier barrier_id(%barrier3A_700)
    %dma_start3A_701 = arith.constant 0 : i32
    %dma_start3A_702 = tpu.memref_slice %arg20[%dma_start3A_701] : memref<1000064xf32, #tpu.memory_space<vmem_shared>> -> memref<1000064xf32, #tpu.memory_space<vmem_shared>>
    tpu.enqueue_indirect_dma source(%dma_start3A_702 : memref<1000064xf32, #tpu.memory_space<vmem_shared>>) target(%arg11 : memref<1024xf32, #tpu.memory_space<vmem>>) offsets(%arg10 : memref<1024xi32, #tpu.memory_space<vmem>>) semaphore(%arg25 : memref<!tpu.dma_semaphore, #tpu.memory_space<semaphore_mem>>)
    %dma_wait3A_703 = arith.constant 0 : i32
    %dma_wait3A_704 = tpu.memref_slice %arg20[%dma_wait3A_703] : memref<1000064xf32, #tpu.memory_space<vmem_shared>> -> memref<1000064xf32, #tpu.memory_space<vmem_shared>>
    tpu.wait_indirect_dma semaphore(%arg25 : memref<!tpu.dma_semaphore, #tpu.memory_space<semaphore_mem>>) src(%dma_wait3A_704 : memref<1000064xf32, #tpu.memory_space<vmem_shared>>) dst(%arg11 : memref<1024xf32, #tpu.memory_space<vmem>>)
    %eq3A_705 = arith.constant 15 : i32
    %eq3A_706 = arith.cmpi eq, %arg1, %eq3A_705 : i32
    %convert_element_type3A_707 = arith.extui %eq3A_706 : i1 to i32
    %cond3A_708 = arith.constant 0 : i32
    %cond3A_709 = arith.cmpi ne, %convert_element_type3A_707, %cond3A_708 : i32
    scf.if %cond3A_709 {
      %dma_wait3A_1258 = arith.constant 0 : i32
      %dma_wait3A_1259 = arith.constant 0 : i32
      %dma_wait3A_1260 = tpu.memref_slice %arg5[%dma_wait3A_1258, %dma_wait3A_1259] : memref<32x100000xf32, #tpu.memory_space<hbm>> -> memref<1x100000xf32, #tpu.memory_space<hbm>>
      %dma_wait3A_1261 = tpu.memref_squeeze %dma_wait3A_1260 : memref<1x100000xf32, #tpu.memory_space<hbm>> -> memref<100000xf32, #tpu.memory_space<hbm>>
      tpu.wait_dma2 semaphore(%arg24 : memref<!tpu.dma_semaphore, #tpu.memory_space<semaphore_mem>>) src(%dma_wait3A_1261 : memref<100000xf32, #tpu.memory_space<hbm>>) dst(%arg21 : memref<100000xf32, #tpu.memory_space<vmem_shared>>)
    } else {
    }
    %barrier3A_710 = arith.constant 0 : index
    tpu.barrier barrier_id(%barrier3A_710)
    %eq3A_711 = arith.constant 15 : i32
    %eq3A_712 = arith.cmpi eq, %arg1, %eq3A_711 : i32
    %convert_element_type3A_713 = arith.extui %eq3A_712 : i1 to i32
    %cond3A_714 = arith.constant 0 : i32
    %cond3A_715 = arith.cmpi ne, %convert_element_type3A_713, %cond3A_714 : i32
    scf.if %cond3A_715 {
      %mul3A_1258 = arith.constant 16 : i32
      %mul3A_1259 = arith.muli %arg0, %mul3A_1258 : i32
      %add3A_1260 = arith.constant 10 : i32
      %add3A_1261 = arith.addi %mul3A_1259, %add3A_1260 : i32
      %dma_start3A_1262 = arith.constant 0 : i32
      %dma_start3A_1263 = tpu.memref_slice %arg5[%add3A_1261, %dma_start3A_1262] : memref<32x100000xf32, #tpu.memory_space<hbm>> -> memref<1x100000xf32, #tpu.memory_space<hbm>>
      %dma_start3A_1264 = tpu.memref_squeeze %dma_start3A_1263 : memref<1x100000xf32, #tpu.memory_space<hbm>> -> memref<100000xf32, #tpu.memory_space<hbm>>
      tpu.enqueue_dma source(%dma_start3A_1264 : memref<100000xf32, #tpu.memory_space<hbm>>) target(%arg21 : memref<100000xf32, #tpu.memory_space<vmem_shared>>) target_semaphore(%arg24 : memref<!tpu.dma_semaphore, #tpu.memory_space<semaphore_mem>>)
    } else {
    }
    %mul3A_716 = arith.constant 16 : i32
    %mul3A_717 = arith.muli %arg0, %mul3A_716 : i32
    %add3A_718 = arith.constant 9 : i32
    %add3A_719 = arith.addi %mul3A_717, %add3A_718 : i32
    %lt3A_720 = arith.constant 14 : i32
    %lt3A_721 = arith.cmpi slt, %arg1, %lt3A_720 : i32
    %convert_element_type3A_722 = arith.extui %lt3A_721 : i1 to i32
    %cond3A_723 = arith.constant 0 : i32
    %cond3A_724 = arith.cmpi ne, %convert_element_type3A_722, %cond3A_723 : i32
    scf.if %cond3A_724 {
      %mul3A_1258 = arith.constant 33280 : i32
      %mul3A_1259 = arith.muli %arg1, %mul3A_1258 : i32
      %add3A_1260 = arith.constant 0 : i32
      %add3A_1261 = arith.addi %add3A_1260, %mul3A_1259 : i32
      %multiple_of3A = tpu.assume_multiple %add3A_1261, 128 : i32
      %dma_start3A_1262 = tpu.memref_slice %arg20[%multiple_of3A] : memref<1000064xf32, #tpu.memory_space<vmem_shared>> -> memref<33280xf32, #tpu.memory_space<vmem_shared>>
      %dma_start3A_1263 = tpu.memref_slice %arg4[%add3A_719, %multiple_of3A] : memref<32x1000000xf32, #tpu.memory_space<hbm>> -> memref<1x33280xf32, #tpu.memory_space<hbm>>
      %dma_start3A_1264 = tpu.memref_squeeze %dma_start3A_1263 : memref<1x33280xf32, #tpu.memory_space<hbm>> -> memref<33280xf32, #tpu.memory_space<hbm>>
      tpu.enqueue_dma source(%dma_start3A_1264 : memref<33280xf32, #tpu.memory_space<hbm>>) target(%dma_start3A_1262 : memref<33280xf32, #tpu.memory_space<vmem_shared>>) target_semaphore(%arg23 : memref<!tpu.dma_semaphore, #tpu.memory_space<semaphore_mem>>)
    } else {
    }
    %eq3A_725 = arith.constant 14 : i32
    %eq3A_726 = arith.cmpi eq, %arg1, %eq3A_725 : i32
    %convert_element_type3A_727 = arith.extui %eq3A_726 : i1 to i32
    %cond3A_728 = arith.constant 0 : i32
    %cond3A_729 = arith.cmpi ne, %convert_element_type3A_727, %cond3A_728 : i32
    scf.if %cond3A_729 {
      %dma_start3A_1258 = arith.constant 465920 : i32
      %dma_start3A_1259 = tpu.memref_slice %arg20[%dma_start3A_1258] : memref<1000064xf32, #tpu.memory_space<vmem_shared>> -> memref<34048xf32, #tpu.memory_space<vmem_shared>>
      %dma_start3A_1260 = arith.constant 465920 : i32
      %dma_start3A_1261 = tpu.memref_slice %arg4[%add3A_719, %dma_start3A_1260] : memref<32x1000000xf32, #tpu.memory_space<hbm>> -> memref<1x34048xf32, #tpu.memory_space<hbm>>
      %dma_start3A_1262 = tpu.memref_squeeze %dma_start3A_1261 : memref<1x34048xf32, #tpu.memory_space<hbm>> -> memref<34048xf32, #tpu.memory_space<hbm>>
      tpu.enqueue_dma source(%dma_start3A_1262 : memref<34048xf32, #tpu.memory_space<hbm>>) target(%dma_start3A_1259 : memref<34048xf32, #tpu.memory_space<vmem_shared>>) target_semaphore(%arg23 : memref<!tpu.dma_semaphore, #tpu.memory_space<semaphore_mem>>)
    } else {
    }
    %mul3A_730 = arith.constant 16 : i32
    %mul3A_731 = arith.muli %arg0, %mul3A_730 : i32
    %add3A_732 = arith.constant 9 : i32
    %add3A_733 = arith.addi %mul3A_731, %add3A_732 : i32
    %lt3A_734 = arith.constant 14 : i32
    %lt3A_735 = arith.cmpi slt, %arg1, %lt3A_734 : i32
    %convert_element_type3A_736 = arith.extui %lt3A_735 : i1 to i32
    %cond3A_737 = arith.constant 0 : i32
    %cond3A_738 = arith.cmpi ne, %convert_element_type3A_736, %cond3A_737 : i32
    scf.if %cond3A_738 {
      %mul3A_1258 = arith.constant 33280 : i32
      %mul3A_1259 = arith.muli %arg1, %mul3A_1258 : i32
      %add3A_1260 = arith.constant 499968 : i32
      %add3A_1261 = arith.addi %add3A_1260, %mul3A_1259 : i32
      %multiple_of3A = tpu.assume_multiple %add3A_1261, 128 : i32
      %dma_start3A_1262 = tpu.memref_slice %arg20[%multiple_of3A] : memref<1000064xf32, #tpu.memory_space<vmem_shared>> -> memref<33280xf32, #tpu.memory_space<vmem_shared>>
      %dma_start3A_1263 = tpu.memref_slice %arg4[%add3A_733, %multiple_of3A] : memref<32x1000000xf32, #tpu.memory_space<hbm>> -> memref<1x33280xf32, #tpu.memory_space<hbm>>
      %dma_start3A_1264 = tpu.memref_squeeze %dma_start3A_1263 : memref<1x33280xf32, #tpu.memory_space<hbm>> -> memref<33280xf32, #tpu.memory_space<hbm>>
      tpu.enqueue_dma source(%dma_start3A_1264 : memref<33280xf32, #tpu.memory_space<hbm>>) target(%dma_start3A_1262 : memref<33280xf32, #tpu.memory_space<vmem_shared>>) target_semaphore(%arg23 : memref<!tpu.dma_semaphore, #tpu.memory_space<semaphore_mem>>)
    } else {
    }
    %eq3A_739 = arith.constant 14 : i32
    %eq3A_740 = arith.cmpi eq, %arg1, %eq3A_739 : i32
    %convert_element_type3A_741 = arith.extui %eq3A_740 : i1 to i32
    %cond3A_742 = arith.constant 0 : i32
    %cond3A_743 = arith.cmpi ne, %convert_element_type3A_741, %cond3A_742 : i32
    scf.if %cond3A_743 {
      %dma_start3A_1258 = arith.constant 965888 : i32
      %dma_start3A_1259 = tpu.memref_slice %arg20[%dma_start3A_1258] : memref<1000064xf32, #tpu.memory_space<vmem_shared>> -> memref<34048xf32, #tpu.memory_space<vmem_shared>>
      %dma_start3A_1260 = arith.constant 965888 : i32
      %dma_start3A_1261 = tpu.memref_slice %arg4[%add3A_733, %dma_start3A_1260] : memref<32x1000000xf32, #tpu.memory_space<hbm>> -> memref<1x34048xf32, #tpu.memory_space<hbm>>
      %dma_start3A_1262 = tpu.memref_squeeze %dma_start3A_1261 : memref<1x34048xf32, #tpu.memory_space<hbm>> -> memref<34048xf32, #tpu.memory_space<hbm>>
      tpu.enqueue_dma source(%dma_start3A_1262 : memref<34048xf32, #tpu.memory_space<hbm>>) target(%dma_start3A_1259 : memref<34048xf32, #tpu.memory_space<vmem_shared>>) target_semaphore(%arg23 : memref<!tpu.dma_semaphore, #tpu.memory_space<semaphore_mem>>)
    } else {
    }
    %dma_start3A_744 = arith.constant 0 : i32
    %dma_start3A_745 = tpu.memref_slice %arg22[%dma_start3A_744] : memref<100000xf32, #tpu.memory_space<vmem_shared>> -> memref<100000xf32, #tpu.memory_space<vmem_shared>>
    tpu.enqueue_indirect_dma source(%dma_start3A_745 : memref<100000xf32, #tpu.memory_space<vmem_shared>>) target(%arg14 : memref<1024xf32, #tpu.memory_space<vmem>>) offsets(%arg9 : memref<1024xi32, #tpu.memory_space<vmem>>) semaphore(%arg25 : memref<!tpu.dma_semaphore, #tpu.memory_space<semaphore_mem>>)
    %eq3A_746 = arith.constant 0 : i32
    %eq3A_747 = arith.cmpi eq, %scan3A_11, %eq3A_746 : i32
    %convert_element_type3A_748 = arith.extui %eq3A_747 : i1 to i32
    %cond3A_749 = arith.constant 0 : i32
    %cond3A_750 = arith.cmpi ne, %convert_element_type3A_748, %cond3A_749 : i32
    scf.if %cond3A_750 {
      %scan3A_1258 = arith.constant 0 : i32
      %scan3A_1259 = arith.constant 0 : i32
      %scan3A_1260 = arith.constant 64 : i32
      %scan3A_1261 = arith.addi %scan3A_1259, %scan3A_1260 : i32
      %scan3A_1262 = arith.constant 1 : i32
      scf.for %scan3A_1264 = %scan3A_1259 to %scan3A_1261 step %scan3A_1262  : i32 {
        %mul3A_1265 = arith.constant 16 : i32
        %mul3A_1266 = arith.muli %scan3A_1264, %mul3A_1265 : i32
        %get3A = arith.index_cast %mul3A_1266 : i32 to index
        %get3A_1267 = tpu.vector_load %arg15[%get3A] {strides = array<i32>} : memref<1024xf32, #tpu.memory_space<vmem>>, vector<16xf32>,
        %get3A_1268 = arith.index_cast %mul3A_1266 : i32 to index
        %get3A_1269 = tpu.vector_load %arg11[%get3A_1268] {strides = array<i32>} : memref<1024xf32, #tpu.memory_space<vmem>>, vector<16xf32>,
        %get3A_1270 = arith.index_cast %mul3A_1266 : i32 to index
        %get3A_1271 = tpu.vector_load %arg13[%get3A_1270] {strides = array<i32>} : memref<1024xf32, #tpu.memory_space<vmem>>, vector<16xf32>,
        %mul3A_1272 = arith.mulf %get3A_1269, %get3A_1271 : vector<16xf32>
        %add3A_1273 = arith.addf %get3A_1267, %mul3A_1272 : vector<16xf32>
        %swap3A = arith.index_cast %mul3A_1266 : i32 to index
        %swap3A_1274 = tpu.vector_load %arg15[%swap3A] {strides = array<i32>} : memref<1024xf32, #tpu.memory_space<vmem>>, vector<16xf32>,
        tpu.vector_store %arg15[%swap3A], %add3A_1273 {strides = array<i32>} : memref<1024xf32, #tpu.memory_space<vmem>>, vector<16xf32>,
      }
      %scan3A_1263 = arith.constant 64 : i32
    } else {
    }
    %eq3A_751 = arith.constant 1 : i32
    %eq3A_752 = arith.cmpi eq, %scan3A_11, %eq3A_751 : i32
    %convert_element_type3A_753 = arith.extui %eq3A_752 : i1 to i32
    %cond3A_754 = arith.constant 0 : i32
    %cond3A_755 = arith.cmpi ne, %convert_element_type3A_753, %cond3A_754 : i32
    scf.if %cond3A_755 {
      %scan3A_1258 = arith.constant 0 : i32
      %scan3A_1259 = arith.constant 0 : i32
      %scan3A_1260 = arith.constant 64 : i32
      %scan3A_1261 = arith.addi %scan3A_1259, %scan3A_1260 : i32
      %scan3A_1262 = arith.constant 1 : i32
      scf.for %scan3A_1264 = %scan3A_1259 to %scan3A_1261 step %scan3A_1262  : i32 {
        %mul3A_1265 = arith.constant 16 : i32
        %mul3A_1266 = arith.muli %scan3A_1264, %mul3A_1265 : i32
        %get3A = arith.index_cast %mul3A_1266 : i32 to index
        %get3A_1267 = tpu.vector_load %arg16[%get3A] {strides = array<i32>} : memref<1024xi32, #tpu.memory_space<vmem>>, vector<16xi32>,
        %add3A_1268 = arith.constant 8 : i32
        %add3A_1269 = vector.broadcast %add3A_1268 : i32 to vector<16xi32>
        %add3A_1270 = arith.addi %get3A_1267, %add3A_1269 : vector<16xi32>
        %gather3A = tpu.vector_load_idx %arg18[%add3A_1270] : memref<2048xf32, #tpu.memory_space<vmem>>[vector<16xi32>], vector<16xf32>,
        %get3A_1271 = arith.index_cast %mul3A_1266 : i32 to index
        %get3A_1272 = tpu.vector_load %arg11[%get3A_1271] {strides = array<i32>} : memref<1024xf32, #tpu.memory_space<vmem>>, vector<16xf32>,
        %get3A_1273 = arith.index_cast %mul3A_1266 : i32 to index
        %get3A_1274 = tpu.vector_load %arg17[%get3A_1273] {strides = array<i32>} : memref<1024xf32, #tpu.memory_space<vmem>>, vector<16xf32>,
        %mul3A_1275 = arith.mulf %gather3A, %get3A_1274 : vector<16xf32>
        %add3A_1276 = arith.addf %get3A_1272, %mul3A_1275 : vector<16xf32>
        %get3A_1277 = arith.index_cast %mul3A_1266 : i32 to index
        %get3A_1278 = tpu.vector_load %arg15[%get3A_1277] {strides = array<i32>} : memref<1024xf32, #tpu.memory_space<vmem>>, vector<16xf32>,
        %get3A_1279 = arith.index_cast %mul3A_1266 : i32 to index
        %get3A_1280 = tpu.vector_load %arg13[%get3A_1279] {strides = array<i32>} : memref<1024xf32, #tpu.memory_space<vmem>>, vector<16xf32>,
        %mul3A_1281 = arith.mulf %add3A_1276, %get3A_1280 : vector<16xf32>
        %add3A_1282 = arith.addf %get3A_1278, %mul3A_1281 : vector<16xf32>
        %swap3A = arith.index_cast %mul3A_1266 : i32 to index
        %swap3A_1283 = tpu.vector_load %arg15[%swap3A] {strides = array<i32>} : memref<1024xf32, #tpu.memory_space<vmem>>, vector<16xf32>,
        tpu.vector_store %arg15[%swap3A], %add3A_1282 {strides = array<i32>} : memref<1024xf32, #tpu.memory_space<vmem>>, vector<16xf32>,
      }
      %scan3A_1263 = arith.constant 64 : i32
    } else {
    }
    %dma_wait3A_756 = arith.constant 0 : i32
    %dma_wait3A_757 = tpu.memref_slice %arg22[%dma_wait3A_756] : memref<100000xf32, #tpu.memory_space<vmem_shared>> -> memref<100000xf32, #tpu.memory_space<vmem_shared>>
    tpu.wait_indirect_dma semaphore(%arg25 : memref<!tpu.dma_semaphore, #tpu.memory_space<semaphore_mem>>) src(%dma_wait3A_757 : memref<100000xf32, #tpu.memory_space<vmem_shared>>) dst(%arg14 : memref<1024xf32, #tpu.memory_space<vmem>>)
    %lt3A_758 = arith.constant 14 : i32
    %lt3A_759 = arith.cmpi slt, %arg1, %lt3A_758 : i32
    %convert_element_type3A_760 = arith.extui %lt3A_759 : i1 to i32
    %cond3A_761 = arith.constant 0 : i32
    %cond3A_762 = arith.cmpi ne, %convert_element_type3A_760, %cond3A_761 : i32
    scf.if %cond3A_762 {
      %dma_wait3A_1258 = arith.constant 0 : i32
      %dma_wait3A_1259 = arith.constant 0 : i32
      %dma_wait3A_1260 = tpu.memref_slice %arg20[%dma_wait3A_1259] : memref<1000064xf32, #tpu.memory_space<vmem_shared>> -> memref<33280xf32, #tpu.memory_space<vmem_shared>>
      %dma_wait3A_1261 = arith.constant 0 : i32
      %dma_wait3A_1262 = tpu.memref_slice %arg4[%dma_wait3A_1258, %dma_wait3A_1261] : memref<32x1000000xf32, #tpu.memory_space<hbm>> -> memref<1x33280xf32, #tpu.memory_space<hbm>>
      %dma_wait3A_1263 = tpu.memref_squeeze %dma_wait3A_1262 : memref<1x33280xf32, #tpu.memory_space<hbm>> -> memref<33280xf32, #tpu.memory_space<hbm>>
      tpu.wait_dma2 semaphore(%arg23 : memref<!tpu.dma_semaphore, #tpu.memory_space<semaphore_mem>>) src(%dma_wait3A_1263 : memref<33280xf32, #tpu.memory_space<hbm>>) dst(%dma_wait3A_1260 : memref<33280xf32, #tpu.memory_space<vmem_shared>>)
    } else {
    }
    %eq3A_763 = arith.constant 14 : i32
    %eq3A_764 = arith.cmpi eq, %arg1, %eq3A_763 : i32
    %convert_element_type3A_765 = arith.extui %eq3A_764 : i1 to i32
    %cond3A_766 = arith.constant 0 : i32
    %cond3A_767 = arith.cmpi ne, %convert_element_type3A_765, %cond3A_766 : i32
    scf.if %cond3A_767 {
      %dma_wait3A_1258 = arith.constant 0 : i32
      %dma_wait3A_1259 = arith.constant 0 : i32
      %dma_wait3A_1260 = tpu.memref_slice %arg20[%dma_wait3A_1259] : memref<1000064xf32, #tpu.memory_space<vmem_shared>> -> memref<34048xf32, #tpu.memory_space<vmem_shared>>
      %dma_wait3A_1261 = arith.constant 0 : i32
      %dma_wait3A_1262 = tpu.memref_slice %arg4[%dma_wait3A_1258, %dma_wait3A_1261] : memref<32x1000000xf32, #tpu.memory_space<hbm>> -> memref<1x34048xf32, #tpu.memory_space<hbm>>
      %dma_wait3A_1263 = tpu.memref_squeeze %dma_wait3A_1262 : memref<1x34048xf32, #tpu.memory_space<hbm>> -> memref<34048xf32, #tpu.memory_space<hbm>>
      tpu.wait_dma2 semaphore(%arg23 : memref<!tpu.dma_semaphore, #tpu.memory_space<semaphore_mem>>) src(%dma_wait3A_1263 : memref<34048xf32, #tpu.memory_space<hbm>>) dst(%dma_wait3A_1260 : memref<34048xf32, #tpu.memory_space<vmem_shared>>)
    } else {
    }
    %lt3A_768 = arith.constant 14 : i32
    %lt3A_769 = arith.cmpi slt, %arg1, %lt3A_768 : i32
    %convert_element_type3A_770 = arith.extui %lt3A_769 : i1 to i32
    %cond3A_771 = arith.constant 0 : i32
    %cond3A_772 = arith.cmpi ne, %convert_element_type3A_770, %cond3A_771 : i32
    scf.if %cond3A_772 {
      %dma_wait3A_1258 = arith.constant 0 : i32
      %dma_wait3A_1259 = arith.constant 0 : i32
      %dma_wait3A_1260 = tpu.memref_slice %arg20[%dma_wait3A_1259] : memref<1000064xf32, #tpu.memory_space<vmem_shared>> -> memref<33280xf32, #tpu.memory_space<vmem_shared>>
      %dma_wait3A_1261 = arith.constant 0 : i32
      %dma_wait3A_1262 = tpu.memref_slice %arg4[%dma_wait3A_1258, %dma_wait3A_1261] : memref<32x1000000xf32, #tpu.memory_space<hbm>> -> memref<1x33280xf32, #tpu.memory_space<hbm>>
      %dma_wait3A_1263 = tpu.memref_squeeze %dma_wait3A_1262 : memref<1x33280xf32, #tpu.memory_space<hbm>> -> memref<33280xf32, #tpu.memory_space<hbm>>
      tpu.wait_dma2 semaphore(%arg23 : memref<!tpu.dma_semaphore, #tpu.memory_space<semaphore_mem>>) src(%dma_wait3A_1263 : memref<33280xf32, #tpu.memory_space<hbm>>) dst(%dma_wait3A_1260 : memref<33280xf32, #tpu.memory_space<vmem_shared>>)
    } else {
    }
    %eq3A_773 = arith.constant 14 : i32
    %eq3A_774 = arith.cmpi eq, %arg1, %eq3A_773 : i32
    %convert_element_type3A_775 = arith.extui %eq3A_774 : i1 to i32
    %cond3A_776 = arith.constant 0 : i32
    %cond3A_777 = arith.cmpi ne, %convert_element_type3A_775, %cond3A_776 : i32
    scf.if %cond3A_777 {
      %dma_wait3A_1258 = arith.constant 0 : i32
      %dma_wait3A_1259 = arith.constant 0 : i32
      %dma_wait3A_1260 = tpu.memref_slice %arg20[%dma_wait3A_1259] : memref<1000064xf32, #tpu.memory_space<vmem_shared>> -> memref<34048xf32, #tpu.memory_space<vmem_shared>>
      %dma_wait3A_1261 = arith.constant 0 : i32
      %dma_wait3A_1262 = tpu.memref_slice %arg4[%dma_wait3A_1258, %dma_wait3A_1261] : memref<32x1000000xf32, #tpu.memory_space<hbm>> -> memref<1x34048xf32, #tpu.memory_space<hbm>>
      %dma_wait3A_1263 = tpu.memref_squeeze %dma_wait3A_1262 : memref<1x34048xf32, #tpu.memory_space<hbm>> -> memref<34048xf32, #tpu.memory_space<hbm>>
      tpu.wait_dma2 semaphore(%arg23 : memref<!tpu.dma_semaphore, #tpu.memory_space<semaphore_mem>>) src(%dma_wait3A_1263 : memref<34048xf32, #tpu.memory_space<hbm>>) dst(%dma_wait3A_1260 : memref<34048xf32, #tpu.memory_space<vmem_shared>>)
    } else {
    }
    %barrier3A_778 = arith.constant 0 : index
    tpu.barrier barrier_id(%barrier3A_778)
    %dma_start3A_779 = arith.constant 0 : i32
    %dma_start3A_780 = tpu.memref_slice %arg20[%dma_start3A_779] : memref<1000064xf32, #tpu.memory_space<vmem_shared>> -> memref<1000064xf32, #tpu.memory_space<vmem_shared>>
    tpu.enqueue_indirect_dma source(%dma_start3A_780 : memref<1000064xf32, #tpu.memory_space<vmem_shared>>) target(%arg12 : memref<1024xf32, #tpu.memory_space<vmem>>) offsets(%arg10 : memref<1024xi32, #tpu.memory_space<vmem>>) semaphore(%arg25 : memref<!tpu.dma_semaphore, #tpu.memory_space<semaphore_mem>>)
    %dma_wait3A_781 = arith.constant 0 : i32
    %dma_wait3A_782 = tpu.memref_slice %arg20[%dma_wait3A_781] : memref<1000064xf32, #tpu.memory_space<vmem_shared>> -> memref<1000064xf32, #tpu.memory_space<vmem_shared>>
    tpu.wait_indirect_dma semaphore(%arg25 : memref<!tpu.dma_semaphore, #tpu.memory_space<semaphore_mem>>) src(%dma_wait3A_782 : memref<1000064xf32, #tpu.memory_space<vmem_shared>>) dst(%arg12 : memref<1024xf32, #tpu.memory_space<vmem>>)
    %eq3A_783 = arith.constant 15 : i32
    %eq3A_784 = arith.cmpi eq, %arg1, %eq3A_783 : i32
    %convert_element_type3A_785 = arith.extui %eq3A_784 : i1 to i32
    %cond3A_786 = arith.constant 0 : i32
    %cond3A_787 = arith.cmpi ne, %convert_element_type3A_785, %cond3A_786 : i32
    scf.if %cond3A_787 {
      %dma_wait3A_1258 = arith.constant 0 : i32
      %dma_wait3A_1259 = arith.constant 0 : i32
      %dma_wait3A_1260 = tpu.memref_slice %arg5[%dma_wait3A_1258, %dma_wait3A_1259] : memref<32x100000xf32, #tpu.memory_space<hbm>> -> memref<1x100000xf32, #tpu.memory_space<hbm>>
      %dma_wait3A_1261 = tpu.memref_squeeze %dma_wait3A_1260 : memref<1x100000xf32, #tpu.memory_space<hbm>> -> memref<100000xf32, #tpu.memory_space<hbm>>
      tpu.wait_dma2 semaphore(%arg24 : memref<!tpu.dma_semaphore, #tpu.memory_space<semaphore_mem>>) src(%dma_wait3A_1261 : memref<100000xf32, #tpu.memory_space<hbm>>) dst(%arg21 : memref<100000xf32, #tpu.memory_space<vmem_shared>>)
    } else {
    }
    %barrier3A_788 = arith.constant 0 : index
    tpu.barrier barrier_id(%barrier3A_788)
    %eq3A_789 = arith.constant 15 : i32
    %eq3A_790 = arith.cmpi eq, %arg1, %eq3A_789 : i32
    %convert_element_type3A_791 = arith.extui %eq3A_790 : i1 to i32
    %cond3A_792 = arith.constant 0 : i32
    %cond3A_793 = arith.cmpi ne, %convert_element_type3A_791, %cond3A_792 : i32
    scf.if %cond3A_793 {
      %mul3A_1258 = arith.constant 16 : i32
      %mul3A_1259 = arith.muli %arg0, %mul3A_1258 : i32
      %add3A_1260 = arith.constant 11 : i32
      %add3A_1261 = arith.addi %mul3A_1259, %add3A_1260 : i32
      %dma_start3A_1262 = arith.constant 0 : i32
      %dma_start3A_1263 = tpu.memref_slice %arg5[%add3A_1261, %dma_start3A_1262] : memref<32x100000xf32, #tpu.memory_space<hbm>> -> memref<1x100000xf32, #tpu.memory_space<hbm>>
      %dma_start3A_1264 = tpu.memref_squeeze %dma_start3A_1263 : memref<1x100000xf32, #tpu.memory_space<hbm>> -> memref<100000xf32, #tpu.memory_space<hbm>>
      tpu.enqueue_dma source(%dma_start3A_1264 : memref<100000xf32, #tpu.memory_space<hbm>>) target(%arg22 : memref<100000xf32, #tpu.memory_space<vmem_shared>>) target_semaphore(%arg24 : memref<!tpu.dma_semaphore, #tpu.memory_space<semaphore_mem>>)
    } else {
    }
    %mul3A_794 = arith.constant 16 : i32
    %mul3A_795 = arith.muli %arg0, %mul3A_794 : i32
    %add3A_796 = arith.constant 10 : i32
    %add3A_797 = arith.addi %mul3A_795, %add3A_796 : i32
    %lt3A_798 = arith.constant 14 : i32
    %lt3A_799 = arith.cmpi slt, %arg1, %lt3A_798 : i32
    %convert_element_type3A_800 = arith.extui %lt3A_799 : i1 to i32
    %cond3A_801 = arith.constant 0 : i32
    %cond3A_802 = arith.cmpi ne, %convert_element_type3A_800, %cond3A_801 : i32
    scf.if %cond3A_802 {
      %mul3A_1258 = arith.constant 33280 : i32
      %mul3A_1259 = arith.muli %arg1, %mul3A_1258 : i32
      %add3A_1260 = arith.constant 0 : i32
      %add3A_1261 = arith.addi %add3A_1260, %mul3A_1259 : i32
      %multiple_of3A = tpu.assume_multiple %add3A_1261, 128 : i32
      %dma_start3A_1262 = tpu.memref_slice %arg20[%multiple_of3A] : memref<1000064xf32, #tpu.memory_space<vmem_shared>> -> memref<33280xf32, #tpu.memory_space<vmem_shared>>
      %dma_start3A_1263 = tpu.memref_slice %arg4[%add3A_797, %multiple_of3A] : memref<32x1000000xf32, #tpu.memory_space<hbm>> -> memref<1x33280xf32, #tpu.memory_space<hbm>>
      %dma_start3A_1264 = tpu.memref_squeeze %dma_start3A_1263 : memref<1x33280xf32, #tpu.memory_space<hbm>> -> memref<33280xf32, #tpu.memory_space<hbm>>
      tpu.enqueue_dma source(%dma_start3A_1264 : memref<33280xf32, #tpu.memory_space<hbm>>) target(%dma_start3A_1262 : memref<33280xf32, #tpu.memory_space<vmem_shared>>) target_semaphore(%arg23 : memref<!tpu.dma_semaphore, #tpu.memory_space<semaphore_mem>>)
    } else {
    }
    %eq3A_803 = arith.constant 14 : i32
    %eq3A_804 = arith.cmpi eq, %arg1, %eq3A_803 : i32
    %convert_element_type3A_805 = arith.extui %eq3A_804 : i1 to i32
    %cond3A_806 = arith.constant 0 : i32
    %cond3A_807 = arith.cmpi ne, %convert_element_type3A_805, %cond3A_806 : i32
    scf.if %cond3A_807 {
      %dma_start3A_1258 = arith.constant 465920 : i32
      %dma_start3A_1259 = tpu.memref_slice %arg20[%dma_start3A_1258] : memref<1000064xf32, #tpu.memory_space<vmem_shared>> -> memref<34048xf32, #tpu.memory_space<vmem_shared>>
      %dma_start3A_1260 = arith.constant 465920 : i32
      %dma_start3A_1261 = tpu.memref_slice %arg4[%add3A_797, %dma_start3A_1260] : memref<32x1000000xf32, #tpu.memory_space<hbm>> -> memref<1x34048xf32, #tpu.memory_space<hbm>>
      %dma_start3A_1262 = tpu.memref_squeeze %dma_start3A_1261 : memref<1x34048xf32, #tpu.memory_space<hbm>> -> memref<34048xf32, #tpu.memory_space<hbm>>
      tpu.enqueue_dma source(%dma_start3A_1262 : memref<34048xf32, #tpu.memory_space<hbm>>) target(%dma_start3A_1259 : memref<34048xf32, #tpu.memory_space<vmem_shared>>) target_semaphore(%arg23 : memref<!tpu.dma_semaphore, #tpu.memory_space<semaphore_mem>>)
    } else {
    }
    %mul3A_808 = arith.constant 16 : i32
    %mul3A_809 = arith.muli %arg0, %mul3A_808 : i32
    %add3A_810 = arith.constant 10 : i32
    %add3A_811 = arith.addi %mul3A_809, %add3A_810 : i32
    %lt3A_812 = arith.constant 14 : i32
    %lt3A_813 = arith.cmpi slt, %arg1, %lt3A_812 : i32
    %convert_element_type3A_814 = arith.extui %lt3A_813 : i1 to i32
    %cond3A_815 = arith.constant 0 : i32
    %cond3A_816 = arith.cmpi ne, %convert_element_type3A_814, %cond3A_815 : i32
    scf.if %cond3A_816 {
      %mul3A_1258 = arith.constant 33280 : i32
      %mul3A_1259 = arith.muli %arg1, %mul3A_1258 : i32
      %add3A_1260 = arith.constant 499968 : i32
      %add3A_1261 = arith.addi %add3A_1260, %mul3A_1259 : i32
      %multiple_of3A = tpu.assume_multiple %add3A_1261, 128 : i32
      %dma_start3A_1262 = tpu.memref_slice %arg20[%multiple_of3A] : memref<1000064xf32, #tpu.memory_space<vmem_shared>> -> memref<33280xf32, #tpu.memory_space<vmem_shared>>
      %dma_start3A_1263 = tpu.memref_slice %arg4[%add3A_811, %multiple_of3A] : memref<32x1000000xf32, #tpu.memory_space<hbm>> -> memref<1x33280xf32, #tpu.memory_space<hbm>>
      %dma_start3A_1264 = tpu.memref_squeeze %dma_start3A_1263 : memref<1x33280xf32, #tpu.memory_space<hbm>> -> memref<33280xf32, #tpu.memory_space<hbm>>
      tpu.enqueue_dma source(%dma_start3A_1264 : memref<33280xf32, #tpu.memory_space<hbm>>) target(%dma_start3A_1262 : memref<33280xf32, #tpu.memory_space<vmem_shared>>) target_semaphore(%arg23 : memref<!tpu.dma_semaphore, #tpu.memory_space<semaphore_mem>>)
    } else {
    }
    %eq3A_817 = arith.constant 14 : i32
    %eq3A_818 = arith.cmpi eq, %arg1, %eq3A_817 : i32
    %convert_element_type3A_819 = arith.extui %eq3A_818 : i1 to i32
    %cond3A_820 = arith.constant 0 : i32
    %cond3A_821 = arith.cmpi ne, %convert_element_type3A_819, %cond3A_820 : i32
    scf.if %cond3A_821 {
      %dma_start3A_1258 = arith.constant 965888 : i32
      %dma_start3A_1259 = tpu.memref_slice %arg20[%dma_start3A_1258] : memref<1000064xf32, #tpu.memory_space<vmem_shared>> -> memref<34048xf32, #tpu.memory_space<vmem_shared>>
      %dma_start3A_1260 = arith.constant 965888 : i32
      %dma_start3A_1261 = tpu.memref_slice %arg4[%add3A_811, %dma_start3A_1260] : memref<32x1000000xf32, #tpu.memory_space<hbm>> -> memref<1x34048xf32, #tpu.memory_space<hbm>>
      %dma_start3A_1262 = tpu.memref_squeeze %dma_start3A_1261 : memref<1x34048xf32, #tpu.memory_space<hbm>> -> memref<34048xf32, #tpu.memory_space<hbm>>
      tpu.enqueue_dma source(%dma_start3A_1262 : memref<34048xf32, #tpu.memory_space<hbm>>) target(%dma_start3A_1259 : memref<34048xf32, #tpu.memory_space<vmem_shared>>) target_semaphore(%arg23 : memref<!tpu.dma_semaphore, #tpu.memory_space<semaphore_mem>>)
    } else {
    }
    %dma_start3A_822 = arith.constant 0 : i32
    %dma_start3A_823 = tpu.memref_slice %arg21[%dma_start3A_822] : memref<100000xf32, #tpu.memory_space<vmem_shared>> -> memref<100000xf32, #tpu.memory_space<vmem_shared>>
    tpu.enqueue_indirect_dma source(%dma_start3A_823 : memref<100000xf32, #tpu.memory_space<vmem_shared>>) target(%arg13 : memref<1024xf32, #tpu.memory_space<vmem>>) offsets(%arg9 : memref<1024xi32, #tpu.memory_space<vmem>>) semaphore(%arg25 : memref<!tpu.dma_semaphore, #tpu.memory_space<semaphore_mem>>)
    %eq3A_824 = arith.constant 0 : i32
    %eq3A_825 = arith.cmpi eq, %scan3A_11, %eq3A_824 : i32
    %convert_element_type3A_826 = arith.extui %eq3A_825 : i1 to i32
    %cond3A_827 = arith.constant 0 : i32
    %cond3A_828 = arith.cmpi ne, %convert_element_type3A_826, %cond3A_827 : i32
    scf.if %cond3A_828 {
      %scan3A_1258 = arith.constant 0 : i32
      %scan3A_1259 = arith.constant 0 : i32
      %scan3A_1260 = arith.constant 64 : i32
      %scan3A_1261 = arith.addi %scan3A_1259, %scan3A_1260 : i32
      %scan3A_1262 = arith.constant 1 : i32
      scf.for %scan3A_1264 = %scan3A_1259 to %scan3A_1261 step %scan3A_1262  : i32 {
        %mul3A_1265 = arith.constant 16 : i32
        %mul3A_1266 = arith.muli %scan3A_1264, %mul3A_1265 : i32
        %get3A = arith.index_cast %mul3A_1266 : i32 to index
        %get3A_1267 = tpu.vector_load %arg15[%get3A] {strides = array<i32>} : memref<1024xf32, #tpu.memory_space<vmem>>, vector<16xf32>,
        %get3A_1268 = arith.index_cast %mul3A_1266 : i32 to index
        %get3A_1269 = tpu.vector_load %arg12[%get3A_1268] {strides = array<i32>} : memref<1024xf32, #tpu.memory_space<vmem>>, vector<16xf32>,
        %get3A_1270 = arith.index_cast %mul3A_1266 : i32 to index
        %get3A_1271 = tpu.vector_load %arg14[%get3A_1270] {strides = array<i32>} : memref<1024xf32, #tpu.memory_space<vmem>>, vector<16xf32>,
        %mul3A_1272 = arith.mulf %get3A_1269, %get3A_1271 : vector<16xf32>
        %add3A_1273 = arith.addf %get3A_1267, %mul3A_1272 : vector<16xf32>
        %swap3A = arith.index_cast %mul3A_1266 : i32 to index
        %swap3A_1274 = tpu.vector_load %arg15[%swap3A] {strides = array<i32>} : memref<1024xf32, #tpu.memory_space<vmem>>, vector<16xf32>,
        tpu.vector_store %arg15[%swap3A], %add3A_1273 {strides = array<i32>} : memref<1024xf32, #tpu.memory_space<vmem>>, vector<16xf32>,
      }
      %scan3A_1263 = arith.constant 64 : i32
    } else {
    }
    %eq3A_829 = arith.constant 1 : i32
    %eq3A_830 = arith.cmpi eq, %scan3A_11, %eq3A_829 : i32
    %convert_element_type3A_831 = arith.extui %eq3A_830 : i1 to i32
    %cond3A_832 = arith.constant 0 : i32
    %cond3A_833 = arith.cmpi ne, %convert_element_type3A_831, %cond3A_832 : i32
    scf.if %cond3A_833 {
      %scan3A_1258 = arith.constant 0 : i32
      %scan3A_1259 = arith.constant 0 : i32
      %scan3A_1260 = arith.constant 64 : i32
      %scan3A_1261 = arith.addi %scan3A_1259, %scan3A_1260 : i32
      %scan3A_1262 = arith.constant 1 : i32
      scf.for %scan3A_1264 = %scan3A_1259 to %scan3A_1261 step %scan3A_1262  : i32 {
        %mul3A_1265 = arith.constant 16 : i32
        %mul3A_1266 = arith.muli %scan3A_1264, %mul3A_1265 : i32
        %get3A = arith.index_cast %mul3A_1266 : i32 to index
        %get3A_1267 = tpu.vector_load %arg16[%get3A] {strides = array<i32>} : memref<1024xi32, #tpu.memory_space<vmem>>, vector<16xi32>,
        %add3A_1268 = arith.constant 9 : i32
        %add3A_1269 = vector.broadcast %add3A_1268 : i32 to vector<16xi32>
        %add3A_1270 = arith.addi %get3A_1267, %add3A_1269 : vector<16xi32>
        %gather3A = tpu.vector_load_idx %arg18[%add3A_1270] : memref<2048xf32, #tpu.memory_space<vmem>>[vector<16xi32>], vector<16xf32>,
        %get3A_1271 = arith.index_cast %mul3A_1266 : i32 to index
        %get3A_1272 = tpu.vector_load %arg12[%get3A_1271] {strides = array<i32>} : memref<1024xf32, #tpu.memory_space<vmem>>, vector<16xf32>,
        %get3A_1273 = arith.index_cast %mul3A_1266 : i32 to index
        %get3A_1274 = tpu.vector_load %arg17[%get3A_1273] {strides = array<i32>} : memref<1024xf32, #tpu.memory_space<vmem>>, vector<16xf32>,
        %mul3A_1275 = arith.mulf %gather3A, %get3A_1274 : vector<16xf32>
        %add3A_1276 = arith.addf %get3A_1272, %mul3A_1275 : vector<16xf32>
        %get3A_1277 = arith.index_cast %mul3A_1266 : i32 to index
        %get3A_1278 = tpu.vector_load %arg15[%get3A_1277] {strides = array<i32>} : memref<1024xf32, #tpu.memory_space<vmem>>, vector<16xf32>,
        %get3A_1279 = arith.index_cast %mul3A_1266 : i32 to index
        %get3A_1280 = tpu.vector_load %arg14[%get3A_1279] {strides = array<i32>} : memref<1024xf32, #tpu.memory_space<vmem>>, vector<16xf32>,
        %mul3A_1281 = arith.mulf %add3A_1276, %get3A_1280 : vector<16xf32>
        %add3A_1282 = arith.addf %get3A_1278, %mul3A_1281 : vector<16xf32>
        %swap3A = arith.index_cast %mul3A_1266 : i32 to index
        %swap3A_1283 = tpu.vector_load %arg15[%swap3A] {strides = array<i32>} : memref<1024xf32, #tpu.memory_space<vmem>>, vector<16xf32>,
        tpu.vector_store %arg15[%swap3A], %add3A_1282 {strides = array<i32>} : memref<1024xf32, #tpu.memory_space<vmem>>, vector<16xf32>,
      }
      %scan3A_1263 = arith.constant 64 : i32
    } else {
    }
    %dma_wait3A_834 = arith.constant 0 : i32
    %dma_wait3A_835 = tpu.memref_slice %arg21[%dma_wait3A_834] : memref<100000xf32, #tpu.memory_space<vmem_shared>> -> memref<100000xf32, #tpu.memory_space<vmem_shared>>
    tpu.wait_indirect_dma semaphore(%arg25 : memref<!tpu.dma_semaphore, #tpu.memory_space<semaphore_mem>>) src(%dma_wait3A_835 : memref<100000xf32, #tpu.memory_space<vmem_shared>>) dst(%arg13 : memref<1024xf32, #tpu.memory_space<vmem>>)
    %lt3A_836 = arith.constant 14 : i32
    %lt3A_837 = arith.cmpi slt, %arg1, %lt3A_836 : i32
    %convert_element_type3A_838 = arith.extui %lt3A_837 : i1 to i32
    %cond3A_839 = arith.constant 0 : i32
    %cond3A_840 = arith.cmpi ne, %convert_element_type3A_838, %cond3A_839 : i32
    scf.if %cond3A_840 {
      %dma_wait3A_1258 = arith.constant 0 : i32
      %dma_wait3A_1259 = arith.constant 0 : i32
      %dma_wait3A_1260 = tpu.memref_slice %arg20[%dma_wait3A_1259] : memref<1000064xf32, #tpu.memory_space<vmem_shared>> -> memref<33280xf32, #tpu.memory_space<vmem_shared>>
      %dma_wait3A_1261 = arith.constant 0 : i32
      %dma_wait3A_1262 = tpu.memref_slice %arg4[%dma_wait3A_1258, %dma_wait3A_1261] : memref<32x1000000xf32, #tpu.memory_space<hbm>> -> memref<1x33280xf32, #tpu.memory_space<hbm>>
      %dma_wait3A_1263 = tpu.memref_squeeze %dma_wait3A_1262 : memref<1x33280xf32, #tpu.memory_space<hbm>> -> memref<33280xf32, #tpu.memory_space<hbm>>
      tpu.wait_dma2 semaphore(%arg23 : memref<!tpu.dma_semaphore, #tpu.memory_space<semaphore_mem>>) src(%dma_wait3A_1263 : memref<33280xf32, #tpu.memory_space<hbm>>) dst(%dma_wait3A_1260 : memref<33280xf32, #tpu.memory_space<vmem_shared>>)
    } else {
    }
    %eq3A_841 = arith.constant 14 : i32
    %eq3A_842 = arith.cmpi eq, %arg1, %eq3A_841 : i32
    %convert_element_type3A_843 = arith.extui %eq3A_842 : i1 to i32
    %cond3A_844 = arith.constant 0 : i32
    %cond3A_845 = arith.cmpi ne, %convert_element_type3A_843, %cond3A_844 : i32
    scf.if %cond3A_845 {
      %dma_wait3A_1258 = arith.constant 0 : i32
      %dma_wait3A_1259 = arith.constant 0 : i32
      %dma_wait3A_1260 = tpu.memref_slice %arg20[%dma_wait3A_1259] : memref<1000064xf32, #tpu.memory_space<vmem_shared>> -> memref<34048xf32, #tpu.memory_space<vmem_shared>>
      %dma_wait3A_1261 = arith.constant 0 : i32
      %dma_wait3A_1262 = tpu.memref_slice %arg4[%dma_wait3A_1258, %dma_wait3A_1261] : memref<32x1000000xf32, #tpu.memory_space<hbm>> -> memref<1x34048xf32, #tpu.memory_space<hbm>>
      %dma_wait3A_1263 = tpu.memref_squeeze %dma_wait3A_1262 : memref<1x34048xf32, #tpu.memory_space<hbm>> -> memref<34048xf32, #tpu.memory_space<hbm>>
      tpu.wait_dma2 semaphore(%arg23 : memref<!tpu.dma_semaphore, #tpu.memory_space<semaphore_mem>>) src(%dma_wait3A_1263 : memref<34048xf32, #tpu.memory_space<hbm>>) dst(%dma_wait3A_1260 : memref<34048xf32, #tpu.memory_space<vmem_shared>>)
    } else {
    }
    %lt3A_846 = arith.constant 14 : i32
    %lt3A_847 = arith.cmpi slt, %arg1, %lt3A_846 : i32
    %convert_element_type3A_848 = arith.extui %lt3A_847 : i1 to i32
    %cond3A_849 = arith.constant 0 : i32
    %cond3A_850 = arith.cmpi ne, %convert_element_type3A_848, %cond3A_849 : i32
    scf.if %cond3A_850 {
      %dma_wait3A_1258 = arith.constant 0 : i32
      %dma_wait3A_1259 = arith.constant 0 : i32
      %dma_wait3A_1260 = tpu.memref_slice %arg20[%dma_wait3A_1259] : memref<1000064xf32, #tpu.memory_space<vmem_shared>> -> memref<33280xf32, #tpu.memory_space<vmem_shared>>
      %dma_wait3A_1261 = arith.constant 0 : i32
      %dma_wait3A_1262 = tpu.memref_slice %arg4[%dma_wait3A_1258, %dma_wait3A_1261] : memref<32x1000000xf32, #tpu.memory_space<hbm>> -> memref<1x33280xf32, #tpu.memory_space<hbm>>
      %dma_wait3A_1263 = tpu.memref_squeeze %dma_wait3A_1262 : memref<1x33280xf32, #tpu.memory_space<hbm>> -> memref<33280xf32, #tpu.memory_space<hbm>>
      tpu.wait_dma2 semaphore(%arg23 : memref<!tpu.dma_semaphore, #tpu.memory_space<semaphore_mem>>) src(%dma_wait3A_1263 : memref<33280xf32, #tpu.memory_space<hbm>>) dst(%dma_wait3A_1260 : memref<33280xf32, #tpu.memory_space<vmem_shared>>)
    } else {
    }
    %eq3A_851 = arith.constant 14 : i32
    %eq3A_852 = arith.cmpi eq, %arg1, %eq3A_851 : i32
    %convert_element_type3A_853 = arith.extui %eq3A_852 : i1 to i32
    %cond3A_854 = arith.constant 0 : i32
    %cond3A_855 = arith.cmpi ne, %convert_element_type3A_853, %cond3A_854 : i32
    scf.if %cond3A_855 {
      %dma_wait3A_1258 = arith.constant 0 : i32
      %dma_wait3A_1259 = arith.constant 0 : i32
      %dma_wait3A_1260 = tpu.memref_slice %arg20[%dma_wait3A_1259] : memref<1000064xf32, #tpu.memory_space<vmem_shared>> -> memref<34048xf32, #tpu.memory_space<vmem_shared>>
      %dma_wait3A_1261 = arith.constant 0 : i32
      %dma_wait3A_1262 = tpu.memref_slice %arg4[%dma_wait3A_1258, %dma_wait3A_1261] : memref<32x1000000xf32, #tpu.memory_space<hbm>> -> memref<1x34048xf32, #tpu.memory_space<hbm>>
      %dma_wait3A_1263 = tpu.memref_squeeze %dma_wait3A_1262 : memref<1x34048xf32, #tpu.memory_space<hbm>> -> memref<34048xf32, #tpu.memory_space<hbm>>
      tpu.wait_dma2 semaphore(%arg23 : memref<!tpu.dma_semaphore, #tpu.memory_space<semaphore_mem>>) src(%dma_wait3A_1263 : memref<34048xf32, #tpu.memory_space<hbm>>) dst(%dma_wait3A_1260 : memref<34048xf32, #tpu.memory_space<vmem_shared>>)
    } else {
    }
    %barrier3A_856 = arith.constant 0 : index
    tpu.barrier barrier_id(%barrier3A_856)
    %dma_start3A_857 = arith.constant 0 : i32
    %dma_start3A_858 = tpu.memref_slice %arg20[%dma_start3A_857] : memref<1000064xf32, #tpu.memory_space<vmem_shared>> -> memref<1000064xf32, #tpu.memory_space<vmem_shared>>
    tpu.enqueue_indirect_dma source(%dma_start3A_858 : memref<1000064xf32, #tpu.memory_space<vmem_shared>>) target(%arg11 : memref<1024xf32, #tpu.memory_space<vmem>>) offsets(%arg10 : memref<1024xi32, #tpu.memory_space<vmem>>) semaphore(%arg25 : memref<!tpu.dma_semaphore, #tpu.memory_space<semaphore_mem>>)
    %dma_wait3A_859 = arith.constant 0 : i32
    %dma_wait3A_860 = tpu.memref_slice %arg20[%dma_wait3A_859] : memref<1000064xf32, #tpu.memory_space<vmem_shared>> -> memref<1000064xf32, #tpu.memory_space<vmem_shared>>
    tpu.wait_indirect_dma semaphore(%arg25 : memref<!tpu.dma_semaphore, #tpu.memory_space<semaphore_mem>>) src(%dma_wait3A_860 : memref<1000064xf32, #tpu.memory_space<vmem_shared>>) dst(%arg11 : memref<1024xf32, #tpu.memory_space<vmem>>)
    %eq3A_861 = arith.constant 15 : i32
    %eq3A_862 = arith.cmpi eq, %arg1, %eq3A_861 : i32
    %convert_element_type3A_863 = arith.extui %eq3A_862 : i1 to i32
    %cond3A_864 = arith.constant 0 : i32
    %cond3A_865 = arith.cmpi ne, %convert_element_type3A_863, %cond3A_864 : i32
    scf.if %cond3A_865 {
      %dma_wait3A_1258 = arith.constant 0 : i32
      %dma_wait3A_1259 = arith.constant 0 : i32
      %dma_wait3A_1260 = tpu.memref_slice %arg5[%dma_wait3A_1258, %dma_wait3A_1259] : memref<32x100000xf32, #tpu.memory_space<hbm>> -> memref<1x100000xf32, #tpu.memory_space<hbm>>
      %dma_wait3A_1261 = tpu.memref_squeeze %dma_wait3A_1260 : memref<1x100000xf32, #tpu.memory_space<hbm>> -> memref<100000xf32, #tpu.memory_space<hbm>>
      tpu.wait_dma2 semaphore(%arg24 : memref<!tpu.dma_semaphore, #tpu.memory_space<semaphore_mem>>) src(%dma_wait3A_1261 : memref<100000xf32, #tpu.memory_space<hbm>>) dst(%arg21 : memref<100000xf32, #tpu.memory_space<vmem_shared>>)
    } else {
    }
    %barrier3A_866 = arith.constant 0 : index
    tpu.barrier barrier_id(%barrier3A_866)
    %eq3A_867 = arith.constant 15 : i32
    %eq3A_868 = arith.cmpi eq, %arg1, %eq3A_867 : i32
    %convert_element_type3A_869 = arith.extui %eq3A_868 : i1 to i32
    %cond3A_870 = arith.constant 0 : i32
    %cond3A_871 = arith.cmpi ne, %convert_element_type3A_869, %cond3A_870 : i32
    scf.if %cond3A_871 {
      %mul3A_1258 = arith.constant 16 : i32
      %mul3A_1259 = arith.muli %arg0, %mul3A_1258 : i32
      %add3A_1260 = arith.constant 12 : i32
      %add3A_1261 = arith.addi %mul3A_1259, %add3A_1260 : i32
      %dma_start3A_1262 = arith.constant 0 : i32
      %dma_start3A_1263 = tpu.memref_slice %arg5[%add3A_1261, %dma_start3A_1262] : memref<32x100000xf32, #tpu.memory_space<hbm>> -> memref<1x100000xf32, #tpu.memory_space<hbm>>
      %dma_start3A_1264 = tpu.memref_squeeze %dma_start3A_1263 : memref<1x100000xf32, #tpu.memory_space<hbm>> -> memref<100000xf32, #tpu.memory_space<hbm>>
      tpu.enqueue_dma source(%dma_start3A_1264 : memref<100000xf32, #tpu.memory_space<hbm>>) target(%arg21 : memref<100000xf32, #tpu.memory_space<vmem_shared>>) target_semaphore(%arg24 : memref<!tpu.dma_semaphore, #tpu.memory_space<semaphore_mem>>)
    } else {
    }
    %mul3A_872 = arith.constant 16 : i32
    %mul3A_873 = arith.muli %arg0, %mul3A_872 : i32
    %add3A_874 = arith.constant 11 : i32
    %add3A_875 = arith.addi %mul3A_873, %add3A_874 : i32
    %lt3A_876 = arith.constant 14 : i32
    %lt3A_877 = arith.cmpi slt, %arg1, %lt3A_876 : i32
    %convert_element_type3A_878 = arith.extui %lt3A_877 : i1 to i32
    %cond3A_879 = arith.constant 0 : i32
    %cond3A_880 = arith.cmpi ne, %convert_element_type3A_878, %cond3A_879 : i32
    scf.if %cond3A_880 {
      %mul3A_1258 = arith.constant 33280 : i32
      %mul3A_1259 = arith.muli %arg1, %mul3A_1258 : i32
      %add3A_1260 = arith.constant 0 : i32
      %add3A_1261 = arith.addi %add3A_1260, %mul3A_1259 : i32
      %multiple_of3A = tpu.assume_multiple %add3A_1261, 128 : i32
      %dma_start3A_1262 = tpu.memref_slice %arg20[%multiple_of3A] : memref<1000064xf32, #tpu.memory_space<vmem_shared>> -> memref<33280xf32, #tpu.memory_space<vmem_shared>>
      %dma_start3A_1263 = tpu.memref_slice %arg4[%add3A_875, %multiple_of3A] : memref<32x1000000xf32, #tpu.memory_space<hbm>> -> memref<1x33280xf32, #tpu.memory_space<hbm>>
      %dma_start3A_1264 = tpu.memref_squeeze %dma_start3A_1263 : memref<1x33280xf32, #tpu.memory_space<hbm>> -> memref<33280xf32, #tpu.memory_space<hbm>>
      tpu.enqueue_dma source(%dma_start3A_1264 : memref<33280xf32, #tpu.memory_space<hbm>>) target(%dma_start3A_1262 : memref<33280xf32, #tpu.memory_space<vmem_shared>>) target_semaphore(%arg23 : memref<!tpu.dma_semaphore, #tpu.memory_space<semaphore_mem>>)
    } else {
    }
    %eq3A_881 = arith.constant 14 : i32
    %eq3A_882 = arith.cmpi eq, %arg1, %eq3A_881 : i32
    %convert_element_type3A_883 = arith.extui %eq3A_882 : i1 to i32
    %cond3A_884 = arith.constant 0 : i32
    %cond3A_885 = arith.cmpi ne, %convert_element_type3A_883, %cond3A_884 : i32
    scf.if %cond3A_885 {
      %dma_start3A_1258 = arith.constant 465920 : i32
      %dma_start3A_1259 = tpu.memref_slice %arg20[%dma_start3A_1258] : memref<1000064xf32, #tpu.memory_space<vmem_shared>> -> memref<34048xf32, #tpu.memory_space<vmem_shared>>
      %dma_start3A_1260 = arith.constant 465920 : i32
      %dma_start3A_1261 = tpu.memref_slice %arg4[%add3A_875, %dma_start3A_1260] : memref<32x1000000xf32, #tpu.memory_space<hbm>> -> memref<1x34048xf32, #tpu.memory_space<hbm>>
      %dma_start3A_1262 = tpu.memref_squeeze %dma_start3A_1261 : memref<1x34048xf32, #tpu.memory_space<hbm>> -> memref<34048xf32, #tpu.memory_space<hbm>>
      tpu.enqueue_dma source(%dma_start3A_1262 : memref<34048xf32, #tpu.memory_space<hbm>>) target(%dma_start3A_1259 : memref<34048xf32, #tpu.memory_space<vmem_shared>>) target_semaphore(%arg23 : memref<!tpu.dma_semaphore, #tpu.memory_space<semaphore_mem>>)
    } else {
    }
    %mul3A_886 = arith.constant 16 : i32
    %mul3A_887 = arith.muli %arg0, %mul3A_886 : i32
    %add3A_888 = arith.constant 11 : i32
    %add3A_889 = arith.addi %mul3A_887, %add3A_888 : i32
    %lt3A_890 = arith.constant 14 : i32
    %lt3A_891 = arith.cmpi slt, %arg1, %lt3A_890 : i32
    %convert_element_type3A_892 = arith.extui %lt3A_891 : i1 to i32
    %cond3A_893 = arith.constant 0 : i32
    %cond3A_894 = arith.cmpi ne, %convert_element_type3A_892, %cond3A_893 : i32
    scf.if %cond3A_894 {
      %mul3A_1258 = arith.constant 33280 : i32
      %mul3A_1259 = arith.muli %arg1, %mul3A_1258 : i32
      %add3A_1260 = arith.constant 499968 : i32
      %add3A_1261 = arith.addi %add3A_1260, %mul3A_1259 : i32
      %multiple_of3A = tpu.assume_multiple %add3A_1261, 128 : i32
      %dma_start3A_1262 = tpu.memref_slice %arg20[%multiple_of3A] : memref<1000064xf32, #tpu.memory_space<vmem_shared>> -> memref<33280xf32, #tpu.memory_space<vmem_shared>>
      %dma_start3A_1263 = tpu.memref_slice %arg4[%add3A_889, %multiple_of3A] : memref<32x1000000xf32, #tpu.memory_space<hbm>> -> memref<1x33280xf32, #tpu.memory_space<hbm>>
      %dma_start3A_1264 = tpu.memref_squeeze %dma_start3A_1263 : memref<1x33280xf32, #tpu.memory_space<hbm>> -> memref<33280xf32, #tpu.memory_space<hbm>>
      tpu.enqueue_dma source(%dma_start3A_1264 : memref<33280xf32, #tpu.memory_space<hbm>>) target(%dma_start3A_1262 : memref<33280xf32, #tpu.memory_space<vmem_shared>>) target_semaphore(%arg23 : memref<!tpu.dma_semaphore, #tpu.memory_space<semaphore_mem>>)
    } else {
    }
    %eq3A_895 = arith.constant 14 : i32
    %eq3A_896 = arith.cmpi eq, %arg1, %eq3A_895 : i32
    %convert_element_type3A_897 = arith.extui %eq3A_896 : i1 to i32
    %cond3A_898 = arith.constant 0 : i32
    %cond3A_899 = arith.cmpi ne, %convert_element_type3A_897, %cond3A_898 : i32
    scf.if %cond3A_899 {
      %dma_start3A_1258 = arith.constant 965888 : i32
      %dma_start3A_1259 = tpu.memref_slice %arg20[%dma_start3A_1258] : memref<1000064xf32, #tpu.memory_space<vmem_shared>> -> memref<34048xf32, #tpu.memory_space<vmem_shared>>
      %dma_start3A_1260 = arith.constant 965888 : i32
      %dma_start3A_1261 = tpu.memref_slice %arg4[%add3A_889, %dma_start3A_1260] : memref<32x1000000xf32, #tpu.memory_space<hbm>> -> memref<1x34048xf32, #tpu.memory_space<hbm>>
      %dma_start3A_1262 = tpu.memref_squeeze %dma_start3A_1261 : memref<1x34048xf32, #tpu.memory_space<hbm>> -> memref<34048xf32, #tpu.memory_space<hbm>>
      tpu.enqueue_dma source(%dma_start3A_1262 : memref<34048xf32, #tpu.memory_space<hbm>>) target(%dma_start3A_1259 : memref<34048xf32, #tpu.memory_space<vmem_shared>>) target_semaphore(%arg23 : memref<!tpu.dma_semaphore, #tpu.memory_space<semaphore_mem>>)
    } else {
    }
    %dma_start3A_900 = arith.constant 0 : i32
    %dma_start3A_901 = tpu.memref_slice %arg22[%dma_start3A_900] : memref<100000xf32, #tpu.memory_space<vmem_shared>> -> memref<100000xf32, #tpu.memory_space<vmem_shared>>
    tpu.enqueue_indirect_dma source(%dma_start3A_901 : memref<100000xf32, #tpu.memory_space<vmem_shared>>) target(%arg14 : memref<1024xf32, #tpu.memory_space<vmem>>) offsets(%arg9 : memref<1024xi32, #tpu.memory_space<vmem>>) semaphore(%arg25 : memref<!tpu.dma_semaphore, #tpu.memory_space<semaphore_mem>>)
    %eq3A_902 = arith.constant 0 : i32
    %eq3A_903 = arith.cmpi eq, %scan3A_11, %eq3A_902 : i32
    %convert_element_type3A_904 = arith.extui %eq3A_903 : i1 to i32
    %cond3A_905 = arith.constant 0 : i32
    %cond3A_906 = arith.cmpi ne, %convert_element_type3A_904, %cond3A_905 : i32
    scf.if %cond3A_906 {
      %scan3A_1258 = arith.constant 0 : i32
      %scan3A_1259 = arith.constant 0 : i32
      %scan3A_1260 = arith.constant 64 : i32
      %scan3A_1261 = arith.addi %scan3A_1259, %scan3A_1260 : i32
      %scan3A_1262 = arith.constant 1 : i32
      scf.for %scan3A_1264 = %scan3A_1259 to %scan3A_1261 step %scan3A_1262  : i32 {
        %mul3A_1265 = arith.constant 16 : i32
        %mul3A_1266 = arith.muli %scan3A_1264, %mul3A_1265 : i32
        %get3A = arith.index_cast %mul3A_1266 : i32 to index
        %get3A_1267 = tpu.vector_load %arg15[%get3A] {strides = array<i32>} : memref<1024xf32, #tpu.memory_space<vmem>>, vector<16xf32>,
        %get3A_1268 = arith.index_cast %mul3A_1266 : i32 to index
        %get3A_1269 = tpu.vector_load %arg11[%get3A_1268] {strides = array<i32>} : memref<1024xf32, #tpu.memory_space<vmem>>, vector<16xf32>,
        %get3A_1270 = arith.index_cast %mul3A_1266 : i32 to index
        %get3A_1271 = tpu.vector_load %arg13[%get3A_1270] {strides = array<i32>} : memref<1024xf32, #tpu.memory_space<vmem>>, vector<16xf32>,
        %mul3A_1272 = arith.mulf %get3A_1269, %get3A_1271 : vector<16xf32>
        %add3A_1273 = arith.addf %get3A_1267, %mul3A_1272 : vector<16xf32>
        %swap3A = arith.index_cast %mul3A_1266 : i32 to index
        %swap3A_1274 = tpu.vector_load %arg15[%swap3A] {strides = array<i32>} : memref<1024xf32, #tpu.memory_space<vmem>>, vector<16xf32>,
        tpu.vector_store %arg15[%swap3A], %add3A_1273 {strides = array<i32>} : memref<1024xf32, #tpu.memory_space<vmem>>, vector<16xf32>,
      }
      %scan3A_1263 = arith.constant 64 : i32
    } else {
    }
    %eq3A_907 = arith.constant 1 : i32
    %eq3A_908 = arith.cmpi eq, %scan3A_11, %eq3A_907 : i32
    %convert_element_type3A_909 = arith.extui %eq3A_908 : i1 to i32
    %cond3A_910 = arith.constant 0 : i32
    %cond3A_911 = arith.cmpi ne, %convert_element_type3A_909, %cond3A_910 : i32
    scf.if %cond3A_911 {
      %scan3A_1258 = arith.constant 0 : i32
      %scan3A_1259 = arith.constant 0 : i32
      %scan3A_1260 = arith.constant 64 : i32
      %scan3A_1261 = arith.addi %scan3A_1259, %scan3A_1260 : i32
      %scan3A_1262 = arith.constant 1 : i32
      scf.for %scan3A_1264 = %scan3A_1259 to %scan3A_1261 step %scan3A_1262  : i32 {
        %mul3A_1265 = arith.constant 16 : i32
        %mul3A_1266 = arith.muli %scan3A_1264, %mul3A_1265 : i32
        %get3A = arith.index_cast %mul3A_1266 : i32 to index
        %get3A_1267 = tpu.vector_load %arg16[%get3A] {strides = array<i32>} : memref<1024xi32, #tpu.memory_space<vmem>>, vector<16xi32>,
        %add3A_1268 = arith.constant 10 : i32
        %add3A_1269 = vector.broadcast %add3A_1268 : i32 to vector<16xi32>
        %add3A_1270 = arith.addi %get3A_1267, %add3A_1269 : vector<16xi32>
        %gather3A = tpu.vector_load_idx %arg18[%add3A_1270] : memref<2048xf32, #tpu.memory_space<vmem>>[vector<16xi32>], vector<16xf32>,
        %get3A_1271 = arith.index_cast %mul3A_1266 : i32 to index
        %get3A_1272 = tpu.vector_load %arg11[%get3A_1271] {strides = array<i32>} : memref<1024xf32, #tpu.memory_space<vmem>>, vector<16xf32>,
        %get3A_1273 = arith.index_cast %mul3A_1266 : i32 to index
        %get3A_1274 = tpu.vector_load %arg17[%get3A_1273] {strides = array<i32>} : memref<1024xf32, #tpu.memory_space<vmem>>, vector<16xf32>,
        %mul3A_1275 = arith.mulf %gather3A, %get3A_1274 : vector<16xf32>
        %add3A_1276 = arith.addf %get3A_1272, %mul3A_1275 : vector<16xf32>
        %get3A_1277 = arith.index_cast %mul3A_1266 : i32 to index
        %get3A_1278 = tpu.vector_load %arg15[%get3A_1277] {strides = array<i32>} : memref<1024xf32, #tpu.memory_space<vmem>>, vector<16xf32>,
        %get3A_1279 = arith.index_cast %mul3A_1266 : i32 to index
        %get3A_1280 = tpu.vector_load %arg13[%get3A_1279] {strides = array<i32>} : memref<1024xf32, #tpu.memory_space<vmem>>, vector<16xf32>,
        %mul3A_1281 = arith.mulf %add3A_1276, %get3A_1280 : vector<16xf32>
        %add3A_1282 = arith.addf %get3A_1278, %mul3A_1281 : vector<16xf32>
        %swap3A = arith.index_cast %mul3A_1266 : i32 to index
        %swap3A_1283 = tpu.vector_load %arg15[%swap3A] {strides = array<i32>} : memref<1024xf32, #tpu.memory_space<vmem>>, vector<16xf32>,
        tpu.vector_store %arg15[%swap3A], %add3A_1282 {strides = array<i32>} : memref<1024xf32, #tpu.memory_space<vmem>>, vector<16xf32>,
      }
      %scan3A_1263 = arith.constant 64 : i32
    } else {
    }
    %dma_wait3A_912 = arith.constant 0 : i32
    %dma_wait3A_913 = tpu.memref_slice %arg22[%dma_wait3A_912] : memref<100000xf32, #tpu.memory_space<vmem_shared>> -> memref<100000xf32, #tpu.memory_space<vmem_shared>>
    tpu.wait_indirect_dma semaphore(%arg25 : memref<!tpu.dma_semaphore, #tpu.memory_space<semaphore_mem>>) src(%dma_wait3A_913 : memref<100000xf32, #tpu.memory_space<vmem_shared>>) dst(%arg14 : memref<1024xf32, #tpu.memory_space<vmem>>)
    %lt3A_914 = arith.constant 14 : i32
    %lt3A_915 = arith.cmpi slt, %arg1, %lt3A_914 : i32
    %convert_element_type3A_916 = arith.extui %lt3A_915 : i1 to i32
    %cond3A_917 = arith.constant 0 : i32
    %cond3A_918 = arith.cmpi ne, %convert_element_type3A_916, %cond3A_917 : i32
    scf.if %cond3A_918 {
      %dma_wait3A_1258 = arith.constant 0 : i32
      %dma_wait3A_1259 = arith.constant 0 : i32
      %dma_wait3A_1260 = tpu.memref_slice %arg20[%dma_wait3A_1259] : memref<1000064xf32, #tpu.memory_space<vmem_shared>> -> memref<33280xf32, #tpu.memory_space<vmem_shared>>
      %dma_wait3A_1261 = arith.constant 0 : i32
      %dma_wait3A_1262 = tpu.memref_slice %arg4[%dma_wait3A_1258, %dma_wait3A_1261] : memref<32x1000000xf32, #tpu.memory_space<hbm>> -> memref<1x33280xf32, #tpu.memory_space<hbm>>
      %dma_wait3A_1263 = tpu.memref_squeeze %dma_wait3A_1262 : memref<1x33280xf32, #tpu.memory_space<hbm>> -> memref<33280xf32, #tpu.memory_space<hbm>>
      tpu.wait_dma2 semaphore(%arg23 : memref<!tpu.dma_semaphore, #tpu.memory_space<semaphore_mem>>) src(%dma_wait3A_1263 : memref<33280xf32, #tpu.memory_space<hbm>>) dst(%dma_wait3A_1260 : memref<33280xf32, #tpu.memory_space<vmem_shared>>)
    } else {
    }
    %eq3A_919 = arith.constant 14 : i32
    %eq3A_920 = arith.cmpi eq, %arg1, %eq3A_919 : i32
    %convert_element_type3A_921 = arith.extui %eq3A_920 : i1 to i32
    %cond3A_922 = arith.constant 0 : i32
    %cond3A_923 = arith.cmpi ne, %convert_element_type3A_921, %cond3A_922 : i32
    scf.if %cond3A_923 {
      %dma_wait3A_1258 = arith.constant 0 : i32
      %dma_wait3A_1259 = arith.constant 0 : i32
      %dma_wait3A_1260 = tpu.memref_slice %arg20[%dma_wait3A_1259] : memref<1000064xf32, #tpu.memory_space<vmem_shared>> -> memref<34048xf32, #tpu.memory_space<vmem_shared>>
      %dma_wait3A_1261 = arith.constant 0 : i32
      %dma_wait3A_1262 = tpu.memref_slice %arg4[%dma_wait3A_1258, %dma_wait3A_1261] : memref<32x1000000xf32, #tpu.memory_space<hbm>> -> memref<1x34048xf32, #tpu.memory_space<hbm>>
      %dma_wait3A_1263 = tpu.memref_squeeze %dma_wait3A_1262 : memref<1x34048xf32, #tpu.memory_space<hbm>> -> memref<34048xf32, #tpu.memory_space<hbm>>
      tpu.wait_dma2 semaphore(%arg23 : memref<!tpu.dma_semaphore, #tpu.memory_space<semaphore_mem>>) src(%dma_wait3A_1263 : memref<34048xf32, #tpu.memory_space<hbm>>) dst(%dma_wait3A_1260 : memref<34048xf32, #tpu.memory_space<vmem_shared>>)
    } else {
    }
    %lt3A_924 = arith.constant 14 : i32
    %lt3A_925 = arith.cmpi slt, %arg1, %lt3A_924 : i32
    %convert_element_type3A_926 = arith.extui %lt3A_925 : i1 to i32
    %cond3A_927 = arith.constant 0 : i32
    %cond3A_928 = arith.cmpi ne, %convert_element_type3A_926, %cond3A_927 : i32
    scf.if %cond3A_928 {
      %dma_wait3A_1258 = arith.constant 0 : i32
      %dma_wait3A_1259 = arith.constant 0 : i32
      %dma_wait3A_1260 = tpu.memref_slice %arg20[%dma_wait3A_1259] : memref<1000064xf32, #tpu.memory_space<vmem_shared>> -> memref<33280xf32, #tpu.memory_space<vmem_shared>>
      %dma_wait3A_1261 = arith.constant 0 : i32
      %dma_wait3A_1262 = tpu.memref_slice %arg4[%dma_wait3A_1258, %dma_wait3A_1261] : memref<32x1000000xf32, #tpu.memory_space<hbm>> -> memref<1x33280xf32, #tpu.memory_space<hbm>>
      %dma_wait3A_1263 = tpu.memref_squeeze %dma_wait3A_1262 : memref<1x33280xf32, #tpu.memory_space<hbm>> -> memref<33280xf32, #tpu.memory_space<hbm>>
      tpu.wait_dma2 semaphore(%arg23 : memref<!tpu.dma_semaphore, #tpu.memory_space<semaphore_mem>>) src(%dma_wait3A_1263 : memref<33280xf32, #tpu.memory_space<hbm>>) dst(%dma_wait3A_1260 : memref<33280xf32, #tpu.memory_space<vmem_shared>>)
    } else {
    }
    %eq3A_929 = arith.constant 14 : i32
    %eq3A_930 = arith.cmpi eq, %arg1, %eq3A_929 : i32
    %convert_element_type3A_931 = arith.extui %eq3A_930 : i1 to i32
    %cond3A_932 = arith.constant 0 : i32
    %cond3A_933 = arith.cmpi ne, %convert_element_type3A_931, %cond3A_932 : i32
    scf.if %cond3A_933 {
      %dma_wait3A_1258 = arith.constant 0 : i32
      %dma_wait3A_1259 = arith.constant 0 : i32
      %dma_wait3A_1260 = tpu.memref_slice %arg20[%dma_wait3A_1259] : memref<1000064xf32, #tpu.memory_space<vmem_shared>> -> memref<34048xf32, #tpu.memory_space<vmem_shared>>
      %dma_wait3A_1261 = arith.constant 0 : i32
      %dma_wait3A_1262 = tpu.memref_slice %arg4[%dma_wait3A_1258, %dma_wait3A_1261] : memref<32x1000000xf32, #tpu.memory_space<hbm>> -> memref<1x34048xf32, #tpu.memory_space<hbm>>
      %dma_wait3A_1263 = tpu.memref_squeeze %dma_wait3A_1262 : memref<1x34048xf32, #tpu.memory_space<hbm>> -> memref<34048xf32, #tpu.memory_space<hbm>>
      tpu.wait_dma2 semaphore(%arg23 : memref<!tpu.dma_semaphore, #tpu.memory_space<semaphore_mem>>) src(%dma_wait3A_1263 : memref<34048xf32, #tpu.memory_space<hbm>>) dst(%dma_wait3A_1260 : memref<34048xf32, #tpu.memory_space<vmem_shared>>)
    } else {
    }
    %barrier3A_934 = arith.constant 0 : index
    tpu.barrier barrier_id(%barrier3A_934)
    %dma_start3A_935 = arith.constant 0 : i32
    %dma_start3A_936 = tpu.memref_slice %arg20[%dma_start3A_935] : memref<1000064xf32, #tpu.memory_space<vmem_shared>> -> memref<1000064xf32, #tpu.memory_space<vmem_shared>>
    tpu.enqueue_indirect_dma source(%dma_start3A_936 : memref<1000064xf32, #tpu.memory_space<vmem_shared>>) target(%arg12 : memref<1024xf32, #tpu.memory_space<vmem>>) offsets(%arg10 : memref<1024xi32, #tpu.memory_space<vmem>>) semaphore(%arg25 : memref<!tpu.dma_semaphore, #tpu.memory_space<semaphore_mem>>)
    %dma_wait3A_937 = arith.constant 0 : i32
    %dma_wait3A_938 = tpu.memref_slice %arg20[%dma_wait3A_937] : memref<1000064xf32, #tpu.memory_space<vmem_shared>> -> memref<1000064xf32, #tpu.memory_space<vmem_shared>>
    tpu.wait_indirect_dma semaphore(%arg25 : memref<!tpu.dma_semaphore, #tpu.memory_space<semaphore_mem>>) src(%dma_wait3A_938 : memref<1000064xf32, #tpu.memory_space<vmem_shared>>) dst(%arg12 : memref<1024xf32, #tpu.memory_space<vmem>>)
    %eq3A_939 = arith.constant 15 : i32
    %eq3A_940 = arith.cmpi eq, %arg1, %eq3A_939 : i32
    %convert_element_type3A_941 = arith.extui %eq3A_940 : i1 to i32
    %cond3A_942 = arith.constant 0 : i32
    %cond3A_943 = arith.cmpi ne, %convert_element_type3A_941, %cond3A_942 : i32
    scf.if %cond3A_943 {
      %dma_wait3A_1258 = arith.constant 0 : i32
      %dma_wait3A_1259 = arith.constant 0 : i32
      %dma_wait3A_1260 = tpu.memref_slice %arg5[%dma_wait3A_1258, %dma_wait3A_1259] : memref<32x100000xf32, #tpu.memory_space<hbm>> -> memref<1x100000xf32, #tpu.memory_space<hbm>>
      %dma_wait3A_1261 = tpu.memref_squeeze %dma_wait3A_1260 : memref<1x100000xf32, #tpu.memory_space<hbm>> -> memref<100000xf32, #tpu.memory_space<hbm>>
      tpu.wait_dma2 semaphore(%arg24 : memref<!tpu.dma_semaphore, #tpu.memory_space<semaphore_mem>>) src(%dma_wait3A_1261 : memref<100000xf32, #tpu.memory_space<hbm>>) dst(%arg21 : memref<100000xf32, #tpu.memory_space<vmem_shared>>)
    } else {
    }
    %barrier3A_944 = arith.constant 0 : index
    tpu.barrier barrier_id(%barrier3A_944)
    %eq3A_945 = arith.constant 15 : i32
    %eq3A_946 = arith.cmpi eq, %arg1, %eq3A_945 : i32
    %convert_element_type3A_947 = arith.extui %eq3A_946 : i1 to i32
    %cond3A_948 = arith.constant 0 : i32
    %cond3A_949 = arith.cmpi ne, %convert_element_type3A_947, %cond3A_948 : i32
    scf.if %cond3A_949 {
      %mul3A_1258 = arith.constant 16 : i32
      %mul3A_1259 = arith.muli %arg0, %mul3A_1258 : i32
      %add3A_1260 = arith.constant 13 : i32
      %add3A_1261 = arith.addi %mul3A_1259, %add3A_1260 : i32
      %dma_start3A_1262 = arith.constant 0 : i32
      %dma_start3A_1263 = tpu.memref_slice %arg5[%add3A_1261, %dma_start3A_1262] : memref<32x100000xf32, #tpu.memory_space<hbm>> -> memref<1x100000xf32, #tpu.memory_space<hbm>>
      %dma_start3A_1264 = tpu.memref_squeeze %dma_start3A_1263 : memref<1x100000xf32, #tpu.memory_space<hbm>> -> memref<100000xf32, #tpu.memory_space<hbm>>
      tpu.enqueue_dma source(%dma_start3A_1264 : memref<100000xf32, #tpu.memory_space<hbm>>) target(%arg22 : memref<100000xf32, #tpu.memory_space<vmem_shared>>) target_semaphore(%arg24 : memref<!tpu.dma_semaphore, #tpu.memory_space<semaphore_mem>>)
    } else {
    }
    %mul3A_950 = arith.constant 16 : i32
    %mul3A_951 = arith.muli %arg0, %mul3A_950 : i32
    %add3A_952 = arith.constant 12 : i32
    %add3A_953 = arith.addi %mul3A_951, %add3A_952 : i32
    %lt3A_954 = arith.constant 14 : i32
    %lt3A_955 = arith.cmpi slt, %arg1, %lt3A_954 : i32
    %convert_element_type3A_956 = arith.extui %lt3A_955 : i1 to i32
    %cond3A_957 = arith.constant 0 : i32
    %cond3A_958 = arith.cmpi ne, %convert_element_type3A_956, %cond3A_957 : i32
    scf.if %cond3A_958 {
      %mul3A_1258 = arith.constant 33280 : i32
      %mul3A_1259 = arith.muli %arg1, %mul3A_1258 : i32
      %add3A_1260 = arith.constant 0 : i32
      %add3A_1261 = arith.addi %add3A_1260, %mul3A_1259 : i32
      %multiple_of3A = tpu.assume_multiple %add3A_1261, 128 : i32
      %dma_start3A_1262 = tpu.memref_slice %arg20[%multiple_of3A] : memref<1000064xf32, #tpu.memory_space<vmem_shared>> -> memref<33280xf32, #tpu.memory_space<vmem_shared>>
      %dma_start3A_1263 = tpu.memref_slice %arg4[%add3A_953, %multiple_of3A] : memref<32x1000000xf32, #tpu.memory_space<hbm>> -> memref<1x33280xf32, #tpu.memory_space<hbm>>
      %dma_start3A_1264 = tpu.memref_squeeze %dma_start3A_1263 : memref<1x33280xf32, #tpu.memory_space<hbm>> -> memref<33280xf32, #tpu.memory_space<hbm>>
      tpu.enqueue_dma source(%dma_start3A_1264 : memref<33280xf32, #tpu.memory_space<hbm>>) target(%dma_start3A_1262 : memref<33280xf32, #tpu.memory_space<vmem_shared>>) target_semaphore(%arg23 : memref<!tpu.dma_semaphore, #tpu.memory_space<semaphore_mem>>)
    } else {
    }
    %eq3A_959 = arith.constant 14 : i32
    %eq3A_960 = arith.cmpi eq, %arg1, %eq3A_959 : i32
    %convert_element_type3A_961 = arith.extui %eq3A_960 : i1 to i32
    %cond3A_962 = arith.constant 0 : i32
    %cond3A_963 = arith.cmpi ne, %convert_element_type3A_961, %cond3A_962 : i32
    scf.if %cond3A_963 {
      %dma_start3A_1258 = arith.constant 465920 : i32
      %dma_start3A_1259 = tpu.memref_slice %arg20[%dma_start3A_1258] : memref<1000064xf32, #tpu.memory_space<vmem_shared>> -> memref<34048xf32, #tpu.memory_space<vmem_shared>>
      %dma_start3A_1260 = arith.constant 465920 : i32
      %dma_start3A_1261 = tpu.memref_slice %arg4[%add3A_953, %dma_start3A_1260] : memref<32x1000000xf32, #tpu.memory_space<hbm>> -> memref<1x34048xf32, #tpu.memory_space<hbm>>
      %dma_start3A_1262 = tpu.memref_squeeze %dma_start3A_1261 : memref<1x34048xf32, #tpu.memory_space<hbm>> -> memref<34048xf32, #tpu.memory_space<hbm>>
      tpu.enqueue_dma source(%dma_start3A_1262 : memref<34048xf32, #tpu.memory_space<hbm>>) target(%dma_start3A_1259 : memref<34048xf32, #tpu.memory_space<vmem_shared>>) target_semaphore(%arg23 : memref<!tpu.dma_semaphore, #tpu.memory_space<semaphore_mem>>)
    } else {
    }
    %mul3A_964 = arith.constant 16 : i32
    %mul3A_965 = arith.muli %arg0, %mul3A_964 : i32
    %add3A_966 = arith.constant 12 : i32
    %add3A_967 = arith.addi %mul3A_965, %add3A_966 : i32
    %lt3A_968 = arith.constant 14 : i32
    %lt3A_969 = arith.cmpi slt, %arg1, %lt3A_968 : i32
    %convert_element_type3A_970 = arith.extui %lt3A_969 : i1 to i32
    %cond3A_971 = arith.constant 0 : i32
    %cond3A_972 = arith.cmpi ne, %convert_element_type3A_970, %cond3A_971 : i32
    scf.if %cond3A_972 {
      %mul3A_1258 = arith.constant 33280 : i32
      %mul3A_1259 = arith.muli %arg1, %mul3A_1258 : i32
      %add3A_1260 = arith.constant 499968 : i32
      %add3A_1261 = arith.addi %add3A_1260, %mul3A_1259 : i32
      %multiple_of3A = tpu.assume_multiple %add3A_1261, 128 : i32
      %dma_start3A_1262 = tpu.memref_slice %arg20[%multiple_of3A] : memref<1000064xf32, #tpu.memory_space<vmem_shared>> -> memref<33280xf32, #tpu.memory_space<vmem_shared>>
      %dma_start3A_1263 = tpu.memref_slice %arg4[%add3A_967, %multiple_of3A] : memref<32x1000000xf32, #tpu.memory_space<hbm>> -> memref<1x33280xf32, #tpu.memory_space<hbm>>
      %dma_start3A_1264 = tpu.memref_squeeze %dma_start3A_1263 : memref<1x33280xf32, #tpu.memory_space<hbm>> -> memref<33280xf32, #tpu.memory_space<hbm>>
      tpu.enqueue_dma source(%dma_start3A_1264 : memref<33280xf32, #tpu.memory_space<hbm>>) target(%dma_start3A_1262 : memref<33280xf32, #tpu.memory_space<vmem_shared>>) target_semaphore(%arg23 : memref<!tpu.dma_semaphore, #tpu.memory_space<semaphore_mem>>)
    } else {
    }
    %eq3A_973 = arith.constant 14 : i32
    %eq3A_974 = arith.cmpi eq, %arg1, %eq3A_973 : i32
    %convert_element_type3A_975 = arith.extui %eq3A_974 : i1 to i32
    %cond3A_976 = arith.constant 0 : i32
    %cond3A_977 = arith.cmpi ne, %convert_element_type3A_975, %cond3A_976 : i32
    scf.if %cond3A_977 {
      %dma_start3A_1258 = arith.constant 965888 : i32
      %dma_start3A_1259 = tpu.memref_slice %arg20[%dma_start3A_1258] : memref<1000064xf32, #tpu.memory_space<vmem_shared>> -> memref<34048xf32, #tpu.memory_space<vmem_shared>>
      %dma_start3A_1260 = arith.constant 965888 : i32
      %dma_start3A_1261 = tpu.memref_slice %arg4[%add3A_967, %dma_start3A_1260] : memref<32x1000000xf32, #tpu.memory_space<hbm>> -> memref<1x34048xf32, #tpu.memory_space<hbm>>
      %dma_start3A_1262 = tpu.memref_squeeze %dma_start3A_1261 : memref<1x34048xf32, #tpu.memory_space<hbm>> -> memref<34048xf32, #tpu.memory_space<hbm>>
      tpu.enqueue_dma source(%dma_start3A_1262 : memref<34048xf32, #tpu.memory_space<hbm>>) target(%dma_start3A_1259 : memref<34048xf32, #tpu.memory_space<vmem_shared>>) target_semaphore(%arg23 : memref<!tpu.dma_semaphore, #tpu.memory_space<semaphore_mem>>)
    } else {
    }
    %dma_start3A_978 = arith.constant 0 : i32
    %dma_start3A_979 = tpu.memref_slice %arg21[%dma_start3A_978] : memref<100000xf32, #tpu.memory_space<vmem_shared>> -> memref<100000xf32, #tpu.memory_space<vmem_shared>>
    tpu.enqueue_indirect_dma source(%dma_start3A_979 : memref<100000xf32, #tpu.memory_space<vmem_shared>>) target(%arg13 : memref<1024xf32, #tpu.memory_space<vmem>>) offsets(%arg9 : memref<1024xi32, #tpu.memory_space<vmem>>) semaphore(%arg25 : memref<!tpu.dma_semaphore, #tpu.memory_space<semaphore_mem>>)
    %eq3A_980 = arith.constant 0 : i32
    %eq3A_981 = arith.cmpi eq, %scan3A_11, %eq3A_980 : i32
    %convert_element_type3A_982 = arith.extui %eq3A_981 : i1 to i32
    %cond3A_983 = arith.constant 0 : i32
    %cond3A_984 = arith.cmpi ne, %convert_element_type3A_982, %cond3A_983 : i32
    scf.if %cond3A_984 {
      %scan3A_1258 = arith.constant 0 : i32
      %scan3A_1259 = arith.constant 0 : i32
      %scan3A_1260 = arith.constant 64 : i32
      %scan3A_1261 = arith.addi %scan3A_1259, %scan3A_1260 : i32
      %scan3A_1262 = arith.constant 1 : i32
      scf.for %scan3A_1264 = %scan3A_1259 to %scan3A_1261 step %scan3A_1262  : i32 {
        %mul3A_1265 = arith.constant 16 : i32
        %mul3A_1266 = arith.muli %scan3A_1264, %mul3A_1265 : i32
        %get3A = arith.index_cast %mul3A_1266 : i32 to index
        %get3A_1267 = tpu.vector_load %arg15[%get3A] {strides = array<i32>} : memref<1024xf32, #tpu.memory_space<vmem>>, vector<16xf32>,
        %get3A_1268 = arith.index_cast %mul3A_1266 : i32 to index
        %get3A_1269 = tpu.vector_load %arg12[%get3A_1268] {strides = array<i32>} : memref<1024xf32, #tpu.memory_space<vmem>>, vector<16xf32>,
        %get3A_1270 = arith.index_cast %mul3A_1266 : i32 to index
        %get3A_1271 = tpu.vector_load %arg14[%get3A_1270] {strides = array<i32>} : memref<1024xf32, #tpu.memory_space<vmem>>, vector<16xf32>,
        %mul3A_1272 = arith.mulf %get3A_1269, %get3A_1271 : vector<16xf32>
        %add3A_1273 = arith.addf %get3A_1267, %mul3A_1272 : vector<16xf32>
        %swap3A = arith.index_cast %mul3A_1266 : i32 to index
        %swap3A_1274 = tpu.vector_load %arg15[%swap3A] {strides = array<i32>} : memref<1024xf32, #tpu.memory_space<vmem>>, vector<16xf32>,
        tpu.vector_store %arg15[%swap3A], %add3A_1273 {strides = array<i32>} : memref<1024xf32, #tpu.memory_space<vmem>>, vector<16xf32>,
      }
      %scan3A_1263 = arith.constant 64 : i32
    } else {
    }
    %eq3A_985 = arith.constant 1 : i32
    %eq3A_986 = arith.cmpi eq, %scan3A_11, %eq3A_985 : i32
    %convert_element_type3A_987 = arith.extui %eq3A_986 : i1 to i32
    %cond3A_988 = arith.constant 0 : i32
    %cond3A_989 = arith.cmpi ne, %convert_element_type3A_987, %cond3A_988 : i32
    scf.if %cond3A_989 {
      %scan3A_1258 = arith.constant 0 : i32
      %scan3A_1259 = arith.constant 0 : i32
      %scan3A_1260 = arith.constant 64 : i32
      %scan3A_1261 = arith.addi %scan3A_1259, %scan3A_1260 : i32
      %scan3A_1262 = arith.constant 1 : i32
      scf.for %scan3A_1264 = %scan3A_1259 to %scan3A_1261 step %scan3A_1262  : i32 {
        %mul3A_1265 = arith.constant 16 : i32
        %mul3A_1266 = arith.muli %scan3A_1264, %mul3A_1265 : i32
        %get3A = arith.index_cast %mul3A_1266 : i32 to index
        %get3A_1267 = tpu.vector_load %arg16[%get3A] {strides = array<i32>} : memref<1024xi32, #tpu.memory_space<vmem>>, vector<16xi32>,
        %add3A_1268 = arith.constant 11 : i32
        %add3A_1269 = vector.broadcast %add3A_1268 : i32 to vector<16xi32>
        %add3A_1270 = arith.addi %get3A_1267, %add3A_1269 : vector<16xi32>
        %gather3A = tpu.vector_load_idx %arg18[%add3A_1270] : memref<2048xf32, #tpu.memory_space<vmem>>[vector<16xi32>], vector<16xf32>,
        %get3A_1271 = arith.index_cast %mul3A_1266 : i32 to index
        %get3A_1272 = tpu.vector_load %arg12[%get3A_1271] {strides = array<i32>} : memref<1024xf32, #tpu.memory_space<vmem>>, vector<16xf32>,
        %get3A_1273 = arith.index_cast %mul3A_1266 : i32 to index
        %get3A_1274 = tpu.vector_load %arg17[%get3A_1273] {strides = array<i32>} : memref<1024xf32, #tpu.memory_space<vmem>>, vector<16xf32>,
        %mul3A_1275 = arith.mulf %gather3A, %get3A_1274 : vector<16xf32>
        %add3A_1276 = arith.addf %get3A_1272, %mul3A_1275 : vector<16xf32>
        %get3A_1277 = arith.index_cast %mul3A_1266 : i32 to index
        %get3A_1278 = tpu.vector_load %arg15[%get3A_1277] {strides = array<i32>} : memref<1024xf32, #tpu.memory_space<vmem>>, vector<16xf32>,
        %get3A_1279 = arith.index_cast %mul3A_1266 : i32 to index
        %get3A_1280 = tpu.vector_load %arg14[%get3A_1279] {strides = array<i32>} : memref<1024xf32, #tpu.memory_space<vmem>>, vector<16xf32>,
        %mul3A_1281 = arith.mulf %add3A_1276, %get3A_1280 : vector<16xf32>
        %add3A_1282 = arith.addf %get3A_1278, %mul3A_1281 : vector<16xf32>
        %swap3A = arith.index_cast %mul3A_1266 : i32 to index
        %swap3A_1283 = tpu.vector_load %arg15[%swap3A] {strides = array<i32>} : memref<1024xf32, #tpu.memory_space<vmem>>, vector<16xf32>,
        tpu.vector_store %arg15[%swap3A], %add3A_1282 {strides = array<i32>} : memref<1024xf32, #tpu.memory_space<vmem>>, vector<16xf32>,
      }
      %scan3A_1263 = arith.constant 64 : i32
    } else {
    }
    %dma_wait3A_990 = arith.constant 0 : i32
    %dma_wait3A_991 = tpu.memref_slice %arg21[%dma_wait3A_990] : memref<100000xf32, #tpu.memory_space<vmem_shared>> -> memref<100000xf32, #tpu.memory_space<vmem_shared>>
    tpu.wait_indirect_dma semaphore(%arg25 : memref<!tpu.dma_semaphore, #tpu.memory_space<semaphore_mem>>) src(%dma_wait3A_991 : memref<100000xf32, #tpu.memory_space<vmem_shared>>) dst(%arg13 : memref<1024xf32, #tpu.memory_space<vmem>>)
    %lt3A_992 = arith.constant 14 : i32
    %lt3A_993 = arith.cmpi slt, %arg1, %lt3A_992 : i32
    %convert_element_type3A_994 = arith.extui %lt3A_993 : i1 to i32
    %cond3A_995 = arith.constant 0 : i32
    %cond3A_996 = arith.cmpi ne, %convert_element_type3A_994, %cond3A_995 : i32
    scf.if %cond3A_996 {
      %dma_wait3A_1258 = arith.constant 0 : i32
      %dma_wait3A_1259 = arith.constant 0 : i32
      %dma_wait3A_1260 = tpu.memref_slice %arg20[%dma_wait3A_1259] : memref<1000064xf32, #tpu.memory_space<vmem_shared>> -> memref<33280xf32, #tpu.memory_space<vmem_shared>>
      %dma_wait3A_1261 = arith.constant 0 : i32
      %dma_wait3A_1262 = tpu.memref_slice %arg4[%dma_wait3A_1258, %dma_wait3A_1261] : memref<32x1000000xf32, #tpu.memory_space<hbm>> -> memref<1x33280xf32, #tpu.memory_space<hbm>>
      %dma_wait3A_1263 = tpu.memref_squeeze %dma_wait3A_1262 : memref<1x33280xf32, #tpu.memory_space<hbm>> -> memref<33280xf32, #tpu.memory_space<hbm>>
      tpu.wait_dma2 semaphore(%arg23 : memref<!tpu.dma_semaphore, #tpu.memory_space<semaphore_mem>>) src(%dma_wait3A_1263 : memref<33280xf32, #tpu.memory_space<hbm>>) dst(%dma_wait3A_1260 : memref<33280xf32, #tpu.memory_space<vmem_shared>>)
    } else {
    }
    %eq3A_997 = arith.constant 14 : i32
    %eq3A_998 = arith.cmpi eq, %arg1, %eq3A_997 : i32
    %convert_element_type3A_999 = arith.extui %eq3A_998 : i1 to i32
    %cond3A_1000 = arith.constant 0 : i32
    %cond3A_1001 = arith.cmpi ne, %convert_element_type3A_999, %cond3A_1000 : i32
    scf.if %cond3A_1001 {
      %dma_wait3A_1258 = arith.constant 0 : i32
      %dma_wait3A_1259 = arith.constant 0 : i32
      %dma_wait3A_1260 = tpu.memref_slice %arg20[%dma_wait3A_1259] : memref<1000064xf32, #tpu.memory_space<vmem_shared>> -> memref<34048xf32, #tpu.memory_space<vmem_shared>>
      %dma_wait3A_1261 = arith.constant 0 : i32
      %dma_wait3A_1262 = tpu.memref_slice %arg4[%dma_wait3A_1258, %dma_wait3A_1261] : memref<32x1000000xf32, #tpu.memory_space<hbm>> -> memref<1x34048xf32, #tpu.memory_space<hbm>>
      %dma_wait3A_1263 = tpu.memref_squeeze %dma_wait3A_1262 : memref<1x34048xf32, #tpu.memory_space<hbm>> -> memref<34048xf32, #tpu.memory_space<hbm>>
      tpu.wait_dma2 semaphore(%arg23 : memref<!tpu.dma_semaphore, #tpu.memory_space<semaphore_mem>>) src(%dma_wait3A_1263 : memref<34048xf32, #tpu.memory_space<hbm>>) dst(%dma_wait3A_1260 : memref<34048xf32, #tpu.memory_space<vmem_shared>>)
    } else {
    }
    %lt3A_1002 = arith.constant 14 : i32
    %lt3A_1003 = arith.cmpi slt, %arg1, %lt3A_1002 : i32
    %convert_element_type3A_1004 = arith.extui %lt3A_1003 : i1 to i32
    %cond3A_1005 = arith.constant 0 : i32
    %cond3A_1006 = arith.cmpi ne, %convert_element_type3A_1004, %cond3A_1005 : i32
    scf.if %cond3A_1006 {
      %dma_wait3A_1258 = arith.constant 0 : i32
      %dma_wait3A_1259 = arith.constant 0 : i32
      %dma_wait3A_1260 = tpu.memref_slice %arg20[%dma_wait3A_1259] : memref<1000064xf32, #tpu.memory_space<vmem_shared>> -> memref<33280xf32, #tpu.memory_space<vmem_shared>>
      %dma_wait3A_1261 = arith.constant 0 : i32
      %dma_wait3A_1262 = tpu.memref_slice %arg4[%dma_wait3A_1258, %dma_wait3A_1261] : memref<32x1000000xf32, #tpu.memory_space<hbm>> -> memref<1x33280xf32, #tpu.memory_space<hbm>>
      %dma_wait3A_1263 = tpu.memref_squeeze %dma_wait3A_1262 : memref<1x33280xf32, #tpu.memory_space<hbm>> -> memref<33280xf32, #tpu.memory_space<hbm>>
      tpu.wait_dma2 semaphore(%arg23 : memref<!tpu.dma_semaphore, #tpu.memory_space<semaphore_mem>>) src(%dma_wait3A_1263 : memref<33280xf32, #tpu.memory_space<hbm>>) dst(%dma_wait3A_1260 : memref<33280xf32, #tpu.memory_space<vmem_shared>>)
    } else {
    }
    %eq3A_1007 = arith.constant 14 : i32
    %eq3A_1008 = arith.cmpi eq, %arg1, %eq3A_1007 : i32
    %convert_element_type3A_1009 = arith.extui %eq3A_1008 : i1 to i32
    %cond3A_1010 = arith.constant 0 : i32
    %cond3A_1011 = arith.cmpi ne, %convert_element_type3A_1009, %cond3A_1010 : i32
    scf.if %cond3A_1011 {
      %dma_wait3A_1258 = arith.constant 0 : i32
      %dma_wait3A_1259 = arith.constant 0 : i32
      %dma_wait3A_1260 = tpu.memref_slice %arg20[%dma_wait3A_1259] : memref<1000064xf32, #tpu.memory_space<vmem_shared>> -> memref<34048xf32, #tpu.memory_space<vmem_shared>>
      %dma_wait3A_1261 = arith.constant 0 : i32
      %dma_wait3A_1262 = tpu.memref_slice %arg4[%dma_wait3A_1258, %dma_wait3A_1261] : memref<32x1000000xf32, #tpu.memory_space<hbm>> -> memref<1x34048xf32, #tpu.memory_space<hbm>>
      %dma_wait3A_1263 = tpu.memref_squeeze %dma_wait3A_1262 : memref<1x34048xf32, #tpu.memory_space<hbm>> -> memref<34048xf32, #tpu.memory_space<hbm>>
      tpu.wait_dma2 semaphore(%arg23 : memref<!tpu.dma_semaphore, #tpu.memory_space<semaphore_mem>>) src(%dma_wait3A_1263 : memref<34048xf32, #tpu.memory_space<hbm>>) dst(%dma_wait3A_1260 : memref<34048xf32, #tpu.memory_space<vmem_shared>>)
    } else {
    }
    %barrier3A_1012 = arith.constant 0 : index
    tpu.barrier barrier_id(%barrier3A_1012)
    %dma_start3A_1013 = arith.constant 0 : i32
    %dma_start3A_1014 = tpu.memref_slice %arg20[%dma_start3A_1013] : memref<1000064xf32, #tpu.memory_space<vmem_shared>> -> memref<1000064xf32, #tpu.memory_space<vmem_shared>>
    tpu.enqueue_indirect_dma source(%dma_start3A_1014 : memref<1000064xf32, #tpu.memory_space<vmem_shared>>) target(%arg11 : memref<1024xf32, #tpu.memory_space<vmem>>) offsets(%arg10 : memref<1024xi32, #tpu.memory_space<vmem>>) semaphore(%arg25 : memref<!tpu.dma_semaphore, #tpu.memory_space<semaphore_mem>>)
    %dma_wait3A_1015 = arith.constant 0 : i32
    %dma_wait3A_1016 = tpu.memref_slice %arg20[%dma_wait3A_1015] : memref<1000064xf32, #tpu.memory_space<vmem_shared>> -> memref<1000064xf32, #tpu.memory_space<vmem_shared>>
    tpu.wait_indirect_dma semaphore(%arg25 : memref<!tpu.dma_semaphore, #tpu.memory_space<semaphore_mem>>) src(%dma_wait3A_1016 : memref<1000064xf32, #tpu.memory_space<vmem_shared>>) dst(%arg11 : memref<1024xf32, #tpu.memory_space<vmem>>)
    %eq3A_1017 = arith.constant 15 : i32
    %eq3A_1018 = arith.cmpi eq, %arg1, %eq3A_1017 : i32
    %convert_element_type3A_1019 = arith.extui %eq3A_1018 : i1 to i32
    %cond3A_1020 = arith.constant 0 : i32
    %cond3A_1021 = arith.cmpi ne, %convert_element_type3A_1019, %cond3A_1020 : i32
    scf.if %cond3A_1021 {
      %dma_wait3A_1258 = arith.constant 0 : i32
      %dma_wait3A_1259 = arith.constant 0 : i32
      %dma_wait3A_1260 = tpu.memref_slice %arg5[%dma_wait3A_1258, %dma_wait3A_1259] : memref<32x100000xf32, #tpu.memory_space<hbm>> -> memref<1x100000xf32, #tpu.memory_space<hbm>>
      %dma_wait3A_1261 = tpu.memref_squeeze %dma_wait3A_1260 : memref<1x100000xf32, #tpu.memory_space<hbm>> -> memref<100000xf32, #tpu.memory_space<hbm>>
      tpu.wait_dma2 semaphore(%arg24 : memref<!tpu.dma_semaphore, #tpu.memory_space<semaphore_mem>>) src(%dma_wait3A_1261 : memref<100000xf32, #tpu.memory_space<hbm>>) dst(%arg21 : memref<100000xf32, #tpu.memory_space<vmem_shared>>)
    } else {
    }
    %barrier3A_1022 = arith.constant 0 : index
    tpu.barrier barrier_id(%barrier3A_1022)
    %eq3A_1023 = arith.constant 15 : i32
    %eq3A_1024 = arith.cmpi eq, %arg1, %eq3A_1023 : i32
    %convert_element_type3A_1025 = arith.extui %eq3A_1024 : i1 to i32
    %cond3A_1026 = arith.constant 0 : i32
    %cond3A_1027 = arith.cmpi ne, %convert_element_type3A_1025, %cond3A_1026 : i32
    scf.if %cond3A_1027 {
      %mul3A_1258 = arith.constant 16 : i32
      %mul3A_1259 = arith.muli %arg0, %mul3A_1258 : i32
      %add3A_1260 = arith.constant 14 : i32
      %add3A_1261 = arith.addi %mul3A_1259, %add3A_1260 : i32
      %dma_start3A_1262 = arith.constant 0 : i32
      %dma_start3A_1263 = tpu.memref_slice %arg5[%add3A_1261, %dma_start3A_1262] : memref<32x100000xf32, #tpu.memory_space<hbm>> -> memref<1x100000xf32, #tpu.memory_space<hbm>>
      %dma_start3A_1264 = tpu.memref_squeeze %dma_start3A_1263 : memref<1x100000xf32, #tpu.memory_space<hbm>> -> memref<100000xf32, #tpu.memory_space<hbm>>
      tpu.enqueue_dma source(%dma_start3A_1264 : memref<100000xf32, #tpu.memory_space<hbm>>) target(%arg21 : memref<100000xf32, #tpu.memory_space<vmem_shared>>) target_semaphore(%arg24 : memref<!tpu.dma_semaphore, #tpu.memory_space<semaphore_mem>>)
    } else {
    }
    %mul3A_1028 = arith.constant 16 : i32
    %mul3A_1029 = arith.muli %arg0, %mul3A_1028 : i32
    %add3A_1030 = arith.constant 13 : i32
    %add3A_1031 = arith.addi %mul3A_1029, %add3A_1030 : i32
    %lt3A_1032 = arith.constant 14 : i32
    %lt3A_1033 = arith.cmpi slt, %arg1, %lt3A_1032 : i32
    %convert_element_type3A_1034 = arith.extui %lt3A_1033 : i1 to i32
    %cond3A_1035 = arith.constant 0 : i32
    %cond3A_1036 = arith.cmpi ne, %convert_element_type3A_1034, %cond3A_1035 : i32
    scf.if %cond3A_1036 {
      %mul3A_1258 = arith.constant 33280 : i32
      %mul3A_1259 = arith.muli %arg1, %mul3A_1258 : i32
      %add3A_1260 = arith.constant 0 : i32
      %add3A_1261 = arith.addi %add3A_1260, %mul3A_1259 : i32
      %multiple_of3A = tpu.assume_multiple %add3A_1261, 128 : i32
      %dma_start3A_1262 = tpu.memref_slice %arg20[%multiple_of3A] : memref<1000064xf32, #tpu.memory_space<vmem_shared>> -> memref<33280xf32, #tpu.memory_space<vmem_shared>>
      %dma_start3A_1263 = tpu.memref_slice %arg4[%add3A_1031, %multiple_of3A] : memref<32x1000000xf32, #tpu.memory_space<hbm>> -> memref<1x33280xf32, #tpu.memory_space<hbm>>
      %dma_start3A_1264 = tpu.memref_squeeze %dma_start3A_1263 : memref<1x33280xf32, #tpu.memory_space<hbm>> -> memref<33280xf32, #tpu.memory_space<hbm>>
      tpu.enqueue_dma source(%dma_start3A_1264 : memref<33280xf32, #tpu.memory_space<hbm>>) target(%dma_start3A_1262 : memref<33280xf32, #tpu.memory_space<vmem_shared>>) target_semaphore(%arg23 : memref<!tpu.dma_semaphore, #tpu.memory_space<semaphore_mem>>)
    } else {
    }
    %eq3A_1037 = arith.constant 14 : i32
    %eq3A_1038 = arith.cmpi eq, %arg1, %eq3A_1037 : i32
    %convert_element_type3A_1039 = arith.extui %eq3A_1038 : i1 to i32
    %cond3A_1040 = arith.constant 0 : i32
    %cond3A_1041 = arith.cmpi ne, %convert_element_type3A_1039, %cond3A_1040 : i32
    scf.if %cond3A_1041 {
      %dma_start3A_1258 = arith.constant 465920 : i32
      %dma_start3A_1259 = tpu.memref_slice %arg20[%dma_start3A_1258] : memref<1000064xf32, #tpu.memory_space<vmem_shared>> -> memref<34048xf32, #tpu.memory_space<vmem_shared>>
      %dma_start3A_1260 = arith.constant 465920 : i32
      %dma_start3A_1261 = tpu.memref_slice %arg4[%add3A_1031, %dma_start3A_1260] : memref<32x1000000xf32, #tpu.memory_space<hbm>> -> memref<1x34048xf32, #tpu.memory_space<hbm>>
      %dma_start3A_1262 = tpu.memref_squeeze %dma_start3A_1261 : memref<1x34048xf32, #tpu.memory_space<hbm>> -> memref<34048xf32, #tpu.memory_space<hbm>>
      tpu.enqueue_dma source(%dma_start3A_1262 : memref<34048xf32, #tpu.memory_space<hbm>>) target(%dma_start3A_1259 : memref<34048xf32, #tpu.memory_space<vmem_shared>>) target_semaphore(%arg23 : memref<!tpu.dma_semaphore, #tpu.memory_space<semaphore_mem>>)
    } else {
    }
    %mul3A_1042 = arith.constant 16 : i32
    %mul3A_1043 = arith.muli %arg0, %mul3A_1042 : i32
    %add3A_1044 = arith.constant 13 : i32
    %add3A_1045 = arith.addi %mul3A_1043, %add3A_1044 : i32
    %lt3A_1046 = arith.constant 14 : i32
    %lt3A_1047 = arith.cmpi slt, %arg1, %lt3A_1046 : i32
    %convert_element_type3A_1048 = arith.extui %lt3A_1047 : i1 to i32
    %cond3A_1049 = arith.constant 0 : i32
    %cond3A_1050 = arith.cmpi ne, %convert_element_type3A_1048, %cond3A_1049 : i32
    scf.if %cond3A_1050 {
      %mul3A_1258 = arith.constant 33280 : i32
      %mul3A_1259 = arith.muli %arg1, %mul3A_1258 : i32
      %add3A_1260 = arith.constant 499968 : i32
      %add3A_1261 = arith.addi %add3A_1260, %mul3A_1259 : i32
      %multiple_of3A = tpu.assume_multiple %add3A_1261, 128 : i32
      %dma_start3A_1262 = tpu.memref_slice %arg20[%multiple_of3A] : memref<1000064xf32, #tpu.memory_space<vmem_shared>> -> memref<33280xf32, #tpu.memory_space<vmem_shared>>
      %dma_start3A_1263 = tpu.memref_slice %arg4[%add3A_1045, %multiple_of3A] : memref<32x1000000xf32, #tpu.memory_space<hbm>> -> memref<1x33280xf32, #tpu.memory_space<hbm>>
      %dma_start3A_1264 = tpu.memref_squeeze %dma_start3A_1263 : memref<1x33280xf32, #tpu.memory_space<hbm>> -> memref<33280xf32, #tpu.memory_space<hbm>>
      tpu.enqueue_dma source(%dma_start3A_1264 : memref<33280xf32, #tpu.memory_space<hbm>>) target(%dma_start3A_1262 : memref<33280xf32, #tpu.memory_space<vmem_shared>>) target_semaphore(%arg23 : memref<!tpu.dma_semaphore, #tpu.memory_space<semaphore_mem>>)
    } else {
    }
    %eq3A_1051 = arith.constant 14 : i32
    %eq3A_1052 = arith.cmpi eq, %arg1, %eq3A_1051 : i32
    %convert_element_type3A_1053 = arith.extui %eq3A_1052 : i1 to i32
    %cond3A_1054 = arith.constant 0 : i32
    %cond3A_1055 = arith.cmpi ne, %convert_element_type3A_1053, %cond3A_1054 : i32
    scf.if %cond3A_1055 {
      %dma_start3A_1258 = arith.constant 965888 : i32
      %dma_start3A_1259 = tpu.memref_slice %arg20[%dma_start3A_1258] : memref<1000064xf32, #tpu.memory_space<vmem_shared>> -> memref<34048xf32, #tpu.memory_space<vmem_shared>>
      %dma_start3A_1260 = arith.constant 965888 : i32
      %dma_start3A_1261 = tpu.memref_slice %arg4[%add3A_1045, %dma_start3A_1260] : memref<32x1000000xf32, #tpu.memory_space<hbm>> -> memref<1x34048xf32, #tpu.memory_space<hbm>>
      %dma_start3A_1262 = tpu.memref_squeeze %dma_start3A_1261 : memref<1x34048xf32, #tpu.memory_space<hbm>> -> memref<34048xf32, #tpu.memory_space<hbm>>
      tpu.enqueue_dma source(%dma_start3A_1262 : memref<34048xf32, #tpu.memory_space<hbm>>) target(%dma_start3A_1259 : memref<34048xf32, #tpu.memory_space<vmem_shared>>) target_semaphore(%arg23 : memref<!tpu.dma_semaphore, #tpu.memory_space<semaphore_mem>>)
    } else {
    }
    %dma_start3A_1056 = arith.constant 0 : i32
    %dma_start3A_1057 = tpu.memref_slice %arg22[%dma_start3A_1056] : memref<100000xf32, #tpu.memory_space<vmem_shared>> -> memref<100000xf32, #tpu.memory_space<vmem_shared>>
    tpu.enqueue_indirect_dma source(%dma_start3A_1057 : memref<100000xf32, #tpu.memory_space<vmem_shared>>) target(%arg14 : memref<1024xf32, #tpu.memory_space<vmem>>) offsets(%arg9 : memref<1024xi32, #tpu.memory_space<vmem>>) semaphore(%arg25 : memref<!tpu.dma_semaphore, #tpu.memory_space<semaphore_mem>>)
    %eq3A_1058 = arith.constant 0 : i32
    %eq3A_1059 = arith.cmpi eq, %scan3A_11, %eq3A_1058 : i32
    %convert_element_type3A_1060 = arith.extui %eq3A_1059 : i1 to i32
    %cond3A_1061 = arith.constant 0 : i32
    %cond3A_1062 = arith.cmpi ne, %convert_element_type3A_1060, %cond3A_1061 : i32
    scf.if %cond3A_1062 {
      %scan3A_1258 = arith.constant 0 : i32
      %scan3A_1259 = arith.constant 0 : i32
      %scan3A_1260 = arith.constant 64 : i32
      %scan3A_1261 = arith.addi %scan3A_1259, %scan3A_1260 : i32
      %scan3A_1262 = arith.constant 1 : i32
      scf.for %scan3A_1264 = %scan3A_1259 to %scan3A_1261 step %scan3A_1262  : i32 {
        %mul3A_1265 = arith.constant 16 : i32
        %mul3A_1266 = arith.muli %scan3A_1264, %mul3A_1265 : i32
        %get3A = arith.index_cast %mul3A_1266 : i32 to index
        %get3A_1267 = tpu.vector_load %arg15[%get3A] {strides = array<i32>} : memref<1024xf32, #tpu.memory_space<vmem>>, vector<16xf32>,
        %get3A_1268 = arith.index_cast %mul3A_1266 : i32 to index
        %get3A_1269 = tpu.vector_load %arg11[%get3A_1268] {strides = array<i32>} : memref<1024xf32, #tpu.memory_space<vmem>>, vector<16xf32>,
        %get3A_1270 = arith.index_cast %mul3A_1266 : i32 to index
        %get3A_1271 = tpu.vector_load %arg13[%get3A_1270] {strides = array<i32>} : memref<1024xf32, #tpu.memory_space<vmem>>, vector<16xf32>,
        %mul3A_1272 = arith.mulf %get3A_1269, %get3A_1271 : vector<16xf32>
        %add3A_1273 = arith.addf %get3A_1267, %mul3A_1272 : vector<16xf32>
        %swap3A = arith.index_cast %mul3A_1266 : i32 to index
        %swap3A_1274 = tpu.vector_load %arg15[%swap3A] {strides = array<i32>} : memref<1024xf32, #tpu.memory_space<vmem>>, vector<16xf32>,
        tpu.vector_store %arg15[%swap3A], %add3A_1273 {strides = array<i32>} : memref<1024xf32, #tpu.memory_space<vmem>>, vector<16xf32>,
      }
      %scan3A_1263 = arith.constant 64 : i32
    } else {
    }
    %eq3A_1063 = arith.constant 1 : i32
    %eq3A_1064 = arith.cmpi eq, %scan3A_11, %eq3A_1063 : i32
    %convert_element_type3A_1065 = arith.extui %eq3A_1064 : i1 to i32
    %cond3A_1066 = arith.constant 0 : i32
    %cond3A_1067 = arith.cmpi ne, %convert_element_type3A_1065, %cond3A_1066 : i32
    scf.if %cond3A_1067 {
      %scan3A_1258 = arith.constant 0 : i32
      %scan3A_1259 = arith.constant 0 : i32
      %scan3A_1260 = arith.constant 64 : i32
      %scan3A_1261 = arith.addi %scan3A_1259, %scan3A_1260 : i32
      %scan3A_1262 = arith.constant 1 : i32
      scf.for %scan3A_1264 = %scan3A_1259 to %scan3A_1261 step %scan3A_1262  : i32 {
        %mul3A_1265 = arith.constant 16 : i32
        %mul3A_1266 = arith.muli %scan3A_1264, %mul3A_1265 : i32
        %get3A = arith.index_cast %mul3A_1266 : i32 to index
        %get3A_1267 = tpu.vector_load %arg16[%get3A] {strides = array<i32>} : memref<1024xi32, #tpu.memory_space<vmem>>, vector<16xi32>,
        %add3A_1268 = arith.constant 12 : i32
        %add3A_1269 = vector.broadcast %add3A_1268 : i32 to vector<16xi32>
        %add3A_1270 = arith.addi %get3A_1267, %add3A_1269 : vector<16xi32>
        %gather3A = tpu.vector_load_idx %arg18[%add3A_1270] : memref<2048xf32, #tpu.memory_space<vmem>>[vector<16xi32>], vector<16xf32>,
        %get3A_1271 = arith.index_cast %mul3A_1266 : i32 to index
        %get3A_1272 = tpu.vector_load %arg11[%get3A_1271] {strides = array<i32>} : memref<1024xf32, #tpu.memory_space<vmem>>, vector<16xf32>,
        %get3A_1273 = arith.index_cast %mul3A_1266 : i32 to index
        %get3A_1274 = tpu.vector_load %arg17[%get3A_1273] {strides = array<i32>} : memref<1024xf32, #tpu.memory_space<vmem>>, vector<16xf32>,
        %mul3A_1275 = arith.mulf %gather3A, %get3A_1274 : vector<16xf32>
        %add3A_1276 = arith.addf %get3A_1272, %mul3A_1275 : vector<16xf32>
        %get3A_1277 = arith.index_cast %mul3A_1266 : i32 to index
        %get3A_1278 = tpu.vector_load %arg15[%get3A_1277] {strides = array<i32>} : memref<1024xf32, #tpu.memory_space<vmem>>, vector<16xf32>,
        %get3A_1279 = arith.index_cast %mul3A_1266 : i32 to index
        %get3A_1280 = tpu.vector_load %arg13[%get3A_1279] {strides = array<i32>} : memref<1024xf32, #tpu.memory_space<vmem>>, vector<16xf32>,
        %mul3A_1281 = arith.mulf %add3A_1276, %get3A_1280 : vector<16xf32>
        %add3A_1282 = arith.addf %get3A_1278, %mul3A_1281 : vector<16xf32>
        %swap3A = arith.index_cast %mul3A_1266 : i32 to index
        %swap3A_1283 = tpu.vector_load %arg15[%swap3A] {strides = array<i32>} : memref<1024xf32, #tpu.memory_space<vmem>>, vector<16xf32>,
        tpu.vector_store %arg15[%swap3A], %add3A_1282 {strides = array<i32>} : memref<1024xf32, #tpu.memory_space<vmem>>, vector<16xf32>,
      }
      %scan3A_1263 = arith.constant 64 : i32
    } else {
    }
    %dma_wait3A_1068 = arith.constant 0 : i32
    %dma_wait3A_1069 = tpu.memref_slice %arg22[%dma_wait3A_1068] : memref<100000xf32, #tpu.memory_space<vmem_shared>> -> memref<100000xf32, #tpu.memory_space<vmem_shared>>
    tpu.wait_indirect_dma semaphore(%arg25 : memref<!tpu.dma_semaphore, #tpu.memory_space<semaphore_mem>>) src(%dma_wait3A_1069 : memref<100000xf32, #tpu.memory_space<vmem_shared>>) dst(%arg14 : memref<1024xf32, #tpu.memory_space<vmem>>)
    %lt3A_1070 = arith.constant 14 : i32
    %lt3A_1071 = arith.cmpi slt, %arg1, %lt3A_1070 : i32
    %convert_element_type3A_1072 = arith.extui %lt3A_1071 : i1 to i32
    %cond3A_1073 = arith.constant 0 : i32
    %cond3A_1074 = arith.cmpi ne, %convert_element_type3A_1072, %cond3A_1073 : i32
    scf.if %cond3A_1074 {
      %dma_wait3A_1258 = arith.constant 0 : i32
      %dma_wait3A_1259 = arith.constant 0 : i32
      %dma_wait3A_1260 = tpu.memref_slice %arg20[%dma_wait3A_1259] : memref<1000064xf32, #tpu.memory_space<vmem_shared>> -> memref<33280xf32, #tpu.memory_space<vmem_shared>>
      %dma_wait3A_1261 = arith.constant 0 : i32
      %dma_wait3A_1262 = tpu.memref_slice %arg4[%dma_wait3A_1258, %dma_wait3A_1261] : memref<32x1000000xf32, #tpu.memory_space<hbm>> -> memref<1x33280xf32, #tpu.memory_space<hbm>>
      %dma_wait3A_1263 = tpu.memref_squeeze %dma_wait3A_1262 : memref<1x33280xf32, #tpu.memory_space<hbm>> -> memref<33280xf32, #tpu.memory_space<hbm>>
      tpu.wait_dma2 semaphore(%arg23 : memref<!tpu.dma_semaphore, #tpu.memory_space<semaphore_mem>>) src(%dma_wait3A_1263 : memref<33280xf32, #tpu.memory_space<hbm>>) dst(%dma_wait3A_1260 : memref<33280xf32, #tpu.memory_space<vmem_shared>>)
    } else {
    }
    %eq3A_1075 = arith.constant 14 : i32
    %eq3A_1076 = arith.cmpi eq, %arg1, %eq3A_1075 : i32
    %convert_element_type3A_1077 = arith.extui %eq3A_1076 : i1 to i32
    %cond3A_1078 = arith.constant 0 : i32
    %cond3A_1079 = arith.cmpi ne, %convert_element_type3A_1077, %cond3A_1078 : i32
    scf.if %cond3A_1079 {
      %dma_wait3A_1258 = arith.constant 0 : i32
      %dma_wait3A_1259 = arith.constant 0 : i32
      %dma_wait3A_1260 = tpu.memref_slice %arg20[%dma_wait3A_1259] : memref<1000064xf32, #tpu.memory_space<vmem_shared>> -> memref<34048xf32, #tpu.memory_space<vmem_shared>>
      %dma_wait3A_1261 = arith.constant 0 : i32
      %dma_wait3A_1262 = tpu.memref_slice %arg4[%dma_wait3A_1258, %dma_wait3A_1261] : memref<32x1000000xf32, #tpu.memory_space<hbm>> -> memref<1x34048xf32, #tpu.memory_space<hbm>>
      %dma_wait3A_1263 = tpu.memref_squeeze %dma_wait3A_1262 : memref<1x34048xf32, #tpu.memory_space<hbm>> -> memref<34048xf32, #tpu.memory_space<hbm>>
      tpu.wait_dma2 semaphore(%arg23 : memref<!tpu.dma_semaphore, #tpu.memory_space<semaphore_mem>>) src(%dma_wait3A_1263 : memref<34048xf32, #tpu.memory_space<hbm>>) dst(%dma_wait3A_1260 : memref<34048xf32, #tpu.memory_space<vmem_shared>>)
    } else {
    }
    %lt3A_1080 = arith.constant 14 : i32
    %lt3A_1081 = arith.cmpi slt, %arg1, %lt3A_1080 : i32
    %convert_element_type3A_1082 = arith.extui %lt3A_1081 : i1 to i32
    %cond3A_1083 = arith.constant 0 : i32
    %cond3A_1084 = arith.cmpi ne, %convert_element_type3A_1082, %cond3A_1083 : i32
    scf.if %cond3A_1084 {
      %dma_wait3A_1258 = arith.constant 0 : i32
      %dma_wait3A_1259 = arith.constant 0 : i32
      %dma_wait3A_1260 = tpu.memref_slice %arg20[%dma_wait3A_1259] : memref<1000064xf32, #tpu.memory_space<vmem_shared>> -> memref<33280xf32, #tpu.memory_space<vmem_shared>>
      %dma_wait3A_1261 = arith.constant 0 : i32
      %dma_wait3A_1262 = tpu.memref_slice %arg4[%dma_wait3A_1258, %dma_wait3A_1261] : memref<32x1000000xf32, #tpu.memory_space<hbm>> -> memref<1x33280xf32, #tpu.memory_space<hbm>>
      %dma_wait3A_1263 = tpu.memref_squeeze %dma_wait3A_1262 : memref<1x33280xf32, #tpu.memory_space<hbm>> -> memref<33280xf32, #tpu.memory_space<hbm>>
      tpu.wait_dma2 semaphore(%arg23 : memref<!tpu.dma_semaphore, #tpu.memory_space<semaphore_mem>>) src(%dma_wait3A_1263 : memref<33280xf32, #tpu.memory_space<hbm>>) dst(%dma_wait3A_1260 : memref<33280xf32, #tpu.memory_space<vmem_shared>>)
    } else {
    }
    %eq3A_1085 = arith.constant 14 : i32
    %eq3A_1086 = arith.cmpi eq, %arg1, %eq3A_1085 : i32
    %convert_element_type3A_1087 = arith.extui %eq3A_1086 : i1 to i32
    %cond3A_1088 = arith.constant 0 : i32
    %cond3A_1089 = arith.cmpi ne, %convert_element_type3A_1087, %cond3A_1088 : i32
    scf.if %cond3A_1089 {
      %dma_wait3A_1258 = arith.constant 0 : i32
      %dma_wait3A_1259 = arith.constant 0 : i32
      %dma_wait3A_1260 = tpu.memref_slice %arg20[%dma_wait3A_1259] : memref<1000064xf32, #tpu.memory_space<vmem_shared>> -> memref<34048xf32, #tpu.memory_space<vmem_shared>>
      %dma_wait3A_1261 = arith.constant 0 : i32
      %dma_wait3A_1262 = tpu.memref_slice %arg4[%dma_wait3A_1258, %dma_wait3A_1261] : memref<32x1000000xf32, #tpu.memory_space<hbm>> -> memref<1x34048xf32, #tpu.memory_space<hbm>>
      %dma_wait3A_1263 = tpu.memref_squeeze %dma_wait3A_1262 : memref<1x34048xf32, #tpu.memory_space<hbm>> -> memref<34048xf32, #tpu.memory_space<hbm>>
      tpu.wait_dma2 semaphore(%arg23 : memref<!tpu.dma_semaphore, #tpu.memory_space<semaphore_mem>>) src(%dma_wait3A_1263 : memref<34048xf32, #tpu.memory_space<hbm>>) dst(%dma_wait3A_1260 : memref<34048xf32, #tpu.memory_space<vmem_shared>>)
    } else {
    }
    %barrier3A_1090 = arith.constant 0 : index
    tpu.barrier barrier_id(%barrier3A_1090)
    %dma_start3A_1091 = arith.constant 0 : i32
    %dma_start3A_1092 = tpu.memref_slice %arg20[%dma_start3A_1091] : memref<1000064xf32, #tpu.memory_space<vmem_shared>> -> memref<1000064xf32, #tpu.memory_space<vmem_shared>>
    tpu.enqueue_indirect_dma source(%dma_start3A_1092 : memref<1000064xf32, #tpu.memory_space<vmem_shared>>) target(%arg12 : memref<1024xf32, #tpu.memory_space<vmem>>) offsets(%arg10 : memref<1024xi32, #tpu.memory_space<vmem>>) semaphore(%arg25 : memref<!tpu.dma_semaphore, #tpu.memory_space<semaphore_mem>>)
    %dma_wait3A_1093 = arith.constant 0 : i32
    %dma_wait3A_1094 = tpu.memref_slice %arg20[%dma_wait3A_1093] : memref<1000064xf32, #tpu.memory_space<vmem_shared>> -> memref<1000064xf32, #tpu.memory_space<vmem_shared>>
    tpu.wait_indirect_dma semaphore(%arg25 : memref<!tpu.dma_semaphore, #tpu.memory_space<semaphore_mem>>) src(%dma_wait3A_1094 : memref<1000064xf32, #tpu.memory_space<vmem_shared>>) dst(%arg12 : memref<1024xf32, #tpu.memory_space<vmem>>)
    %eq3A_1095 = arith.constant 15 : i32
    %eq3A_1096 = arith.cmpi eq, %arg1, %eq3A_1095 : i32
    %convert_element_type3A_1097 = arith.extui %eq3A_1096 : i1 to i32
    %cond3A_1098 = arith.constant 0 : i32
    %cond3A_1099 = arith.cmpi ne, %convert_element_type3A_1097, %cond3A_1098 : i32
    scf.if %cond3A_1099 {
      %dma_wait3A_1258 = arith.constant 0 : i32
      %dma_wait3A_1259 = arith.constant 0 : i32
      %dma_wait3A_1260 = tpu.memref_slice %arg5[%dma_wait3A_1258, %dma_wait3A_1259] : memref<32x100000xf32, #tpu.memory_space<hbm>> -> memref<1x100000xf32, #tpu.memory_space<hbm>>
      %dma_wait3A_1261 = tpu.memref_squeeze %dma_wait3A_1260 : memref<1x100000xf32, #tpu.memory_space<hbm>> -> memref<100000xf32, #tpu.memory_space<hbm>>
      tpu.wait_dma2 semaphore(%arg24 : memref<!tpu.dma_semaphore, #tpu.memory_space<semaphore_mem>>) src(%dma_wait3A_1261 : memref<100000xf32, #tpu.memory_space<hbm>>) dst(%arg21 : memref<100000xf32, #tpu.memory_space<vmem_shared>>)
    } else {
    }
    %barrier3A_1100 = arith.constant 0 : index
    tpu.barrier barrier_id(%barrier3A_1100)
    %eq3A_1101 = arith.constant 15 : i32
    %eq3A_1102 = arith.cmpi eq, %arg1, %eq3A_1101 : i32
    %convert_element_type3A_1103 = arith.extui %eq3A_1102 : i1 to i32
    %cond3A_1104 = arith.constant 0 : i32
    %cond3A_1105 = arith.cmpi ne, %convert_element_type3A_1103, %cond3A_1104 : i32
    scf.if %cond3A_1105 {
      %mul3A_1258 = arith.constant 16 : i32
      %mul3A_1259 = arith.muli %arg0, %mul3A_1258 : i32
      %add3A_1260 = arith.constant 15 : i32
      %add3A_1261 = arith.addi %mul3A_1259, %add3A_1260 : i32
      %dma_start3A_1262 = arith.constant 0 : i32
      %dma_start3A_1263 = tpu.memref_slice %arg5[%add3A_1261, %dma_start3A_1262] : memref<32x100000xf32, #tpu.memory_space<hbm>> -> memref<1x100000xf32, #tpu.memory_space<hbm>>
      %dma_start3A_1264 = tpu.memref_squeeze %dma_start3A_1263 : memref<1x100000xf32, #tpu.memory_space<hbm>> -> memref<100000xf32, #tpu.memory_space<hbm>>
      tpu.enqueue_dma source(%dma_start3A_1264 : memref<100000xf32, #tpu.memory_space<hbm>>) target(%arg22 : memref<100000xf32, #tpu.memory_space<vmem_shared>>) target_semaphore(%arg24 : memref<!tpu.dma_semaphore, #tpu.memory_space<semaphore_mem>>)
    } else {
    }
    %mul3A_1106 = arith.constant 16 : i32
    %mul3A_1107 = arith.muli %arg0, %mul3A_1106 : i32
    %add3A_1108 = arith.constant 14 : i32
    %add3A_1109 = arith.addi %mul3A_1107, %add3A_1108 : i32
    %lt3A_1110 = arith.constant 14 : i32
    %lt3A_1111 = arith.cmpi slt, %arg1, %lt3A_1110 : i32
    %convert_element_type3A_1112 = arith.extui %lt3A_1111 : i1 to i32
    %cond3A_1113 = arith.constant 0 : i32
    %cond3A_1114 = arith.cmpi ne, %convert_element_type3A_1112, %cond3A_1113 : i32
    scf.if %cond3A_1114 {
      %mul3A_1258 = arith.constant 33280 : i32
      %mul3A_1259 = arith.muli %arg1, %mul3A_1258 : i32
      %add3A_1260 = arith.constant 0 : i32
      %add3A_1261 = arith.addi %add3A_1260, %mul3A_1259 : i32
      %multiple_of3A = tpu.assume_multiple %add3A_1261, 128 : i32
      %dma_start3A_1262 = tpu.memref_slice %arg20[%multiple_of3A] : memref<1000064xf32, #tpu.memory_space<vmem_shared>> -> memref<33280xf32, #tpu.memory_space<vmem_shared>>
      %dma_start3A_1263 = tpu.memref_slice %arg4[%add3A_1109, %multiple_of3A] : memref<32x1000000xf32, #tpu.memory_space<hbm>> -> memref<1x33280xf32, #tpu.memory_space<hbm>>
      %dma_start3A_1264 = tpu.memref_squeeze %dma_start3A_1263 : memref<1x33280xf32, #tpu.memory_space<hbm>> -> memref<33280xf32, #tpu.memory_space<hbm>>
      tpu.enqueue_dma source(%dma_start3A_1264 : memref<33280xf32, #tpu.memory_space<hbm>>) target(%dma_start3A_1262 : memref<33280xf32, #tpu.memory_space<vmem_shared>>) target_semaphore(%arg23 : memref<!tpu.dma_semaphore, #tpu.memory_space<semaphore_mem>>)
    } else {
    }
    %eq3A_1115 = arith.constant 14 : i32
    %eq3A_1116 = arith.cmpi eq, %arg1, %eq3A_1115 : i32
    %convert_element_type3A_1117 = arith.extui %eq3A_1116 : i1 to i32
    %cond3A_1118 = arith.constant 0 : i32
    %cond3A_1119 = arith.cmpi ne, %convert_element_type3A_1117, %cond3A_1118 : i32
    scf.if %cond3A_1119 {
      %dma_start3A_1258 = arith.constant 465920 : i32
      %dma_start3A_1259 = tpu.memref_slice %arg20[%dma_start3A_1258] : memref<1000064xf32, #tpu.memory_space<vmem_shared>> -> memref<34048xf32, #tpu.memory_space<vmem_shared>>
      %dma_start3A_1260 = arith.constant 465920 : i32
      %dma_start3A_1261 = tpu.memref_slice %arg4[%add3A_1109, %dma_start3A_1260] : memref<32x1000000xf32, #tpu.memory_space<hbm>> -> memref<1x34048xf32, #tpu.memory_space<hbm>>
      %dma_start3A_1262 = tpu.memref_squeeze %dma_start3A_1261 : memref<1x34048xf32, #tpu.memory_space<hbm>> -> memref<34048xf32, #tpu.memory_space<hbm>>
      tpu.enqueue_dma source(%dma_start3A_1262 : memref<34048xf32, #tpu.memory_space<hbm>>) target(%dma_start3A_1259 : memref<34048xf32, #tpu.memory_space<vmem_shared>>) target_semaphore(%arg23 : memref<!tpu.dma_semaphore, #tpu.memory_space<semaphore_mem>>)
    } else {
    }
    %mul3A_1120 = arith.constant 16 : i32
    %mul3A_1121 = arith.muli %arg0, %mul3A_1120 : i32
    %add3A_1122 = arith.constant 14 : i32
    %add3A_1123 = arith.addi %mul3A_1121, %add3A_1122 : i32
    %lt3A_1124 = arith.constant 14 : i32
    %lt3A_1125 = arith.cmpi slt, %arg1, %lt3A_1124 : i32
    %convert_element_type3A_1126 = arith.extui %lt3A_1125 : i1 to i32
    %cond3A_1127 = arith.constant 0 : i32
    %cond3A_1128 = arith.cmpi ne, %convert_element_type3A_1126, %cond3A_1127 : i32
    scf.if %cond3A_1128 {
      %mul3A_1258 = arith.constant 33280 : i32
      %mul3A_1259 = arith.muli %arg1, %mul3A_1258 : i32
      %add3A_1260 = arith.constant 499968 : i32
      %add3A_1261 = arith.addi %add3A_1260, %mul3A_1259 : i32
      %multiple_of3A = tpu.assume_multiple %add3A_1261, 128 : i32
      %dma_start3A_1262 = tpu.memref_slice %arg20[%multiple_of3A] : memref<1000064xf32, #tpu.memory_space<vmem_shared>> -> memref<33280xf32, #tpu.memory_space<vmem_shared>>
      %dma_start3A_1263 = tpu.memref_slice %arg4[%add3A_1123, %multiple_of3A] : memref<32x1000000xf32, #tpu.memory_space<hbm>> -> memref<1x33280xf32, #tpu.memory_space<hbm>>
      %dma_start3A_1264 = tpu.memref_squeeze %dma_start3A_1263 : memref<1x33280xf32, #tpu.memory_space<hbm>> -> memref<33280xf32, #tpu.memory_space<hbm>>
      tpu.enqueue_dma source(%dma_start3A_1264 : memref<33280xf32, #tpu.memory_space<hbm>>) target(%dma_start3A_1262 : memref<33280xf32, #tpu.memory_space<vmem_shared>>) target_semaphore(%arg23 : memref<!tpu.dma_semaphore, #tpu.memory_space<semaphore_mem>>)
    } else {
    }
    %eq3A_1129 = arith.constant 14 : i32
    %eq3A_1130 = arith.cmpi eq, %arg1, %eq3A_1129 : i32
    %convert_element_type3A_1131 = arith.extui %eq3A_1130 : i1 to i32
    %cond3A_1132 = arith.constant 0 : i32
    %cond3A_1133 = arith.cmpi ne, %convert_element_type3A_1131, %cond3A_1132 : i32
    scf.if %cond3A_1133 {
      %dma_start3A_1258 = arith.constant 965888 : i32
      %dma_start3A_1259 = tpu.memref_slice %arg20[%dma_start3A_1258] : memref<1000064xf32, #tpu.memory_space<vmem_shared>> -> memref<34048xf32, #tpu.memory_space<vmem_shared>>
      %dma_start3A_1260 = arith.constant 965888 : i32
      %dma_start3A_1261 = tpu.memref_slice %arg4[%add3A_1123, %dma_start3A_1260] : memref<32x1000000xf32, #tpu.memory_space<hbm>> -> memref<1x34048xf32, #tpu.memory_space<hbm>>
      %dma_start3A_1262 = tpu.memref_squeeze %dma_start3A_1261 : memref<1x34048xf32, #tpu.memory_space<hbm>> -> memref<34048xf32, #tpu.memory_space<hbm>>
      tpu.enqueue_dma source(%dma_start3A_1262 : memref<34048xf32, #tpu.memory_space<hbm>>) target(%dma_start3A_1259 : memref<34048xf32, #tpu.memory_space<vmem_shared>>) target_semaphore(%arg23 : memref<!tpu.dma_semaphore, #tpu.memory_space<semaphore_mem>>)
    } else {
    }
    %dma_start3A_1134 = arith.constant 0 : i32
    %dma_start3A_1135 = tpu.memref_slice %arg21[%dma_start3A_1134] : memref<100000xf32, #tpu.memory_space<vmem_shared>> -> memref<100000xf32, #tpu.memory_space<vmem_shared>>
    tpu.enqueue_indirect_dma source(%dma_start3A_1135 : memref<100000xf32, #tpu.memory_space<vmem_shared>>) target(%arg13 : memref<1024xf32, #tpu.memory_space<vmem>>) offsets(%arg9 : memref<1024xi32, #tpu.memory_space<vmem>>) semaphore(%arg25 : memref<!tpu.dma_semaphore, #tpu.memory_space<semaphore_mem>>)
    %eq3A_1136 = arith.constant 0 : i32
    %eq3A_1137 = arith.cmpi eq, %scan3A_11, %eq3A_1136 : i32
    %convert_element_type3A_1138 = arith.extui %eq3A_1137 : i1 to i32
    %cond3A_1139 = arith.constant 0 : i32
    %cond3A_1140 = arith.cmpi ne, %convert_element_type3A_1138, %cond3A_1139 : i32
    scf.if %cond3A_1140 {
      %scan3A_1258 = arith.constant 0 : i32
      %scan3A_1259 = arith.constant 0 : i32
      %scan3A_1260 = arith.constant 64 : i32
      %scan3A_1261 = arith.addi %scan3A_1259, %scan3A_1260 : i32
      %scan3A_1262 = arith.constant 1 : i32
      scf.for %scan3A_1264 = %scan3A_1259 to %scan3A_1261 step %scan3A_1262  : i32 {
        %mul3A_1265 = arith.constant 16 : i32
        %mul3A_1266 = arith.muli %scan3A_1264, %mul3A_1265 : i32
        %get3A = arith.index_cast %mul3A_1266 : i32 to index
        %get3A_1267 = tpu.vector_load %arg15[%get3A] {strides = array<i32>} : memref<1024xf32, #tpu.memory_space<vmem>>, vector<16xf32>,
        %get3A_1268 = arith.index_cast %mul3A_1266 : i32 to index
        %get3A_1269 = tpu.vector_load %arg12[%get3A_1268] {strides = array<i32>} : memref<1024xf32, #tpu.memory_space<vmem>>, vector<16xf32>,
        %get3A_1270 = arith.index_cast %mul3A_1266 : i32 to index
        %get3A_1271 = tpu.vector_load %arg14[%get3A_1270] {strides = array<i32>} : memref<1024xf32, #tpu.memory_space<vmem>>, vector<16xf32>,
        %mul3A_1272 = arith.mulf %get3A_1269, %get3A_1271 : vector<16xf32>
        %add3A_1273 = arith.addf %get3A_1267, %mul3A_1272 : vector<16xf32>
        %swap3A = arith.index_cast %mul3A_1266 : i32 to index
        %swap3A_1274 = tpu.vector_load %arg15[%swap3A] {strides = array<i32>} : memref<1024xf32, #tpu.memory_space<vmem>>, vector<16xf32>,
        tpu.vector_store %arg15[%swap3A], %add3A_1273 {strides = array<i32>} : memref<1024xf32, #tpu.memory_space<vmem>>, vector<16xf32>,
      }
      %scan3A_1263 = arith.constant 64 : i32
    } else {
    }
    %eq3A_1141 = arith.constant 1 : i32
    %eq3A_1142 = arith.cmpi eq, %scan3A_11, %eq3A_1141 : i32
    %convert_element_type3A_1143 = arith.extui %eq3A_1142 : i1 to i32
    %cond3A_1144 = arith.constant 0 : i32
    %cond3A_1145 = arith.cmpi ne, %convert_element_type3A_1143, %cond3A_1144 : i32
    scf.if %cond3A_1145 {
      %scan3A_1258 = arith.constant 0 : i32
      %scan3A_1259 = arith.constant 0 : i32
      %scan3A_1260 = arith.constant 64 : i32
      %scan3A_1261 = arith.addi %scan3A_1259, %scan3A_1260 : i32
      %scan3A_1262 = arith.constant 1 : i32
      scf.for %scan3A_1264 = %scan3A_1259 to %scan3A_1261 step %scan3A_1262  : i32 {
        %mul3A_1265 = arith.constant 16 : i32
        %mul3A_1266 = arith.muli %scan3A_1264, %mul3A_1265 : i32
        %get3A = arith.index_cast %mul3A_1266 : i32 to index
        %get3A_1267 = tpu.vector_load %arg16[%get3A] {strides = array<i32>} : memref<1024xi32, #tpu.memory_space<vmem>>, vector<16xi32>,
        %add3A_1268 = arith.constant 13 : i32
        %add3A_1269 = vector.broadcast %add3A_1268 : i32 to vector<16xi32>
        %add3A_1270 = arith.addi %get3A_1267, %add3A_1269 : vector<16xi32>
        %gather3A = tpu.vector_load_idx %arg18[%add3A_1270] : memref<2048xf32, #tpu.memory_space<vmem>>[vector<16xi32>], vector<16xf32>,
        %get3A_1271 = arith.index_cast %mul3A_1266 : i32 to index
        %get3A_1272 = tpu.vector_load %arg12[%get3A_1271] {strides = array<i32>} : memref<1024xf32, #tpu.memory_space<vmem>>, vector<16xf32>,
        %get3A_1273 = arith.index_cast %mul3A_1266 : i32 to index
        %get3A_1274 = tpu.vector_load %arg17[%get3A_1273] {strides = array<i32>} : memref<1024xf32, #tpu.memory_space<vmem>>, vector<16xf32>,
        %mul3A_1275 = arith.mulf %gather3A, %get3A_1274 : vector<16xf32>
        %add3A_1276 = arith.addf %get3A_1272, %mul3A_1275 : vector<16xf32>
        %get3A_1277 = arith.index_cast %mul3A_1266 : i32 to index
        %get3A_1278 = tpu.vector_load %arg15[%get3A_1277] {strides = array<i32>} : memref<1024xf32, #tpu.memory_space<vmem>>, vector<16xf32>,
        %get3A_1279 = arith.index_cast %mul3A_1266 : i32 to index
        %get3A_1280 = tpu.vector_load %arg14[%get3A_1279] {strides = array<i32>} : memref<1024xf32, #tpu.memory_space<vmem>>, vector<16xf32>,
        %mul3A_1281 = arith.mulf %add3A_1276, %get3A_1280 : vector<16xf32>
        %add3A_1282 = arith.addf %get3A_1278, %mul3A_1281 : vector<16xf32>
        %swap3A = arith.index_cast %mul3A_1266 : i32 to index
        %swap3A_1283 = tpu.vector_load %arg15[%swap3A] {strides = array<i32>} : memref<1024xf32, #tpu.memory_space<vmem>>, vector<16xf32>,
        tpu.vector_store %arg15[%swap3A], %add3A_1282 {strides = array<i32>} : memref<1024xf32, #tpu.memory_space<vmem>>, vector<16xf32>,
      }
      %scan3A_1263 = arith.constant 64 : i32
    } else {
    }
    %dma_wait3A_1146 = arith.constant 0 : i32
    %dma_wait3A_1147 = tpu.memref_slice %arg21[%dma_wait3A_1146] : memref<100000xf32, #tpu.memory_space<vmem_shared>> -> memref<100000xf32, #tpu.memory_space<vmem_shared>>
    tpu.wait_indirect_dma semaphore(%arg25 : memref<!tpu.dma_semaphore, #tpu.memory_space<semaphore_mem>>) src(%dma_wait3A_1147 : memref<100000xf32, #tpu.memory_space<vmem_shared>>) dst(%arg13 : memref<1024xf32, #tpu.memory_space<vmem>>)
    %lt3A_1148 = arith.constant 14 : i32
    %lt3A_1149 = arith.cmpi slt, %arg1, %lt3A_1148 : i32
    %convert_element_type3A_1150 = arith.extui %lt3A_1149 : i1 to i32
    %cond3A_1151 = arith.constant 0 : i32
    %cond3A_1152 = arith.cmpi ne, %convert_element_type3A_1150, %cond3A_1151 : i32
    scf.if %cond3A_1152 {
      %dma_wait3A_1258 = arith.constant 0 : i32
      %dma_wait3A_1259 = arith.constant 0 : i32
      %dma_wait3A_1260 = tpu.memref_slice %arg20[%dma_wait3A_1259] : memref<1000064xf32, #tpu.memory_space<vmem_shared>> -> memref<33280xf32, #tpu.memory_space<vmem_shared>>
      %dma_wait3A_1261 = arith.constant 0 : i32
      %dma_wait3A_1262 = tpu.memref_slice %arg4[%dma_wait3A_1258, %dma_wait3A_1261] : memref<32x1000000xf32, #tpu.memory_space<hbm>> -> memref<1x33280xf32, #tpu.memory_space<hbm>>
      %dma_wait3A_1263 = tpu.memref_squeeze %dma_wait3A_1262 : memref<1x33280xf32, #tpu.memory_space<hbm>> -> memref<33280xf32, #tpu.memory_space<hbm>>
      tpu.wait_dma2 semaphore(%arg23 : memref<!tpu.dma_semaphore, #tpu.memory_space<semaphore_mem>>) src(%dma_wait3A_1263 : memref<33280xf32, #tpu.memory_space<hbm>>) dst(%dma_wait3A_1260 : memref<33280xf32, #tpu.memory_space<vmem_shared>>)
    } else {
    }
    %eq3A_1153 = arith.constant 14 : i32
    %eq3A_1154 = arith.cmpi eq, %arg1, %eq3A_1153 : i32
    %convert_element_type3A_1155 = arith.extui %eq3A_1154 : i1 to i32
    %cond3A_1156 = arith.constant 0 : i32
    %cond3A_1157 = arith.cmpi ne, %convert_element_type3A_1155, %cond3A_1156 : i32
    scf.if %cond3A_1157 {
      %dma_wait3A_1258 = arith.constant 0 : i32
      %dma_wait3A_1259 = arith.constant 0 : i32
      %dma_wait3A_1260 = tpu.memref_slice %arg20[%dma_wait3A_1259] : memref<1000064xf32, #tpu.memory_space<vmem_shared>> -> memref<34048xf32, #tpu.memory_space<vmem_shared>>
      %dma_wait3A_1261 = arith.constant 0 : i32
      %dma_wait3A_1262 = tpu.memref_slice %arg4[%dma_wait3A_1258, %dma_wait3A_1261] : memref<32x1000000xf32, #tpu.memory_space<hbm>> -> memref<1x34048xf32, #tpu.memory_space<hbm>>
      %dma_wait3A_1263 = tpu.memref_squeeze %dma_wait3A_1262 : memref<1x34048xf32, #tpu.memory_space<hbm>> -> memref<34048xf32, #tpu.memory_space<hbm>>
      tpu.wait_dma2 semaphore(%arg23 : memref<!tpu.dma_semaphore, #tpu.memory_space<semaphore_mem>>) src(%dma_wait3A_1263 : memref<34048xf32, #tpu.memory_space<hbm>>) dst(%dma_wait3A_1260 : memref<34048xf32, #tpu.memory_space<vmem_shared>>)
    } else {
    }
    %lt3A_1158 = arith.constant 14 : i32
    %lt3A_1159 = arith.cmpi slt, %arg1, %lt3A_1158 : i32
    %convert_element_type3A_1160 = arith.extui %lt3A_1159 : i1 to i32
    %cond3A_1161 = arith.constant 0 : i32
    %cond3A_1162 = arith.cmpi ne, %convert_element_type3A_1160, %cond3A_1161 : i32
    scf.if %cond3A_1162 {
      %dma_wait3A_1258 = arith.constant 0 : i32
      %dma_wait3A_1259 = arith.constant 0 : i32
      %dma_wait3A_1260 = tpu.memref_slice %arg20[%dma_wait3A_1259] : memref<1000064xf32, #tpu.memory_space<vmem_shared>> -> memref<33280xf32, #tpu.memory_space<vmem_shared>>
      %dma_wait3A_1261 = arith.constant 0 : i32
      %dma_wait3A_1262 = tpu.memref_slice %arg4[%dma_wait3A_1258, %dma_wait3A_1261] : memref<32x1000000xf32, #tpu.memory_space<hbm>> -> memref<1x33280xf32, #tpu.memory_space<hbm>>
      %dma_wait3A_1263 = tpu.memref_squeeze %dma_wait3A_1262 : memref<1x33280xf32, #tpu.memory_space<hbm>> -> memref<33280xf32, #tpu.memory_space<hbm>>
      tpu.wait_dma2 semaphore(%arg23 : memref<!tpu.dma_semaphore, #tpu.memory_space<semaphore_mem>>) src(%dma_wait3A_1263 : memref<33280xf32, #tpu.memory_space<hbm>>) dst(%dma_wait3A_1260 : memref<33280xf32, #tpu.memory_space<vmem_shared>>)
    } else {
    }
    %eq3A_1163 = arith.constant 14 : i32
    %eq3A_1164 = arith.cmpi eq, %arg1, %eq3A_1163 : i32
    %convert_element_type3A_1165 = arith.extui %eq3A_1164 : i1 to i32
    %cond3A_1166 = arith.constant 0 : i32
    %cond3A_1167 = arith.cmpi ne, %convert_element_type3A_1165, %cond3A_1166 : i32
    scf.if %cond3A_1167 {
      %dma_wait3A_1258 = arith.constant 0 : i32
      %dma_wait3A_1259 = arith.constant 0 : i32
      %dma_wait3A_1260 = tpu.memref_slice %arg20[%dma_wait3A_1259] : memref<1000064xf32, #tpu.memory_space<vmem_shared>> -> memref<34048xf32, #tpu.memory_space<vmem_shared>>
      %dma_wait3A_1261 = arith.constant 0 : i32
      %dma_wait3A_1262 = tpu.memref_slice %arg4[%dma_wait3A_1258, %dma_wait3A_1261] : memref<32x1000000xf32, #tpu.memory_space<hbm>> -> memref<1x34048xf32, #tpu.memory_space<hbm>>
      %dma_wait3A_1263 = tpu.memref_squeeze %dma_wait3A_1262 : memref<1x34048xf32, #tpu.memory_space<hbm>> -> memref<34048xf32, #tpu.memory_space<hbm>>
      tpu.wait_dma2 semaphore(%arg23 : memref<!tpu.dma_semaphore, #tpu.memory_space<semaphore_mem>>) src(%dma_wait3A_1263 : memref<34048xf32, #tpu.memory_space<hbm>>) dst(%dma_wait3A_1260 : memref<34048xf32, #tpu.memory_space<vmem_shared>>)
    } else {
    }
    %barrier3A_1168 = arith.constant 0 : index
    tpu.barrier barrier_id(%barrier3A_1168)
    %dma_start3A_1169 = arith.constant 0 : i32
    %dma_start3A_1170 = tpu.memref_slice %arg20[%dma_start3A_1169] : memref<1000064xf32, #tpu.memory_space<vmem_shared>> -> memref<1000064xf32, #tpu.memory_space<vmem_shared>>
    tpu.enqueue_indirect_dma source(%dma_start3A_1170 : memref<1000064xf32, #tpu.memory_space<vmem_shared>>) target(%arg11 : memref<1024xf32, #tpu.memory_space<vmem>>) offsets(%arg10 : memref<1024xi32, #tpu.memory_space<vmem>>) semaphore(%arg25 : memref<!tpu.dma_semaphore, #tpu.memory_space<semaphore_mem>>)
    %dma_wait3A_1171 = arith.constant 0 : i32
    %dma_wait3A_1172 = tpu.memref_slice %arg20[%dma_wait3A_1171] : memref<1000064xf32, #tpu.memory_space<vmem_shared>> -> memref<1000064xf32, #tpu.memory_space<vmem_shared>>
    tpu.wait_indirect_dma semaphore(%arg25 : memref<!tpu.dma_semaphore, #tpu.memory_space<semaphore_mem>>) src(%dma_wait3A_1172 : memref<1000064xf32, #tpu.memory_space<vmem_shared>>) dst(%arg11 : memref<1024xf32, #tpu.memory_space<vmem>>)
    %eq3A_1173 = arith.constant 15 : i32
    %eq3A_1174 = arith.cmpi eq, %arg1, %eq3A_1173 : i32
    %convert_element_type3A_1175 = arith.extui %eq3A_1174 : i1 to i32
    %cond3A_1176 = arith.constant 0 : i32
    %cond3A_1177 = arith.cmpi ne, %convert_element_type3A_1175, %cond3A_1176 : i32
    scf.if %cond3A_1177 {
      %dma_wait3A_1258 = arith.constant 0 : i32
      %dma_wait3A_1259 = arith.constant 0 : i32
      %dma_wait3A_1260 = tpu.memref_slice %arg5[%dma_wait3A_1258, %dma_wait3A_1259] : memref<32x100000xf32, #tpu.memory_space<hbm>> -> memref<1x100000xf32, #tpu.memory_space<hbm>>
      %dma_wait3A_1261 = tpu.memref_squeeze %dma_wait3A_1260 : memref<1x100000xf32, #tpu.memory_space<hbm>> -> memref<100000xf32, #tpu.memory_space<hbm>>
      tpu.wait_dma2 semaphore(%arg24 : memref<!tpu.dma_semaphore, #tpu.memory_space<semaphore_mem>>) src(%dma_wait3A_1261 : memref<100000xf32, #tpu.memory_space<hbm>>) dst(%arg21 : memref<100000xf32, #tpu.memory_space<vmem_shared>>)
    } else {
    }
    %barrier3A_1178 = arith.constant 0 : index
    tpu.barrier barrier_id(%barrier3A_1178)
    %mul3A_1179 = arith.constant 16 : i32
    %mul3A_1180 = arith.muli %arg0, %mul3A_1179 : i32
    %add3A_1181 = arith.constant 15 : i32
    %add3A_1182 = arith.addi %mul3A_1180, %add3A_1181 : i32
    %lt3A_1183 = arith.constant 14 : i32
    %lt3A_1184 = arith.cmpi slt, %arg1, %lt3A_1183 : i32
    %convert_element_type3A_1185 = arith.extui %lt3A_1184 : i1 to i32
    %cond3A_1186 = arith.constant 0 : i32
    %cond3A_1187 = arith.cmpi ne, %convert_element_type3A_1185, %cond3A_1186 : i32
    scf.if %cond3A_1187 {
      %mul3A_1258 = arith.constant 33280 : i32
      %mul3A_1259 = arith.muli %arg1, %mul3A_1258 : i32
      %add3A_1260 = arith.constant 0 : i32
      %add3A_1261 = arith.addi %add3A_1260, %mul3A_1259 : i32
      %multiple_of3A = tpu.assume_multiple %add3A_1261, 128 : i32
      %dma_start3A_1262 = tpu.memref_slice %arg20[%multiple_of3A] : memref<1000064xf32, #tpu.memory_space<vmem_shared>> -> memref<33280xf32, #tpu.memory_space<vmem_shared>>
      %dma_start3A_1263 = tpu.memref_slice %arg4[%add3A_1182, %multiple_of3A] : memref<32x1000000xf32, #tpu.memory_space<hbm>> -> memref<1x33280xf32, #tpu.memory_space<hbm>>
      %dma_start3A_1264 = tpu.memref_squeeze %dma_start3A_1263 : memref<1x33280xf32, #tpu.memory_space<hbm>> -> memref<33280xf32, #tpu.memory_space<hbm>>
      tpu.enqueue_dma source(%dma_start3A_1264 : memref<33280xf32, #tpu.memory_space<hbm>>) target(%dma_start3A_1262 : memref<33280xf32, #tpu.memory_space<vmem_shared>>) target_semaphore(%arg23 : memref<!tpu.dma_semaphore, #tpu.memory_space<semaphore_mem>>)
    } else {
    }
    %eq3A_1188 = arith.constant 14 : i32
    %eq3A_1189 = arith.cmpi eq, %arg1, %eq3A_1188 : i32
    %convert_element_type3A_1190 = arith.extui %eq3A_1189 : i1 to i32
    %cond3A_1191 = arith.constant 0 : i32
    %cond3A_1192 = arith.cmpi ne, %convert_element_type3A_1190, %cond3A_1191 : i32
    scf.if %cond3A_1192 {
      %dma_start3A_1258 = arith.constant 465920 : i32
      %dma_start3A_1259 = tpu.memref_slice %arg20[%dma_start3A_1258] : memref<1000064xf32, #tpu.memory_space<vmem_shared>> -> memref<34048xf32, #tpu.memory_space<vmem_shared>>
      %dma_start3A_1260 = arith.constant 465920 : i32
      %dma_start3A_1261 = tpu.memref_slice %arg4[%add3A_1182, %dma_start3A_1260] : memref<32x1000000xf32, #tpu.memory_space<hbm>> -> memref<1x34048xf32, #tpu.memory_space<hbm>>
      %dma_start3A_1262 = tpu.memref_squeeze %dma_start3A_1261 : memref<1x34048xf32, #tpu.memory_space<hbm>> -> memref<34048xf32, #tpu.memory_space<hbm>>
      tpu.enqueue_dma source(%dma_start3A_1262 : memref<34048xf32, #tpu.memory_space<hbm>>) target(%dma_start3A_1259 : memref<34048xf32, #tpu.memory_space<vmem_shared>>) target_semaphore(%arg23 : memref<!tpu.dma_semaphore, #tpu.memory_space<semaphore_mem>>)
    } else {
    }
    %mul3A_1193 = arith.constant 16 : i32
    %mul3A_1194 = arith.muli %arg0, %mul3A_1193 : i32
    %add3A_1195 = arith.constant 15 : i32
    %add3A_1196 = arith.addi %mul3A_1194, %add3A_1195 : i32
    %lt3A_1197 = arith.constant 14 : i32
    %lt3A_1198 = arith.cmpi slt, %arg1, %lt3A_1197 : i32
    %convert_element_type3A_1199 = arith.extui %lt3A_1198 : i1 to i32
    %cond3A_1200 = arith.constant 0 : i32
    %cond3A_1201 = arith.cmpi ne, %convert_element_type3A_1199, %cond3A_1200 : i32
    scf.if %cond3A_1201 {
      %mul3A_1258 = arith.constant 33280 : i32
      %mul3A_1259 = arith.muli %arg1, %mul3A_1258 : i32
      %add3A_1260 = arith.constant 499968 : i32
      %add3A_1261 = arith.addi %add3A_1260, %mul3A_1259 : i32
      %multiple_of3A = tpu.assume_multiple %add3A_1261, 128 : i32
      %dma_start3A_1262 = tpu.memref_slice %arg20[%multiple_of3A] : memref<1000064xf32, #tpu.memory_space<vmem_shared>> -> memref<33280xf32, #tpu.memory_space<vmem_shared>>
      %dma_start3A_1263 = tpu.memref_slice %arg4[%add3A_1196, %multiple_of3A] : memref<32x1000000xf32, #tpu.memory_space<hbm>> -> memref<1x33280xf32, #tpu.memory_space<hbm>>
      %dma_start3A_1264 = tpu.memref_squeeze %dma_start3A_1263 : memref<1x33280xf32, #tpu.memory_space<hbm>> -> memref<33280xf32, #tpu.memory_space<hbm>>
      tpu.enqueue_dma source(%dma_start3A_1264 : memref<33280xf32, #tpu.memory_space<hbm>>) target(%dma_start3A_1262 : memref<33280xf32, #tpu.memory_space<vmem_shared>>) target_semaphore(%arg23 : memref<!tpu.dma_semaphore, #tpu.memory_space<semaphore_mem>>)
    } else {
    }
    %eq3A_1202 = arith.constant 14 : i32
    %eq3A_1203 = arith.cmpi eq, %arg1, %eq3A_1202 : i32
    %convert_element_type3A_1204 = arith.extui %eq3A_1203 : i1 to i32
    %cond3A_1205 = arith.constant 0 : i32
    %cond3A_1206 = arith.cmpi ne, %convert_element_type3A_1204, %cond3A_1205 : i32
    scf.if %cond3A_1206 {
      %dma_start3A_1258 = arith.constant 965888 : i32
      %dma_start3A_1259 = tpu.memref_slice %arg20[%dma_start3A_1258] : memref<1000064xf32, #tpu.memory_space<vmem_shared>> -> memref<34048xf32, #tpu.memory_space<vmem_shared>>
      %dma_start3A_1260 = arith.constant 965888 : i32
      %dma_start3A_1261 = tpu.memref_slice %arg4[%add3A_1196, %dma_start3A_1260] : memref<32x1000000xf32, #tpu.memory_space<hbm>> -> memref<1x34048xf32, #tpu.memory_space<hbm>>
      %dma_start3A_1262 = tpu.memref_squeeze %dma_start3A_1261 : memref<1x34048xf32, #tpu.memory_space<hbm>> -> memref<34048xf32, #tpu.memory_space<hbm>>
      tpu.enqueue_dma source(%dma_start3A_1262 : memref<34048xf32, #tpu.memory_space<hbm>>) target(%dma_start3A_1259 : memref<34048xf32, #tpu.memory_space<vmem_shared>>) target_semaphore(%arg23 : memref<!tpu.dma_semaphore, #tpu.memory_space<semaphore_mem>>)
    } else {
    }
    %dma_start3A_1207 = arith.constant 0 : i32
    %dma_start3A_1208 = tpu.memref_slice %arg22[%dma_start3A_1207] : memref<100000xf32, #tpu.memory_space<vmem_shared>> -> memref<100000xf32, #tpu.memory_space<vmem_shared>>
    tpu.enqueue_indirect_dma source(%dma_start3A_1208 : memref<100000xf32, #tpu.memory_space<vmem_shared>>) target(%arg14 : memref<1024xf32, #tpu.memory_space<vmem>>) offsets(%arg9 : memref<1024xi32, #tpu.memory_space<vmem>>) semaphore(%arg25 : memref<!tpu.dma_semaphore, #tpu.memory_space<semaphore_mem>>)
    %eq3A_1209 = arith.constant 0 : i32
    %eq3A_1210 = arith.cmpi eq, %scan3A_11, %eq3A_1209 : i32
    %convert_element_type3A_1211 = arith.extui %eq3A_1210 : i1 to i32
    %cond3A_1212 = arith.constant 0 : i32
    %cond3A_1213 = arith.cmpi ne, %convert_element_type3A_1211, %cond3A_1212 : i32
    scf.if %cond3A_1213 {
      %scan3A_1258 = arith.constant 0 : i32
      %scan3A_1259 = arith.constant 0 : i32
      %scan3A_1260 = arith.constant 64 : i32
      %scan3A_1261 = arith.addi %scan3A_1259, %scan3A_1260 : i32
      %scan3A_1262 = arith.constant 1 : i32
      scf.for %scan3A_1264 = %scan3A_1259 to %scan3A_1261 step %scan3A_1262  : i32 {
        %mul3A_1265 = arith.constant 16 : i32
        %mul3A_1266 = arith.muli %scan3A_1264, %mul3A_1265 : i32
        %get3A = arith.index_cast %mul3A_1266 : i32 to index
        %get3A_1267 = tpu.vector_load %arg15[%get3A] {strides = array<i32>} : memref<1024xf32, #tpu.memory_space<vmem>>, vector<16xf32>,
        %get3A_1268 = arith.index_cast %mul3A_1266 : i32 to index
        %get3A_1269 = tpu.vector_load %arg11[%get3A_1268] {strides = array<i32>} : memref<1024xf32, #tpu.memory_space<vmem>>, vector<16xf32>,
        %get3A_1270 = arith.index_cast %mul3A_1266 : i32 to index
        %get3A_1271 = tpu.vector_load %arg13[%get3A_1270] {strides = array<i32>} : memref<1024xf32, #tpu.memory_space<vmem>>, vector<16xf32>,
        %mul3A_1272 = arith.mulf %get3A_1269, %get3A_1271 : vector<16xf32>
        %add3A_1273 = arith.addf %get3A_1267, %mul3A_1272 : vector<16xf32>
        %swap3A = arith.index_cast %mul3A_1266 : i32 to index
        %swap3A_1274 = tpu.vector_load %arg15[%swap3A] {strides = array<i32>} : memref<1024xf32, #tpu.memory_space<vmem>>, vector<16xf32>,
        tpu.vector_store %arg15[%swap3A], %add3A_1273 {strides = array<i32>} : memref<1024xf32, #tpu.memory_space<vmem>>, vector<16xf32>,
      }
      %scan3A_1263 = arith.constant 64 : i32
    } else {
    }
    %eq3A_1214 = arith.constant 1 : i32
    %eq3A_1215 = arith.cmpi eq, %scan3A_11, %eq3A_1214 : i32
    %convert_element_type3A_1216 = arith.extui %eq3A_1215 : i1 to i32
    %cond3A_1217 = arith.constant 0 : i32
    %cond3A_1218 = arith.cmpi ne, %convert_element_type3A_1216, %cond3A_1217 : i32
    scf.if %cond3A_1218 {
      %scan3A_1258 = arith.constant 0 : i32
      %scan3A_1259 = arith.constant 0 : i32
      %scan3A_1260 = arith.constant 64 : i32
      %scan3A_1261 = arith.addi %scan3A_1259, %scan3A_1260 : i32
      %scan3A_1262 = arith.constant 1 : i32
      scf.for %scan3A_1264 = %scan3A_1259 to %scan3A_1261 step %scan3A_1262  : i32 {
        %mul3A_1265 = arith.constant 16 : i32
        %mul3A_1266 = arith.muli %scan3A_1264, %mul3A_1265 : i32
        %get3A = arith.index_cast %mul3A_1266 : i32 to index
        %get3A_1267 = tpu.vector_load %arg16[%get3A] {strides = array<i32>} : memref<1024xi32, #tpu.memory_space<vmem>>, vector<16xi32>,
        %add3A_1268 = arith.constant 14 : i32
        %add3A_1269 = vector.broadcast %add3A_1268 : i32 to vector<16xi32>
        %add3A_1270 = arith.addi %get3A_1267, %add3A_1269 : vector<16xi32>
        %gather3A = tpu.vector_load_idx %arg18[%add3A_1270] : memref<2048xf32, #tpu.memory_space<vmem>>[vector<16xi32>], vector<16xf32>,
        %get3A_1271 = arith.index_cast %mul3A_1266 : i32 to index
        %get3A_1272 = tpu.vector_load %arg11[%get3A_1271] {strides = array<i32>} : memref<1024xf32, #tpu.memory_space<vmem>>, vector<16xf32>,
        %get3A_1273 = arith.index_cast %mul3A_1266 : i32 to index
        %get3A_1274 = tpu.vector_load %arg17[%get3A_1273] {strides = array<i32>} : memref<1024xf32, #tpu.memory_space<vmem>>, vector<16xf32>,
        %mul3A_1275 = arith.mulf %gather3A, %get3A_1274 : vector<16xf32>
        %add3A_1276 = arith.addf %get3A_1272, %mul3A_1275 : vector<16xf32>
        %get3A_1277 = arith.index_cast %mul3A_1266 : i32 to index
        %get3A_1278 = tpu.vector_load %arg15[%get3A_1277] {strides = array<i32>} : memref<1024xf32, #tpu.memory_space<vmem>>, vector<16xf32>,
        %get3A_1279 = arith.index_cast %mul3A_1266 : i32 to index
        %get3A_1280 = tpu.vector_load %arg13[%get3A_1279] {strides = array<i32>} : memref<1024xf32, #tpu.memory_space<vmem>>, vector<16xf32>,
        %mul3A_1281 = arith.mulf %add3A_1276, %get3A_1280 : vector<16xf32>
        %add3A_1282 = arith.addf %get3A_1278, %mul3A_1281 : vector<16xf32>
        %swap3A = arith.index_cast %mul3A_1266 : i32 to index
        %swap3A_1283 = tpu.vector_load %arg15[%swap3A] {strides = array<i32>} : memref<1024xf32, #tpu.memory_space<vmem>>, vector<16xf32>,
        tpu.vector_store %arg15[%swap3A], %add3A_1282 {strides = array<i32>} : memref<1024xf32, #tpu.memory_space<vmem>>, vector<16xf32>,
      }
      %scan3A_1263 = arith.constant 64 : i32
    } else {
    }
    %dma_wait3A_1219 = arith.constant 0 : i32
    %dma_wait3A_1220 = tpu.memref_slice %arg22[%dma_wait3A_1219] : memref<100000xf32, #tpu.memory_space<vmem_shared>> -> memref<100000xf32, #tpu.memory_space<vmem_shared>>
    tpu.wait_indirect_dma semaphore(%arg25 : memref<!tpu.dma_semaphore, #tpu.memory_space<semaphore_mem>>) src(%dma_wait3A_1220 : memref<100000xf32, #tpu.memory_space<vmem_shared>>) dst(%arg14 : memref<1024xf32, #tpu.memory_space<vmem>>)
    %lt3A_1221 = arith.constant 14 : i32
    %lt3A_1222 = arith.cmpi slt, %arg1, %lt3A_1221 : i32
    %convert_element_type3A_1223 = arith.extui %lt3A_1222 : i1 to i32
    %cond3A_1224 = arith.constant 0 : i32
    %cond3A_1225 = arith.cmpi ne, %convert_element_type3A_1223, %cond3A_1224 : i32
    scf.if %cond3A_1225 {
      %dma_wait3A_1258 = arith.constant 0 : i32
      %dma_wait3A_1259 = arith.constant 0 : i32
      %dma_wait3A_1260 = tpu.memref_slice %arg20[%dma_wait3A_1259] : memref<1000064xf32, #tpu.memory_space<vmem_shared>> -> memref<33280xf32, #tpu.memory_space<vmem_shared>>
      %dma_wait3A_1261 = arith.constant 0 : i32
      %dma_wait3A_1262 = tpu.memref_slice %arg4[%dma_wait3A_1258, %dma_wait3A_1261] : memref<32x1000000xf32, #tpu.memory_space<hbm>> -> memref<1x33280xf32, #tpu.memory_space<hbm>>
      %dma_wait3A_1263 = tpu.memref_squeeze %dma_wait3A_1262 : memref<1x33280xf32, #tpu.memory_space<hbm>> -> memref<33280xf32, #tpu.memory_space<hbm>>
      tpu.wait_dma2 semaphore(%arg23 : memref<!tpu.dma_semaphore, #tpu.memory_space<semaphore_mem>>) src(%dma_wait3A_1263 : memref<33280xf32, #tpu.memory_space<hbm>>) dst(%dma_wait3A_1260 : memref<33280xf32, #tpu.memory_space<vmem_shared>>)
    } else {
    }
    %eq3A_1226 = arith.constant 14 : i32
    %eq3A_1227 = arith.cmpi eq, %arg1, %eq3A_1226 : i32
    %convert_element_type3A_1228 = arith.extui %eq3A_1227 : i1 to i32
    %cond3A_1229 = arith.constant 0 : i32
    %cond3A_1230 = arith.cmpi ne, %convert_element_type3A_1228, %cond3A_1229 : i32
    scf.if %cond3A_1230 {
      %dma_wait3A_1258 = arith.constant 0 : i32
      %dma_wait3A_1259 = arith.constant 0 : i32
      %dma_wait3A_1260 = tpu.memref_slice %arg20[%dma_wait3A_1259] : memref<1000064xf32, #tpu.memory_space<vmem_shared>> -> memref<34048xf32, #tpu.memory_space<vmem_shared>>
      %dma_wait3A_1261 = arith.constant 0 : i32
      %dma_wait3A_1262 = tpu.memref_slice %arg4[%dma_wait3A_1258, %dma_wait3A_1261] : memref<32x1000000xf32, #tpu.memory_space<hbm>> -> memref<1x34048xf32, #tpu.memory_space<hbm>>
      %dma_wait3A_1263 = tpu.memref_squeeze %dma_wait3A_1262 : memref<1x34048xf32, #tpu.memory_space<hbm>> -> memref<34048xf32, #tpu.memory_space<hbm>>
      tpu.wait_dma2 semaphore(%arg23 : memref<!tpu.dma_semaphore, #tpu.memory_space<semaphore_mem>>) src(%dma_wait3A_1263 : memref<34048xf32, #tpu.memory_space<hbm>>) dst(%dma_wait3A_1260 : memref<34048xf32, #tpu.memory_space<vmem_shared>>)
    } else {
    }
    %lt3A_1231 = arith.constant 14 : i32
    %lt3A_1232 = arith.cmpi slt, %arg1, %lt3A_1231 : i32
    %convert_element_type3A_1233 = arith.extui %lt3A_1232 : i1 to i32
    %cond3A_1234 = arith.constant 0 : i32
    %cond3A_1235 = arith.cmpi ne, %convert_element_type3A_1233, %cond3A_1234 : i32
    scf.if %cond3A_1235 {
      %dma_wait3A_1258 = arith.constant 0 : i32
      %dma_wait3A_1259 = arith.constant 0 : i32
      %dma_wait3A_1260 = tpu.memref_slice %arg20[%dma_wait3A_1259] : memref<1000064xf32, #tpu.memory_space<vmem_shared>> -> memref<33280xf32, #tpu.memory_space<vmem_shared>>
      %dma_wait3A_1261 = arith.constant 0 : i32
      %dma_wait3A_1262 = tpu.memref_slice %arg4[%dma_wait3A_1258, %dma_wait3A_1261] : memref<32x1000000xf32, #tpu.memory_space<hbm>> -> memref<1x33280xf32, #tpu.memory_space<hbm>>
      %dma_wait3A_1263 = tpu.memref_squeeze %dma_wait3A_1262 : memref<1x33280xf32, #tpu.memory_space<hbm>> -> memref<33280xf32, #tpu.memory_space<hbm>>
      tpu.wait_dma2 semaphore(%arg23 : memref<!tpu.dma_semaphore, #tpu.memory_space<semaphore_mem>>) src(%dma_wait3A_1263 : memref<33280xf32, #tpu.memory_space<hbm>>) dst(%dma_wait3A_1260 : memref<33280xf32, #tpu.memory_space<vmem_shared>>)
    } else {
    }
    %eq3A_1236 = arith.constant 14 : i32
    %eq3A_1237 = arith.cmpi eq, %arg1, %eq3A_1236 : i32
    %convert_element_type3A_1238 = arith.extui %eq3A_1237 : i1 to i32
    %cond3A_1239 = arith.constant 0 : i32
    %cond3A_1240 = arith.cmpi ne, %convert_element_type3A_1238, %cond3A_1239 : i32
    scf.if %cond3A_1240 {
      %dma_wait3A_1258 = arith.constant 0 : i32
      %dma_wait3A_1259 = arith.constant 0 : i32
      %dma_wait3A_1260 = tpu.memref_slice %arg20[%dma_wait3A_1259] : memref<1000064xf32, #tpu.memory_space<vmem_shared>> -> memref<34048xf32, #tpu.memory_space<vmem_shared>>
      %dma_wait3A_1261 = arith.constant 0 : i32
      %dma_wait3A_1262 = tpu.memref_slice %arg4[%dma_wait3A_1258, %dma_wait3A_1261] : memref<32x1000000xf32, #tpu.memory_space<hbm>> -> memref<1x34048xf32, #tpu.memory_space<hbm>>
      %dma_wait3A_1263 = tpu.memref_squeeze %dma_wait3A_1262 : memref<1x34048xf32, #tpu.memory_space<hbm>> -> memref<34048xf32, #tpu.memory_space<hbm>>
      tpu.wait_dma2 semaphore(%arg23 : memref<!tpu.dma_semaphore, #tpu.memory_space<semaphore_mem>>) src(%dma_wait3A_1263 : memref<34048xf32, #tpu.memory_space<hbm>>) dst(%dma_wait3A_1260 : memref<34048xf32, #tpu.memory_space<vmem_shared>>)
    } else {
    }
    %barrier3A_1241 = arith.constant 0 : index
    tpu.barrier barrier_id(%barrier3A_1241)
    %dma_start3A_1242 = arith.constant 0 : i32
    %dma_start3A_1243 = tpu.memref_slice %arg20[%dma_start3A_1242] : memref<1000064xf32, #tpu.memory_space<vmem_shared>> -> memref<1000064xf32, #tpu.memory_space<vmem_shared>>
    tpu.enqueue_indirect_dma source(%dma_start3A_1243 : memref<1000064xf32, #tpu.memory_space<vmem_shared>>) target(%arg12 : memref<1024xf32, #tpu.memory_space<vmem>>) offsets(%arg10 : memref<1024xi32, #tpu.memory_space<vmem>>) semaphore(%arg25 : memref<!tpu.dma_semaphore, #tpu.memory_space<semaphore_mem>>)
    %dma_wait3A_1244 = arith.constant 0 : i32
    %dma_wait3A_1245 = tpu.memref_slice %arg20[%dma_wait3A_1244] : memref<1000064xf32, #tpu.memory_space<vmem_shared>> -> memref<1000064xf32, #tpu.memory_space<vmem_shared>>
    tpu.wait_indirect_dma semaphore(%arg25 : memref<!tpu.dma_semaphore, #tpu.memory_space<semaphore_mem>>) src(%dma_wait3A_1245 : memref<1000064xf32, #tpu.memory_space<vmem_shared>>) dst(%arg12 : memref<1024xf32, #tpu.memory_space<vmem>>)
    %eq3A_1246 = arith.constant 0 : i32
    %eq3A_1247 = arith.cmpi eq, %scan3A_11, %eq3A_1246 : i32
    %convert_element_type3A_1248 = arith.extui %eq3A_1247 : i1 to i32
    %cond3A_1249 = arith.constant 0 : i32
    %cond3A_1250 = arith.cmpi ne, %convert_element_type3A_1248, %cond3A_1249 : i32
    scf.if %cond3A_1250 {
      %scan3A_1258 = arith.constant 0 : i32
      %scan3A_1259 = arith.constant 0 : i32
      %scan3A_1260 = arith.constant 64 : i32
      %scan3A_1261 = arith.addi %scan3A_1259, %scan3A_1260 : i32
      %scan3A_1262 = arith.constant 1 : i32
      scf.for %scan3A_1264 = %scan3A_1259 to %scan3A_1261 step %scan3A_1262  : i32 {
        %mul3A_1265 = arith.constant 16 : i32
        %mul3A_1266 = arith.muli %scan3A_1264, %mul3A_1265 : i32
        %get3A = arith.index_cast %mul3A_1266 : i32 to index
        %get3A_1267 = tpu.vector_load %arg15[%get3A] {strides = array<i32>} : memref<1024xf32, #tpu.memory_space<vmem>>, vector<16xf32>,
        %get3A_1268 = arith.index_cast %mul3A_1266 : i32 to index
        %get3A_1269 = tpu.vector_load %arg12[%get3A_1268] {strides = array<i32>} : memref<1024xf32, #tpu.memory_space<vmem>>, vector<16xf32>,
        %get3A_1270 = arith.index_cast %mul3A_1266 : i32 to index
        %get3A_1271 = tpu.vector_load %arg14[%get3A_1270] {strides = array<i32>} : memref<1024xf32, #tpu.memory_space<vmem>>, vector<16xf32>,
        %mul3A_1272 = arith.mulf %get3A_1269, %get3A_1271 : vector<16xf32>
        %add3A_1273 = arith.addf %get3A_1267, %mul3A_1272 : vector<16xf32>
        %swap3A = arith.index_cast %mul3A_1266 : i32 to index
        %swap3A_1274 = tpu.vector_load %arg15[%swap3A] {strides = array<i32>} : memref<1024xf32, #tpu.memory_space<vmem>>, vector<16xf32>,
        tpu.vector_store %arg15[%swap3A], %add3A_1273 {strides = array<i32>} : memref<1024xf32, #tpu.memory_space<vmem>>, vector<16xf32>,
      }
      %scan3A_1263 = arith.constant 64 : i32
    } else {
    }
    %eq3A_1251 = arith.constant 1 : i32
    %eq3A_1252 = arith.cmpi eq, %scan3A_11, %eq3A_1251 : i32
    %convert_element_type3A_1253 = arith.extui %eq3A_1252 : i1 to i32
    %cond3A_1254 = arith.constant 0 : i32
    %cond3A_1255 = arith.cmpi ne, %convert_element_type3A_1253, %cond3A_1254 : i32
    scf.if %cond3A_1255 {
      %scan3A_1258 = arith.constant 0 : i32
      %scan3A_1259 = arith.constant 0 : i32
      %scan3A_1260 = arith.constant 64 : i32
      %scan3A_1261 = arith.addi %scan3A_1259, %scan3A_1260 : i32
      %scan3A_1262 = arith.constant 1 : i32
      scf.for %scan3A_1264 = %scan3A_1259 to %scan3A_1261 step %scan3A_1262  : i32 {
        %mul3A_1265 = arith.constant 16 : i32
        %mul3A_1266 = arith.muli %scan3A_1264, %mul3A_1265 : i32
        %get3A = arith.index_cast %mul3A_1266 : i32 to index
        %get3A_1267 = tpu.vector_load %arg16[%get3A] {strides = array<i32>} : memref<1024xi32, #tpu.memory_space<vmem>>, vector<16xi32>,
        %add3A_1268 = arith.constant 15 : i32
        %add3A_1269 = vector.broadcast %add3A_1268 : i32 to vector<16xi32>
        %add3A_1270 = arith.addi %get3A_1267, %add3A_1269 : vector<16xi32>
        %gather3A = tpu.vector_load_idx %arg18[%add3A_1270] : memref<2048xf32, #tpu.memory_space<vmem>>[vector<16xi32>], vector<16xf32>,
        %get3A_1271 = arith.index_cast %mul3A_1266 : i32 to index
        %get3A_1272 = tpu.vector_load %arg12[%get3A_1271] {strides = array<i32>} : memref<1024xf32, #tpu.memory_space<vmem>>, vector<16xf32>,
        %get3A_1273 = arith.index_cast %mul3A_1266 : i32 to index
        %get3A_1274 = tpu.vector_load %arg17[%get3A_1273] {strides = array<i32>} : memref<1024xf32, #tpu.memory_space<vmem>>, vector<16xf32>,
        %mul3A_1275 = arith.mulf %gather3A, %get3A_1274 : vector<16xf32>
        %add3A_1276 = arith.addf %get3A_1272, %mul3A_1275 : vector<16xf32>
        %get3A_1277 = arith.index_cast %mul3A_1266 : i32 to index
        %get3A_1278 = tpu.vector_load %arg15[%get3A_1277] {strides = array<i32>} : memref<1024xf32, #tpu.memory_space<vmem>>, vector<16xf32>,
        %get3A_1279 = arith.index_cast %mul3A_1266 : i32 to index
        %get3A_1280 = tpu.vector_load %arg14[%get3A_1279] {strides = array<i32>} : memref<1024xf32, #tpu.memory_space<vmem>>, vector<16xf32>,
        %mul3A_1281 = arith.mulf %add3A_1276, %get3A_1280 : vector<16xf32>
        %add3A_1282 = arith.addf %get3A_1278, %mul3A_1281 : vector<16xf32>
        %swap3A = arith.index_cast %mul3A_1266 : i32 to index
        %swap3A_1283 = tpu.vector_load %arg15[%swap3A] {strides = array<i32>} : memref<1024xf32, #tpu.memory_space<vmem>>, vector<16xf32>,
        tpu.vector_store %arg15[%swap3A], %add3A_1282 {strides = array<i32>} : memref<1024xf32, #tpu.memory_space<vmem>>, vector<16xf32>,
      }
      %scan3A_1263 = arith.constant 64 : i32
    } else {
    }
    %mul3A_1256 = arith.constant 1024 : i32
    %mul3A_1257 = arith.muli %arg1, %mul3A_1256 : i32
    "tpu.region"() ({
      %run_scoped3A = tpu.sem_alloc : memref<!tpu.dma_semaphore, #tpu.memory_space<semaphore_mem>>
      %dma_start3A_1258 = tpu.memref_slice %arg7[%arg0, %mul3A_1257] : memref<2x16384xf32, #tpu.memory_space<hbm>> -> memref<1x1024xf32, #tpu.memory_space<hbm>>
      %dma_start3A_1259 = tpu.memref_squeeze %dma_start3A_1258 : memref<1x1024xf32, #tpu.memory_space<hbm>> -> memref<1024xf32, #tpu.memory_space<hbm>>
      %dma_start3A_1260 = tpu.memref_slice %arg7[%arg0, %mul3A_1257] : memref<2x16384xf32, #tpu.memory_space<hbm>> -> memref<1x1024xf32, #tpu.memory_space<hbm>>
      %dma_start3A_1261 = tpu.memref_squeeze %dma_start3A_1260 : memref<1x1024xf32, #tpu.memory_space<hbm>> -> memref<1024xf32, #tpu.memory_space<hbm>>
      tpu.enqueue_dma source(%arg15 : memref<1024xf32, #tpu.memory_space<vmem>>) target(%dma_start3A_1261 : memref<1024xf32, #tpu.memory_space<hbm>>) target_semaphore(%run_scoped3A : memref<!tpu.dma_semaphore, #tpu.memory_space<semaphore_mem>>)
      %dma_wait3A_1262 = tpu.memref_slice %arg7[%arg0, %mul3A_1257] : memref<2x16384xf32, #tpu.memory_space<hbm>> -> memref<1x1024xf32, #tpu.memory_space<hbm>>
      %dma_wait3A_1263 = tpu.memref_squeeze %dma_wait3A_1262 : memref<1x1024xf32, #tpu.memory_space<hbm>> -> memref<1024xf32, #tpu.memory_space<hbm>>
      %dma_wait3A_1264 = tpu.memref_slice %arg7[%arg0, %mul3A_1257] : memref<2x16384xf32, #tpu.memory_space<hbm>> -> memref<1x1024xf32, #tpu.memory_space<hbm>>
      %dma_wait3A_1265 = tpu.memref_squeeze %dma_wait3A_1264 : memref<1x1024xf32, #tpu.memory_space<hbm>> -> memref<1024xf32, #tpu.memory_space<hbm>>
      tpu.wait_dma2 semaphore(%run_scoped3A : memref<!tpu.dma_semaphore, #tpu.memory_space<semaphore_mem>>) src(%arg15 : memref<1024xf32, #tpu.memory_space<vmem>>) dst(%dma_wait3A_1265 : memref<1024xf32, #tpu.memory_space<hbm>>)
      tpu.yield
    }) : () -> ()
    return
  }
}

#map = affine_map<(d0, d1) -> (0, 0)>
#map1 = affine_map<(d0, d1) -> (0)>
module attributes {stable_mosaic.version = 14 : i64} {
  func.func @_add_kernel(%arg0: i32, %arg1: i32, %arg2: memref<2x16384xf32, #tpu.memory_space<hbm>>, %arg3: memref<16384xf32, #tpu.memory_space<hbm>>, %arg4: memref<512xf32, #tpu.memory_space<vmem>>, %arg5: memref<512xf32, #tpu.memory_space<vmem>>) attributes {dimension_semantics = [#tpu.dimension_semantics<core_parallel>, #tpu.dimension_semantics<subcore_parallel>], iteration_bounds = array<i64: 2, 16>, scalar_prefetch = 0 : i64, scratch_operands = 2 : i64, tpu.core_type = #tpu.core_type<sc_vector_subcore>, window_params = [{transform_indices = #map}, {transform_indices = #map1}]} {
    %mul3A = arith.constant 2 : i32
    %mul3A_0 = arith.muli %arg1, %mul3A : i32
    %add3A = arith.addi %mul3A_0, %arg0 : i32
    %mul3A_1 = arith.constant 512 : i32
    %mul3A_2 = arith.muli %add3A, %mul3A_1 : i32
    %run_scoped3A = arith.constant 0 : i32
    "tpu.region"() ({
      %run_scoped3A_9 = tpu.sem_alloc : memref<!tpu.dma_semaphore, #tpu.memory_space<semaphore_mem>>
      %dma_start3A = tpu.memref_slice %arg2[%run_scoped3A, %mul3A_2] : memref<2x16384xf32, #tpu.memory_space<hbm>> -> memref<1x512xf32, #tpu.memory_space<hbm>>
      %dma_start3A_10 = tpu.memref_squeeze %dma_start3A : memref<1x512xf32, #tpu.memory_space<hbm>> -> memref<512xf32, #tpu.memory_space<hbm>>
      %dma_start3A_11 = tpu.memref_slice %arg2[%run_scoped3A, %mul3A_2] : memref<2x16384xf32, #tpu.memory_space<hbm>> -> memref<1x512xf32, #tpu.memory_space<hbm>>
      %dma_start3A_12 = tpu.memref_squeeze %dma_start3A_11 : memref<1x512xf32, #tpu.memory_space<hbm>> -> memref<512xf32, #tpu.memory_space<hbm>>
      tpu.enqueue_dma source(%dma_start3A_12 : memref<512xf32, #tpu.memory_space<hbm>>) target(%arg4 : memref<512xf32, #tpu.memory_space<vmem>>) target_semaphore(%run_scoped3A_9 : memref<!tpu.dma_semaphore, #tpu.memory_space<semaphore_mem>>)
      %dma_wait3A = tpu.memref_slice %arg2[%run_scoped3A, %mul3A_2] : memref<2x16384xf32, #tpu.memory_space<hbm>> -> memref<1x512xf32, #tpu.memory_space<hbm>>
      %dma_wait3A_13 = tpu.memref_squeeze %dma_wait3A : memref<1x512xf32, #tpu.memory_space<hbm>> -> memref<512xf32, #tpu.memory_space<hbm>>
      %dma_wait3A_14 = tpu.memref_slice %arg2[%run_scoped3A, %mul3A_2] : memref<2x16384xf32, #tpu.memory_space<hbm>> -> memref<1x512xf32, #tpu.memory_space<hbm>>
      %dma_wait3A_15 = tpu.memref_squeeze %dma_wait3A_14 : memref<1x512xf32, #tpu.memory_space<hbm>> -> memref<512xf32, #tpu.memory_space<hbm>>
      tpu.wait_dma2 semaphore(%run_scoped3A_9 : memref<!tpu.dma_semaphore, #tpu.memory_space<semaphore_mem>>) src(%dma_wait3A_15 : memref<512xf32, #tpu.memory_space<hbm>>) dst(%arg4 : memref<512xf32, #tpu.memory_space<vmem>>)
      tpu.yield
    }) : () -> ()
    %run_scoped3A_3 = arith.constant 1 : i32
    "tpu.region"() ({
      %run_scoped3A_9 = tpu.sem_alloc : memref<!tpu.dma_semaphore, #tpu.memory_space<semaphore_mem>>
      %dma_start3A = tpu.memref_slice %arg2[%run_scoped3A_3, %mul3A_2] : memref<2x16384xf32, #tpu.memory_space<hbm>> -> memref<1x512xf32, #tpu.memory_space<hbm>>
      %dma_start3A_10 = tpu.memref_squeeze %dma_start3A : memref<1x512xf32, #tpu.memory_space<hbm>> -> memref<512xf32, #tpu.memory_space<hbm>>
      %dma_start3A_11 = tpu.memref_slice %arg2[%run_scoped3A_3, %mul3A_2] : memref<2x16384xf32, #tpu.memory_space<hbm>> -> memref<1x512xf32, #tpu.memory_space<hbm>>
      %dma_start3A_12 = tpu.memref_squeeze %dma_start3A_11 : memref<1x512xf32, #tpu.memory_space<hbm>> -> memref<512xf32, #tpu.memory_space<hbm>>
      tpu.enqueue_dma source(%dma_start3A_12 : memref<512xf32, #tpu.memory_space<hbm>>) target(%arg5 : memref<512xf32, #tpu.memory_space<vmem>>) target_semaphore(%run_scoped3A_9 : memref<!tpu.dma_semaphore, #tpu.memory_space<semaphore_mem>>)
      %dma_wait3A = tpu.memref_slice %arg2[%run_scoped3A_3, %mul3A_2] : memref<2x16384xf32, #tpu.memory_space<hbm>> -> memref<1x512xf32, #tpu.memory_space<hbm>>
      %dma_wait3A_13 = tpu.memref_squeeze %dma_wait3A : memref<1x512xf32, #tpu.memory_space<hbm>> -> memref<512xf32, #tpu.memory_space<hbm>>
      %dma_wait3A_14 = tpu.memref_slice %arg2[%run_scoped3A_3, %mul3A_2] : memref<2x16384xf32, #tpu.memory_space<hbm>> -> memref<1x512xf32, #tpu.memory_space<hbm>>
      %dma_wait3A_15 = tpu.memref_squeeze %dma_wait3A_14 : memref<1x512xf32, #tpu.memory_space<hbm>> -> memref<512xf32, #tpu.memory_space<hbm>>
      tpu.wait_dma2 semaphore(%run_scoped3A_9 : memref<!tpu.dma_semaphore, #tpu.memory_space<semaphore_mem>>) src(%dma_wait3A_15 : memref<512xf32, #tpu.memory_space<hbm>>) dst(%arg5 : memref<512xf32, #tpu.memory_space<vmem>>)
      tpu.yield
    }) : () -> ()
    %scan3A = arith.constant 0 : i32
    %scan3A_4 = arith.constant 0 : i32
    %scan3A_5 = arith.constant 32 : i32
    %scan3A_6 = arith.addi %scan3A_4, %scan3A_5 : i32
    %scan3A_7 = arith.constant 1 : i32
    scf.for %scan3A_9 = %scan3A_4 to %scan3A_6 step %scan3A_7  : i32 {
      %mul3A_10 = arith.constant 16 : i32
      %mul3A_11 = arith.muli %scan3A_9, %mul3A_10 : i32
      %get3A = arith.index_cast %mul3A_11 : i32 to index
      %get3A_12 = tpu.vector_load %arg4[%get3A] {strides = array<i32>} : memref<512xf32, #tpu.memory_space<vmem>>, vector<16xf32>,
      %get3A_13 = arith.index_cast %mul3A_11 : i32 to index
      %get3A_14 = tpu.vector_load %arg5[%get3A_13] {strides = array<i32>} : memref<512xf32, #tpu.memory_space<vmem>>, vector<16xf32>,
      %add3A_15 = arith.addf %get3A_12, %get3A_14 : vector<16xf32>
      %swap3A = arith.index_cast %mul3A_11 : i32 to index
      %swap3A_16 = tpu.vector_load %arg4[%swap3A] {strides = array<i32>} : memref<512xf32, #tpu.memory_space<vmem>>, vector<16xf32>,
      tpu.vector_store %arg4[%swap3A], %add3A_15 {strides = array<i32>} : memref<512xf32, #tpu.memory_space<vmem>>, vector<16xf32>,
    }
    %scan3A_8 = arith.constant 32 : i32
    "tpu.region"() ({
      %run_scoped3A_9 = tpu.sem_alloc : memref<!tpu.dma_semaphore, #tpu.memory_space<semaphore_mem>>
      %dma_start3A = tpu.memref_slice %arg3[%mul3A_2] : memref<16384xf32, #tpu.memory_space<hbm>> -> memref<512xf32, #tpu.memory_space<hbm>>
      %dma_start3A_10 = tpu.memref_slice %arg3[%mul3A_2] : memref<16384xf32, #tpu.memory_space<hbm>> -> memref<512xf32, #tpu.memory_space<hbm>>
      tpu.enqueue_dma source(%arg4 : memref<512xf32, #tpu.memory_space<vmem>>) target(%dma_start3A_10 : memref<512xf32, #tpu.memory_space<hbm>>) target_semaphore(%run_scoped3A_9 : memref<!tpu.dma_semaphore, #tpu.memory_space<semaphore_mem>>)
      %dma_wait3A = tpu.memref_slice %arg3[%mul3A_2] : memref<16384xf32, #tpu.memory_space<hbm>> -> memref<512xf32, #tpu.memory_space<hbm>>
      %dma_wait3A_11 = tpu.memref_slice %arg3[%mul3A_2] : memref<16384xf32, #tpu.memory_space<hbm>> -> memref<512xf32, #tpu.memory_space<hbm>>
      tpu.wait_dma2 semaphore(%run_scoped3A_9 : memref<!tpu.dma_semaphore, #tpu.memory_space<semaphore_mem>>) src(%arg4 : memref<512xf32, #tpu.memory_space<vmem>>) dst(%dma_wait3A_11 : memref<512xf32, #tpu.memory_space<hbm>>)
      tpu.yield
    }) : () -> ()
    return
  }
}

</mosaic_0001>

<sc_bundles>
// kernel: kernel.4.cloned.1.call-start
scs
__scs_entry_jumppad:
0x0: {  	(pc) =	sbr.rel $0x88, $3  }
0x1: {  	(tag) =	ssettag $0x0;
	lr =	simm.s32 $0x1  }
0x2: {  	[smem:$0x3F9D] =	sst lr;
	_ =	strace $0xD0000000  }
0x3: {  	_ = 	snop  }
0x4: {  	_ = 	snop  }
0x5: {  	_ = 	snop  }
0x6: {  	_ = 	snop  }
0x7: {  	_ = 	snop  }
__scs_overlays_trampoline_lowered:
0x8: {  	[smem:$0x3FAC] =	sst s0  }
0x9: {  	[smem:$0x3FAD] =	sst s1  }
0xa: {  	[smem:$0x3FAE] =	sst s2  }
0xb: {  	[smem:$0x3FAF] =	sst s3  }
0xc: {  	[smem:$0x3FB0] =	sst s4  }
0xd: {  	[smem:$0x3FB1] =	sst s5  }
0xe: {  	[smem:$0x3FB2] =	sst s6  }
0xf: {  	[smem:$0x3FB3] =	sst s7  }
0x10: {  	[smem:$0x3FB4] =	sst s8  }
0x11: {  	[smem:$0x3FB5] =	sst s9;
	s0 =	simm.s32 @!p0 $0x0  }
0x12: {  	s1 =	sld [smem:$0x3F9B];
	s0 =	simm.s32 @p0 $0x1  }
0x13: {  	[smem:$0x3FB6] =	sst s0;
	s0 =	simm.s32 @!p1 $0x0  }
0x14: {  	s2 =	sld [smem:$0x3F9A];
	s0 =	simm.s32 @p1 $0x1  }
0x15: {  	[smem:$0x3FB7] =	sst s0;
	s0 =	simm.s32 @!p2 $0x0  }
0x16: {  	s3 =	sld [smem:$0x3FDB];
	s0 =	simm.s32 @p2 $0x1  }
0x17: {  	s4 =	simm.s32 $0x1BF5;
	[smem:$0x3FB9] =	sst s0  }
0x18: {  	s0 =	sld [smem:$0x3F9C];
	_ =	swait.ge [sflag:s4], $0x0  }
0x19: {  	s7 =	sld [smem:$0x3F9D]  }
0x1a: {  	s8 =	sadd.s32 $0xFFFFE003, lr  }
0x1b: {  	s9 =	sadd.s32 $0xFFFFFEF7, lr;
	s5 =	simm.s32 $0xFFFFFFFF;
	p2 =	slt.u32 s8, $0xFFFFF086  }
0x1c: {  	p1 =	slt.u32 s9, $0xF7A;
	s5 =	simm.s32 @!p2 $0x0  }
0x1d: {  	s5 =	simm.s32 @p1 $0x1;
	p0 =	seq.s32 s7, s2  }
0x1e: {  	s7 =	smul.u32 @!p0 $0xF7A, s2;
	p2 =	seq.s32 @!p0 s5, $0x0  }
0x1f: {  	s9 =	smul.u32 $0xF7A, s1;
	s8 =	simm.s32 @!p0 $0x1BF5;
	p2 =	por !p2, p0  }
0x20: {  	[sflag:s8] =	ssyncset.s32 @!p0 $0xFFFFF086;
	s6 =	sadd.s32 @!p0 s3, s7;
	s7 =	simm.s32 @!p0 $0x108  }
0x21: {  	s3 =	sadd.s32 s3, s9;
	s6 =	sadd.s32 @!p0 $0x88, s6;
	s7 =	simm.s32 @p2 $0x1082  }
0x22: {  	[simem:s7], [sflag:s8] =	dma.local @!p0 [hbm:s6], $0xF7A  }
0x23: {  	s9 =	sor.u32 $0xD0000000, s2;
	s6 =	simm.s32 $0x108;
	_ =	swait.ge @!p0 [sflag:s8], $0x0  }
0x24: {  	s3 =	sadd.s32 $0x88, s3;
	s6 =	simm.s32 @!p1 $0x1082;
	[sflag:s4] =	ssyncset.s32 $0xFFFFF086  }
0x25: {  	[simem:s6], [sflag:s4] =	dma.local [hbm:s3], $0xF7A  }
0x26: {  	[smem:$0x3F9D] =	sst s1;
	(tag) =	ssettag s2;
	_ =	strace s9  }
0x27: {  	s1 =	sld [smem:$0x3FAD]  }
0x28: {  	s2 =	sld [smem:$0x3FAE]  }
0x29: {  	s4 =	sld [smem:$0x3FB0]  }
0x2a: {  	p0 =	seq.s32 s5, $0x0;
	s5 =	sld [smem:$0x3FB1]  }
0x2b: {  	s6 =	sld [smem:$0x3FB2]  }
0x2c: {  	s7 =	sld [smem:$0x3FB3]  }
0x2d: {  	s3 =	simm.s32 $0x108;
	s8 =	sld [smem:$0x3FB4]  }
0x2e: {  	s3 =	simm.s32 @!p0 $0x1082;
	s9 =	sld [smem:$0x3FB5]  }
0x2f: {  	lr =	sadd.s32 s0, s3;
	s0 =	sld [smem:$0x3FAC]  }
0x30: {  	s3 =	sld [smem:$0x3FAF]  }
0x31: {  	[smem:$0x3FB8] =	sst s10  }
0x32: {  	s10 =	sld [smem:$0x3FB6];
	_ =	sdelay $0x3  }
0x33: {  	p0 =	seq.s32 s10, $0x1;
	s10 =	sld [smem:$0x3FB8];
	_ =	sdelay $0x3  }
0x34: {  	[smem:$0x3FB8] =	sst s10  }
0x35: {  	s10 =	sld [smem:$0x3FB7];
	_ =	sdelay $0x3  }
0x36: {  	p1 =	seq.s32 s10, $0x1;
	s10 =	sld [smem:$0x3FB8];
	_ =	sdelay $0x3  }
0x37: {  	[smem:$0x3FB8] =	sst s10  }
0x38: {  	s10 =	sld [smem:$0x3FB9]  }
0x39: {  	_ = 	snop;
	(pc) =	sbr.ind lr, $3  }
0x3a: {  	_ = 	snop  }
0x3b: {  	_ = 	snop  }
0x3c: {  	p2 =	seq.s32 s10, $0x1;
	s10 =	sld [smem:$0x3FB8]  }
0x3d: {  	_ =	shalt  }
0x3e: {  	_ =	shalt  }
0x3f: {  	_ =	shalt  }
0x40: {  	_ =	shalt  }
0x41: {  	_ =	shalt  }
0x42: {  	_ =	shalt  }
0x43: {  	_ =	shalt  }
0x44: {  	_ =	shalt  }
0x45: {  	_ =	shalt  }
0x46: {  	_ =	shalt  }
0x47: {  	_ =	shalt  }
0x48: {  	_ =	shalt  }
0x49: {  	_ =	shalt  }
0x4a: {  	_ =	shalt  }
0x4b: {  	_ =	shalt  }
0x4c: {  	_ =	shalt  }
0x4d: {  	_ =	shalt  }
0x4e: {  	_ =	shalt  }
0x4f: {  	_ =	shalt  }
0x50: {  	_ =	shalt  }
0x51: {  	_ =	shalt  }
0x52: {  	_ =	shalt  }
0x53: {  	_ =	shalt  }
0x54: {  	_ =	shalt  }
0x55: {  	_ =	shalt  }
0x56: {  	_ =	shalt  }
0x57: {  	_ =	shalt  }
0x58: {  	_ =	shalt  }
0x59: {  	_ =	shalt  }
0x5a: {  	_ =	shalt  }
0x5b: {  	_ =	shalt  }
0x5c: {  	_ =	shalt  }
0x5d: {  	_ =	shalt  }
0x5e: {  	_ =	shalt  }
0x5f: {  	_ =	shalt  }
0x60: {  	_ =	shalt  }
0x61: {  	_ =	shalt  }
0x62: {  	_ =	shalt  }
0x63: {  	_ =	shalt  }
0x64: {  	_ =	shalt  }
0x65: {  	_ =	shalt  }
0x66: {  	_ =	shalt  }
0x67: {  	_ =	shalt  }
0x68: {  	_ =	shalt  }
0x69: {  	_ =	shalt  }
0x6a: {  	_ =	shalt  }
0x6b: {  	_ =	shalt  }
0x6c: {  	_ =	shalt  }
0x6d: {  	_ =	shalt  }
0x6e: {  	_ =	shalt  }
0x6f: {  	_ =	shalt  }
0x70: {  	_ =	shalt  }
0x71: {  	_ =	shalt  }
0x72: {  	_ =	shalt  }
0x73: {  	_ =	shalt  }
0x74: {  	_ =	shalt  }
0x75: {  	_ =	shalt  }
0x76: {  	_ =	shalt  }
0x77: {  	_ =	shalt  }
0x78: {  	_ =	shalt  }
0x79: {  	_ =	shalt  }
0x7a: {  	_ =	shalt  }
0x7b: {  	_ =	shalt  }
0x7c: {  	_ =	shalt  }
0x7d: {  	_ =	shalt  }
0x7e: {  	_ =	shalt  }
0x7f: {  	_ =	shalt  }
0x80: {  	_ =	shalt  }
0x81: {  	_ =	shalt  }
0x82: {  	_ =	shalt  }
0x83: {  	_ =	shalt  }
0x84: {  	_ =	shalt  }
0x85: {  	_ =	shalt  }
0x86: {  	_ =	shalt  }
0x87: {  	_ =	shalt  }
.Lfunc_end0:
.L_simem_size_0:
called_computation_lowered:
.L_overlay_start_0:
0x88: {  	s2 =	sld [smem:$0x3FD9]  }
0x89: {  	s3 =	sld [smem:$0x3FFE];
	_ =	sdelay $0x1  }
0x8a: {  	s1 =	srdreg.scid  }
0x8b: {  	s0 =	sand.u32 $0x1, s1  }
0x8c: {  	s17 =	sshll.u32 s0, $0xA;
	s2 =	sadd.s32 s3, s2  }
0x8d: {  	s2 =	sadd.s32 s2, s17  }
0x8e: {  	[smem:$0x3FC4] =	sst s2  }
0x8f: {  	_ = 	snop  }
0x90: {  	s2 =	sld [smem:$0x3FC9]  }
0x91: {  	s18 =	sld [smem:$0x3FC8]  }
0x92: {  	s4 =	sld [smem:$0x3FC7]  }
0x93: {  	s5 =	sld [smem:$0x3FC6]  }
0x94: {  	s6 =	sld [smem:$0x3FD0];
	(tm) =	ssettm $0x1  }
0x95: {  	s7 =	sld [smem:$0x3FFB];
	_ =	sdelay $0x3  }
0x96: {  	_ =	strace s7  }
0x97: {  	s7 =	sld [smem:$0x3FFC];
	_ =	sdelay $0x3  }
0x98: {  	_ =	strace s7  }
0x99: {  	s7 =	sld [smem:$0x3FFD];
	_ =	sdelay $0x3  }
0x9a: {  	_ =	strace s7  }
0x9b: {  	_ =	strace $0x8FFFFFFF  }
0x9c: {  	s19 =	sld [smem:$0x3FDB];
	_ =	sdelay $0x1  }
0x9d: {  	s8 =	simm.s32 $_scs_section_size  }
0x9e: {  	s9 =	simm.s32 $_size__tile_overlayer_lowered;
	s10 =	simm.s32 $_tile_overlayer_lowered  }
0x9f: {  	s22 =	simm.s32 $0x1BFF;
	s21 =	sshll.u32 s10, $0x1;
	s7 =	sadd.s32 s8, s19  }
0xa0: {  	s11 =	simm.s32 $0x0;
	s20 =	sshll.u32 s9, $0x1;
	s9 =	sadd.s32 s21, s7  }
0xa1: {  	[timem:s11], [sflag:s22] =	dma.local [hbm:s9], s20  }
0xa2: {  	_ =	swait.ge [sflag:s22], s20  }
0xa3: {  	s8 =	ssub.s32 $0x0, s20;
	[sflag:s22] =	ssyncset.done $0x0  }
0xa4: {  	[sflag:s22] =	ssyncadd.s32 s8;
	_ =	sdelay $0x1  }
0xa5: {  	s23 =	simm.s32 $0x1B8B  }
0xa6: {  	_ =	swait.ge [sflag:s23], $0x1  }
0xa7: {  	[sflag:s23] =	ssyncset.done $0x0  }
0xa8: {  	s25 =	simm.s32 $0x1B8E;
	s24 =	sld [smem:$0x3FFE];
	[sflag:s23] =	ssyncadd.s32 $0xFFFFFFFF  }
0xa9: {  	s26 =	simm.s32 $execute0_lowered;
	[smem:$0x3FD2] =	sst s25  }
0xaa: {  	s9 =	sshll.u32 s26, $0x1;
	_ =	strace $0x80000046;
	[dreg:$0x1] =	wrdreg $0xFFFFFFFF  }
0xab: {  	s28 =	simm.s32 $_size_execute0_lowered;
	s7 =	sadd.s32 s7, s9;
	[dreg:$0x0] =	wrdreg $0x0  }
0xac: {  	s9 =	sshll.u32 s28, $0x1;
	[dreg:$0x2] =	wrdreg s7  }
0xad: {  	[dreg:$0x3] =	wrdreg s9  }
0xae: {  	[dreg:$0x4] =	wrdreg $0xC0  }
0xaf: {  	_ =	task [dreg:s11], $0x5FFFF  }
0xb0: {  	[dreg:$0x1] =	wrdreg $0xFFFFFFFF  }
0xb1: {  	[dreg:$0x0] =	wrdreg $0x60  }
0xb2: {  	[dreg:$0x2] =	wrdreg s2  }
0xb3: {  	[dreg:$0x3] =	wrdreg s18  }
0xb4: {  	[dreg:$0x4] =	wrdreg s4  }
0xb5: {  	[dreg:$0x5] =	wrdreg s5  }
0xb6: {  	[dreg:$0x6] =	wrdreg s6  }
0xb7: {  	[dreg:$0x7] =	wrdreg s24  }
0xb8: {  	[dreg:$0x8] =	wrdreg $0x30800  }
0xb9: {  	[dreg:$0x9] =	wrdreg $0x124A80  }
0xba: {  	[dreg:$0xa] =	wrdreg $0x13D180  }
0xbb: {  	[dreg:$0xb] =	wrdreg $0x9  }
0xbc: {  	_ =	task.clear_ibuf [dreg:s11], $0xCFFFF;
	_ =	strace $0x90000046  }
0xbd: {  	s29 =	simm.s32 $0x9;
	_ =	strace $0x80000048  }
0xbe: {  	_ =	swait.ge [sflag:s29], $0x1  }
0xbf: {  	[sflag:s29] =	ssyncadd.s32 $0xFFFFFFFF  }
0xc0: {  	_ =	strace $0x90000048  }
0xc1: {  	_ =	sfence  }
0xc2: {  	s30 =	sld [smem:$0x0];
	_ =	sdelay $0x2  }
0xc3: {  	s31 =	sshll.u32 s1, $0xD;
	s1 =	sshrl.u32 s1, $0x2  }
0xc4: {  	s3 =	sand.u32 $0x4000, s31;
	s1 =	sadd.s32 s1, s30  }
0xc5: {  	s0 =	sor.u32 s3, s0;
	s1 =	sshll.u32 s1, $0x11  }
0xc6: {  	s0 =	sor.u32 s1, s0  }
0xc7: {  	s0 =	sadd.s32 $0x8F2B, s0  }
0xc8: {  	[sflag:s0] =	ssyncadd.remote.s32 $0x1  }
0xc9: {  	_ =	sfence.sel $0xFFFF  }
0xca: {  	[dreg:$0x0] =	wrdreg $0xFFFFFFFF;
	(pc) =	sbr.abs _section_cstart, $3  }
0xcb: {  	[dreg:$0x1] =	wrdreg $0xFFFFFFFF  }
0xcc: {  	_ =	task.clear_ibuf [dreg:s11], $0x2FFFF;
	_ =	strace $0x9FFFFFFF  }
0xcd: {  	(tm) =	ssettm $0x7FFFFFFF  }
tec
execute0_lowered:
.L_overlay_start_1:
0x0: {  	(tag) =	ssettag $0x1  }
0x1: {  	s3 =	rddreg [dreg:$0x0]  }
0x2: {  	s5 =	rddreg [dreg:$0x1]  }
0x3: {  	s8 =	rddreg [dreg:$0x2];
	s0 =	srdreg.scid  }
0x4: {  	s6 =	rddreg [dreg:$0x3];
	s2 =	sand.u32 $0x1, s0  }
0x5: {  	s0 =	stileid.u32;
	s7 =	smul.u32 $0xF42800, s2  }
0x6: {  	s1 =	simm.s32 $0x0;
	s29 =	rddreg [dreg:$0x6];
	s11 =	smul.u32 $0x41000, s0  }
0x7: {  	[smem:$0x7FF] =	sst s1;
	s13 =	sadd.s32 $0x20, s8;
	s26 =	smul.u32 $0x8200, s0  }
0x8: {  	s14 =	sadd.s32 $0x30, s8;
	s18 =	sadd.s32 $0x70, s8;
	s21 =	smul.u32 $0x30E00, s2  }
0x9: {  	s4 =	ssub.s32 $0x2, s2;
	s10 =	sshll.u32 s0, $0x7;
	s12 =	smul.u32 $0x1E8500, s2  }
0xa: {  	s9 =	sshrl.u32 s4, $0x1;
	s3 =	sadd.s32 s3, s10;
	s24 =	sadd.s32 s5, s10  }
0xb: {  	s10 =	sadd.s32 $0x10, s8;
	s25 =	sshrl.u32 s7, $0x3;
	s7 =	sadd.s32 s11, s7  }
0xc: {  	s4 =	ssub.s32 s4, s9;
	[dreg:$0xa] =	wrdreg s3;
	s1 =	sshrl.u32 s7, $0x3  }
0xd: {  	[dreg:$0xb] =	wrdreg s24;
	s9 =	sadd.s32 $0x7A100, s26;
	s22 =	sadd.s32 s8, s1  }
0xe: {  	s26 =	sshllo.u32 s2, $0x1;
	s23 =	sadd.s32 s1, s10;
	[dreg:$0xc] =	wrdreg s22  }
0xf: {  	s5 =	sadd.s32 s8, s25;
	s15 =	sadd.s32 s1, s13;
	[dreg:$0xe] =	wrdreg s23  }
0x10: {  	s19 =	smul.u32 $0x7A1400, s26;
	s25 =	sadd.s32 s1, s14;
	[dreg:$0xf] =	wrdreg s15  }
0x11: {  	s24 =	smul.u32 $0x187000, s2;
	s3 =	sadd.s32 s1, s18;
	[dreg:$0x10] =	wrdreg s25  }
0x12: {  	s15 =	sadd.s32 $0x40, s8;
	[dreg:$0x14] =	wrdreg s3;
	s11 =	sadd.s32 s11, s19  }
0x13: {  	s23 =	sshrl.u32 s19, $0x3;
	s16 =	sadd.s32 s1, s15;
	s11 =	sshrl.u32 s11, $0x3  }
0x14: {  	[dreg:$0x11] =	wrdreg s16;
	s16 =	sadd.s32 $0x50, s8;
	s19 =	sadd.s32 s11, s10  }
0x15: {  	s30 =	sadd.s32 s6, s21;
	s17 =	sadd.s32 s1, s16;
	[dreg:$0x17] =	wrdreg s19  }
0x16: {  	s7 =	sshrl.u32 s24, $0x3;
	[dreg:$0x12] =	wrdreg s17;
	s17 =	sadd.s32 $0x60, s8  }
0x17: {  	s19 =	sadd.s32 s11, s15;
	s20 =	sadd.s32 s1, s17;
	s1 =	smul.u32 $0xF4280, s26  }
0x18: {  	s6 =	sadd.s32 s6, s7;
	s7 =	sadd.s32 s8, s23;
	[dreg:$0x1d] =	wrdreg s19  }
0x19: {  	[dreg:$0x13] =	wrdreg s20;
	s3 =	sadd.s32 s9, s1;
	s1 =	sadd.s32 s8, s11  }
0x1a: {  	s20 =	sadd.s32 s8, s12;
	[dreg:$0x15] =	wrdreg s1;
	s8 =	sadd.s32 s8, s3  }
0x1b: {  	s23 =	sadd.s32 s3, s10;
	[dreg:$0x16] =	wrdreg s8  }
0x1c: {  	s1 =	sadd.s32 s11, s13;
	[dreg:$0x18] =	wrdreg s23  }
0x1d: {  	s21 =	sadd.s32 s12, s10;
	s10 =	sadd.s32 s3, s13;
	[dreg:$0x19] =	wrdreg s1  }
0x1e: {  	s22 =	sadd.s32 s12, s13;
	s13 =	sadd.s32 s11, s14;
	[dreg:$0x1a] =	wrdreg s10  }
0x1f: {  	s24 =	sadd.s32 s12, s14;
	s14 =	sadd.s32 s3, s14;
	[dreg:$0x1b] =	wrdreg s13  }
0x20: {  	[dreg:$0x1c] =	wrdreg s14  }
0x21: {  	s13 =	rddreg [dreg:$0x5]  }
0x22: {  	s23 =	sadd.s32 s3, s15;
	s8 =	sshll.u32 s2, $0x4;
	s2 =	rddreg [dreg:$0x8]  }
0x23: {  	s1 =	sadd.s32 s11, s16;
	[dreg:$0x1e] =	wrdreg s23  }
0x24: {  	s10 =	sadd.s32 s3, s16;
	[dreg:$0x1f] =	wrdreg s1  }
0x25: {  	s14 =	sadd.s32 s11, s17;
	[smem:$0x7B5] =	sst s10  }
0x26: {  	s25 =	sadd.s32 s12, s15;
	s15 =	sadd.s32 s3, s17;
	[smem:$0x7B6] =	sst s14  }
0x27: {  	s26 =	sadd.s32 s12, s16;
	s16 =	sadd.s32 s11, s18;
	[smem:$0x7B7] =	sst s15  }
0x28: {  	s3 =	sadd.s32 s3, s18;
	[smem:$0x7B8] =	sst s16  }
0x29: {  	[smem:$0x7B9] =	sst s3  }
0x2a: {  	s19 =	sadd.s32 s9, s20;
	s23 =	rddreg [dreg:$0x7]  }
0x2b: {  	s20 =	sadd.s32 s9, s21;
	_ =	strace $0x80000047;
	[smem:$0x7BB] =	sst s19  }
0x2c: {  	s21 =	sadd.s32 s9, s22;
	[smem:$0x7BC] =	sst s20  }
0x2d: {  	s22 =	sadd.s32 s9, s24;
	[smem:$0x7BD] =	sst s21  }
0x2e: {  	s24 =	sadd.s32 s9, s25;
	[smem:$0x7BE] =	sst s22  }
0x2f: {  	s28 =	sadd.s32 s12, s17;
	s25 =	sadd.s32 s9, s26;
	[smem:$0x7BF] =	sst s24  }
0x30: {  	s26 =	sadd.s32 s9, s28;
	[smem:$0x7C0] =	sst s25  }
0x31: {  	s11 =	sadd.s32 $0x71C00, s5;
	[smem:$0x7C1] =	sst s26  }
0x32: {  	s10 =	sadd.s32 s8, s13;
	s13 =	sadd.s32 $0x71C10, s5;
	[smem:$0x7C4] =	sst s11  }
0x33: {  	s14 =	sadd.s32 $0xEBD10, s5;
	[smem:$0x7C6] =	sst s13  }
0x34: {  	s15 =	sadd.s32 $0x71C20, s5;
	[smem:$0x7C7] =	sst s14  }
0x35: {  	s17 =	smul.u32 $0x20800, s0;
	s16 =	sadd.s32 $0xEBD20, s5;
	[smem:$0x7C8] =	sst s15  }
0x36: {  	s12 =	sadd.s32 s12, s18;
	s18 =	sshll.u32 s0, $0x8;
	[smem:$0x7C9] =	sst s16  }
0x37: {  	s3 =	sshrl.u32 s17, $0x2;
	s17 =	sadd.s32 $0x71C30, s5;
	[dreg:$0xd] =	wrdreg s30  }
0x38: {  	s10 =	sadd.s32 s18, s10;
	s18 =	sadd.s32 $0xEBD30, s5;
	[smem:$0x7CA] =	sst s17  }
0x39: {  	s19 =	sadd.s32 $0x71C40, s5;
	[smem:$0x7CB] =	sst s18  }
0x3a: {  	s20 =	sadd.s32 $0xEBD40, s5;
	[smem:$0x7CC] =	sst s19  }
0x3b: {  	s21 =	sadd.s32 $0x71C50, s5;
	[smem:$0x7CD] =	sst s20  }
0x3c: {  	s22 =	sadd.s32 $0xEBD50, s5;
	[smem:$0x7CE] =	sst s21  }
0x3d: {  	s24 =	sadd.s32 $0x71C60, s5;
	[smem:$0x7CF] =	sst s22  }
0x3e: {  	s25 =	sadd.s32 $0xEBD60, s5;
	[smem:$0x7D0] =	sst s24  }
0x3f: {  	s26 =	sadd.s32 $0x71C70, s5;
	[smem:$0x7D1] =	sst s25  }
0x40: {  	s11 =	sadd.s32 $0x18720, s6;
	[smem:$0x7D2] =	sst s26  }
0x41: {  	p4 =	seq.s32 s0, $0xF;
	s13 =	sadd.s32 $0x18740, s6;
	[smem:$0x7D6] =	sst s11  }
0x42: {  	p1 =	slt.u32 @!p4 s0, $0xE;
	s14 =	sadd.s32 $0x18750, s6;
	[smem:$0x7D8] =	sst s13  }
0x43: {  	p2 =	por p1, p4;
	s15 =	sadd.s32 $0x18760, s6;
	[smem:$0x7D9] =	sst s14  }
0x44: {  	s1 =	simm.s32 @!p2 $0x0;
	s16 =	sadd.s32 $0x18770, s6;
	[smem:$0x7DA] =	sst s15  }
0x45: {  	s1 =	simm.s32 @p2 $0x1;
	[smem:$0x7DB] =	sst s16  }
0x46: {  	s3 =	sadd.s32 s3, s29;
	[smem:$0x7EC] =	sst s1  }
0x47: {  	s17 =	sadd.s32 $0x71C00, s7;
	[smem:$0x7BA] =	sst s3  }
0x48: {  	s18 =	sadd.s32 $0xEBD00, s7;
	[smem:$0x7DC] =	sst s17  }
0x49: {  	s19 =	sadd.s32 $0x71C10, s7;
	[smem:$0x7DD] =	sst s18  }
0x4a: {  	s20 =	sadd.s32 $0xEBD10, s7;
	[smem:$0x7DE] =	sst s19  }
0x4b: {  	s21 =	sadd.s32 $0x71C20, s7;
	[smem:$0x7DF] =	sst s20  }
0x4c: {  	s22 =	sadd.s32 $0xEBD20, s7;
	[smem:$0x7E0] =	sst s21  }
0x4d: {  	s24 =	sadd.s32 $0x71C30, s7;
	[smem:$0x7E1] =	sst s22  }
0x4e: {  	s25 =	sadd.s32 $0xEBD30, s7;
	[smem:$0x7E2] =	sst s24  }
0x4f: {  	s26 =	sadd.s32 $0x71C40, s7;
	[smem:$0x7E3] =	sst s25  }
0x50: {  	s11 =	sadd.s32 $0xEBD60, s7;
	[smem:$0x7E4] =	sst s26  }
0x51: {  	s13 =	sadd.s32 $0xEBD70, s7;
	[smem:$0x7E9] =	sst s11  }
0x52: {  	s14 =	sadd.s32 $0x800, s10;
	[smem:$0x7EB] =	sst s13  }
0x53: {  	s15 =	smax.u32 s4, $0x1;
	[smem:$0x7ED] =	sst s14  }
0x54: {  	s16 =	sadd.s32 $0xF4200, s29;
	[smem:$0x7EE] =	sst s15  }
0x55: {  	s3 =	sadd.s32 s9, s12;
	[smem:$0x7F3] =	sst s16  }
0x56: {  	s9 =	sadd.s32 s9, s29;
	[smem:$0x7C2] =	sst s3  }
0x57: {  	s12 =	sadd.s32 $0xEBD00, s5;
	[smem:$0x7C3] =	sst s9  }
0x58: {  	s17 =	sadd.s32 $0x71C00, s29;
	[smem:$0x7C5] =	sst s12  }
0x59: {  	s18 =	sadd.s32 $0xEBD00, s29;
	[smem:$0x7F4] =	sst s17  }
0x5a: {  	s19 =	sadd.s32 $0x10, s30;
	[smem:$0x7F5] =	sst s18  }
0x5b: {  	s31 =	simm.s32 $0x1000;
	s20 =	sadd.s32 $0x20, s30;
	[smem:$0x7F6] =	sst s19  }
0x5c: {  	s28 =	simm.s32 $0xC00;
	s21 =	sadd.s32 $0x30, s30;
	[smem:$0x7F7] =	sst s20  }
0x5d: {  	p2 =	seq.s32 @!p2 s0, $0xE;
	s22 =	sadd.s32 $0x40, s30;
	[smem:$0x7F8] =	sst s21  }
0x5e: {  	p3 =	por @!p4 !p2, p1;
	s24 =	sadd.s32 $0x50, s30;
	[smem:$0x7F9] =	sst s22  }
0x5f: {  	p2 =	sne.s32 s0, $0xF;
	s25 =	sadd.s32 $0x60, s30;
	[smem:$0x7FA] =	sst s24  }
0x60: {  	p1 =	por !p1, p4;
	s26 =	sadd.s32 $0x70, s30;
	[smem:$0x7FB] =	sst s25  }
0x61: {  	s4 =	simm.s32 $0x0;
	s3 =	sadd.s32 $0xEBD70, s5;
	[smem:$0x7FC] =	sst s26  }
0x62: {  	s0 =	simm.s32 @!p1 $0x0;
	s5 =	sadd.s32 $0x18700, s6;
	[smem:$0x7D3] =	sst s3  }
0x63: {  	p0 =	por p3, p4;
	s9 =	sadd.s32 $0x18710, s6;
	[smem:$0x7D4] =	sst s5  }
0x64: {  	s30 =	simm.s32 $0x1800;
	s12 =	sadd.s32 $0x18730, s6;
	[smem:$0x7D5] =	sst s9  }
0x65: {  	s6 =	sadd.s32 $0xEBD50, s7;
	s0 =	simm.s32 @p1 $0x1;
	[smem:$0x7D7] =	sst s12  }
0x66: {  	s20 =	simm.s32 $0x4;
	s21 =	simm.s32 $0x400;
	[smem:$0x7E7] =	sst s6  }
0x67: {  	s3 =	sadd.s32 $0xEBD40, s7;
	[smem:$0x7EF] =	sst s0;
	s0 =	simm.s32 @!p0 $0x0  }
0x68: {  	s5 =	sadd.s32 $0x71C50, s7;
	[smem:$0x7E5] =	sst s3;
	s0 =	simm.s32 @p0 $0x1  }
0x69: {  	s9 =	sadd.s32 $0x71C60, s7;
	[smem:$0x7F0] =	sst s0;
	s0 =	simm.s32 @!p4 $0x0  }
0x6a: {  	[smem:$0x7E6] =	sst s5;
	p0 =	por !p3, p4;
	s0 =	simm.s32 @p4 $0x1  }
.Ltmp0:
0x6b: {  	[smem:$0x7F1] =	sst s0;
	s0 =	simm.s32 @!p0 $0x0;
	(pc) =	sbr.rel .LBB2_1-.Ltmp0, $4  }
0x6c: {  	s22 =	simm.s32 $0x2800;
	[smem:$0x7E8] =	sst s9;
	s0 =	simm.s32 @p0 $0x1  }
0x6d: {  	v0 =	vmov s8;
	s12 =	sadd.s32 $0x71C70, s7;
	[smem:$0x7F2] =	sst s0;
	s0 =	simm.s32 @!p2 $0x0  }
0x6e: {  	v1 =	vlaneseq.u32;
	v0 =	vor.u32 $0xFE17C000, v0;
	s25 =	simm.s32 $0x3;
	[smem:$0x7EA] =	sst s12;
	s0 =	simm.s32 @p2 $0x1  }
0x6f: {  	v2 =	vimm.f32 $0.0e+00;
	v3 =	vimm.s32 $0x0;
	v0 =	vbroadcast v0, $0x0;
	s26 =	simm.s32 $0x800;
	s24 =	simm.s32 $0x1C00;
	[smem:$0x7FD] =	sst s0  }
.LBB2_131:
0x70: {  	v8 =	vld [tilespmem:s6+$0x2000]  }
0x71: {  	v4 =	vmul.f32 v7, v4  }
0x72: {  	v61 =	vld [tilespmem:s5+$0x1C00]  }
0x73: {  	v4 =	vadd.f32 v4, v5;
	_ =	sdelay $0x1  }
0x74: {  	v4 =	vmul.f32 v6, v4;
	v5 =	vadd.s32 $0xF, v8;
	_ =	sdelay $0x1  }
0x75: {  	v4 =	vadd.f32 v4, v61;
	_ =	sdelay $0x1  }
0x76: {  	[tilespmem:s5+$0x1C00] =	vst v4  }
0x77: {  	v4 =	vld.idx.msk [tilespmem:v5+s22+$0x0], $0xffff  }
0x78: {  	v5 =	vld [tilespmem:s6+$0x2400];
	_ =	sdelay $0x1  }
0x79: {  	v62 =	vld [tilespmem:s6+$0x1000];
	_ =	sdelay $0x1  }
0x7a: {  	v63 =	vld [tilespmem:s6+$0x1800]  }
0x7b: {  	v4 =	vmul.f32 v5, v4  }
0x7c: {  	v5 =	vld [tilespmem:s6+$0x1C00]  }
0x7d: {  	v4 =	vadd.f32 v4, v62;
	_ =	sdelay $0x1  }
0x7e: {  	v4 =	vmul.f32 v63, v4;
	_ =	sdelay $0x1  }
0x7f: {  	v4 =	vadd.f32 v4, v5;
	_ =	sdelay $0x1  }
0x80: {  	[tilespmem:s6+$0x1C00] =	vst v4  }
.LBB2_132:
0x81: {  	s0 =	sld [smem:$0x7ED];
	_ =	sdelay $0x1  }
0x82: {  	s1 =	simm.s32 $0x80;
	s3 =	simm.s32 $0x100  }
0x83: {  	[hbm4b:s0+s1] =	stream.strided.scatter [tilespmem:s24], [sflag:$0x4], $0x400, s3, s1, $0x38;
	[tilespmem:$0x15588] =	vst v63  }
0x84: {  	_ =	swait.ge [sflag:s20], $0x400  }
0x85: {  	s19 =	sld [smem:$0x7EE];
	_ =	sdelay $0x1  }
0x86: {  	s4 =	sadd.s32 $0x1, s4  }
0x87: {  	p1 =	sne.s32 s4, s19  }
.Ltmp1:
0x88: {  	_ = 	snop;
	(pc) =	sbr.rel @!p1 .LBB2_133-.Ltmp1, $3  }
0x89: {  	_ =	sdelay $0x1  }
0x8a: {  	[sflag:s20] =	ssyncset.done $0x0  }
0x8b: {  	[sflag:s20] =	ssyncadd.s32 $0xFFFFFC00  }
.LBB2_1:
0x8c: {  	s0 =	rddreg [dreg:$0xa];
	s1 =	simm.s32 $0x0  }
0x8d: {  	[tilespmem:s1], [sflag:$0x4] =	stream.linear.gather [hbm4b:s0+s1], $0x400, $0x38;
	[tilespmem:$0x15588] =	vst v63  }
0x8e: {  	_ =	swait.ge [sflag:s20], $0x400  }
0x8f: {  	[sflag:s20] =	ssyncset.done $0x0  }
0x90: {  	s10 =	rddreg [dreg:$0xb];
	[sflag:s20] =	ssyncadd.s32 $0xFFFFFC00  }
0x91: {  	[tilespmem:s21], [sflag:$0x4] =	stream.linear.gather [hbm4b:s10+s1], $0x400, $0x38;
	[tilespmem:$0x15588] =	vst v63  }
0x92: {  	_ =	swait.ge [sflag:s20], $0x400  }
0x93: {  	[sflag:s20] =	ssyncset.done $0x0  }
0x94: {  	[sflag:s20] =	ssyncadd.s32 $0xFFFFFC00  }
0x95: {  	s11 =	rddreg [dreg:$0x4]  }
0x96: {  	[tilespmem:s22], [sflag:$0x4] =	stream.linear.gather [hbm4b:s11+s1], $0x800, $0x38;
	[tilespmem:$0x15588] =	vst v63  }
0x97: {  	_ =	swait.ge [sflag:s20], $0x800  }
0x98: {  	[sflag:s20] =	ssyncset.done $0x0  }
0x99: {  	v4 =	vimm.f32 @!p2 $0.0e+00;
	[sflag:s20] =	ssyncadd.s32 $0xFFFFF800  }
0x9a: {  	[tilespmem:$0x3000] =	vst @!p2 v4  }
0x9b: {  	[tilespmem:$0x3010] =	vst @!p2 v4  }
0x9c: {  	[tilespmem:$0x3020] =	vst @!p2 v4  }
0x9d: {  	[tilespmem:$0x3030] =	vst @!p2 v4  }
0x9e: {  	[tilespmem:$0x3040] =	vst @!p2 v4  }
0x9f: {  	s0 =	sld [smem:$0x7F3];
	[tilespmem:$0x3050] =	vst @!p2 v4  }
0xa0: {  	[tilespmem:$0x3060] =	vst @!p2 v4  }
0xa1: {  	s5 =	simm.s32 @!p2 $0x3000;
	[tilespmem:$0x3070] =	vst @!p2 v4  }
0xa2: {  	[spmem:s0] =	stream.linear.scatter @!p2 [tilespmem:s5], [sflag:$0x4], $0x80, $0x38;
	[tilespmem:$0x15588] =	vst v63  }
0xa3: {  	s5 =	simm.s32 @!p2 $0x4  }
0xa4: {  	_ =	swait.ge @!p2 [sflag:s5], $0x80  }
0xa5: {  	[sflag:s5] =	ssyncset.done @!p2 $0x0  }
0xa6: {  	[sflag:s5] =	ssyncadd.s32 @!p2 $0xFFFFFF80  }
0xa7: {  	v4 =	vld [tilespmem:s1+$0x0];
	_ =	sdelay $0x2  }
0xa8: {  	s12 =	sand.u32 $0x70, s1  }
0xa9: {  	s5 =	sor.u32 $0xF4200, s12  }
0xaa: {  	v5 =	vor.u32 s5, v1;
	vm0 =	vlt.s32 v4, $0xF4200  }
0xab: {  	vm1 =	vgt.s32 v4, $0xF41FF;
	v5 =	vsel vm0, v4, v5  }
0xac: {  	v6 =	vsel vm1, $0x1, v3;
	v4 =	vshll.u32 v4, $0x5;
	[tilespmem:s26+$0x0] =	vst v5  }
0xad: {  	s14 =	simm.s32 $0x2400;
	v5 =	vor.u32 $0x80000000, v6;
	v6 =	vsel vm1, $0x3F800000, v2;
	v4 =	vadd.s32 v0, v4;
	[tilespmem:s24+$0x0] =	vst v2  }
0xae: {  	s6 =	simm.s32 $0x2000;
	(xrf0) =	vmax.scan.msk.u32 $0xffff, v5;
	v4 =	vnsel vm1, $0x0, v4;
	[tilespmem:s14+$0x0] =	vst v6  }
0xaf: {  	s15 =	simm.s32 $0x10;
	[tilespmem:s6+$0x0] =	vst v4  }
0xb0: {  	v4 =	vld [tilespmem:s15+$0x0];
	_ =	sdelay $0x2  }
0xb1: {  	s5 =	sand.u32 $0x70, s15  }
0xb2: {  	s5 =	sor.u32 $0xF4200, s5;
	v5, _, _ =	vpop (xrf0)  }
0xb3: {  	(v2sf) =	vpush v5, $0xF;
	v5 =	vor.u32 s5, v1;
	vm12 =	vlt.s32 v4, $0xF4200  }
0xb4: {  	s16 =	simm.s32 $0x810;
	v5 =	vsel vm12, v4, v5  }
0xb5: {  	s17 =	simm.s32 $0x1C10;
	vm13 =	vgt.s32 v4, $0xF41FF;
	v4 =	vshll.u32 v4, $0x5;
	[tilespmem:s16+$0x0] =	vst v5  }
0xb6: {  	s18 =	simm.s32 $0x2410;
	v5 =	vsel vm13, $0x3F800000, v2;
	v4 =	vadd.s32 v0, v4;
	[tilespmem:s17+$0x0] =	vst v2  }
0xb7: {  	s19 =	simm.s32 $0x2010;
	v4 =	vnsel vm13, $0x0, v4;
	[tilespmem:s18+$0x0] =	vst v5  }
0xb8: {  	s24 =	simm.s32 $0x20;
	[tilespmem:s19+$0x0] =	vst v4  }
0xb9: {  	v5 =	vld [tilespmem:s24+$0x0]  }
0xba: {  	v4 =	vsel vm13, $0x1, v3  }
0xbb: {  	v4 =	vor.u32 $0x80000000, v4  }
0xbc: {  	s5 =	sand.u32 $0x70, s24;
	(xrf0) =	vmax.scan.msk.u32 $0xffff, v4  }
0xbd: {  	s5 =	sor.u32 $0xF4200, s5  }
0xbe: {  	v4 =	vor.u32 s5, v1;
	vm14 =	vlt.s32 v5, $0xF4200  }
0xbf: {  	v4 =	vsel vm14, v5, v4;
	_ =	sdelay $0x1  }
0xc0: {  	s5 =	simm.s32 $0x820  }
0xc1: {  	[tilespmem:s5+$0x0] =	vst v4;
	v4, _, _ =	vpop (xrf0)  }
0xc2: {  	s14 =	spop (v2sf);
	(v2sf) =	vpush v4, $0xF  }
0xc3: {  	vm15 =	vgt.s32 v5, $0xF41FF  }
0xc4: {  	s13 =	simm.s32 $0x1400;
	s9 =	simm.s32 $0x30;
	s6 =	simm.s32 $0x1C20;
	v5 =	vshll.u32 v5, $0x5;
	v6 =	vsel vm15, $0x1, v3  }
0xc5: {  	s8 =	simm.s32 $0x2420;
	s7 =	simm.s32 $0x2020;
	s12 =	simm.s32 $0x40;
	v7 =	vsel vm15, $0x3F800000, v2;
	v5 =	vadd.s32 v0, v5;
	v6 =	vor.u32 $0x80000000, v6;
	[tilespmem:s6+$0x0] =	vst v2  }
0xc6: {  	s16 =	simm.s32 $0x0;
	(xrf0) =	vmax.scan.msk.u32 $0xffff, v6;
	[tilespmem:s8+$0x0] =	vst v7;
	s17 =	sxor.u32 $0x80000000, s14;
	s14 =	simm.s32 $0x30;
	v4 =	vnsel vm15, $0x0, v5  }
.LBB2_2:
0xc7: {  	s15 =	smov.u32 s16;
	p1 =	sne.s32 s12, $0x3F0;
	p3 =	sgt.s32 s16, s17  }
0xc8: {  	s18 =	smov.u32 s12;
	s12 =	sadd.s32 $0x10, s12;
	s16 =	smov.u32 s17;
	[tilespmem:s7+$0x0] =	vst v4  }
0xc9: {  	s16 =	smov.u32 @p3 s15;
	v4 =	vld [tilespmem:s9+$0x0];
	_ =	sdelay $0x1  }
0xca: {  	s15 =	sand.u32 $0x70, s14;
	s14 =	smov.u32 s18  }
0xcb: {  	s15 =	sor.u32 $0xF4200, s15;
	v5, _, _ =	vpop (xrf0)  }
0xcc: {  	(v2sf) =	vpush v5, $0xF  }
.Ltmp2:
0xcd: {  	s5 =	sadd.s32 $0x10, s5;
	v5 =	vor.u32 s15, v1;
	vm0 =	vlt.s32 v4, $0xF4200;
	vm1 =	vgt.s32 v4, $0xF41FF;
	(pc) =	sbr.rel @p1 .LBB2_2-.Ltmp2, $4  }
0xce: {  	s6 =	sadd.s32 $0x10, s6;
	v5 =	vsel vm0, v4, v5;
	v4 =	vshll.u32 v4, $0x5;
	v6 =	vsel vm1, $0x1, v3  }
0xcf: {  	s8 =	sadd.s32 $0x10, s8;
	[tilespmem:s5+$0x0] =	vst v5;
	v5 =	vsel vm1, $0x3F800000, v2;
	v4 =	vadd.s32 v0, v4;
	v6 =	vor.u32 $0x80000000, v6  }
0xd0: {  	s7 =	sadd.s32 $0x10, s7;
	[tilespmem:s6+$0x0] =	vst v2;
	v4 =	vnsel vm1, $0x0, v4;
	(xrf0) =	vmax.scan.msk.u32 $0xffff, v6;
	s15 =	spop (v2sf)  }
0xd1: {  	s9 =	sadd.s32 $0x10, s9;
	[tilespmem:s8+$0x0] =	vst v5;
	s17 =	sxor.u32 $0x80000000, s15  }
0xd2: {  	[tilespmem:s7+$0x0] =	vst v4  }
0xd3: {  	v4 =	vld [tilespmem:s9+$0x0];
	_ =	sdelay $0x4  }
0xd4: {  	vm0 =	vgt.s32 v4, $0xF41FF  }
0xd5: {  	v5 =	vsel vm0, $0x1, v3  }
0xd6: {  	v5 =	vor.u32 $0x80000000, v5  }
0xd7: {  	(xrf0) =	vmax.scan.msk.u32 $0xffff, v5;
	_ =	sdelay $0x4  }
0xd8: {  	v5, _, _ =	vpop (xrf0)  }
0xd9: {  	(v2sf) =	vpush v5, $0xF;
	v5, _, _ =	vpop (xrf0)  }
0xda: {  	(v2sf) =	vpush v5, $0xF;
	_ =	sdelay $0x7  }
0xdb: {  	s11 =	sand.u32 $0x70, s14  }
0xdc: {  	s0 =	sld [smem:$0x7F1];
	s9 =	sor.u32 $0xF4200, s11  }
0xdd: {  	vm1 =	vlt.s32 v4, $0xF4200;
	v5 =	vor.u32 s9, v1  }
0xde: {  	s5 =	sadd.s32 $0x10, s5;
	s6 =	sadd.s32 $0x10, s6;
	v5 =	vsel vm1, v4, v5  }
0xdf: {  	s8 =	sadd.s32 $0x10, s8;
	s12 =	sadd.s32 $0x10, s7;
	p2 =	seq.s32 s0, $0x1;
	v4 =	vshll.u32 v4, $0x5;
	[tilespmem:s5+$0x0] =	vst v5  }
0xe0: {  	s0 =	rddreg [dreg:$0xd];
	s7 =	sshrl.u32 @p2 s23, $0x3;
	s18 =	spop (v2sf);
	v5 =	vsel vm0, $0x3F800000, v2;
	v4 =	vadd.s32 v0, v4;
	[tilespmem:s6+$0x0] =	vst v2  }
0xe1: {  	s9 =	simm.s32 @p2 $0x80;
	v4 =	vnsel vm0, $0x0, v4;
	s6 =	simm.s32 @p2 $0x10;
	[tilespmem:s8+$0x0] =	vst v5;
	s5 =	spop (v2sf)  }
0xe2: {  	s8 =	simm.s32 @p2 $0x1;
	[tilespmem:s12+$0x0] =	vst v4;
	s12 =	simm.s32 @p2 $0x1FC2;
	s19 =	spop (v2sf)  }
0xe3: {  	[spmem:s7@s6], [sflag:s12] =	dma.strided @p2 [hbm:s0@s9], $0x30E0, s8, $0x10   }
0xe4: {  	s7 =	simm.s32 @p2 $0x2  }
0xe5: {  	_ =	swait.ge @p2 [sflag:s7], $0x30E0  }
0xe6: {  	[sflag:s7] =	ssyncset.done @p2 $0x0  }
0xe7: {  	[sflag:s7] =	ssyncadd.s32 @p2 $0xFFFFCF20  }
0xe8: {  	[bflag:$0x0] =	sbarrier.arrive @p2 $0xFFFF  }
0xe9: {  	s0 =	sld [smem:$0x7F6];
	_ =	sdelay $0x1  }
0xea: {  	s7 =	sshrl.u32 @p2 s2, $0x3  }
0xeb: {  	[spmem:s7@s6], [sflag:s12] =	dma.strided @p2 [hbm:s0@s9], $0x30E0, s8, $0x10   }
0xec: {  	s0 =	sld [smem:$0x7EF];
	[bflag:$0x0] =	sbarrier.arrive @!p2 $0xFFFF  }
0xed: {  	s3 =	sld [smem:$0x7BA];
	_ =	sdelay $0x1  }
0xee: {  	s10 =	stileid.u32;
	p5 =	seq.s32 s0, $0x1;
	s0 =	rddreg [dreg:$0xc]  }
0xef: {  	s6 =	sshll.u32 @!p5 s10, $0x6;
	s7 =	sshrl.u32 @!p5 s3, $0x3;
	s8 =	simm.s32 @!p5 $0x1  }
0xf0: {  	s9 =	simm.s32 @!p5 $0x10;
	s12 =	simm.s32 @!p5 $0x80;
	s6 =	sor.u32 @!p5 $0x1C01, s6  }
0xf1: {  	[spmem:s7@s9], [sflag:s6] =	dma.strided @!p5 [hbm:s0@s12], $0x1040, s8, $0x10   }
0xf2: {  	s1 =	sld [smem:$0x7C3]  }
0xf3: {  	s0 =	sld [smem:$0x7BB];
	_ =	sdelay $0x1  }
0xf4: {  	s7 =	sshrl.u32 @!p5 s1, $0x3  }
0xf5: {  	[spmem:s7@s9], [sflag:s6] =	dma.strided @!p5 [hbm:s0@s12], $0x1040, s8, $0x10   }
0xf6: {  	s0 =	sld [smem:$0x7F0]  }
0xf7: {  	s11 =	sld [smem:$0x7F4];
	_ =	sdelay $0x1  }
0xf8: {  	p0 =	seq.s32 s0, $0x1;
	s0 =	sld [smem:$0x7C4]  }
0xf9: {  	s6 =	sshrl.u32 @!p0 s11, $0x3;
	s7 =	simm.s32 @!p0 $0x1  }
0xfa: {  	s8 =	simm.s32 @!p0 $0x10;
	s9 =	simm.s32 @!p0 $0x80;
	s12 =	simm.s32 @!p0 $0x1F81  }
0xfb: {  	[spmem:s6@s8], [sflag:s12] =	dma.strided @!p0 [hbm:s0@s9], $0x10A0, s7, $0x10   }
0xfc: {  	s24 =	sld [smem:$0x7F5]  }
0xfd: {  	s0 =	sld [smem:$0x7C5];
	_ =	sdelay $0x1  }
0xfe: {  	s6 =	sshrl.u32 @!p0 s24, $0x3  }
0xff: {  	[spmem:s6@s8], [sflag:s12] =	dma.strided @!p0 [hbm:s0@s9], $0x10A0, s7, $0x10   }
0x100: {  	s0 =	sld [smem:$0x7EC]  }
0x101: {  	s14 =	sld [smem:$0x7F2]  }
0x102: {  	[tilespmem:s13], [sflag:$0x3] =	stream.indirect.gather [spmem:s23], $0x1, s21, s21, $0xb8;
	[tilespmem:$0x15588] =	vst v63  }
0x103: {  	p3 =	por @!p0 $0x0, $0x0;
	p1 =	seq.s32 s0, $0x1  }
0x104: {  	_ =	swait.ge [sflag:s25], $0x400;
	p6 =	por @!p1 $0x0, $0x0;
	p1 =	seq.s32 s14, $0x1  }
0x105: {  	p4 =	por @!p5 $0x1, $0x1;
	[sflag:s25] =	ssyncset.done $0x0;
	p3 =	por @!p1 p6, p6  }
0x106: {  	p3 =	por @!p5 p4, p4;
	p4 =	por @!p0 $0x1, $0x1;
	p0 =	por @p2 $0x0, $0x0  }
0x107: {  	[sflag:s25] =	ssyncadd.s32 $0xFFFFFC00;
	p0 =	por @!p2 p3, p3  }
0x108: {  	p4 =	por @!p1 p6, p6;
	p1 =	por @!p5 $0x0, $0x0;
	s14 =	simm.s32 @p0 $0x1  }
0x109: {  	p4 =	por @!p5 p1, p1;
	p1 =	por @p2 $0x0, $0x0;
	_ =	swait.ge @p0 [sflag:s14], $0x1040  }
0x10a: {  	p1 =	por @!p2 p4, p4;
	[sflag:s14] =	ssyncset.done @p0 $0x0  }
0x10b: {  	s0 =	simm.s32 @p1 $0x1;
	[sflag:s14] =	ssyncadd.s32 @p0 $0xFFFFEFC0  }
0x10c: {  	_ =	swait.ge @p1 [sflag:s0], $0x10A0  }
0x10d: {  	[sflag:s0] =	ssyncset.done @p1 $0x0  }
0x10e: {  	[sflag:s0] =	ssyncadd.s32 @p1 $0xFFFFEF60  }
0x10f: {  	_ =	swait.ge @p0 [sflag:s14], $0x1040  }
0x110: {  	[sflag:s14] =	ssyncset.done @p0 $0x0  }
0x111: {  	[sflag:s14] =	ssyncadd.s32 @p0 $0xFFFFEFC0  }
0x112: {  	_ =	swait.ge @p1 [sflag:s0], $0x10A0  }
0x113: {  	[sflag:s0] =	ssyncset.done @p1 $0x0  }
0x114: {  	[sflag:s0] =	ssyncadd.s32 @p1 $0xFFFFEF60  }
0x115: {  	[bflag:$0x0] =	sbarrier.arrive $0xFFFF  }
0x116: {  	[tilespmem:s28], [sflag:$0x3] =	stream.indirect.gather [spmem:s29], $0x1, s26, s21, $0xb8;
	[tilespmem:$0x15588] =	vst v63  }
0x117: {  	_ =	swait.ge [sflag:s25], $0x400  }
0x118: {  	s15 =	sld [smem:$0x7FD];
	_ =	sdelay $0x1  }
0x119: {  	[sflag:s25] =	ssyncset.done $0x0  }
0x11a: {  	[sflag:s25] =	ssyncadd.s32 $0xFFFFFC00;
	p2 =	seq.s32 s15, $0x1  }
0x11b: {  	[bflag:$0x0] =	sbarrier.arrive @p2 $0xFFFF;
	s6 =	simm.s32 @!p2 $0x2  }
0x11c: {  	_ =	swait.ge @!p2 [sflag:s6], $0x30E0  }
0x11d: {  	[sflag:s6] =	ssyncset.done @!p2 $0x0  }
0x11e: {  	[sflag:s6] =	ssyncadd.s32 @!p2 $0xFFFFCF20  }
0x11f: {  	[bflag:$0x0] =	sbarrier.arrive @!p2 $0xFFFF  }
0x120: {  	s12 =	sld [smem:$0x7F7]  }
0x121: {  	s15 =	sshrl.u32 @!p2 s23, $0x3;
	s7 =	simm.s32 @!p2 $0x10  }
0x122: {  	s8 =	simm.s32 @!p2 $0x80;
	s9 =	simm.s32 @!p2 $0x1FC2;
	s6 =	simm.s32 @!p2 $0x1  }
0x123: {  	[spmem:s15@s7], [sflag:s9] =	dma.strided @!p2 [hbm:s12@s8], $0x30E0, s6, $0x10   }
0x124: {  	s13 =	simm.s32 @p0 $0x80;
	s6 =	sshll.u32 @p0 s10, $0x6;
	s7 =	sshrl.u32 @p0 s3, $0x3  }
0x125: {  	s3 =	simm.s32 @p0 $0x10;
	s6 =	sor.u32 @p0 $0x1C01, s6;
	s8 =	rddreg [dreg:$0xe]  }
0x126: {  	[spmem:s7@s3], [sflag:s6] =	dma.strided @p0 [hbm:s8@s13], $0x1040, s14, $0x10   }
0x127: {  	s12 =	sld [smem:$0x7C6]  }
0x128: {  	s9 =	sshrl.u32 @p1 s11, $0x3;
	s8 =	sshll.u32 @p1 s10, $0x6  }
0x129: {  	s11 =	simm.s32 @p1 $0x80;
	s10 =	simm.s32 @p1 $0x10;
	s8 =	sor.u32 @p1 $0x1C01, s8  }
0x12a: {  	[spmem:s9@s10], [sflag:s8] =	dma.strided @p1 [hbm:s12@s11], $0x10A0, s0, $0x10   }
0x12b: {  	s12 =	sshrl.u32 @p0 s1, $0x3;
	s1 =	sld [smem:$0x7BC];
	_ =	sdelay $0x2  }
0x12c: {  	[spmem:s12@s3], [sflag:s6] =	dma.strided @p0 [hbm:s1@s13], $0x1040, s14, $0x10   }
0x12d: {  	s1 =	sld [smem:$0x7C7];
	_ =	sdelay $0x1  }
0x12e: {  	p3 =	sgt.s32 s16, s17;
	s14 =	sshrl.u32 @p1 s24, $0x3  }
0x12f: {  	[spmem:s14@s10], [sflag:s8] =	dma.strided @p1 [hbm:s1@s11], $0x10A0, s0, $0x10   }
0x130: {  	s17 =	smov.u32 @p3 s16;
	s0 =	sxor.u32 $0x80000000, s18  }
0x131: {  	p3 =	sgt.s32 s17, s0  }
0x132: {  	s3 =	sxor.u32 $0x80000000, s5;
	s0 =	smov.u32 @p3 s17  }
0x133: {  	p3 =	sgt.s32 s0, s3  }
0x134: {  	s17 =	sxor.u32 $0x80000000, s19;
	s3 =	smov.u32 @p3 s0  }
0x135: {  	p3 =	sgt.s32 s3, s17  }
0x136: {  	s17 =	smov.u32 @p3 s3  }
0x137: {  	p3 =	seq.s32 s17, $0x1  }
.Ltmp3:
0x138: {  	_ = 	snop;
	(pc) =	sbr.rel @p3 .LBB2_9-.Ltmp3, $2  }
0x139: {  	_ =	sdelay $0x2  }
0x13a: {  	[tilespmem:s30], [sflag:$0x3] =	stream.indirect.gather [spmem:s2], $0x1, s21, s21, $0xb8;
	[tilespmem:$0x15588] =	vst v63  }
0x13b: {  	p3 =	sne.s32 s17, $0x0  }
.Ltmp4:
0x13c: {  	_ = 	snop;
	(pc) =	sbr.rel @p3 .LBB2_5-.Ltmp4, $2  }
0x13d: {  	_ =	sdelay $0x2  }
0x13e: {  	p5 =	por $0x0, $0x0  }
0x13f: {  	s5 =	simm.s32 $0x0  }
0x140: {  	v4 =	vld [tilespmem:s5+$0xC00]  }
0x141: {  	v5 =	vld [tilespmem:s5+$0x1400];
	_ =	sdelay $0x1  }
0x142: {  	v6 =	vld [tilespmem:s5+$0x1C00];
	_ =	sdelay $0x2  }
0x143: {  	v5 =	vmul.f32 v5, v4  }
0x144: {  	s16 =	simm.s32 $0x10  }
0x145: {  	s18 =	simm.s32 $0x80;
	s19 =	simm.s32 $0x1400;
	s24 =	simm.s32 $0x1C00;
	v4 =	vld [tilespmem:s16+$0xC00];
	v5 =	vadd.f32 v5, v6  }
.LBB2_7:
0x146: {  	p3 =	seq.s32 s18, $0xFC0;
	v6 =	vld [tilespmem:s16+$0x1400]  }
0x147: {  	[tilespmem:s5+$0x1C00] =	vst v5;
	s5 =	smov.u32 s16  }
0x148: {  	v5 =	vld [tilespmem:s5+$0x1C00]  }
.Ltmp5:
0x149: {  	(pc) =	sbr.rel @!p3 .LBB2_7-.Ltmp5, $4  }
0x14a: {  	_ = 	snop  }
0x14b: {  	v6 =	vmul.f32 v6, v4  }
0x14c: {  	s16 =	sshra.s32 s18, $0x2  }
0x14d: {  	s18 =	sadd.s32 $0x40, s18;
	v4 =	vld [tilespmem:s16+$0xC00];
	v5 =	vadd.f32 v6, v5  }
0x14e: {  	v6 =	vld [tilespmem:s16+$0x1400]  }
0x14f: {  	[tilespmem:s5+$0x1C00] =	vst v5  }
0x150: {  	v5 =	vld [tilespmem:s16+$0x1C00];
	_ =	sdelay $0x2  }
.Ltmp6:
0x151: {  	v4 =	vmul.f32 v6, v4;
	(pc) =	sbr.rel .LBB2_12-.Ltmp6, $3  }
0x152: {  	_ = 	snop  }
0x153: {  	v4 =	vadd.f32 v4, v5;
	_ =	sdelay $0x1  }
0x154: {  	[tilespmem:s16+$0x1C00] =	vst v4  }
.LBB2_9:
0x155: {  	s5 =	simm.s32 $0x0  }
0x156: {  	v4 =	vld [tilespmem:s5+$0x2000];
	_ =	sdelay $0x6  }
0x157: {  	v8 =	vld [tilespmem:s5+$0x2400]  }
0x158: {  	v7 =	vld.idx.msk [tilespmem:v4+s22+$0x0], $0xffff;
	_ =	sdelay $0x1  }
0x159: {  	v5 =	vld [tilespmem:s5+$0xC00];
	_ =	sdelay $0x1  }
0x15a: {  	s16 =	simm.s32 $0x10;
	v6 =	vld [tilespmem:s5+$0x1400]  }
0x15b: {  	s18 =	simm.s32 $0x80;
	v4 =	vld [tilespmem:s16+$0x2000];
	v7 =	vmul.f32 v8, v7  }
.LBB2_10:
0x15c: {  	p3 =	sne.s32 s18, $0xFC0;
	v8 =	vld [tilespmem:s5+$0x1C00]  }
0x15d: {  	v5 =	vadd.f32 v7, v5;
	_ =	sdelay $0x1  }
0x15e: {  	v5 =	vmul.f32 v6, v5;
	_ =	sdelay $0x1  }
0x15f: {  	v5 =	vadd.f32 v5, v8;
	_ =	sdelay $0x1  }
0x160: {  	[tilespmem:s5+$0x1C00] =	vst v5;
	s5 =	smov.u32 s16  }
0x161: {  	v7 =	vld.idx.msk [tilespmem:v4+s22+$0x0], $0xffff  }
0x162: {  	v8 =	vld [tilespmem:s5+$0x2400]  }
.Ltmp7:
0x163: {  	(pc) =	sbr.rel @p3 .LBB2_10-.Ltmp7, $3  }
0x164: {  	v5 =	vld [tilespmem:s5+$0xC00];
	_ =	sdelay $0x1  }
0x165: {  	s16 =	sshra.s32 s18, $0x2;
	v6 =	vld [tilespmem:s5+$0x1400]  }
0x166: {  	s18 =	sadd.s32 $0x40, s18;
	v4 =	vld [tilespmem:s16+$0x2000];
	v7 =	vmul.f32 v8, v7  }
0x167: {  	v8 =	vld [tilespmem:s5+$0x1C00]  }
0x168: {  	v5 =	vadd.f32 v7, v5;
	_ =	sdelay $0x1  }
0x169: {  	v5 =	vmul.f32 v6, v5;
	_ =	sdelay $0x1  }
0x16a: {  	v5 =	vadd.f32 v5, v8;
	_ =	sdelay $0x1  }
0x16b: {  	[tilespmem:s5+$0x1C00] =	vst v5  }
0x16c: {  	v4 =	vld.idx.msk [tilespmem:v4+s22+$0x0], $0xffff  }
0x16d: {  	v5 =	vld [tilespmem:s16+$0x2400];
	_ =	sdelay $0x1  }
0x16e: {  	v62 =	vld [tilespmem:s16+$0xC00];
	_ =	sdelay $0x1  }
0x16f: {  	v63 =	vld [tilespmem:s16+$0x1400]  }
0x170: {  	v4 =	vmul.f32 v5, v4  }
0x171: {  	v5 =	vld [tilespmem:s16+$0x1C00]  }
0x172: {  	v4 =	vadd.f32 v4, v62;
	_ =	sdelay $0x1  }
.Ltmp8:
0x173: {  	v4 =	vmul.f32 v63, v4;
	(pc) =	sbr.rel .LBB2_12-.Ltmp8, $3  }
0x174: {  	_ = 	snop  }
0x175: {  	v4 =	vadd.f32 v4, v5;
	_ =	sdelay $0x1  }
0x176: {  	p5 =	por $0x1, $0x1;
	s19 =	simm.s32 $0x1400;
	s24 =	simm.s32 $0x1C00;
	[tilespmem:s16+$0x1C00] =	vst v4  }
.LBB2_5:
0x177: {  	s19 =	simm.s32 $0x1400;
	s24 =	simm.s32 $0x1C00  }
.LBB2_12:
0x178: {  	_ =	swait.ge [sflag:s25], $0x400  }
0x179: {  	[sflag:s25] =	ssyncset.done $0x0  }
0x17a: {  	s0 =	simm.s32 @p0 $0x1;
	[sflag:s25] =	ssyncadd.s32 $0xFFFFFC00  }
0x17b: {  	_ =	swait.ge @p0 [sflag:s0], $0x1040  }
0x17c: {  	[sflag:s0] =	ssyncset.done @p0 $0x0  }
0x17d: {  	s3 =	simm.s32 @p1 $0x1;
	[sflag:s0] =	ssyncadd.s32 @p0 $0xFFFFEFC0  }
0x17e: {  	_ =	swait.ge @p1 [sflag:s3], $0x10A0  }
0x17f: {  	[sflag:s3] =	ssyncset.done @p1 $0x0  }
0x180: {  	[sflag:s3] =	ssyncadd.s32 @p1 $0xFFFFEF60  }
0x181: {  	_ =	swait.ge @p0 [sflag:s0], $0x1040  }
0x182: {  	[sflag:s0] =	ssyncset.done @p0 $0x0  }
0x183: {  	[sflag:s0] =	ssyncadd.s32 @p0 $0xFFFFEFC0  }
0x184: {  	_ =	swait.ge @p1 [sflag:s3], $0x10A0  }
0x185: {  	[sflag:s3] =	ssyncset.done @p1 $0x0  }
0x186: {  	[sflag:s3] =	ssyncadd.s32 @p1 $0xFFFFEF60  }
0x187: {  	[bflag:$0x0] =	sbarrier.arrive $0xFFFF  }
0x188: {  	[tilespmem:s31], [sflag:$0x3] =	stream.indirect.gather [spmem:s29], $0x1, s26, s21, $0xb8;
	[tilespmem:$0x15588] =	vst v63  }
0x189: {  	_ =	swait.ge [sflag:s25], $0x400  }
0x18a: {  	[sflag:s25] =	ssyncset.done $0x0  }
0x18b: {  	[sflag:s25] =	ssyncadd.s32 $0xFFFFFC00  }
0x18c: {  	s5 =	simm.s32 @!p2 $0x2;
	[bflag:$0x0] =	sbarrier.arrive @p2 $0xFFFF  }
0x18d: {  	_ =	swait.ge @!p2 [sflag:s5], $0x30E0  }
0x18e: {  	[sflag:s5] =	ssyncset.done @!p2 $0x0  }
0x18f: {  	[sflag:s5] =	ssyncadd.s32 @!p2 $0xFFFFCF20  }
0x190: {  	[bflag:$0x0] =	sbarrier.arrive @!p2 $0xFFFF  }
0x191: {  	s1 =	sld [smem:$0x7F8]  }
0x192: {  	s16 =	sshrl.u32 @!p2 s2, $0x3;
	s10 =	simm.s32 @!p2 $0x10  }
0x193: {  	s11 =	simm.s32 @!p2 $0x80;
	s13 =	simm.s32 @!p2 $0x1FC2;
	s5 =	simm.s32 @!p2 $0x1  }
0x194: {  	[spmem:s16@s10], [sflag:s13] =	dma.strided @!p2 [hbm:s1@s11], $0x30E0, s5, $0x10   }
0x195: {  	s5 =	simm.s32 @p0 $0x10;
	s10 =	simm.s32 @p0 $0x80;
	s11 =	rddreg [dreg:$0xf]  }
0x196: {  	[spmem:s7@s5], [sflag:s6] =	dma.strided @p0 [hbm:s11@s10], $0x1040, s0, $0x10   }
0x197: {  	s1 =	sld [smem:$0x7C8];
	_ =	sdelay $0x1  }
0x198: {  	s13 =	simm.s32 @p1 $0x80;
	s11 =	simm.s32 @p1 $0x10  }
0x199: {  	[spmem:s9@s11], [sflag:s8] =	dma.strided @p1 [hbm:s1@s13], $0x10A0, s3, $0x10   }
0x19a: {  	s1 =	sld [smem:$0x7BD];
	_ =	sdelay $0x1  }
0x19b: {  	p4 =	sne.s32 s17, $0x0  }
0x19c: {  	[spmem:s12@s5], [sflag:s6] =	dma.strided @p0 [hbm:s1@s10], $0x1040, s0, $0x10   }
.Ltmp9:
0x19d: {  	s0 =	sld [smem:$0x7C9];
	(pc) =	sbr.rel @p4 .LBB2_16-.Ltmp9, $3  }
0x19e: {  	_ =	sdelay $0x1  }
0x19f: {  	[spmem:s14@s11], [sflag:s8] =	dma.strided @p1 [hbm:s0@s13], $0x10A0, s3, $0x10   }
0x1a0: {  	[tilespmem:s19], [sflag:$0x3] =	stream.indirect.gather [spmem:s23], $0x1, s21, s21, $0xb8;
	[tilespmem:$0x15588] =	vst v63  }
0x1a1: {  	s5 =	simm.s32 $0x0  }
0x1a2: {  	v4 =	vld [tilespmem:s5+$0x1000]  }
0x1a3: {  	v5 =	vld [tilespmem:s5+$0x1800];
	_ =	sdelay $0x1  }
0x1a4: {  	v6 =	vld [tilespmem:s5+$0x1C00];
	_ =	sdelay $0x2  }
0x1a5: {  	v5 =	vmul.f32 v5, v4  }
0x1a6: {  	s17 =	simm.s32 $0x10  }
0x1a7: {  	s18 =	simm.s32 $0x80;
	v4 =	vld [tilespmem:s17+$0x1000];
	v5 =	vadd.f32 v5, v6  }
.LBB2_14:
0x1a8: {  	p3 =	sne.s32 s18, $0xFC0;
	v6 =	vld [tilespmem:s17+$0x1800]  }
0x1a9: {  	[tilespmem:s5+$0x1C00] =	vst v5;
	s5 =	smov.u32 s17  }
0x1aa: {  	v5 =	vld [tilespmem:s5+$0x1C00]  }
.Ltmp10:
0x1ab: {  	(pc) =	sbr.rel @p3 .LBB2_14-.Ltmp10, $4  }
0x1ac: {  	_ = 	snop  }
0x1ad: {  	v6 =	vmul.f32 v6, v4  }
0x1ae: {  	s17 =	sshra.s32 s18, $0x2  }
0x1af: {  	s18 =	sadd.s32 $0x40, s18;
	v4 =	vld [tilespmem:s17+$0x1000];
	v5 =	vadd.f32 v6, v5  }
0x1b0: {  	v6 =	vld [tilespmem:s17+$0x1800]  }
0x1b1: {  	[tilespmem:s5+$0x1C00] =	vst v5  }
0x1b2: {  	v5 =	vld [tilespmem:s17+$0x1C00];
	_ =	sdelay $0x2  }
0x1b3: {  	v4 =	vmul.f32 v6, v4;
	_ =	sdelay $0x1  }
0x1b4: {  	v4 =	vadd.f32 v4, v5;
	_ =	sdelay $0x1  }
0x1b5: {  	[tilespmem:s17+$0x1C00] =	vst v4  }
.LBB2_16:
.Ltmp11:
0x1b6: {  	(pc) =	sbr.rel @!p5 .LBB2_20-.Ltmp11, $1  }
0x1b7: {  	_ =	sdelay $0x3  }
0x1b8: {  	s5 =	simm.s32 $0x0  }
0x1b9: {  	v4 =	vld [tilespmem:s5+$0x2000];
	_ =	sdelay $0x4  }
0x1ba: {  	v4 =	vadd.s32 $0x1, v4;
	_ =	sdelay $0x3  }
0x1bb: {  	v7 =	vld [tilespmem:s5+$0x2400]  }
0x1bc: {  	v4 =	vld.idx.msk [tilespmem:v4+s22+$0x0], $0xffff;
	_ =	sdelay $0x1  }
0x1bd: {  	v5 =	vld [tilespmem:s5+$0x1000]  }
0x1be: {  	s17 =	simm.s32 $0x10;
	s18 =	simm.s32 $0x80;
	v6 =	vld [tilespmem:s5+$0x1800]  }
.LBB2_18:
0x1bf: {  	p3 =	sne.s32 s18, $0xFC0;
	v8 =	vld [tilespmem:s17+$0x2000]  }
0x1c0: {  	v4 =	vmul.f32 v7, v4  }
0x1c1: {  	v7 =	vld [tilespmem:s5+$0x1C00]  }
0x1c2: {  	v4 =	vadd.f32 v4, v5;
	_ =	sdelay $0x1  }
0x1c3: {  	v5 =	vadd.s32 $0x1, v8;
	v4 =	vmul.f32 v6, v4;
	_ =	sdelay $0x1  }
0x1c4: {  	v4 =	vadd.f32 v4, v7;
	_ =	sdelay $0x1  }
0x1c5: {  	[tilespmem:s5+$0x1C00] =	vst v4;
	s5 =	smov.u32 s17  }
.Ltmp12:
0x1c6: {  	v4 =	vld.idx.msk [tilespmem:v5+s22+$0x0], $0xffff;
	(pc) =	sbr.rel @p3 .LBB2_18-.Ltmp12, $3  }
0x1c7: {  	v7 =	vld [tilespmem:s5+$0x2400];
	_ =	sdelay $0x1  }
0x1c8: {  	v5 =	vld [tilespmem:s5+$0x1000]  }
0x1c9: {  	s17 =	sshra.s32 s18, $0x2;
	s18 =	sadd.s32 $0x40, s18;
	v6 =	vld [tilespmem:s5+$0x1800]  }
0x1ca: {  	v8 =	vld [tilespmem:s17+$0x2000]  }
0x1cb: {  	v4 =	vmul.f32 v7, v4  }
0x1cc: {  	v61 =	vld [tilespmem:s5+$0x1C00]  }
0x1cd: {  	v4 =	vadd.f32 v4, v5;
	_ =	sdelay $0x1  }
0x1ce: {  	v5 =	vadd.s32 $0x1, v8;
	v4 =	vmul.f32 v6, v4;
	_ =	sdelay $0x1  }
0x1cf: {  	v4 =	vadd.f32 v4, v61;
	_ =	sdelay $0x1  }
0x1d0: {  	[tilespmem:s5+$0x1C00] =	vst v4  }
0x1d1: {  	v4 =	vld.idx.msk [tilespmem:v5+s22+$0x0], $0xffff  }
0x1d2: {  	v5 =	vld [tilespmem:s17+$0x2400];
	_ =	sdelay $0x1  }
0x1d3: {  	v62 =	vld [tilespmem:s17+$0x1000];
	_ =	sdelay $0x1  }
0x1d4: {  	v63 =	vld [tilespmem:s17+$0x1800]  }
0x1d5: {  	v4 =	vmul.f32 v5, v4  }
0x1d6: {  	v5 =	vld [tilespmem:s17+$0x1C00]  }
0x1d7: {  	v4 =	vadd.f32 v4, v62;
	_ =	sdelay $0x1  }
0x1d8: {  	v4 =	vmul.f32 v63, v4;
	_ =	sdelay $0x1  }
0x1d9: {  	v4 =	vadd.f32 v4, v5;
	_ =	sdelay $0x1  }
0x1da: {  	[tilespmem:s17+$0x1C00] =	vst v4  }
.LBB2_20:
0x1db: {  	_ =	swait.ge [sflag:s25], $0x400  }
0x1dc: {  	[sflag:s25] =	ssyncset.done $0x0  }
0x1dd: {  	s0 =	simm.s32 @p0 $0x1;
	[sflag:s25] =	ssyncadd.s32 $0xFFFFFC00  }
0x1de: {  	_ =	swait.ge @p0 [sflag:s0], $0x1040  }
0x1df: {  	[sflag:s0] =	ssyncset.done @p0 $0x0  }
0x1e0: {  	s3 =	simm.s32 @p1 $0x1;
	[sflag:s0] =	ssyncadd.s32 @p0 $0xFFFFEFC0  }
0x1e1: {  	_ =	swait.ge @p1 [sflag:s3], $0x10A0  }
0x1e2: {  	[sflag:s3] =	ssyncset.done @p1 $0x0  }
0x1e3: {  	[sflag:s3] =	ssyncadd.s32 @p1 $0xFFFFEF60  }
0x1e4: {  	_ =	swait.ge @p0 [sflag:s0], $0x1040  }
0x1e5: {  	[sflag:s0] =	ssyncset.done @p0 $0x0  }
0x1e6: {  	[sflag:s0] =	ssyncadd.s32 @p0 $0xFFFFEFC0  }
0x1e7: {  	_ =	swait.ge @p1 [sflag:s3], $0x10A0  }
0x1e8: {  	[sflag:s3] =	ssyncset.done @p1 $0x0  }
0x1e9: {  	[sflag:s3] =	ssyncadd.s32 @p1 $0xFFFFEF60  }
0x1ea: {  	[bflag:$0x0] =	sbarrier.arrive $0xFFFF  }
0x1eb: {  	[tilespmem:s28], [sflag:$0x3] =	stream.indirect.gather [spmem:s29], $0x1, s26, s21, $0xb8;
	[tilespmem:$0x15588] =	vst v63  }
0x1ec: {  	_ =	swait.ge [sflag:s25], $0x400  }
0x1ed: {  	[sflag:s25] =	ssyncset.done $0x0  }
0x1ee: {  	[sflag:s25] =	ssyncadd.s32 $0xFFFFFC00  }
0x1ef: {  	s5 =	simm.s32 @!p2 $0x2;
	[bflag:$0x0] =	sbarrier.arrive @p2 $0xFFFF  }
0x1f0: {  	_ =	swait.ge @!p2 [sflag:s5], $0x30E0  }
0x1f1: {  	[sflag:s5] =	ssyncset.done @!p2 $0x0  }
0x1f2: {  	[sflag:s5] =	ssyncadd.s32 @!p2 $0xFFFFCF20  }
0x1f3: {  	[bflag:$0x0] =	sbarrier.arrive @!p2 $0xFFFF  }
0x1f4: {  	s1 =	sld [smem:$0x7F9]  }
0x1f5: {  	s10 =	simm.s32 @!p2 $0x10  }
0x1f6: {  	s11 =	simm.s32 @!p2 $0x80;
	s13 =	simm.s32 @!p2 $0x1FC2;
	s5 =	simm.s32 @!p2 $0x1  }
0x1f7: {  	[spmem:s15@s10], [sflag:s13] =	dma.strided @!p2 [hbm:s1@s11], $0x30E0, s5, $0x10   }
0x1f8: {  	s5 =	simm.s32 @p0 $0x10;
	s10 =	simm.s32 @p0 $0x80;
	s11 =	rddreg [dreg:$0x10]  }
0x1f9: {  	[spmem:s7@s5], [sflag:s6] =	dma.strided @p0 [hbm:s11@s10], $0x1040, s0, $0x10   }
0x1fa: {  	s1 =	sld [smem:$0x7CA];
	_ =	sdelay $0x1  }
0x1fb: {  	s13 =	simm.s32 @p1 $0x80;
	s11 =	simm.s32 @p1 $0x10  }
0x1fc: {  	[spmem:s9@s11], [sflag:s8] =	dma.strided @p1 [hbm:s1@s13], $0x10A0, s3, $0x10   }
0x1fd: {  	s1 =	sld [smem:$0x7BE];
	_ =	sdelay $0x2  }
0x1fe: {  	[spmem:s12@s5], [sflag:s6] =	dma.strided @p0 [hbm:s1@s10], $0x1040, s0, $0x10   }
.Ltmp13:
0x1ff: {  	s0 =	sld [smem:$0x7CB];
	(pc) =	sbr.rel @p4 .LBB2_24-.Ltmp13, $3  }
0x200: {  	_ =	sdelay $0x1  }
0x201: {  	[spmem:s14@s11], [sflag:s8] =	dma.strided @p1 [hbm:s0@s13], $0x10A0, s3, $0x10   }
0x202: {  	[tilespmem:s30], [sflag:$0x3] =	stream.indirect.gather [spmem:s2], $0x1, s21, s21, $0xb8;
	[tilespmem:$0x15588] =	vst v63  }
0x203: {  	s5 =	simm.s32 $0x0  }
0x204: {  	v4 =	vld [tilespmem:s5+$0xC00]  }
0x205: {  	v5 =	vld [tilespmem:s5+$0x1400];
	_ =	sdelay $0x1  }
0x206: {  	v6 =	vld [tilespmem:s5+$0x1C00];
	_ =	sdelay $0x2  }
0x207: {  	v5 =	vmul.f32 v5, v4  }
0x208: {  	s17 =	simm.s32 $0x10  }
0x209: {  	s18 =	simm.s32 $0x80;
	v4 =	vld [tilespmem:s17+$0xC00];
	v5 =	vadd.f32 v5, v6  }
.LBB2_22:
0x20a: {  	p3 =	sne.s32 s18, $0xFC0;
	v6 =	vld [tilespmem:s17+$0x1400]  }
0x20b: {  	[tilespmem:s5+$0x1C00] =	vst v5;
	s5 =	smov.u32 s17  }
0x20c: {  	v5 =	vld [tilespmem:s5+$0x1C00]  }
.Ltmp14:
0x20d: {  	(pc) =	sbr.rel @p3 .LBB2_22-.Ltmp14, $4  }
0x20e: {  	_ = 	snop  }
0x20f: {  	v6 =	vmul.f32 v6, v4  }
0x210: {  	s17 =	sshra.s32 s18, $0x2  }
0x211: {  	s18 =	sadd.s32 $0x40, s18;
	v4 =	vld [tilespmem:s17+$0xC00];
	v5 =	vadd.f32 v6, v5  }
0x212: {  	v6 =	vld [tilespmem:s17+$0x1400]  }
0x213: {  	[tilespmem:s5+$0x1C00] =	vst v5  }
0x214: {  	v5 =	vld [tilespmem:s17+$0x1C00];
	_ =	sdelay $0x2  }
0x215: {  	v4 =	vmul.f32 v6, v4;
	_ =	sdelay $0x1  }
0x216: {  	v4 =	vadd.f32 v4, v5;
	_ =	sdelay $0x1  }
0x217: {  	[tilespmem:s17+$0x1C00] =	vst v4  }
.LBB2_24:
.Ltmp15:
0x218: {  	(pc) =	sbr.rel @!p5 .LBB2_28-.Ltmp15, $1  }
0x219: {  	_ =	sdelay $0x3  }
0x21a: {  	s5 =	simm.s32 $0x0  }
0x21b: {  	v4 =	vld [tilespmem:s5+$0x2000];
	_ =	sdelay $0x4  }
0x21c: {  	v4 =	vadd.s32 $0x2, v4;
	_ =	sdelay $0x3  }
0x21d: {  	v7 =	vld [tilespmem:s5+$0x2400]  }
0x21e: {  	v4 =	vld.idx.msk [tilespmem:v4+s22+$0x0], $0xffff;
	_ =	sdelay $0x1  }
0x21f: {  	v5 =	vld [tilespmem:s5+$0xC00]  }
0x220: {  	s17 =	simm.s32 $0x10;
	s18 =	simm.s32 $0x80;
	v6 =	vld [tilespmem:s5+$0x1400]  }
.LBB2_26:
0x221: {  	p3 =	sne.s32 s18, $0xFC0;
	v8 =	vld [tilespmem:s17+$0x2000]  }
0x222: {  	v4 =	vmul.f32 v7, v4  }
0x223: {  	v7 =	vld [tilespmem:s5+$0x1C00]  }
0x224: {  	v4 =	vadd.f32 v4, v5;
	_ =	sdelay $0x1  }
0x225: {  	v5 =	vadd.s32 $0x2, v8;
	v4 =	vmul.f32 v6, v4;
	_ =	sdelay $0x1  }
0x226: {  	v4 =	vadd.f32 v4, v7;
	_ =	sdelay $0x1  }
0x227: {  	[tilespmem:s5+$0x1C00] =	vst v4;
	s5 =	smov.u32 s17  }
.Ltmp16:
0x228: {  	v4 =	vld.idx.msk [tilespmem:v5+s22+$0x0], $0xffff;
	(pc) =	sbr.rel @p3 .LBB2_26-.Ltmp16, $3  }
0x229: {  	v7 =	vld [tilespmem:s5+$0x2400];
	_ =	sdelay $0x1  }
0x22a: {  	v5 =	vld [tilespmem:s5+$0xC00]  }
0x22b: {  	s17 =	sshra.s32 s18, $0x2;
	s18 =	sadd.s32 $0x40, s18;
	v6 =	vld [tilespmem:s5+$0x1400]  }
0x22c: {  	v8 =	vld [tilespmem:s17+$0x2000]  }
0x22d: {  	v4 =	vmul.f32 v7, v4  }
0x22e: {  	v61 =	vld [tilespmem:s5+$0x1C00]  }
0x22f: {  	v4 =	vadd.f32 v4, v5;
	_ =	sdelay $0x1  }
0x230: {  	v5 =	vadd.s32 $0x2, v8;
	v4 =	vmul.f32 v6, v4;
	_ =	sdelay $0x1  }
0x231: {  	v4 =	vadd.f32 v4, v61;
	_ =	sdelay $0x1  }
0x232: {  	[tilespmem:s5+$0x1C00] =	vst v4  }
0x233: {  	v4 =	vld.idx.msk [tilespmem:v5+s22+$0x0], $0xffff  }
0x234: {  	v5 =	vld [tilespmem:s17+$0x2400];
	_ =	sdelay $0x1  }
0x235: {  	v62 =	vld [tilespmem:s17+$0xC00];
	_ =	sdelay $0x1  }
0x236: {  	v63 =	vld [tilespmem:s17+$0x1400]  }
0x237: {  	v4 =	vmul.f32 v5, v4  }
0x238: {  	v5 =	vld [tilespmem:s17+$0x1C00]  }
0x239: {  	v4 =	vadd.f32 v4, v62;
	_ =	sdelay $0x1  }
0x23a: {  	v4 =	vmul.f32 v63, v4;
	_ =	sdelay $0x1  }
0x23b: {  	v4 =	vadd.f32 v4, v5;
	_ =	sdelay $0x1  }
0x23c: {  	[tilespmem:s17+$0x1C00] =	vst v4  }
.LBB2_28:
0x23d: {  	_ =	swait.ge [sflag:s25], $0x400  }
0x23e: {  	[sflag:s25] =	ssyncset.done $0x0  }
0x23f: {  	s0 =	simm.s32 @p0 $0x1;
	[sflag:s25] =	ssyncadd.s32 $0xFFFFFC00  }
0x240: {  	_ =	swait.ge @p0 [sflag:s0], $0x1040  }
0x241: {  	[sflag:s0] =	ssyncset.done @p0 $0x0  }
0x242: {  	s3 =	simm.s32 @p1 $0x1;
	[sflag:s0] =	ssyncadd.s32 @p0 $0xFFFFEFC0  }
0x243: {  	_ =	swait.ge @p1 [sflag:s3], $0x10A0  }
0x244: {  	[sflag:s3] =	ssyncset.done @p1 $0x0  }
0x245: {  	[sflag:s3] =	ssyncadd.s32 @p1 $0xFFFFEF60  }
0x246: {  	_ =	swait.ge @p0 [sflag:s0], $0x1040  }
0x247: {  	[sflag:s0] =	ssyncset.done @p0 $0x0  }
0x248: {  	[sflag:s0] =	ssyncadd.s32 @p0 $0xFFFFEFC0  }
0x249: {  	_ =	swait.ge @p1 [sflag:s3], $0x10A0  }
0x24a: {  	[sflag:s3] =	ssyncset.done @p1 $0x0  }
0x24b: {  	[sflag:s3] =	ssyncadd.s32 @p1 $0xFFFFEF60  }
0x24c: {  	[bflag:$0x0] =	sbarrier.arrive $0xFFFF  }
0x24d: {  	[tilespmem:s31], [sflag:$0x3] =	stream.indirect.gather [spmem:s29], $0x1, s26, s21, $0xb8;
	[tilespmem:$0x15588] =	vst v63  }
0x24e: {  	_ =	swait.ge [sflag:s25], $0x400  }
0x24f: {  	[sflag:s25] =	ssyncset.done $0x0  }
0x250: {  	[sflag:s25] =	ssyncadd.s32 $0xFFFFFC00  }
0x251: {  	s5 =	simm.s32 @!p2 $0x2;
	[bflag:$0x0] =	sbarrier.arrive @p2 $0xFFFF  }
0x252: {  	_ =	swait.ge @!p2 [sflag:s5], $0x30E0  }
0x253: {  	[sflag:s5] =	ssyncset.done @!p2 $0x0  }
0x254: {  	[sflag:s5] =	ssyncadd.s32 @!p2 $0xFFFFCF20  }
0x255: {  	[bflag:$0x0] =	sbarrier.arrive @!p2 $0xFFFF  }
0x256: {  	s1 =	sld [smem:$0x7FA]  }
0x257: {  	s10 =	simm.s32 @!p2 $0x10  }
0x258: {  	s11 =	simm.s32 @!p2 $0x80;
	s13 =	simm.s32 @!p2 $0x1FC2;
	s5 =	simm.s32 @!p2 $0x1  }
0x259: {  	[spmem:s16@s10], [sflag:s13] =	dma.strided @!p2 [hbm:s1@s11], $0x30E0, s5, $0x10   }
0x25a: {  	s5 =	simm.s32 @p0 $0x10;
	s10 =	simm.s32 @p0 $0x80;
	s11 =	rddreg [dreg:$0x11]  }
0x25b: {  	[spmem:s7@s5], [sflag:s6] =	dma.strided @p0 [hbm:s11@s10], $0x1040, s0, $0x10   }
0x25c: {  	s1 =	sld [smem:$0x7CC];
	_ =	sdelay $0x1  }
0x25d: {  	s13 =	simm.s32 @p1 $0x80;
	s11 =	simm.s32 @p1 $0x10  }
0x25e: {  	[spmem:s9@s11], [sflag:s8] =	dma.strided @p1 [hbm:s1@s13], $0x10A0, s3, $0x10   }
0x25f: {  	s1 =	sld [smem:$0x7BF];
	_ =	sdelay $0x2  }
0x260: {  	[spmem:s12@s5], [sflag:s6] =	dma.strided @p0 [hbm:s1@s10], $0x1040, s0, $0x10   }
.Ltmp17:
0x261: {  	s0 =	sld [smem:$0x7CD];
	(pc) =	sbr.rel @p4 .LBB2_32-.Ltmp17, $3  }
0x262: {  	_ =	sdelay $0x1  }
0x263: {  	[spmem:s14@s11], [sflag:s8] =	dma.strided @p1 [hbm:s0@s13], $0x10A0, s3, $0x10   }
0x264: {  	[tilespmem:s19], [sflag:$0x3] =	stream.indirect.gather [spmem:s23], $0x1, s21, s21, $0xb8;
	[tilespmem:$0x15588] =	vst v63  }
0x265: {  	s5 =	simm.s32 $0x0  }
0x266: {  	v4 =	vld [tilespmem:s5+$0x1000]  }
0x267: {  	v5 =	vld [tilespmem:s5+$0x1800];
	_ =	sdelay $0x1  }
0x268: {  	v6 =	vld [tilespmem:s5+$0x1C00];
	_ =	sdelay $0x2  }
0x269: {  	v5 =	vmul.f32 v5, v4  }
0x26a: {  	s17 =	simm.s32 $0x10  }
0x26b: {  	s18 =	simm.s32 $0x80;
	v4 =	vld [tilespmem:s17+$0x1000];
	v5 =	vadd.f32 v5, v6  }
.LBB2_30:
0x26c: {  	p3 =	sne.s32 s18, $0xFC0;
	v6 =	vld [tilespmem:s17+$0x1800]  }
0x26d: {  	[tilespmem:s5+$0x1C00] =	vst v5;
	s5 =	smov.u32 s17  }
0x26e: {  	v5 =	vld [tilespmem:s5+$0x1C00]  }
.Ltmp18:
0x26f: {  	(pc) =	sbr.rel @p3 .LBB2_30-.Ltmp18, $4  }
0x270: {  	_ = 	snop  }
0x271: {  	v6 =	vmul.f32 v6, v4  }
0x272: {  	s17 =	sshra.s32 s18, $0x2  }
0x273: {  	s18 =	sadd.s32 $0x40, s18;
	v4 =	vld [tilespmem:s17+$0x1000];
	v5 =	vadd.f32 v6, v5  }
0x274: {  	v6 =	vld [tilespmem:s17+$0x1800]  }
0x275: {  	[tilespmem:s5+$0x1C00] =	vst v5  }
0x276: {  	v5 =	vld [tilespmem:s17+$0x1C00];
	_ =	sdelay $0x2  }
0x277: {  	v4 =	vmul.f32 v6, v4;
	_ =	sdelay $0x1  }
0x278: {  	v4 =	vadd.f32 v4, v5;
	_ =	sdelay $0x1  }
0x279: {  	[tilespmem:s17+$0x1C00] =	vst v4  }
.LBB2_32:
.Ltmp19:
0x27a: {  	(pc) =	sbr.rel @!p5 .LBB2_36-.Ltmp19, $1  }
0x27b: {  	_ =	sdelay $0x3  }
0x27c: {  	s5 =	simm.s32 $0x0  }
0x27d: {  	v4 =	vld [tilespmem:s5+$0x2000];
	_ =	sdelay $0x4  }
0x27e: {  	v4 =	vadd.s32 $0x3, v4;
	_ =	sdelay $0x3  }
0x27f: {  	v7 =	vld [tilespmem:s5+$0x2400]  }
0x280: {  	v4 =	vld.idx.msk [tilespmem:v4+s22+$0x0], $0xffff;
	_ =	sdelay $0x1  }
0x281: {  	v5 =	vld [tilespmem:s5+$0x1000]  }
0x282: {  	s17 =	simm.s32 $0x10;
	s18 =	simm.s32 $0x80;
	v6 =	vld [tilespmem:s5+$0x1800]  }
.LBB2_34:
0x283: {  	p3 =	sne.s32 s18, $0xFC0;
	v8 =	vld [tilespmem:s17+$0x2000]  }
0x284: {  	v4 =	vmul.f32 v7, v4  }
0x285: {  	v7 =	vld [tilespmem:s5+$0x1C00]  }
0x286: {  	v4 =	vadd.f32 v4, v5;
	_ =	sdelay $0x1  }
0x287: {  	v5 =	vadd.s32 $0x3, v8;
	v4 =	vmul.f32 v6, v4;
	_ =	sdelay $0x1  }
0x288: {  	v4 =	vadd.f32 v4, v7;
	_ =	sdelay $0x1  }
0x289: {  	[tilespmem:s5+$0x1C00] =	vst v4;
	s5 =	smov.u32 s17  }
.Ltmp20:
0x28a: {  	v4 =	vld.idx.msk [tilespmem:v5+s22+$0x0], $0xffff;
	(pc) =	sbr.rel @p3 .LBB2_34-.Ltmp20, $3  }
0x28b: {  	v7 =	vld [tilespmem:s5+$0x2400];
	_ =	sdelay $0x1  }
0x28c: {  	v5 =	vld [tilespmem:s5+$0x1000]  }
0x28d: {  	s17 =	sshra.s32 s18, $0x2;
	s18 =	sadd.s32 $0x40, s18;
	v6 =	vld [tilespmem:s5+$0x1800]  }
0x28e: {  	v8 =	vld [tilespmem:s17+$0x2000]  }
0x28f: {  	v4 =	vmul.f32 v7, v4  }
0x290: {  	v61 =	vld [tilespmem:s5+$0x1C00]  }
0x291: {  	v4 =	vadd.f32 v4, v5;
	_ =	sdelay $0x1  }
0x292: {  	v5 =	vadd.s32 $0x3, v8;
	v4 =	vmul.f32 v6, v4;
	_ =	sdelay $0x1  }
0x293: {  	v4 =	vadd.f32 v4, v61;
	_ =	sdelay $0x1  }
0x294: {  	[tilespmem:s5+$0x1C00] =	vst v4  }
0x295: {  	v4 =	vld.idx.msk [tilespmem:v5+s22+$0x0], $0xffff  }
0x296: {  	v5 =	vld [tilespmem:s17+$0x2400];
	_ =	sdelay $0x1  }
0x297: {  	v62 =	vld [tilespmem:s17+$0x1000];
	_ =	sdelay $0x1  }
0x298: {  	v63 =	vld [tilespmem:s17+$0x1800]  }
0x299: {  	v4 =	vmul.f32 v5, v4  }
0x29a: {  	v5 =	vld [tilespmem:s17+$0x1C00]  }
0x29b: {  	v4 =	vadd.f32 v4, v62;
	_ =	sdelay $0x1  }
0x29c: {  	v4 =	vmul.f32 v63, v4;
	_ =	sdelay $0x1  }
0x29d: {  	v4 =	vadd.f32 v4, v5;
	_ =	sdelay $0x1  }
0x29e: {  	[tilespmem:s17+$0x1C00] =	vst v4  }
.LBB2_36:
0x29f: {  	_ =	swait.ge [sflag:s25], $0x400  }
0x2a0: {  	[sflag:s25] =	ssyncset.done $0x0  }
0x2a1: {  	s0 =	simm.s32 @p0 $0x1;
	[sflag:s25] =	ssyncadd.s32 $0xFFFFFC00  }
0x2a2: {  	_ =	swait.ge @p0 [sflag:s0], $0x1040  }
0x2a3: {  	[sflag:s0] =	ssyncset.done @p0 $0x0  }
0x2a4: {  	s3 =	simm.s32 @p1 $0x1;
	[sflag:s0] =	ssyncadd.s32 @p0 $0xFFFFEFC0  }
0x2a5: {  	_ =	swait.ge @p1 [sflag:s3], $0x10A0  }
0x2a6: {  	[sflag:s3] =	ssyncset.done @p1 $0x0  }
0x2a7: {  	[sflag:s3] =	ssyncadd.s32 @p1 $0xFFFFEF60  }
0x2a8: {  	_ =	swait.ge @p0 [sflag:s0], $0x1040  }
0x2a9: {  	[sflag:s0] =	ssyncset.done @p0 $0x0  }
0x2aa: {  	[sflag:s0] =	ssyncadd.s32 @p0 $0xFFFFEFC0  }
0x2ab: {  	_ =	swait.ge @p1 [sflag:s3], $0x10A0  }
0x2ac: {  	[sflag:s3] =	ssyncset.done @p1 $0x0  }
0x2ad: {  	[sflag:s3] =	ssyncadd.s32 @p1 $0xFFFFEF60  }
0x2ae: {  	[bflag:$0x0] =	sbarrier.arrive $0xFFFF  }
0x2af: {  	[tilespmem:s28], [sflag:$0x3] =	stream.indirect.gather [spmem:s29], $0x1, s26, s21, $0xb8;
	[tilespmem:$0x15588] =	vst v63  }
0x2b0: {  	_ =	swait.ge [sflag:s25], $0x400  }
0x2b1: {  	[sflag:s25] =	ssyncset.done $0x0  }
0x2b2: {  	[sflag:s25] =	ssyncadd.s32 $0xFFFFFC00  }
0x2b3: {  	s5 =	simm.s32 @!p2 $0x2;
	[bflag:$0x0] =	sbarrier.arrive @p2 $0xFFFF  }
0x2b4: {  	_ =	swait.ge @!p2 [sflag:s5], $0x30E0  }
0x2b5: {  	[sflag:s5] =	ssyncset.done @!p2 $0x0  }
0x2b6: {  	[sflag:s5] =	ssyncadd.s32 @!p2 $0xFFFFCF20  }
0x2b7: {  	[bflag:$0x0] =	sbarrier.arrive @!p2 $0xFFFF  }
0x2b8: {  	s1 =	sld [smem:$0x7FB]  }
0x2b9: {  	s10 =	simm.s32 @!p2 $0x10  }
0x2ba: {  	s11 =	simm.s32 @!p2 $0x80;
	s13 =	simm.s32 @!p2 $0x1FC2;
	s5 =	simm.s32 @!p2 $0x1  }
0x2bb: {  	[spmem:s15@s10], [sflag:s13] =	dma.strided @!p2 [hbm:s1@s11], $0x30E0, s5, $0x10   }
0x2bc: {  	s5 =	simm.s32 @p0 $0x10;
	s10 =	simm.s32 @p0 $0x80;
	s11 =	rddreg [dreg:$0x12]  }
0x2bd: {  	[spmem:s7@s5], [sflag:s6] =	dma.strided @p0 [hbm:s11@s10], $0x1040, s0, $0x10   }
0x2be: {  	s1 =	sld [smem:$0x7CE];
	_ =	sdelay $0x1  }
0x2bf: {  	s13 =	simm.s32 @p1 $0x80;
	s11 =	simm.s32 @p1 $0x10  }
0x2c0: {  	[spmem:s9@s11], [sflag:s8] =	dma.strided @p1 [hbm:s1@s13], $0x10A0, s3, $0x10   }
0x2c1: {  	s1 =	sld [smem:$0x7C0];
	_ =	sdelay $0x2  }
0x2c2: {  	[spmem:s12@s5], [sflag:s6] =	dma.strided @p0 [hbm:s1@s10], $0x1040, s0, $0x10   }
.Ltmp21:
0x2c3: {  	s0 =	sld [smem:$0x7CF];
	(pc) =	sbr.rel @p4 .LBB2_40-.Ltmp21, $3  }
0x2c4: {  	_ =	sdelay $0x1  }
0x2c5: {  	[spmem:s14@s11], [sflag:s8] =	dma.strided @p1 [hbm:s0@s13], $0x10A0, s3, $0x10   }
0x2c6: {  	[tilespmem:s30], [sflag:$0x3] =	stream.indirect.gather [spmem:s2], $0x1, s21, s21, $0xb8;
	[tilespmem:$0x15588] =	vst v63  }
0x2c7: {  	s5 =	simm.s32 $0x0  }
0x2c8: {  	v4 =	vld [tilespmem:s5+$0xC00]  }
0x2c9: {  	v5 =	vld [tilespmem:s5+$0x1400];
	_ =	sdelay $0x1  }
0x2ca: {  	v6 =	vld [tilespmem:s5+$0x1C00];
	_ =	sdelay $0x2  }
0x2cb: {  	v5 =	vmul.f32 v5, v4  }
0x2cc: {  	s17 =	simm.s32 $0x10  }
0x2cd: {  	s18 =	simm.s32 $0x80;
	v4 =	vld [tilespmem:s17+$0xC00];
	v5 =	vadd.f32 v5, v6  }
.LBB2_38:
0x2ce: {  	p3 =	sne.s32 s18, $0xFC0;
	v6 =	vld [tilespmem:s17+$0x1400]  }
0x2cf: {  	[tilespmem:s5+$0x1C00] =	vst v5;
	s5 =	smov.u32 s17  }
0x2d0: {  	v5 =	vld [tilespmem:s5+$0x1C00]  }
.Ltmp22:
0x2d1: {  	(pc) =	sbr.rel @p3 .LBB2_38-.Ltmp22, $4  }
0x2d2: {  	_ = 	snop  }
0x2d3: {  	v6 =	vmul.f32 v6, v4  }
0x2d4: {  	s17 =	sshra.s32 s18, $0x2  }
0x2d5: {  	s18 =	sadd.s32 $0x40, s18;
	v4 =	vld [tilespmem:s17+$0xC00];
	v5 =	vadd.f32 v6, v5  }
0x2d6: {  	v6 =	vld [tilespmem:s17+$0x1400]  }
0x2d7: {  	[tilespmem:s5+$0x1C00] =	vst v5  }
0x2d8: {  	v5 =	vld [tilespmem:s17+$0x1C00];
	_ =	sdelay $0x2  }
0x2d9: {  	v4 =	vmul.f32 v6, v4;
	_ =	sdelay $0x1  }
0x2da: {  	v4 =	vadd.f32 v4, v5;
	_ =	sdelay $0x1  }
0x2db: {  	[tilespmem:s17+$0x1C00] =	vst v4  }
.LBB2_40:
.Ltmp23:
0x2dc: {  	(pc) =	sbr.rel @!p5 .LBB2_44-.Ltmp23, $1  }
0x2dd: {  	_ =	sdelay $0x3  }
0x2de: {  	s5 =	simm.s32 $0x0  }
0x2df: {  	v4 =	vld [tilespmem:s5+$0x2000];
	_ =	sdelay $0x4  }
0x2e0: {  	v4 =	vadd.s32 $0x4, v4;
	_ =	sdelay $0x3  }
0x2e1: {  	v7 =	vld [tilespmem:s5+$0x2400]  }
0x2e2: {  	v4 =	vld.idx.msk [tilespmem:v4+s22+$0x0], $0xffff;
	_ =	sdelay $0x1  }
0x2e3: {  	v5 =	vld [tilespmem:s5+$0xC00]  }
0x2e4: {  	s17 =	simm.s32 $0x10;
	s18 =	simm.s32 $0x80;
	v6 =	vld [tilespmem:s5+$0x1400]  }
.LBB2_42:
0x2e5: {  	p3 =	sne.s32 s18, $0xFC0;
	v8 =	vld [tilespmem:s17+$0x2000]  }
0x2e6: {  	v4 =	vmul.f32 v7, v4  }
0x2e7: {  	v7 =	vld [tilespmem:s5+$0x1C00]  }
0x2e8: {  	v4 =	vadd.f32 v4, v5;
	_ =	sdelay $0x1  }
0x2e9: {  	v5 =	vadd.s32 $0x4, v8;
	v4 =	vmul.f32 v6, v4;
	_ =	sdelay $0x1  }
0x2ea: {  	v4 =	vadd.f32 v4, v7;
	_ =	sdelay $0x1  }
0x2eb: {  	[tilespmem:s5+$0x1C00] =	vst v4;
	s5 =	smov.u32 s17  }
.Ltmp24:
0x2ec: {  	v4 =	vld.idx.msk [tilespmem:v5+s22+$0x0], $0xffff;
	(pc) =	sbr.rel @p3 .LBB2_42-.Ltmp24, $3  }
0x2ed: {  	v7 =	vld [tilespmem:s5+$0x2400];
	_ =	sdelay $0x1  }
0x2ee: {  	v5 =	vld [tilespmem:s5+$0xC00]  }
0x2ef: {  	s17 =	sshra.s32 s18, $0x2;
	s18 =	sadd.s32 $0x40, s18;
	v6 =	vld [tilespmem:s5+$0x1400]  }
0x2f0: {  	v8 =	vld [tilespmem:s17+$0x2000]  }
0x2f1: {  	v4 =	vmul.f32 v7, v4  }
0x2f2: {  	v61 =	vld [tilespmem:s5+$0x1C00]  }
0x2f3: {  	v4 =	vadd.f32 v4, v5;
	_ =	sdelay $0x1  }
0x2f4: {  	v5 =	vadd.s32 $0x4, v8;
	v4 =	vmul.f32 v6, v4;
	_ =	sdelay $0x1  }
0x2f5: {  	v4 =	vadd.f32 v4, v61;
	_ =	sdelay $0x1  }
0x2f6: {  	[tilespmem:s5+$0x1C00] =	vst v4  }
0x2f7: {  	v4 =	vld.idx.msk [tilespmem:v5+s22+$0x0], $0xffff  }
0x2f8: {  	v5 =	vld [tilespmem:s17+$0x2400];
	_ =	sdelay $0x1  }
0x2f9: {  	v62 =	vld [tilespmem:s17+$0xC00];
	_ =	sdelay $0x1  }
0x2fa: {  	v63 =	vld [tilespmem:s17+$0x1400]  }
0x2fb: {  	v4 =	vmul.f32 v5, v4  }
0x2fc: {  	v5 =	vld [tilespmem:s17+$0x1C00]  }
0x2fd: {  	v4 =	vadd.f32 v4, v62;
	_ =	sdelay $0x1  }
0x2fe: {  	v4 =	vmul.f32 v63, v4;
	_ =	sdelay $0x1  }
0x2ff: {  	v4 =	vadd.f32 v4, v5;
	_ =	sdelay $0x1  }
0x300: {  	[tilespmem:s17+$0x1C00] =	vst v4  }
.LBB2_44:
0x301: {  	_ =	swait.ge [sflag:s25], $0x400  }
0x302: {  	[sflag:s25] =	ssyncset.done $0x0  }
0x303: {  	s0 =	simm.s32 @p0 $0x1;
	[sflag:s25] =	ssyncadd.s32 $0xFFFFFC00  }
0x304: {  	_ =	swait.ge @p0 [sflag:s0], $0x1040  }
0x305: {  	[sflag:s0] =	ssyncset.done @p0 $0x0  }
0x306: {  	s3 =	simm.s32 @p1 $0x1;
	[sflag:s0] =	ssyncadd.s32 @p0 $0xFFFFEFC0  }
0x307: {  	_ =	swait.ge @p1 [sflag:s3], $0x10A0  }
0x308: {  	[sflag:s3] =	ssyncset.done @p1 $0x0  }
0x309: {  	[sflag:s3] =	ssyncadd.s32 @p1 $0xFFFFEF60  }
0x30a: {  	_ =	swait.ge @p0 [sflag:s0], $0x1040  }
0x30b: {  	[sflag:s0] =	ssyncset.done @p0 $0x0  }
0x30c: {  	[sflag:s0] =	ssyncadd.s32 @p0 $0xFFFFEFC0  }
0x30d: {  	_ =	swait.ge @p1 [sflag:s3], $0x10A0  }
0x30e: {  	[sflag:s3] =	ssyncset.done @p1 $0x0  }
0x30f: {  	[sflag:s3] =	ssyncadd.s32 @p1 $0xFFFFEF60  }
0x310: {  	[bflag:$0x0] =	sbarrier.arrive $0xFFFF  }
0x311: {  	[tilespmem:s31], [sflag:$0x3] =	stream.indirect.gather [spmem:s29], $0x1, s26, s21, $0xb8;
	[tilespmem:$0x15588] =	vst v63  }
0x312: {  	_ =	swait.ge [sflag:s25], $0x400  }
0x313: {  	[sflag:s25] =	ssyncset.done $0x0  }
0x314: {  	[sflag:s25] =	ssyncadd.s32 $0xFFFFFC00  }
0x315: {  	s5 =	simm.s32 @!p2 $0x2;
	[bflag:$0x0] =	sbarrier.arrive @p2 $0xFFFF  }
0x316: {  	_ =	swait.ge @!p2 [sflag:s5], $0x30E0  }
0x317: {  	[sflag:s5] =	ssyncset.done @!p2 $0x0  }
0x318: {  	[sflag:s5] =	ssyncadd.s32 @!p2 $0xFFFFCF20  }
0x319: {  	[bflag:$0x0] =	sbarrier.arrive @!p2 $0xFFFF  }
0x31a: {  	s1 =	sld [smem:$0x7FC]  }
0x31b: {  	s10 =	simm.s32 @!p2 $0x10  }
0x31c: {  	s11 =	simm.s32 @!p2 $0x80;
	s13 =	simm.s32 @!p2 $0x1FC2;
	s5 =	simm.s32 @!p2 $0x1  }
0x31d: {  	[spmem:s16@s10], [sflag:s13] =	dma.strided @!p2 [hbm:s1@s11], $0x30E0, s5, $0x10   }
0x31e: {  	s5 =	simm.s32 @p0 $0x10;
	s10 =	simm.s32 @p0 $0x80;
	s11 =	rddreg [dreg:$0x13]  }
0x31f: {  	[spmem:s7@s5], [sflag:s6] =	dma.strided @p0 [hbm:s11@s10], $0x1040, s0, $0x10   }
0x320: {  	s1 =	sld [smem:$0x7D0];
	_ =	sdelay $0x1  }
0x321: {  	s13 =	simm.s32 @p1 $0x80;
	s11 =	simm.s32 @p1 $0x10  }
0x322: {  	[spmem:s9@s11], [sflag:s8] =	dma.strided @p1 [hbm:s1@s13], $0x10A0, s3, $0x10   }
0x323: {  	s1 =	sld [smem:$0x7C1];
	_ =	sdelay $0x2  }
0x324: {  	[spmem:s12@s5], [sflag:s6] =	dma.strided @p0 [hbm:s1@s10], $0x1040, s0, $0x10   }
.Ltmp25:
0x325: {  	s0 =	sld [smem:$0x7D1];
	(pc) =	sbr.rel @p4 .LBB2_48-.Ltmp25, $3  }
0x326: {  	_ =	sdelay $0x1  }
0x327: {  	[spmem:s14@s11], [sflag:s8] =	dma.strided @p1 [hbm:s0@s13], $0x10A0, s3, $0x10   }
0x328: {  	[tilespmem:s19], [sflag:$0x3] =	stream.indirect.gather [spmem:s23], $0x1, s21, s21, $0xb8;
	[tilespmem:$0x15588] =	vst v63  }
0x329: {  	s5 =	simm.s32 $0x0  }
0x32a: {  	v4 =	vld [tilespmem:s5+$0x1000]  }
0x32b: {  	v5 =	vld [tilespmem:s5+$0x1800];
	_ =	sdelay $0x1  }
0x32c: {  	v6 =	vld [tilespmem:s5+$0x1C00];
	_ =	sdelay $0x2  }
0x32d: {  	v5 =	vmul.f32 v5, v4  }
0x32e: {  	s17 =	simm.s32 $0x10  }
0x32f: {  	s18 =	simm.s32 $0x80;
	v4 =	vld [tilespmem:s17+$0x1000];
	v5 =	vadd.f32 v5, v6  }
.LBB2_46:
0x330: {  	p3 =	sne.s32 s18, $0xFC0;
	v6 =	vld [tilespmem:s17+$0x1800]  }
0x331: {  	[tilespmem:s5+$0x1C00] =	vst v5;
	s5 =	smov.u32 s17  }
0x332: {  	v5 =	vld [tilespmem:s5+$0x1C00]  }
.Ltmp26:
0x333: {  	(pc) =	sbr.rel @p3 .LBB2_46-.Ltmp26, $4  }
0x334: {  	_ = 	snop  }
0x335: {  	v6 =	vmul.f32 v6, v4  }
0x336: {  	s17 =	sshra.s32 s18, $0x2  }
0x337: {  	s18 =	sadd.s32 $0x40, s18;
	v4 =	vld [tilespmem:s17+$0x1000];
	v5 =	vadd.f32 v6, v5  }
0x338: {  	v6 =	vld [tilespmem:s17+$0x1800]  }
0x339: {  	[tilespmem:s5+$0x1C00] =	vst v5  }
0x33a: {  	v5 =	vld [tilespmem:s17+$0x1C00];
	_ =	sdelay $0x2  }
0x33b: {  	v4 =	vmul.f32 v6, v4;
	_ =	sdelay $0x1  }
0x33c: {  	v4 =	vadd.f32 v4, v5;
	_ =	sdelay $0x1  }
0x33d: {  	[tilespmem:s17+$0x1C00] =	vst v4  }
.LBB2_48:
.Ltmp27:
0x33e: {  	(pc) =	sbr.rel @!p5 .LBB2_52-.Ltmp27, $1  }
0x33f: {  	_ =	sdelay $0x3  }
0x340: {  	s5 =	simm.s32 $0x0  }
0x341: {  	v4 =	vld [tilespmem:s5+$0x2000];
	_ =	sdelay $0x4  }
0x342: {  	v4 =	vadd.s32 $0x5, v4;
	_ =	sdelay $0x3  }
0x343: {  	v7 =	vld [tilespmem:s5+$0x2400]  }
0x344: {  	v4 =	vld.idx.msk [tilespmem:v4+s22+$0x0], $0xffff;
	_ =	sdelay $0x1  }
0x345: {  	v5 =	vld [tilespmem:s5+$0x1000]  }
0x346: {  	s17 =	simm.s32 $0x10;
	s18 =	simm.s32 $0x80;
	v6 =	vld [tilespmem:s5+$0x1800]  }
.LBB2_50:
0x347: {  	p3 =	sne.s32 s18, $0xFC0;
	v8 =	vld [tilespmem:s17+$0x2000]  }
0x348: {  	v4 =	vmul.f32 v7, v4  }
0x349: {  	v7 =	vld [tilespmem:s5+$0x1C00]  }
0x34a: {  	v4 =	vadd.f32 v4, v5;
	_ =	sdelay $0x1  }
0x34b: {  	v5 =	vadd.s32 $0x5, v8;
	v4 =	vmul.f32 v6, v4;
	_ =	sdelay $0x1  }
0x34c: {  	v4 =	vadd.f32 v4, v7;
	_ =	sdelay $0x1  }
0x34d: {  	[tilespmem:s5+$0x1C00] =	vst v4;
	s5 =	smov.u32 s17  }
.Ltmp28:
0x34e: {  	v4 =	vld.idx.msk [tilespmem:v5+s22+$0x0], $0xffff;
	(pc) =	sbr.rel @p3 .LBB2_50-.Ltmp28, $3  }
0x34f: {  	v7 =	vld [tilespmem:s5+$0x2400];
	_ =	sdelay $0x1  }
0x350: {  	v5 =	vld [tilespmem:s5+$0x1000]  }
0x351: {  	s17 =	sshra.s32 s18, $0x2;
	s18 =	sadd.s32 $0x40, s18;
	v6 =	vld [tilespmem:s5+$0x1800]  }
0x352: {  	v8 =	vld [tilespmem:s17+$0x2000]  }
0x353: {  	v4 =	vmul.f32 v7, v4  }
0x354: {  	v61 =	vld [tilespmem:s5+$0x1C00]  }
0x355: {  	v4 =	vadd.f32 v4, v5;
	_ =	sdelay $0x1  }
0x356: {  	v5 =	vadd.s32 $0x5, v8;
	v4 =	vmul.f32 v6, v4;
	_ =	sdelay $0x1  }
0x357: {  	v4 =	vadd.f32 v4, v61;
	_ =	sdelay $0x1  }
0x358: {  	[tilespmem:s5+$0x1C00] =	vst v4  }
0x359: {  	v4 =	vld.idx.msk [tilespmem:v5+s22+$0x0], $0xffff  }
0x35a: {  	v5 =	vld [tilespmem:s17+$0x2400];
	_ =	sdelay $0x1  }
0x35b: {  	v62 =	vld [tilespmem:s17+$0x1000];
	_ =	sdelay $0x1  }
0x35c: {  	v63 =	vld [tilespmem:s17+$0x1800]  }
0x35d: {  	v4 =	vmul.f32 v5, v4  }
0x35e: {  	v5 =	vld [tilespmem:s17+$0x1C00]  }
0x35f: {  	v4 =	vadd.f32 v4, v62;
	_ =	sdelay $0x1  }
0x360: {  	v4 =	vmul.f32 v63, v4;
	_ =	sdelay $0x1  }
0x361: {  	v4 =	vadd.f32 v4, v5;
	_ =	sdelay $0x1  }
0x362: {  	[tilespmem:s17+$0x1C00] =	vst v4  }
.LBB2_52:
0x363: {  	_ =	swait.ge [sflag:s25], $0x400  }
0x364: {  	[sflag:s25] =	ssyncset.done $0x0  }
0x365: {  	s0 =	simm.s32 @p0 $0x1;
	[sflag:s25] =	ssyncadd.s32 $0xFFFFFC00  }
0x366: {  	_ =	swait.ge @p0 [sflag:s0], $0x1040  }
0x367: {  	[sflag:s0] =	ssyncset.done @p0 $0x0  }
0x368: {  	s3 =	simm.s32 @p1 $0x1;
	[sflag:s0] =	ssyncadd.s32 @p0 $0xFFFFEFC0  }
0x369: {  	_ =	swait.ge @p1 [sflag:s3], $0x10A0  }
0x36a: {  	[sflag:s3] =	ssyncset.done @p1 $0x0  }
0x36b: {  	[sflag:s3] =	ssyncadd.s32 @p1 $0xFFFFEF60  }
0x36c: {  	_ =	swait.ge @p0 [sflag:s0], $0x1040  }
0x36d: {  	[sflag:s0] =	ssyncset.done @p0 $0x0  }
0x36e: {  	[sflag:s0] =	ssyncadd.s32 @p0 $0xFFFFEFC0  }
0x36f: {  	_ =	swait.ge @p1 [sflag:s3], $0x10A0  }
0x370: {  	[sflag:s3] =	ssyncset.done @p1 $0x0  }
0x371: {  	[sflag:s3] =	ssyncadd.s32 @p1 $0xFFFFEF60  }
0x372: {  	[bflag:$0x0] =	sbarrier.arrive $0xFFFF  }
0x373: {  	[tilespmem:s28], [sflag:$0x3] =	stream.indirect.gather [spmem:s29], $0x1, s26, s21, $0xb8;
	[tilespmem:$0x15588] =	vst v63  }
0x374: {  	_ =	swait.ge [sflag:s25], $0x400  }
0x375: {  	[sflag:s25] =	ssyncset.done $0x0  }
0x376: {  	[sflag:s25] =	ssyncadd.s32 $0xFFFFFC00  }
0x377: {  	s5 =	simm.s32 @!p2 $0x2;
	[bflag:$0x0] =	sbarrier.arrive @p2 $0xFFFF  }
0x378: {  	_ =	swait.ge @!p2 [sflag:s5], $0x30E0  }
0x379: {  	[sflag:s5] =	ssyncset.done @!p2 $0x0  }
0x37a: {  	[sflag:s5] =	ssyncadd.s32 @!p2 $0xFFFFCF20  }
0x37b: {  	[bflag:$0x0] =	sbarrier.arrive @!p2 $0xFFFF  }
0x37c: {  	s1 =	sld [smem:$0x7D4]  }
0x37d: {  	s10 =	simm.s32 @!p2 $0x10  }
0x37e: {  	s11 =	simm.s32 @!p2 $0x80;
	s13 =	simm.s32 @!p2 $0x1FC2;
	s5 =	simm.s32 @!p2 $0x1  }
0x37f: {  	[spmem:s15@s10], [sflag:s13] =	dma.strided @!p2 [hbm:s1@s11], $0x30E0, s5, $0x10   }
0x380: {  	s5 =	simm.s32 @p0 $0x10;
	s10 =	simm.s32 @p0 $0x80;
	s11 =	rddreg [dreg:$0x14]  }
0x381: {  	[spmem:s7@s5], [sflag:s6] =	dma.strided @p0 [hbm:s11@s10], $0x1040, s0, $0x10   }
0x382: {  	s1 =	sld [smem:$0x7D2];
	_ =	sdelay $0x1  }
0x383: {  	s13 =	simm.s32 @p1 $0x80;
	s11 =	simm.s32 @p1 $0x10  }
0x384: {  	[spmem:s9@s11], [sflag:s8] =	dma.strided @p1 [hbm:s1@s13], $0x10A0, s3, $0x10   }
0x385: {  	s1 =	sld [smem:$0x7C2];
	_ =	sdelay $0x2  }
0x386: {  	[spmem:s12@s5], [sflag:s6] =	dma.strided @p0 [hbm:s1@s10], $0x1040, s0, $0x10   }
.Ltmp29:
0x387: {  	s0 =	sld [smem:$0x7D3];
	(pc) =	sbr.rel @p4 .LBB2_56-.Ltmp29, $3  }
0x388: {  	_ =	sdelay $0x1  }
0x389: {  	[spmem:s14@s11], [sflag:s8] =	dma.strided @p1 [hbm:s0@s13], $0x10A0, s3, $0x10   }
0x38a: {  	[tilespmem:s30], [sflag:$0x3] =	stream.indirect.gather [spmem:s2], $0x1, s21, s21, $0xb8;
	[tilespmem:$0x15588] =	vst v63  }
0x38b: {  	s5 =	simm.s32 $0x0  }
0x38c: {  	v4 =	vld [tilespmem:s5+$0xC00]  }
0x38d: {  	v5 =	vld [tilespmem:s5+$0x1400];
	_ =	sdelay $0x1  }
0x38e: {  	v6 =	vld [tilespmem:s5+$0x1C00];
	_ =	sdelay $0x2  }
0x38f: {  	v5 =	vmul.f32 v5, v4  }
0x390: {  	s17 =	simm.s32 $0x10  }
0x391: {  	s18 =	simm.s32 $0x80;
	v4 =	vld [tilespmem:s17+$0xC00];
	v5 =	vadd.f32 v5, v6  }
.LBB2_54:
0x392: {  	p3 =	sne.s32 s18, $0xFC0;
	v6 =	vld [tilespmem:s17+$0x1400]  }
0x393: {  	[tilespmem:s5+$0x1C00] =	vst v5;
	s5 =	smov.u32 s17  }
0x394: {  	v5 =	vld [tilespmem:s5+$0x1C00]  }
.Ltmp30:
0x395: {  	(pc) =	sbr.rel @p3 .LBB2_54-.Ltmp30, $4  }
0x396: {  	_ = 	snop  }
0x397: {  	v6 =	vmul.f32 v6, v4  }
0x398: {  	s17 =	sshra.s32 s18, $0x2  }
0x399: {  	s18 =	sadd.s32 $0x40, s18;
	v4 =	vld [tilespmem:s17+$0xC00];
	v5 =	vadd.f32 v6, v5  }
0x39a: {  	v6 =	vld [tilespmem:s17+$0x1400]  }
0x39b: {  	[tilespmem:s5+$0x1C00] =	vst v5  }
0x39c: {  	v5 =	vld [tilespmem:s17+$0x1C00];
	_ =	sdelay $0x2  }
0x39d: {  	v4 =	vmul.f32 v6, v4;
	_ =	sdelay $0x1  }
0x39e: {  	v4 =	vadd.f32 v4, v5;
	_ =	sdelay $0x1  }
0x39f: {  	[tilespmem:s17+$0x1C00] =	vst v4  }
.LBB2_56:
.Ltmp31:
0x3a0: {  	(pc) =	sbr.rel @!p5 .LBB2_60-.Ltmp31, $1  }
0x3a1: {  	_ =	sdelay $0x3  }
0x3a2: {  	s5 =	simm.s32 $0x0  }
0x3a3: {  	v4 =	vld [tilespmem:s5+$0x2000];
	_ =	sdelay $0x4  }
0x3a4: {  	v4 =	vadd.s32 $0x6, v4;
	_ =	sdelay $0x3  }
0x3a5: {  	v7 =	vld [tilespmem:s5+$0x2400]  }
0x3a6: {  	v4 =	vld.idx.msk [tilespmem:v4+s22+$0x0], $0xffff;
	_ =	sdelay $0x1  }
0x3a7: {  	v5 =	vld [tilespmem:s5+$0xC00]  }
0x3a8: {  	s17 =	simm.s32 $0x10;
	s18 =	simm.s32 $0x80;
	v6 =	vld [tilespmem:s5+$0x1400]  }
.LBB2_58:
0x3a9: {  	p3 =	sne.s32 s18, $0xFC0;
	v8 =	vld [tilespmem:s17+$0x2000]  }
0x3aa: {  	v4 =	vmul.f32 v7, v4  }
0x3ab: {  	v7 =	vld [tilespmem:s5+$0x1C00]  }
0x3ac: {  	v4 =	vadd.f32 v4, v5;
	_ =	sdelay $0x1  }
0x3ad: {  	v5 =	vadd.s32 $0x6, v8;
	v4 =	vmul.f32 v6, v4;
	_ =	sdelay $0x1  }
0x3ae: {  	v4 =	vadd.f32 v4, v7;
	_ =	sdelay $0x1  }
0x3af: {  	[tilespmem:s5+$0x1C00] =	vst v4;
	s5 =	smov.u32 s17  }
.Ltmp32:
0x3b0: {  	v4 =	vld.idx.msk [tilespmem:v5+s22+$0x0], $0xffff;
	(pc) =	sbr.rel @p3 .LBB2_58-.Ltmp32, $3  }
0x3b1: {  	v7 =	vld [tilespmem:s5+$0x2400];
	_ =	sdelay $0x1  }
0x3b2: {  	v5 =	vld [tilespmem:s5+$0xC00]  }
0x3b3: {  	s17 =	sshra.s32 s18, $0x2;
	s18 =	sadd.s32 $0x40, s18;
	v6 =	vld [tilespmem:s5+$0x1400]  }
0x3b4: {  	v8 =	vld [tilespmem:s17+$0x2000]  }
0x3b5: {  	v4 =	vmul.f32 v7, v4  }
0x3b6: {  	v61 =	vld [tilespmem:s5+$0x1C00]  }
0x3b7: {  	v4 =	vadd.f32 v4, v5;
	_ =	sdelay $0x1  }
0x3b8: {  	v5 =	vadd.s32 $0x6, v8;
	v4 =	vmul.f32 v6, v4;
	_ =	sdelay $0x1  }
0x3b9: {  	v4 =	vadd.f32 v4, v61;
	_ =	sdelay $0x1  }
0x3ba: {  	[tilespmem:s5+$0x1C00] =	vst v4  }
0x3bb: {  	v4 =	vld.idx.msk [tilespmem:v5+s22+$0x0], $0xffff  }
0x3bc: {  	v5 =	vld [tilespmem:s17+$0x2400];
	_ =	sdelay $0x1  }
0x3bd: {  	v62 =	vld [tilespmem:s17+$0xC00];
	_ =	sdelay $0x1  }
0x3be: {  	v63 =	vld [tilespmem:s17+$0x1400]  }
0x3bf: {  	v4 =	vmul.f32 v5, v4  }
0x3c0: {  	v5 =	vld [tilespmem:s17+$0x1C00]  }
0x3c1: {  	v4 =	vadd.f32 v4, v62;
	_ =	sdelay $0x1  }
0x3c2: {  	v4 =	vmul.f32 v63, v4;
	_ =	sdelay $0x1  }
0x3c3: {  	v4 =	vadd.f32 v4, v5;
	_ =	sdelay $0x1  }
0x3c4: {  	[tilespmem:s17+$0x1C00] =	vst v4  }
.LBB2_60:
0x3c5: {  	_ =	swait.ge [sflag:s25], $0x400  }
0x3c6: {  	[sflag:s25] =	ssyncset.done $0x0  }
0x3c7: {  	s0 =	simm.s32 @p0 $0x1;
	[sflag:s25] =	ssyncadd.s32 $0xFFFFFC00  }
0x3c8: {  	_ =	swait.ge @p0 [sflag:s0], $0x1040  }
0x3c9: {  	[sflag:s0] =	ssyncset.done @p0 $0x0  }
0x3ca: {  	s3 =	simm.s32 @p1 $0x1;
	[sflag:s0] =	ssyncadd.s32 @p0 $0xFFFFEFC0  }
0x3cb: {  	_ =	swait.ge @p1 [sflag:s3], $0x10A0  }
0x3cc: {  	[sflag:s3] =	ssyncset.done @p1 $0x0  }
0x3cd: {  	[sflag:s3] =	ssyncadd.s32 @p1 $0xFFFFEF60  }
0x3ce: {  	_ =	swait.ge @p0 [sflag:s0], $0x1040  }
0x3cf: {  	[sflag:s0] =	ssyncset.done @p0 $0x0  }
0x3d0: {  	[sflag:s0] =	ssyncadd.s32 @p0 $0xFFFFEFC0  }
0x3d1: {  	_ =	swait.ge @p1 [sflag:s3], $0x10A0  }
0x3d2: {  	[sflag:s3] =	ssyncset.done @p1 $0x0  }
0x3d3: {  	[sflag:s3] =	ssyncadd.s32 @p1 $0xFFFFEF60  }
0x3d4: {  	[bflag:$0x0] =	sbarrier.arrive $0xFFFF  }
0x3d5: {  	[tilespmem:s31], [sflag:$0x3] =	stream.indirect.gather [spmem:s29], $0x1, s26, s21, $0xb8;
	[tilespmem:$0x15588] =	vst v63  }
0x3d6: {  	_ =	swait.ge [sflag:s25], $0x400  }
0x3d7: {  	[sflag:s25] =	ssyncset.done $0x0  }
0x3d8: {  	[sflag:s25] =	ssyncadd.s32 $0xFFFFFC00  }
0x3d9: {  	s5 =	simm.s32 @!p2 $0x2;
	[bflag:$0x0] =	sbarrier.arrive @p2 $0xFFFF  }
0x3da: {  	_ =	swait.ge @!p2 [sflag:s5], $0x30E0  }
0x3db: {  	[sflag:s5] =	ssyncset.done @!p2 $0x0  }
0x3dc: {  	[sflag:s5] =	ssyncadd.s32 @!p2 $0xFFFFCF20  }
0x3dd: {  	[bflag:$0x0] =	sbarrier.arrive @!p2 $0xFFFF  }
0x3de: {  	s1 =	sld [smem:$0x7D5]  }
0x3df: {  	s10 =	simm.s32 @!p2 $0x10  }
0x3e0: {  	s11 =	simm.s32 @!p2 $0x80;
	s13 =	simm.s32 @!p2 $0x1FC2;
	s5 =	simm.s32 @!p2 $0x1  }
0x3e1: {  	[spmem:s16@s10], [sflag:s13] =	dma.strided @!p2 [hbm:s1@s11], $0x30E0, s5, $0x10   }
0x3e2: {  	s5 =	simm.s32 @p0 $0x10;
	s10 =	simm.s32 @p0 $0x80;
	s11 =	rddreg [dreg:$0x15]  }
0x3e3: {  	[spmem:s7@s5], [sflag:s6] =	dma.strided @p0 [hbm:s11@s10], $0x1040, s0, $0x10   }
0x3e4: {  	s1 =	sld [smem:$0x7DC];
	_ =	sdelay $0x1  }
0x3e5: {  	s13 =	simm.s32 @p1 $0x80;
	s11 =	simm.s32 @p1 $0x10  }
0x3e6: {  	[spmem:s9@s11], [sflag:s8] =	dma.strided @p1 [hbm:s1@s13], $0x10A0, s3, $0x10   }
0x3e7: {  	s17 =	rddreg [dreg:$0x16]  }
0x3e8: {  	[spmem:s12@s5], [sflag:s6] =	dma.strided @p0 [hbm:s17@s10], $0x1040, s0, $0x10   }
.Ltmp33:
0x3e9: {  	s0 =	sld [smem:$0x7DD];
	(pc) =	sbr.rel @p4 .LBB2_64-.Ltmp33, $3  }
0x3ea: {  	_ =	sdelay $0x1  }
0x3eb: {  	[spmem:s14@s11], [sflag:s8] =	dma.strided @p1 [hbm:s0@s13], $0x10A0, s3, $0x10   }
0x3ec: {  	[tilespmem:s19], [sflag:$0x3] =	stream.indirect.gather [spmem:s23], $0x1, s21, s21, $0xb8;
	[tilespmem:$0x15588] =	vst v63  }
0x3ed: {  	s5 =	simm.s32 $0x0  }
0x3ee: {  	v4 =	vld [tilespmem:s5+$0x1000]  }
0x3ef: {  	v5 =	vld [tilespmem:s5+$0x1800];
	_ =	sdelay $0x1  }
0x3f0: {  	v6 =	vld [tilespmem:s5+$0x1C00];
	_ =	sdelay $0x2  }
0x3f1: {  	v5 =	vmul.f32 v5, v4  }
0x3f2: {  	s17 =	simm.s32 $0x10  }
0x3f3: {  	s18 =	simm.s32 $0x80;
	v4 =	vld [tilespmem:s17+$0x1000];
	v5 =	vadd.f32 v5, v6  }
.LBB2_62:
0x3f4: {  	p3 =	sne.s32 s18, $0xFC0;
	v6 =	vld [tilespmem:s17+$0x1800]  }
0x3f5: {  	[tilespmem:s5+$0x1C00] =	vst v5;
	s5 =	smov.u32 s17  }
0x3f6: {  	v5 =	vld [tilespmem:s5+$0x1C00]  }
.Ltmp34:
0x3f7: {  	(pc) =	sbr.rel @p3 .LBB2_62-.Ltmp34, $4  }
0x3f8: {  	_ = 	snop  }
0x3f9: {  	v6 =	vmul.f32 v6, v4  }
0x3fa: {  	s17 =	sshra.s32 s18, $0x2  }
0x3fb: {  	s18 =	sadd.s32 $0x40, s18;
	v4 =	vld [tilespmem:s17+$0x1000];
	v5 =	vadd.f32 v6, v5  }
0x3fc: {  	v6 =	vld [tilespmem:s17+$0x1800]  }
0x3fd: {  	[tilespmem:s5+$0x1C00] =	vst v5  }
0x3fe: {  	v5 =	vld [tilespmem:s17+$0x1C00];
	_ =	sdelay $0x2  }
0x3ff: {  	v4 =	vmul.f32 v6, v4;
	_ =	sdelay $0x1  }
0x400: {  	v4 =	vadd.f32 v4, v5;
	_ =	sdelay $0x1  }
0x401: {  	[tilespmem:s17+$0x1C00] =	vst v4  }
.LBB2_64:
.Ltmp35:
0x402: {  	(pc) =	sbr.rel @!p5 .LBB2_68-.Ltmp35, $1  }
0x403: {  	_ =	sdelay $0x3  }
0x404: {  	s5 =	simm.s32 $0x0  }
0x405: {  	v4 =	vld [tilespmem:s5+$0x2000];
	_ =	sdelay $0x4  }
0x406: {  	v4 =	vadd.s32 $0x7, v4;
	_ =	sdelay $0x3  }
0x407: {  	v7 =	vld [tilespmem:s5+$0x2400]  }
0x408: {  	v4 =	vld.idx.msk [tilespmem:v4+s22+$0x0], $0xffff;
	_ =	sdelay $0x1  }
0x409: {  	v5 =	vld [tilespmem:s5+$0x1000]  }
0x40a: {  	s17 =	simm.s32 $0x10;
	s18 =	simm.s32 $0x80;
	v6 =	vld [tilespmem:s5+$0x1800]  }
.LBB2_66:
0x40b: {  	p3 =	sne.s32 s18, $0xFC0;
	v8 =	vld [tilespmem:s17+$0x2000]  }
0x40c: {  	v4 =	vmul.f32 v7, v4  }
0x40d: {  	v7 =	vld [tilespmem:s5+$0x1C00]  }
0x40e: {  	v4 =	vadd.f32 v4, v5;
	_ =	sdelay $0x1  }
0x40f: {  	v5 =	vadd.s32 $0x7, v8;
	v4 =	vmul.f32 v6, v4;
	_ =	sdelay $0x1  }
0x410: {  	v4 =	vadd.f32 v4, v7;
	_ =	sdelay $0x1  }
0x411: {  	[tilespmem:s5+$0x1C00] =	vst v4;
	s5 =	smov.u32 s17  }
.Ltmp36:
0x412: {  	v4 =	vld.idx.msk [tilespmem:v5+s22+$0x0], $0xffff;
	(pc) =	sbr.rel @p3 .LBB2_66-.Ltmp36, $3  }
0x413: {  	v7 =	vld [tilespmem:s5+$0x2400];
	_ =	sdelay $0x1  }
0x414: {  	v5 =	vld [tilespmem:s5+$0x1000]  }
0x415: {  	s17 =	sshra.s32 s18, $0x2;
	s18 =	sadd.s32 $0x40, s18;
	v6 =	vld [tilespmem:s5+$0x1800]  }
0x416: {  	v8 =	vld [tilespmem:s17+$0x2000]  }
0x417: {  	v4 =	vmul.f32 v7, v4  }
0x418: {  	v61 =	vld [tilespmem:s5+$0x1C00]  }
0x419: {  	v4 =	vadd.f32 v4, v5;
	_ =	sdelay $0x1  }
0x41a: {  	v5 =	vadd.s32 $0x7, v8;
	v4 =	vmul.f32 v6, v4;
	_ =	sdelay $0x1  }
0x41b: {  	v4 =	vadd.f32 v4, v61;
	_ =	sdelay $0x1  }
0x41c: {  	[tilespmem:s5+$0x1C00] =	vst v4  }
0x41d: {  	v4 =	vld.idx.msk [tilespmem:v5+s22+$0x0], $0xffff  }
0x41e: {  	v5 =	vld [tilespmem:s17+$0x2400];
	_ =	sdelay $0x1  }
0x41f: {  	v62 =	vld [tilespmem:s17+$0x1000];
	_ =	sdelay $0x1  }
0x420: {  	v63 =	vld [tilespmem:s17+$0x1800]  }
0x421: {  	v4 =	vmul.f32 v5, v4  }
0x422: {  	v5 =	vld [tilespmem:s17+$0x1C00]  }
0x423: {  	v4 =	vadd.f32 v4, v62;
	_ =	sdelay $0x1  }
0x424: {  	v4 =	vmul.f32 v63, v4;
	_ =	sdelay $0x1  }
0x425: {  	v4 =	vadd.f32 v4, v5;
	_ =	sdelay $0x1  }
0x426: {  	[tilespmem:s17+$0x1C00] =	vst v4  }
.LBB2_68:
0x427: {  	_ =	swait.ge [sflag:s25], $0x400  }
0x428: {  	[sflag:s25] =	ssyncset.done $0x0  }
0x429: {  	s0 =	simm.s32 @p0 $0x1;
	[sflag:s25] =	ssyncadd.s32 $0xFFFFFC00  }
0x42a: {  	_ =	swait.ge @p0 [sflag:s0], $0x1040  }
0x42b: {  	[sflag:s0] =	ssyncset.done @p0 $0x0  }
0x42c: {  	s3 =	simm.s32 @p1 $0x1;
	[sflag:s0] =	ssyncadd.s32 @p0 $0xFFFFEFC0  }
0x42d: {  	_ =	swait.ge @p1 [sflag:s3], $0x10A0  }
0x42e: {  	[sflag:s3] =	ssyncset.done @p1 $0x0  }
0x42f: {  	[sflag:s3] =	ssyncadd.s32 @p1 $0xFFFFEF60  }
0x430: {  	_ =	swait.ge @p0 [sflag:s0], $0x1040  }
0x431: {  	[sflag:s0] =	ssyncset.done @p0 $0x0  }
0x432: {  	[sflag:s0] =	ssyncadd.s32 @p0 $0xFFFFEFC0  }
0x433: {  	_ =	swait.ge @p1 [sflag:s3], $0x10A0  }
0x434: {  	[sflag:s3] =	ssyncset.done @p1 $0x0  }
0x435: {  	[sflag:s3] =	ssyncadd.s32 @p1 $0xFFFFEF60  }
0x436: {  	[bflag:$0x0] =	sbarrier.arrive $0xFFFF  }
0x437: {  	[tilespmem:s28], [sflag:$0x3] =	stream.indirect.gather [spmem:s29], $0x1, s26, s21, $0xb8;
	[tilespmem:$0x15588] =	vst v63  }
0x438: {  	_ =	swait.ge [sflag:s25], $0x400  }
0x439: {  	[sflag:s25] =	ssyncset.done $0x0  }
0x43a: {  	[sflag:s25] =	ssyncadd.s32 $0xFFFFFC00  }
0x43b: {  	s5 =	simm.s32 @!p2 $0x2;
	[bflag:$0x0] =	sbarrier.arrive @p2 $0xFFFF  }
0x43c: {  	_ =	swait.ge @!p2 [sflag:s5], $0x30E0  }
0x43d: {  	[sflag:s5] =	ssyncset.done @!p2 $0x0  }
0x43e: {  	[sflag:s5] =	ssyncadd.s32 @!p2 $0xFFFFCF20  }
0x43f: {  	[bflag:$0x0] =	sbarrier.arrive @!p2 $0xFFFF  }
0x440: {  	s1 =	sld [smem:$0x7D6]  }
0x441: {  	s10 =	simm.s32 @!p2 $0x10  }
0x442: {  	s11 =	simm.s32 @!p2 $0x80;
	s13 =	simm.s32 @!p2 $0x1FC2;
	s5 =	simm.s32 @!p2 $0x1  }
0x443: {  	[spmem:s15@s10], [sflag:s13] =	dma.strided @!p2 [hbm:s1@s11], $0x30E0, s5, $0x10   }
0x444: {  	s5 =	simm.s32 @p0 $0x10;
	s10 =	simm.s32 @p0 $0x80;
	s11 =	rddreg [dreg:$0x17]  }
0x445: {  	[spmem:s7@s5], [sflag:s6] =	dma.strided @p0 [hbm:s11@s10], $0x1040, s0, $0x10   }
0x446: {  	s1 =	sld [smem:$0x7DE];
	_ =	sdelay $0x1  }
0x447: {  	s13 =	simm.s32 @p1 $0x80;
	s11 =	simm.s32 @p1 $0x10  }
0x448: {  	[spmem:s9@s11], [sflag:s8] =	dma.strided @p1 [hbm:s1@s13], $0x10A0, s3, $0x10   }
0x449: {  	s17 =	rddreg [dreg:$0x18]  }
0x44a: {  	[spmem:s12@s5], [sflag:s6] =	dma.strided @p0 [hbm:s17@s10], $0x1040, s0, $0x10   }
.Ltmp37:
0x44b: {  	s0 =	sld [smem:$0x7DF];
	(pc) =	sbr.rel @p4 .LBB2_72-.Ltmp37, $3  }
0x44c: {  	_ =	sdelay $0x1  }
0x44d: {  	[spmem:s14@s11], [sflag:s8] =	dma.strided @p1 [hbm:s0@s13], $0x10A0, s3, $0x10   }
0x44e: {  	[tilespmem:s30], [sflag:$0x3] =	stream.indirect.gather [spmem:s2], $0x1, s21, s21, $0xb8;
	[tilespmem:$0x15588] =	vst v63  }
0x44f: {  	s5 =	simm.s32 $0x0  }
0x450: {  	v4 =	vld [tilespmem:s5+$0xC00]  }
0x451: {  	v5 =	vld [tilespmem:s5+$0x1400];
	_ =	sdelay $0x1  }
0x452: {  	v6 =	vld [tilespmem:s5+$0x1C00];
	_ =	sdelay $0x2  }
0x453: {  	v5 =	vmul.f32 v5, v4  }
0x454: {  	s17 =	simm.s32 $0x10  }
0x455: {  	s18 =	simm.s32 $0x80;
	v4 =	vld [tilespmem:s17+$0xC00];
	v5 =	vadd.f32 v5, v6  }
.LBB2_70:
0x456: {  	p3 =	sne.s32 s18, $0xFC0;
	v6 =	vld [tilespmem:s17+$0x1400]  }
0x457: {  	[tilespmem:s5+$0x1C00] =	vst v5;
	s5 =	smov.u32 s17  }
0x458: {  	v5 =	vld [tilespmem:s5+$0x1C00]  }
.Ltmp38:
0x459: {  	(pc) =	sbr.rel @p3 .LBB2_70-.Ltmp38, $4  }
0x45a: {  	_ = 	snop  }
0x45b: {  	v6 =	vmul.f32 v6, v4  }
0x45c: {  	s17 =	sshra.s32 s18, $0x2  }
0x45d: {  	s18 =	sadd.s32 $0x40, s18;
	v4 =	vld [tilespmem:s17+$0xC00];
	v5 =	vadd.f32 v6, v5  }
0x45e: {  	v6 =	vld [tilespmem:s17+$0x1400]  }
0x45f: {  	[tilespmem:s5+$0x1C00] =	vst v5  }
0x460: {  	v5 =	vld [tilespmem:s17+$0x1C00];
	_ =	sdelay $0x2  }
0x461: {  	v4 =	vmul.f32 v6, v4;
	_ =	sdelay $0x1  }
0x462: {  	v4 =	vadd.f32 v4, v5;
	_ =	sdelay $0x1  }
0x463: {  	[tilespmem:s17+$0x1C00] =	vst v4  }
.LBB2_72:
.Ltmp39:
0x464: {  	(pc) =	sbr.rel @!p5 .LBB2_76-.Ltmp39, $1  }
0x465: {  	_ =	sdelay $0x3  }
0x466: {  	s5 =	simm.s32 $0x0  }
0x467: {  	v4 =	vld [tilespmem:s5+$0x2000];
	_ =	sdelay $0x4  }
0x468: {  	v4 =	vadd.s32 $0x8, v4;
	_ =	sdelay $0x3  }
0x469: {  	v7 =	vld [tilespmem:s5+$0x2400]  }
0x46a: {  	v4 =	vld.idx.msk [tilespmem:v4+s22+$0x0], $0xffff;
	_ =	sdelay $0x1  }
0x46b: {  	v5 =	vld [tilespmem:s5+$0xC00]  }
0x46c: {  	s17 =	simm.s32 $0x10;
	s18 =	simm.s32 $0x80;
	v6 =	vld [tilespmem:s5+$0x1400]  }
.LBB2_74:
0x46d: {  	p3 =	sne.s32 s18, $0xFC0;
	v8 =	vld [tilespmem:s17+$0x2000]  }
0x46e: {  	v4 =	vmul.f32 v7, v4  }
0x46f: {  	v7 =	vld [tilespmem:s5+$0x1C00]  }
0x470: {  	v4 =	vadd.f32 v4, v5;
	_ =	sdelay $0x1  }
0x471: {  	v5 =	vadd.s32 $0x8, v8;
	v4 =	vmul.f32 v6, v4;
	_ =	sdelay $0x1  }
0x472: {  	v4 =	vadd.f32 v4, v7;
	_ =	sdelay $0x1  }
0x473: {  	[tilespmem:s5+$0x1C00] =	vst v4;
	s5 =	smov.u32 s17  }
.Ltmp40:
0x474: {  	v4 =	vld.idx.msk [tilespmem:v5+s22+$0x0], $0xffff;
	(pc) =	sbr.rel @p3 .LBB2_74-.Ltmp40, $3  }
0x475: {  	v7 =	vld [tilespmem:s5+$0x2400];
	_ =	sdelay $0x1  }
0x476: {  	v5 =	vld [tilespmem:s5+$0xC00]  }
0x477: {  	s17 =	sshra.s32 s18, $0x2;
	s18 =	sadd.s32 $0x40, s18;
	v6 =	vld [tilespmem:s5+$0x1400]  }
0x478: {  	v8 =	vld [tilespmem:s17+$0x2000]  }
0x479: {  	v4 =	vmul.f32 v7, v4  }
0x47a: {  	v61 =	vld [tilespmem:s5+$0x1C00]  }
0x47b: {  	v4 =	vadd.f32 v4, v5;
	_ =	sdelay $0x1  }
0x47c: {  	v5 =	vadd.s32 $0x8, v8;
	v4 =	vmul.f32 v6, v4;
	_ =	sdelay $0x1  }
0x47d: {  	v4 =	vadd.f32 v4, v61;
	_ =	sdelay $0x1  }
0x47e: {  	[tilespmem:s5+$0x1C00] =	vst v4  }
0x47f: {  	v4 =	vld.idx.msk [tilespmem:v5+s22+$0x0], $0xffff  }
0x480: {  	v5 =	vld [tilespmem:s17+$0x2400];
	_ =	sdelay $0x1  }
0x481: {  	v62 =	vld [tilespmem:s17+$0xC00];
	_ =	sdelay $0x1  }
0x482: {  	v63 =	vld [tilespmem:s17+$0x1400]  }
0x483: {  	v4 =	vmul.f32 v5, v4  }
0x484: {  	v5 =	vld [tilespmem:s17+$0x1C00]  }
0x485: {  	v4 =	vadd.f32 v4, v62;
	_ =	sdelay $0x1  }
0x486: {  	v4 =	vmul.f32 v63, v4;
	_ =	sdelay $0x1  }
0x487: {  	v4 =	vadd.f32 v4, v5;
	_ =	sdelay $0x1  }
0x488: {  	[tilespmem:s17+$0x1C00] =	vst v4  }
.LBB2_76:
0x489: {  	_ =	swait.ge [sflag:s25], $0x400  }
0x48a: {  	[sflag:s25] =	ssyncset.done $0x0  }
0x48b: {  	s0 =	simm.s32 @p0 $0x1;
	[sflag:s25] =	ssyncadd.s32 $0xFFFFFC00  }
0x48c: {  	_ =	swait.ge @p0 [sflag:s0], $0x1040  }
0x48d: {  	[sflag:s0] =	ssyncset.done @p0 $0x0  }
0x48e: {  	s3 =	simm.s32 @p1 $0x1;
	[sflag:s0] =	ssyncadd.s32 @p0 $0xFFFFEFC0  }
0x48f: {  	_ =	swait.ge @p1 [sflag:s3], $0x10A0  }
0x490: {  	[sflag:s3] =	ssyncset.done @p1 $0x0  }
0x491: {  	[sflag:s3] =	ssyncadd.s32 @p1 $0xFFFFEF60  }
0x492: {  	_ =	swait.ge @p0 [sflag:s0], $0x1040  }
0x493: {  	[sflag:s0] =	ssyncset.done @p0 $0x0  }
0x494: {  	[sflag:s0] =	ssyncadd.s32 @p0 $0xFFFFEFC0  }
0x495: {  	_ =	swait.ge @p1 [sflag:s3], $0x10A0  }
0x496: {  	[sflag:s3] =	ssyncset.done @p1 $0x0  }
0x497: {  	[sflag:s3] =	ssyncadd.s32 @p1 $0xFFFFEF60  }
0x498: {  	[bflag:$0x0] =	sbarrier.arrive $0xFFFF  }
0x499: {  	[tilespmem:s31], [sflag:$0x3] =	stream.indirect.gather [spmem:s29], $0x1, s26, s21, $0xb8;
	[tilespmem:$0x15588] =	vst v63  }
0x49a: {  	_ =	swait.ge [sflag:s25], $0x400  }
0x49b: {  	[sflag:s25] =	ssyncset.done $0x0  }
0x49c: {  	[sflag:s25] =	ssyncadd.s32 $0xFFFFFC00  }
0x49d: {  	s5 =	simm.s32 @!p2 $0x2;
	[bflag:$0x0] =	sbarrier.arrive @p2 $0xFFFF  }
0x49e: {  	_ =	swait.ge @!p2 [sflag:s5], $0x30E0  }
0x49f: {  	[sflag:s5] =	ssyncset.done @!p2 $0x0  }
0x4a0: {  	[sflag:s5] =	ssyncadd.s32 @!p2 $0xFFFFCF20  }
0x4a1: {  	[bflag:$0x0] =	sbarrier.arrive @!p2 $0xFFFF  }
0x4a2: {  	s1 =	sld [smem:$0x7D7]  }
0x4a3: {  	s10 =	simm.s32 @!p2 $0x10  }
0x4a4: {  	s11 =	simm.s32 @!p2 $0x80;
	s13 =	simm.s32 @!p2 $0x1FC2;
	s5 =	simm.s32 @!p2 $0x1  }
0x4a5: {  	[spmem:s16@s10], [sflag:s13] =	dma.strided @!p2 [hbm:s1@s11], $0x30E0, s5, $0x10   }
0x4a6: {  	s5 =	simm.s32 @p0 $0x10;
	s10 =	simm.s32 @p0 $0x80;
	s11 =	rddreg [dreg:$0x19]  }
0x4a7: {  	[spmem:s7@s5], [sflag:s6] =	dma.strided @p0 [hbm:s11@s10], $0x1040, s0, $0x10   }
0x4a8: {  	s1 =	sld [smem:$0x7E0];
	_ =	sdelay $0x1  }
0x4a9: {  	s13 =	simm.s32 @p1 $0x80;
	s11 =	simm.s32 @p1 $0x10  }
0x4aa: {  	[spmem:s9@s11], [sflag:s8] =	dma.strided @p1 [hbm:s1@s13], $0x10A0, s3, $0x10   }
0x4ab: {  	s17 =	rddreg [dreg:$0x1a]  }
0x4ac: {  	[spmem:s12@s5], [sflag:s6] =	dma.strided @p0 [hbm:s17@s10], $0x1040, s0, $0x10   }
.Ltmp41:
0x4ad: {  	s0 =	sld [smem:$0x7E1];
	(pc) =	sbr.rel @p4 .LBB2_80-.Ltmp41, $3  }
0x4ae: {  	_ =	sdelay $0x1  }
0x4af: {  	[spmem:s14@s11], [sflag:s8] =	dma.strided @p1 [hbm:s0@s13], $0x10A0, s3, $0x10   }
0x4b0: {  	[tilespmem:s19], [sflag:$0x3] =	stream.indirect.gather [spmem:s23], $0x1, s21, s21, $0xb8;
	[tilespmem:$0x15588] =	vst v63  }
0x4b1: {  	s5 =	simm.s32 $0x0  }
0x4b2: {  	v4 =	vld [tilespmem:s5+$0x1000]  }
0x4b3: {  	v5 =	vld [tilespmem:s5+$0x1800];
	_ =	sdelay $0x1  }
0x4b4: {  	v6 =	vld [tilespmem:s5+$0x1C00];
	_ =	sdelay $0x2  }
0x4b5: {  	v5 =	vmul.f32 v5, v4  }
0x4b6: {  	s17 =	simm.s32 $0x10  }
0x4b7: {  	s18 =	simm.s32 $0x80;
	v4 =	vld [tilespmem:s17+$0x1000];
	v5 =	vadd.f32 v5, v6  }
.LBB2_78:
0x4b8: {  	p3 =	sne.s32 s18, $0xFC0;
	v6 =	vld [tilespmem:s17+$0x1800]  }
0x4b9: {  	[tilespmem:s5+$0x1C00] =	vst v5;
	s5 =	smov.u32 s17  }
0x4ba: {  	v5 =	vld [tilespmem:s5+$0x1C00]  }
.Ltmp42:
0x4bb: {  	(pc) =	sbr.rel @p3 .LBB2_78-.Ltmp42, $4  }
0x4bc: {  	_ = 	snop  }
0x4bd: {  	v6 =	vmul.f32 v6, v4  }
0x4be: {  	s17 =	sshra.s32 s18, $0x2  }
0x4bf: {  	s18 =	sadd.s32 $0x40, s18;
	v4 =	vld [tilespmem:s17+$0x1000];
	v5 =	vadd.f32 v6, v5  }
0x4c0: {  	v6 =	vld [tilespmem:s17+$0x1800]  }
0x4c1: {  	[tilespmem:s5+$0x1C00] =	vst v5  }
0x4c2: {  	v5 =	vld [tilespmem:s17+$0x1C00];
	_ =	sdelay $0x2  }
0x4c3: {  	v4 =	vmul.f32 v6, v4;
	_ =	sdelay $0x1  }
0x4c4: {  	v4 =	vadd.f32 v4, v5;
	_ =	sdelay $0x1  }
0x4c5: {  	[tilespmem:s17+$0x1C00] =	vst v4  }
.LBB2_80:
.Ltmp43:
0x4c6: {  	(pc) =	sbr.rel @!p5 .LBB2_84-.Ltmp43, $1  }
0x4c7: {  	_ =	sdelay $0x3  }
0x4c8: {  	s5 =	simm.s32 $0x0  }
0x4c9: {  	v4 =	vld [tilespmem:s5+$0x2000];
	_ =	sdelay $0x4  }
0x4ca: {  	v4 =	vadd.s32 $0x9, v4;
	_ =	sdelay $0x3  }
0x4cb: {  	v7 =	vld [tilespmem:s5+$0x2400]  }
0x4cc: {  	v4 =	vld.idx.msk [tilespmem:v4+s22+$0x0], $0xffff;
	_ =	sdelay $0x1  }
0x4cd: {  	v5 =	vld [tilespmem:s5+$0x1000]  }
0x4ce: {  	s17 =	simm.s32 $0x10;
	s18 =	simm.s32 $0x80;
	v6 =	vld [tilespmem:s5+$0x1800]  }
.LBB2_82:
0x4cf: {  	p3 =	sne.s32 s18, $0xFC0;
	v8 =	vld [tilespmem:s17+$0x2000]  }
0x4d0: {  	v4 =	vmul.f32 v7, v4  }
0x4d1: {  	v7 =	vld [tilespmem:s5+$0x1C00]  }
0x4d2: {  	v4 =	vadd.f32 v4, v5;
	_ =	sdelay $0x1  }
0x4d3: {  	v5 =	vadd.s32 $0x9, v8;
	v4 =	vmul.f32 v6, v4;
	_ =	sdelay $0x1  }
0x4d4: {  	v4 =	vadd.f32 v4, v7;
	_ =	sdelay $0x1  }
0x4d5: {  	[tilespmem:s5+$0x1C00] =	vst v4;
	s5 =	smov.u32 s17  }
.Ltmp44:
0x4d6: {  	v4 =	vld.idx.msk [tilespmem:v5+s22+$0x0], $0xffff;
	(pc) =	sbr.rel @p3 .LBB2_82-.Ltmp44, $3  }
0x4d7: {  	v7 =	vld [tilespmem:s5+$0x2400];
	_ =	sdelay $0x1  }
0x4d8: {  	v5 =	vld [tilespmem:s5+$0x1000]  }
0x4d9: {  	s17 =	sshra.s32 s18, $0x2;
	s18 =	sadd.s32 $0x40, s18;
	v6 =	vld [tilespmem:s5+$0x1800]  }
0x4da: {  	v8 =	vld [tilespmem:s17+$0x2000]  }
0x4db: {  	v4 =	vmul.f32 v7, v4  }
0x4dc: {  	v61 =	vld [tilespmem:s5+$0x1C00]  }
0x4dd: {  	v4 =	vadd.f32 v4, v5;
	_ =	sdelay $0x1  }
0x4de: {  	v5 =	vadd.s32 $0x9, v8;
	v4 =	vmul.f32 v6, v4;
	_ =	sdelay $0x1  }
0x4df: {  	v4 =	vadd.f32 v4, v61;
	_ =	sdelay $0x1  }
0x4e0: {  	[tilespmem:s5+$0x1C00] =	vst v4  }
0x4e1: {  	v4 =	vld.idx.msk [tilespmem:v5+s22+$0x0], $0xffff  }
0x4e2: {  	v5 =	vld [tilespmem:s17+$0x2400];
	_ =	sdelay $0x1  }
0x4e3: {  	v62 =	vld [tilespmem:s17+$0x1000];
	_ =	sdelay $0x1  }
0x4e4: {  	v63 =	vld [tilespmem:s17+$0x1800]  }
0x4e5: {  	v4 =	vmul.f32 v5, v4  }
0x4e6: {  	v5 =	vld [tilespmem:s17+$0x1C00]  }
0x4e7: {  	v4 =	vadd.f32 v4, v62;
	_ =	sdelay $0x1  }
0x4e8: {  	v4 =	vmul.f32 v63, v4;
	_ =	sdelay $0x1  }
0x4e9: {  	v4 =	vadd.f32 v4, v5;
	_ =	sdelay $0x1  }
0x4ea: {  	[tilespmem:s17+$0x1C00] =	vst v4  }
.LBB2_84:
0x4eb: {  	_ =	swait.ge [sflag:s25], $0x400  }
0x4ec: {  	[sflag:s25] =	ssyncset.done $0x0  }
0x4ed: {  	s0 =	simm.s32 @p0 $0x1;
	[sflag:s25] =	ssyncadd.s32 $0xFFFFFC00  }
0x4ee: {  	_ =	swait.ge @p0 [sflag:s0], $0x1040  }
0x4ef: {  	[sflag:s0] =	ssyncset.done @p0 $0x0  }
0x4f0: {  	s3 =	simm.s32 @p1 $0x1;
	[sflag:s0] =	ssyncadd.s32 @p0 $0xFFFFEFC0  }
0x4f1: {  	_ =	swait.ge @p1 [sflag:s3], $0x10A0  }
0x4f2: {  	[sflag:s3] =	ssyncset.done @p1 $0x0  }
0x4f3: {  	[sflag:s3] =	ssyncadd.s32 @p1 $0xFFFFEF60  }
0x4f4: {  	_ =	swait.ge @p0 [sflag:s0], $0x1040  }
0x4f5: {  	[sflag:s0] =	ssyncset.done @p0 $0x0  }
0x4f6: {  	[sflag:s0] =	ssyncadd.s32 @p0 $0xFFFFEFC0  }
0x4f7: {  	_ =	swait.ge @p1 [sflag:s3], $0x10A0  }
0x4f8: {  	[sflag:s3] =	ssyncset.done @p1 $0x0  }
0x4f9: {  	[sflag:s3] =	ssyncadd.s32 @p1 $0xFFFFEF60  }
0x4fa: {  	[bflag:$0x0] =	sbarrier.arrive $0xFFFF  }
0x4fb: {  	[tilespmem:s28], [sflag:$0x3] =	stream.indirect.gather [spmem:s29], $0x1, s26, s21, $0xb8;
	[tilespmem:$0x15588] =	vst v63  }
0x4fc: {  	_ =	swait.ge [sflag:s25], $0x400  }
0x4fd: {  	[sflag:s25] =	ssyncset.done $0x0  }
0x4fe: {  	[sflag:s25] =	ssyncadd.s32 $0xFFFFFC00  }
0x4ff: {  	s5 =	simm.s32 @!p2 $0x2;
	[bflag:$0x0] =	sbarrier.arrive @p2 $0xFFFF  }
0x500: {  	_ =	swait.ge @!p2 [sflag:s5], $0x30E0  }
0x501: {  	[sflag:s5] =	ssyncset.done @!p2 $0x0  }
0x502: {  	[sflag:s5] =	ssyncadd.s32 @!p2 $0xFFFFCF20  }
0x503: {  	[bflag:$0x0] =	sbarrier.arrive @!p2 $0xFFFF  }
0x504: {  	s1 =	sld [smem:$0x7D8]  }
0x505: {  	s10 =	simm.s32 @!p2 $0x10  }
0x506: {  	s11 =	simm.s32 @!p2 $0x80;
	s13 =	simm.s32 @!p2 $0x1FC2;
	s5 =	simm.s32 @!p2 $0x1  }
0x507: {  	[spmem:s15@s10], [sflag:s13] =	dma.strided @!p2 [hbm:s1@s11], $0x30E0, s5, $0x10   }
0x508: {  	s5 =	simm.s32 @p0 $0x10;
	s10 =	simm.s32 @p0 $0x80;
	s11 =	rddreg [dreg:$0x1b]  }
0x509: {  	[spmem:s7@s5], [sflag:s6] =	dma.strided @p0 [hbm:s11@s10], $0x1040, s0, $0x10   }
0x50a: {  	s1 =	sld [smem:$0x7E2];
	_ =	sdelay $0x1  }
0x50b: {  	s13 =	simm.s32 @p1 $0x80;
	s11 =	simm.s32 @p1 $0x10  }
0x50c: {  	[spmem:s9@s11], [sflag:s8] =	dma.strided @p1 [hbm:s1@s13], $0x10A0, s3, $0x10   }
0x50d: {  	s17 =	rddreg [dreg:$0x1c]  }
0x50e: {  	[spmem:s12@s5], [sflag:s6] =	dma.strided @p0 [hbm:s17@s10], $0x1040, s0, $0x10   }
.Ltmp45:
0x50f: {  	s0 =	sld [smem:$0x7E3];
	(pc) =	sbr.rel @p4 .LBB2_88-.Ltmp45, $3  }
0x510: {  	_ =	sdelay $0x1  }
0x511: {  	[spmem:s14@s11], [sflag:s8] =	dma.strided @p1 [hbm:s0@s13], $0x10A0, s3, $0x10   }
0x512: {  	[tilespmem:s30], [sflag:$0x3] =	stream.indirect.gather [spmem:s2], $0x1, s21, s21, $0xb8;
	[tilespmem:$0x15588] =	vst v63  }
0x513: {  	s5 =	simm.s32 $0x0  }
0x514: {  	v4 =	vld [tilespmem:s5+$0xC00]  }
0x515: {  	v5 =	vld [tilespmem:s5+$0x1400];
	_ =	sdelay $0x1  }
0x516: {  	v6 =	vld [tilespmem:s5+$0x1C00];
	_ =	sdelay $0x2  }
0x517: {  	v5 =	vmul.f32 v5, v4  }
0x518: {  	s17 =	simm.s32 $0x10  }
0x519: {  	s18 =	simm.s32 $0x80;
	v4 =	vld [tilespmem:s17+$0xC00];
	v5 =	vadd.f32 v5, v6  }
.LBB2_86:
0x51a: {  	p3 =	sne.s32 s18, $0xFC0;
	v6 =	vld [tilespmem:s17+$0x1400]  }
0x51b: {  	[tilespmem:s5+$0x1C00] =	vst v5;
	s5 =	smov.u32 s17  }
0x51c: {  	v5 =	vld [tilespmem:s5+$0x1C00]  }
.Ltmp46:
0x51d: {  	(pc) =	sbr.rel @p3 .LBB2_86-.Ltmp46, $4  }
0x51e: {  	_ = 	snop  }
0x51f: {  	v6 =	vmul.f32 v6, v4  }
0x520: {  	s17 =	sshra.s32 s18, $0x2  }
0x521: {  	s18 =	sadd.s32 $0x40, s18;
	v4 =	vld [tilespmem:s17+$0xC00];
	v5 =	vadd.f32 v6, v5  }
0x522: {  	v6 =	vld [tilespmem:s17+$0x1400]  }
0x523: {  	[tilespmem:s5+$0x1C00] =	vst v5  }
0x524: {  	v5 =	vld [tilespmem:s17+$0x1C00];
	_ =	sdelay $0x2  }
0x525: {  	v4 =	vmul.f32 v6, v4;
	_ =	sdelay $0x1  }
0x526: {  	v4 =	vadd.f32 v4, v5;
	_ =	sdelay $0x1  }
0x527: {  	[tilespmem:s17+$0x1C00] =	vst v4  }
.LBB2_88:
.Ltmp47:
0x528: {  	(pc) =	sbr.rel @!p5 .LBB2_92-.Ltmp47, $1  }
0x529: {  	_ =	sdelay $0x3  }
0x52a: {  	s5 =	simm.s32 $0x0  }
0x52b: {  	v4 =	vld [tilespmem:s5+$0x2000];
	_ =	sdelay $0x4  }
0x52c: {  	v4 =	vadd.s32 $0xA, v4;
	_ =	sdelay $0x3  }
0x52d: {  	v7 =	vld [tilespmem:s5+$0x2400]  }
0x52e: {  	v4 =	vld.idx.msk [tilespmem:v4+s22+$0x0], $0xffff;
	_ =	sdelay $0x1  }
0x52f: {  	v5 =	vld [tilespmem:s5+$0xC00]  }
0x530: {  	s17 =	simm.s32 $0x10;
	s18 =	simm.s32 $0x80;
	v6 =	vld [tilespmem:s5+$0x1400]  }
.LBB2_90:
0x531: {  	p3 =	sne.s32 s18, $0xFC0;
	v8 =	vld [tilespmem:s17+$0x2000]  }
0x532: {  	v4 =	vmul.f32 v7, v4  }
0x533: {  	v7 =	vld [tilespmem:s5+$0x1C00]  }
0x534: {  	v4 =	vadd.f32 v4, v5;
	_ =	sdelay $0x1  }
0x535: {  	v5 =	vadd.s32 $0xA, v8;
	v4 =	vmul.f32 v6, v4;
	_ =	sdelay $0x1  }
0x536: {  	v4 =	vadd.f32 v4, v7;
	_ =	sdelay $0x1  }
0x537: {  	[tilespmem:s5+$0x1C00] =	vst v4;
	s5 =	smov.u32 s17  }
.Ltmp48:
0x538: {  	v4 =	vld.idx.msk [tilespmem:v5+s22+$0x0], $0xffff;
	(pc) =	sbr.rel @p3 .LBB2_90-.Ltmp48, $3  }
0x539: {  	v7 =	vld [tilespmem:s5+$0x2400];
	_ =	sdelay $0x1  }
0x53a: {  	v5 =	vld [tilespmem:s5+$0xC00]  }
0x53b: {  	s17 =	sshra.s32 s18, $0x2;
	s18 =	sadd.s32 $0x40, s18;
	v6 =	vld [tilespmem:s5+$0x1400]  }
0x53c: {  	v8 =	vld [tilespmem:s17+$0x2000]  }
0x53d: {  	v4 =	vmul.f32 v7, v4  }
0x53e: {  	v61 =	vld [tilespmem:s5+$0x1C00]  }
0x53f: {  	v4 =	vadd.f32 v4, v5;
	_ =	sdelay $0x1  }
0x540: {  	v5 =	vadd.s32 $0xA, v8;
	v4 =	vmul.f32 v6, v4;
	_ =	sdelay $0x1  }
0x541: {  	v4 =	vadd.f32 v4, v61;
	_ =	sdelay $0x1  }
0x542: {  	[tilespmem:s5+$0x1C00] =	vst v4  }
0x543: {  	v4 =	vld.idx.msk [tilespmem:v5+s22+$0x0], $0xffff  }
0x544: {  	v5 =	vld [tilespmem:s17+$0x2400];
	_ =	sdelay $0x1  }
0x545: {  	v62 =	vld [tilespmem:s17+$0xC00];
	_ =	sdelay $0x1  }
0x546: {  	v63 =	vld [tilespmem:s17+$0x1400]  }
0x547: {  	v4 =	vmul.f32 v5, v4  }
0x548: {  	v5 =	vld [tilespmem:s17+$0x1C00]  }
0x549: {  	v4 =	vadd.f32 v4, v62;
	_ =	sdelay $0x1  }
0x54a: {  	v4 =	vmul.f32 v63, v4;
	_ =	sdelay $0x1  }
0x54b: {  	v4 =	vadd.f32 v4, v5;
	_ =	sdelay $0x1  }
0x54c: {  	[tilespmem:s17+$0x1C00] =	vst v4  }
.LBB2_92:
0x54d: {  	_ =	swait.ge [sflag:s25], $0x400  }
0x54e: {  	[sflag:s25] =	ssyncset.done $0x0  }
0x54f: {  	s0 =	simm.s32 @p0 $0x1;
	[sflag:s25] =	ssyncadd.s32 $0xFFFFFC00  }
0x550: {  	_ =	swait.ge @p0 [sflag:s0], $0x1040  }
0x551: {  	[sflag:s0] =	ssyncset.done @p0 $0x0  }
0x552: {  	s3 =	simm.s32 @p1 $0x1;
	[sflag:s0] =	ssyncadd.s32 @p0 $0xFFFFEFC0  }
0x553: {  	_ =	swait.ge @p1 [sflag:s3], $0x10A0  }
0x554: {  	[sflag:s3] =	ssyncset.done @p1 $0x0  }
0x555: {  	[sflag:s3] =	ssyncadd.s32 @p1 $0xFFFFEF60  }
0x556: {  	_ =	swait.ge @p0 [sflag:s0], $0x1040  }
0x557: {  	[sflag:s0] =	ssyncset.done @p0 $0x0  }
0x558: {  	[sflag:s0] =	ssyncadd.s32 @p0 $0xFFFFEFC0  }
0x559: {  	_ =	swait.ge @p1 [sflag:s3], $0x10A0  }
0x55a: {  	[sflag:s3] =	ssyncset.done @p1 $0x0  }
0x55b: {  	[sflag:s3] =	ssyncadd.s32 @p1 $0xFFFFEF60  }
0x55c: {  	[bflag:$0x0] =	sbarrier.arrive $0xFFFF  }
0x55d: {  	[tilespmem:s31], [sflag:$0x3] =	stream.indirect.gather [spmem:s29], $0x1, s26, s21, $0xb8;
	[tilespmem:$0x15588] =	vst v63  }
0x55e: {  	_ =	swait.ge [sflag:s25], $0x400  }
0x55f: {  	[sflag:s25] =	ssyncset.done $0x0  }
0x560: {  	[sflag:s25] =	ssyncadd.s32 $0xFFFFFC00  }
0x561: {  	s5 =	simm.s32 @!p2 $0x2;
	[bflag:$0x0] =	sbarrier.arrive @p2 $0xFFFF  }
0x562: {  	_ =	swait.ge @!p2 [sflag:s5], $0x30E0  }
0x563: {  	[sflag:s5] =	ssyncset.done @!p2 $0x0  }
0x564: {  	[sflag:s5] =	ssyncadd.s32 @!p2 $0xFFFFCF20  }
0x565: {  	[bflag:$0x0] =	sbarrier.arrive @!p2 $0xFFFF  }
0x566: {  	s1 =	sld [smem:$0x7D9]  }
0x567: {  	s10 =	simm.s32 @!p2 $0x10  }
0x568: {  	s11 =	simm.s32 @!p2 $0x80;
	s13 =	simm.s32 @!p2 $0x1FC2;
	s5 =	simm.s32 @!p2 $0x1  }
0x569: {  	[spmem:s16@s10], [sflag:s13] =	dma.strided @!p2 [hbm:s1@s11], $0x30E0, s5, $0x10   }
0x56a: {  	s5 =	simm.s32 @p0 $0x10;
	s10 =	simm.s32 @p0 $0x80;
	s11 =	rddreg [dreg:$0x1d]  }
0x56b: {  	[spmem:s7@s5], [sflag:s6] =	dma.strided @p0 [hbm:s11@s10], $0x1040, s0, $0x10   }
0x56c: {  	s1 =	sld [smem:$0x7E4];
	_ =	sdelay $0x1  }
0x56d: {  	s13 =	simm.s32 @p1 $0x80;
	s11 =	simm.s32 @p1 $0x10  }
0x56e: {  	[spmem:s9@s11], [sflag:s8] =	dma.strided @p1 [hbm:s1@s13], $0x10A0, s3, $0x10   }
0x56f: {  	s17 =	rddreg [dreg:$0x1e]  }
0x570: {  	[spmem:s12@s5], [sflag:s6] =	dma.strided @p0 [hbm:s17@s10], $0x1040, s0, $0x10   }
.Ltmp49:
0x571: {  	s0 =	sld [smem:$0x7E5];
	(pc) =	sbr.rel @p4 .LBB2_96-.Ltmp49, $3  }
0x572: {  	_ =	sdelay $0x1  }
0x573: {  	[spmem:s14@s11], [sflag:s8] =	dma.strided @p1 [hbm:s0@s13], $0x10A0, s3, $0x10   }
0x574: {  	[tilespmem:s19], [sflag:$0x3] =	stream.indirect.gather [spmem:s23], $0x1, s21, s21, $0xb8;
	[tilespmem:$0x15588] =	vst v63  }
0x575: {  	s5 =	simm.s32 $0x0  }
0x576: {  	v4 =	vld [tilespmem:s5+$0x1000]  }
0x577: {  	v5 =	vld [tilespmem:s5+$0x1800];
	_ =	sdelay $0x1  }
0x578: {  	v6 =	vld [tilespmem:s5+$0x1C00];
	_ =	sdelay $0x2  }
0x579: {  	v5 =	vmul.f32 v5, v4  }
0x57a: {  	s17 =	simm.s32 $0x10  }
0x57b: {  	s18 =	simm.s32 $0x80;
	v4 =	vld [tilespmem:s17+$0x1000];
	v5 =	vadd.f32 v5, v6  }
.LBB2_94:
0x57c: {  	p3 =	sne.s32 s18, $0xFC0;
	v6 =	vld [tilespmem:s17+$0x1800]  }
0x57d: {  	[tilespmem:s5+$0x1C00] =	vst v5;
	s5 =	smov.u32 s17  }
0x57e: {  	v5 =	vld [tilespmem:s5+$0x1C00]  }
.Ltmp50:
0x57f: {  	(pc) =	sbr.rel @p3 .LBB2_94-.Ltmp50, $4  }
0x580: {  	_ = 	snop  }
0x581: {  	v6 =	vmul.f32 v6, v4  }
0x582: {  	s17 =	sshra.s32 s18, $0x2  }
0x583: {  	s18 =	sadd.s32 $0x40, s18;
	v4 =	vld [tilespmem:s17+$0x1000];
	v5 =	vadd.f32 v6, v5  }
0x584: {  	v6 =	vld [tilespmem:s17+$0x1800]  }
0x585: {  	[tilespmem:s5+$0x1C00] =	vst v5  }
0x586: {  	v5 =	vld [tilespmem:s17+$0x1C00];
	_ =	sdelay $0x2  }
0x587: {  	v4 =	vmul.f32 v6, v4;
	_ =	sdelay $0x1  }
0x588: {  	v4 =	vadd.f32 v4, v5;
	_ =	sdelay $0x1  }
0x589: {  	[tilespmem:s17+$0x1C00] =	vst v4  }
.LBB2_96:
.Ltmp51:
0x58a: {  	(pc) =	sbr.rel @!p5 .LBB2_100-.Ltmp51, $1  }
0x58b: {  	_ =	sdelay $0x3  }
0x58c: {  	s5 =	simm.s32 $0x0  }
0x58d: {  	v4 =	vld [tilespmem:s5+$0x2000];
	_ =	sdelay $0x4  }
0x58e: {  	v4 =	vadd.s32 $0xB, v4;
	_ =	sdelay $0x3  }
0x58f: {  	v7 =	vld [tilespmem:s5+$0x2400]  }
0x590: {  	v4 =	vld.idx.msk [tilespmem:v4+s22+$0x0], $0xffff;
	_ =	sdelay $0x1  }
0x591: {  	v5 =	vld [tilespmem:s5+$0x1000]  }
0x592: {  	s17 =	simm.s32 $0x10;
	s18 =	simm.s32 $0x80;
	v6 =	vld [tilespmem:s5+$0x1800]  }
.LBB2_98:
0x593: {  	p3 =	sne.s32 s18, $0xFC0;
	v8 =	vld [tilespmem:s17+$0x2000]  }
0x594: {  	v4 =	vmul.f32 v7, v4  }
0x595: {  	v7 =	vld [tilespmem:s5+$0x1C00]  }
0x596: {  	v4 =	vadd.f32 v4, v5;
	_ =	sdelay $0x1  }
0x597: {  	v5 =	vadd.s32 $0xB, v8;
	v4 =	vmul.f32 v6, v4;
	_ =	sdelay $0x1  }
0x598: {  	v4 =	vadd.f32 v4, v7;
	_ =	sdelay $0x1  }
0x599: {  	[tilespmem:s5+$0x1C00] =	vst v4;
	s5 =	smov.u32 s17  }
.Ltmp52:
0x59a: {  	v4 =	vld.idx.msk [tilespmem:v5+s22+$0x0], $0xffff;
	(pc) =	sbr.rel @p3 .LBB2_98-.Ltmp52, $3  }
0x59b: {  	v7 =	vld [tilespmem:s5+$0x2400];
	_ =	sdelay $0x1  }
0x59c: {  	v5 =	vld [tilespmem:s5+$0x1000]  }
0x59d: {  	s17 =	sshra.s32 s18, $0x2;
	s18 =	sadd.s32 $0x40, s18;
	v6 =	vld [tilespmem:s5+$0x1800]  }
0x59e: {  	v8 =	vld [tilespmem:s17+$0x2000]  }
0x59f: {  	v4 =	vmul.f32 v7, v4  }
0x5a0: {  	v61 =	vld [tilespmem:s5+$0x1C00]  }
0x5a1: {  	v4 =	vadd.f32 v4, v5;
	_ =	sdelay $0x1  }
0x5a2: {  	v5 =	vadd.s32 $0xB, v8;
	v4 =	vmul.f32 v6, v4;
	_ =	sdelay $0x1  }
0x5a3: {  	v4 =	vadd.f32 v4, v61;
	_ =	sdelay $0x1  }
0x5a4: {  	[tilespmem:s5+$0x1C00] =	vst v4  }
0x5a5: {  	v4 =	vld.idx.msk [tilespmem:v5+s22+$0x0], $0xffff  }
0x5a6: {  	v5 =	vld [tilespmem:s17+$0x2400];
	_ =	sdelay $0x1  }
0x5a7: {  	v62 =	vld [tilespmem:s17+$0x1000];
	_ =	sdelay $0x1  }
0x5a8: {  	v63 =	vld [tilespmem:s17+$0x1800]  }
0x5a9: {  	v4 =	vmul.f32 v5, v4  }
0x5aa: {  	v5 =	vld [tilespmem:s17+$0x1C00]  }
0x5ab: {  	v4 =	vadd.f32 v4, v62;
	_ =	sdelay $0x1  }
0x5ac: {  	v4 =	vmul.f32 v63, v4;
	_ =	sdelay $0x1  }
0x5ad: {  	v4 =	vadd.f32 v4, v5;
	_ =	sdelay $0x1  }
0x5ae: {  	[tilespmem:s17+$0x1C00] =	vst v4  }
.LBB2_100:
0x5af: {  	_ =	swait.ge [sflag:s25], $0x400  }
0x5b0: {  	[sflag:s25] =	ssyncset.done $0x0  }
0x5b1: {  	s0 =	simm.s32 @p0 $0x1;
	[sflag:s25] =	ssyncadd.s32 $0xFFFFFC00  }
0x5b2: {  	_ =	swait.ge @p0 [sflag:s0], $0x1040  }
0x5b3: {  	[sflag:s0] =	ssyncset.done @p0 $0x0  }
0x5b4: {  	s3 =	simm.s32 @p1 $0x1;
	[sflag:s0] =	ssyncadd.s32 @p0 $0xFFFFEFC0  }
0x5b5: {  	_ =	swait.ge @p1 [sflag:s3], $0x10A0  }
0x5b6: {  	[sflag:s3] =	ssyncset.done @p1 $0x0  }
0x5b7: {  	[sflag:s3] =	ssyncadd.s32 @p1 $0xFFFFEF60  }
0x5b8: {  	_ =	swait.ge @p0 [sflag:s0], $0x1040  }
0x5b9: {  	[sflag:s0] =	ssyncset.done @p0 $0x0  }
0x5ba: {  	[sflag:s0] =	ssyncadd.s32 @p0 $0xFFFFEFC0  }
0x5bb: {  	_ =	swait.ge @p1 [sflag:s3], $0x10A0  }
0x5bc: {  	[sflag:s3] =	ssyncset.done @p1 $0x0  }
0x5bd: {  	[sflag:s3] =	ssyncadd.s32 @p1 $0xFFFFEF60  }
0x5be: {  	[bflag:$0x0] =	sbarrier.arrive $0xFFFF  }
0x5bf: {  	[tilespmem:s28], [sflag:$0x3] =	stream.indirect.gather [spmem:s29], $0x1, s26, s21, $0xb8;
	[tilespmem:$0x15588] =	vst v63  }
0x5c0: {  	_ =	swait.ge [sflag:s25], $0x400  }
0x5c1: {  	[sflag:s25] =	ssyncset.done $0x0  }
0x5c2: {  	[sflag:s25] =	ssyncadd.s32 $0xFFFFFC00  }
0x5c3: {  	s5 =	simm.s32 @!p2 $0x2;
	[bflag:$0x0] =	sbarrier.arrive @p2 $0xFFFF  }
0x5c4: {  	_ =	swait.ge @!p2 [sflag:s5], $0x30E0  }
0x5c5: {  	[sflag:s5] =	ssyncset.done @!p2 $0x0  }
0x5c6: {  	[sflag:s5] =	ssyncadd.s32 @!p2 $0xFFFFCF20  }
0x5c7: {  	[bflag:$0x0] =	sbarrier.arrive @!p2 $0xFFFF  }
0x5c8: {  	s1 =	sld [smem:$0x7DA]  }
0x5c9: {  	s10 =	simm.s32 @!p2 $0x10  }
0x5ca: {  	s11 =	simm.s32 @!p2 $0x80;
	s13 =	simm.s32 @!p2 $0x1FC2;
	s5 =	simm.s32 @!p2 $0x1  }
0x5cb: {  	[spmem:s15@s10], [sflag:s13] =	dma.strided @!p2 [hbm:s1@s11], $0x30E0, s5, $0x10   }
0x5cc: {  	s5 =	simm.s32 @p0 $0x10;
	s10 =	simm.s32 @p0 $0x80;
	s11 =	rddreg [dreg:$0x1f]  }
0x5cd: {  	[spmem:s7@s5], [sflag:s6] =	dma.strided @p0 [hbm:s11@s10], $0x1040, s0, $0x10   }
0x5ce: {  	s1 =	sld [smem:$0x7E6];
	_ =	sdelay $0x1  }
0x5cf: {  	s13 =	simm.s32 @p1 $0x80;
	s11 =	simm.s32 @p1 $0x10  }
0x5d0: {  	[spmem:s9@s11], [sflag:s8] =	dma.strided @p1 [hbm:s1@s13], $0x10A0, s3, $0x10   }
0x5d1: {  	s15 =	sld [smem:$0x7B5];
	_ =	sdelay $0x2  }
0x5d2: {  	[spmem:s12@s5], [sflag:s6] =	dma.strided @p0 [hbm:s15@s10], $0x1040, s0, $0x10   }
.Ltmp53:
0x5d3: {  	s0 =	sld [smem:$0x7E7];
	(pc) =	sbr.rel @p4 .LBB2_104-.Ltmp53, $3  }
0x5d4: {  	_ =	sdelay $0x1  }
0x5d5: {  	[spmem:s14@s11], [sflag:s8] =	dma.strided @p1 [hbm:s0@s13], $0x10A0, s3, $0x10   }
0x5d6: {  	[tilespmem:s30], [sflag:$0x3] =	stream.indirect.gather [spmem:s2], $0x1, s21, s21, $0xb8;
	[tilespmem:$0x15588] =	vst v63  }
0x5d7: {  	s5 =	simm.s32 $0x0  }
0x5d8: {  	v4 =	vld [tilespmem:s5+$0xC00]  }
0x5d9: {  	v5 =	vld [tilespmem:s5+$0x1400];
	_ =	sdelay $0x1  }
0x5da: {  	v6 =	vld [tilespmem:s5+$0x1C00];
	_ =	sdelay $0x2  }
0x5db: {  	v5 =	vmul.f32 v5, v4  }
0x5dc: {  	s15 =	simm.s32 $0x10  }
0x5dd: {  	s17 =	simm.s32 $0x80;
	v4 =	vld [tilespmem:s15+$0xC00];
	v5 =	vadd.f32 v5, v6  }
.LBB2_102:
0x5de: {  	p3 =	sne.s32 s17, $0xFC0;
	v6 =	vld [tilespmem:s15+$0x1400]  }
0x5df: {  	[tilespmem:s5+$0x1C00] =	vst v5;
	s5 =	smov.u32 s15  }
0x5e0: {  	v5 =	vld [tilespmem:s5+$0x1C00]  }
.Ltmp54:
0x5e1: {  	(pc) =	sbr.rel @p3 .LBB2_102-.Ltmp54, $4  }
0x5e2: {  	_ = 	snop  }
0x5e3: {  	v6 =	vmul.f32 v6, v4  }
0x5e4: {  	s15 =	sshra.s32 s17, $0x2  }
0x5e5: {  	s17 =	sadd.s32 $0x40, s17;
	v4 =	vld [tilespmem:s15+$0xC00];
	v5 =	vadd.f32 v6, v5  }
0x5e6: {  	v6 =	vld [tilespmem:s15+$0x1400]  }
0x5e7: {  	[tilespmem:s5+$0x1C00] =	vst v5  }
0x5e8: {  	v5 =	vld [tilespmem:s15+$0x1C00];
	_ =	sdelay $0x2  }
0x5e9: {  	v4 =	vmul.f32 v6, v4;
	_ =	sdelay $0x1  }
0x5ea: {  	v4 =	vadd.f32 v4, v5;
	_ =	sdelay $0x1  }
0x5eb: {  	[tilespmem:s15+$0x1C00] =	vst v4  }
.LBB2_104:
.Ltmp55:
0x5ec: {  	(pc) =	sbr.rel @!p5 .LBB2_108-.Ltmp55, $1  }
0x5ed: {  	_ =	sdelay $0x3  }
0x5ee: {  	s5 =	simm.s32 $0x0  }
0x5ef: {  	v4 =	vld [tilespmem:s5+$0x2000];
	_ =	sdelay $0x4  }
0x5f0: {  	v4 =	vadd.s32 $0xC, v4;
	_ =	sdelay $0x3  }
0x5f1: {  	v7 =	vld [tilespmem:s5+$0x2400]  }
0x5f2: {  	v4 =	vld.idx.msk [tilespmem:v4+s22+$0x0], $0xffff;
	_ =	sdelay $0x1  }
0x5f3: {  	v5 =	vld [tilespmem:s5+$0xC00]  }
0x5f4: {  	s15 =	simm.s32 $0x10;
	s17 =	simm.s32 $0x80;
	v6 =	vld [tilespmem:s5+$0x1400]  }
.LBB2_106:
0x5f5: {  	p3 =	sne.s32 s17, $0xFC0;
	v8 =	vld [tilespmem:s15+$0x2000]  }
0x5f6: {  	v4 =	vmul.f32 v7, v4  }
0x5f7: {  	v7 =	vld [tilespmem:s5+$0x1C00]  }
0x5f8: {  	v4 =	vadd.f32 v4, v5;
	_ =	sdelay $0x1  }
0x5f9: {  	v5 =	vadd.s32 $0xC, v8;
	v4 =	vmul.f32 v6, v4;
	_ =	sdelay $0x1  }
0x5fa: {  	v4 =	vadd.f32 v4, v7;
	_ =	sdelay $0x1  }
0x5fb: {  	[tilespmem:s5+$0x1C00] =	vst v4;
	s5 =	smov.u32 s15  }
.Ltmp56:
0x5fc: {  	v4 =	vld.idx.msk [tilespmem:v5+s22+$0x0], $0xffff;
	(pc) =	sbr.rel @p3 .LBB2_106-.Ltmp56, $3  }
0x5fd: {  	v7 =	vld [tilespmem:s5+$0x2400];
	_ =	sdelay $0x1  }
0x5fe: {  	v5 =	vld [tilespmem:s5+$0xC00]  }
0x5ff: {  	s15 =	sshra.s32 s17, $0x2;
	s17 =	sadd.s32 $0x40, s17;
	v6 =	vld [tilespmem:s5+$0x1400]  }
0x600: {  	v8 =	vld [tilespmem:s15+$0x2000]  }
0x601: {  	v4 =	vmul.f32 v7, v4  }
0x602: {  	v61 =	vld [tilespmem:s5+$0x1C00]  }
0x603: {  	v4 =	vadd.f32 v4, v5;
	_ =	sdelay $0x1  }
0x604: {  	v5 =	vadd.s32 $0xC, v8;
	v4 =	vmul.f32 v6, v4;
	_ =	sdelay $0x1  }
0x605: {  	v4 =	vadd.f32 v4, v61;
	_ =	sdelay $0x1  }
0x606: {  	[tilespmem:s5+$0x1C00] =	vst v4  }
0x607: {  	v4 =	vld.idx.msk [tilespmem:v5+s22+$0x0], $0xffff  }
0x608: {  	v5 =	vld [tilespmem:s15+$0x2400];
	_ =	sdelay $0x1  }
0x609: {  	v62 =	vld [tilespmem:s15+$0xC00];
	_ =	sdelay $0x1  }
0x60a: {  	v63 =	vld [tilespmem:s15+$0x1400]  }
0x60b: {  	v4 =	vmul.f32 v5, v4  }
0x60c: {  	v5 =	vld [tilespmem:s15+$0x1C00]  }
0x60d: {  	v4 =	vadd.f32 v4, v62;
	_ =	sdelay $0x1  }
0x60e: {  	v4 =	vmul.f32 v63, v4;
	_ =	sdelay $0x1  }
0x60f: {  	v4 =	vadd.f32 v4, v5;
	_ =	sdelay $0x1  }
0x610: {  	[tilespmem:s15+$0x1C00] =	vst v4  }
.LBB2_108:
0x611: {  	_ =	swait.ge [sflag:s25], $0x400  }
0x612: {  	[sflag:s25] =	ssyncset.done $0x0  }
0x613: {  	s0 =	simm.s32 @p0 $0x1;
	[sflag:s25] =	ssyncadd.s32 $0xFFFFFC00  }
0x614: {  	_ =	swait.ge @p0 [sflag:s0], $0x1040  }
0x615: {  	[sflag:s0] =	ssyncset.done @p0 $0x0  }
0x616: {  	s3 =	simm.s32 @p1 $0x1;
	[sflag:s0] =	ssyncadd.s32 @p0 $0xFFFFEFC0  }
0x617: {  	_ =	swait.ge @p1 [sflag:s3], $0x10A0  }
0x618: {  	[sflag:s3] =	ssyncset.done @p1 $0x0  }
0x619: {  	[sflag:s3] =	ssyncadd.s32 @p1 $0xFFFFEF60  }
0x61a: {  	_ =	swait.ge @p0 [sflag:s0], $0x1040  }
0x61b: {  	[sflag:s0] =	ssyncset.done @p0 $0x0  }
0x61c: {  	[sflag:s0] =	ssyncadd.s32 @p0 $0xFFFFEFC0  }
0x61d: {  	_ =	swait.ge @p1 [sflag:s3], $0x10A0  }
0x61e: {  	[sflag:s3] =	ssyncset.done @p1 $0x0  }
0x61f: {  	[sflag:s3] =	ssyncadd.s32 @p1 $0xFFFFEF60  }
0x620: {  	[bflag:$0x0] =	sbarrier.arrive $0xFFFF  }
0x621: {  	[tilespmem:s31], [sflag:$0x3] =	stream.indirect.gather [spmem:s29], $0x1, s26, s21, $0xb8;
	[tilespmem:$0x15588] =	vst v63  }
0x622: {  	_ =	swait.ge [sflag:s25], $0x400  }
0x623: {  	[sflag:s25] =	ssyncset.done $0x0  }
0x624: {  	[sflag:s25] =	ssyncadd.s32 $0xFFFFFC00  }
0x625: {  	s5 =	simm.s32 @!p2 $0x2;
	[bflag:$0x0] =	sbarrier.arrive @p2 $0xFFFF  }
0x626: {  	_ =	swait.ge @!p2 [sflag:s5], $0x30E0  }
0x627: {  	[sflag:s5] =	ssyncset.done @!p2 $0x0  }
0x628: {  	[sflag:s5] =	ssyncadd.s32 @!p2 $0xFFFFCF20  }
0x629: {  	[bflag:$0x0] =	sbarrier.arrive @!p2 $0xFFFF  }
0x62a: {  	s1 =	sld [smem:$0x7DB]  }
0x62b: {  	s10 =	simm.s32 @!p2 $0x10  }
0x62c: {  	s11 =	simm.s32 @!p2 $0x80;
	s13 =	simm.s32 @!p2 $0x1FC2;
	s5 =	simm.s32 @!p2 $0x1  }
0x62d: {  	[spmem:s16@s10], [sflag:s13] =	dma.strided @!p2 [hbm:s1@s11], $0x30E0, s5, $0x10   }
0x62e: {  	s11 =	sld [smem:$0x7B6];
	_ =	sdelay $0x1  }
0x62f: {  	s5 =	simm.s32 @p0 $0x10;
	s10 =	simm.s32 @p0 $0x80  }
0x630: {  	[spmem:s7@s5], [sflag:s6] =	dma.strided @p0 [hbm:s11@s10], $0x1040, s0, $0x10   }
0x631: {  	s1 =	sld [smem:$0x7E8];
	_ =	sdelay $0x1  }
0x632: {  	s13 =	simm.s32 @p1 $0x80;
	s11 =	simm.s32 @p1 $0x10  }
0x633: {  	[spmem:s9@s11], [sflag:s8] =	dma.strided @p1 [hbm:s1@s13], $0x10A0, s3, $0x10   }
0x634: {  	s15 =	sld [smem:$0x7B7];
	_ =	sdelay $0x2  }
0x635: {  	[spmem:s12@s5], [sflag:s6] =	dma.strided @p0 [hbm:s15@s10], $0x1040, s0, $0x10   }
.Ltmp57:
0x636: {  	s0 =	sld [smem:$0x7E9];
	(pc) =	sbr.rel @p4 .LBB2_112-.Ltmp57, $3  }
0x637: {  	_ =	sdelay $0x1  }
0x638: {  	[spmem:s14@s11], [sflag:s8] =	dma.strided @p1 [hbm:s0@s13], $0x10A0, s3, $0x10   }
0x639: {  	[tilespmem:s19], [sflag:$0x3] =	stream.indirect.gather [spmem:s23], $0x1, s21, s21, $0xb8;
	[tilespmem:$0x15588] =	vst v63  }
0x63a: {  	s5 =	simm.s32 $0x0  }
0x63b: {  	v4 =	vld [tilespmem:s5+$0x1000]  }
0x63c: {  	v5 =	vld [tilespmem:s5+$0x1800];
	_ =	sdelay $0x1  }
0x63d: {  	v6 =	vld [tilespmem:s5+$0x1C00];
	_ =	sdelay $0x2  }
0x63e: {  	v5 =	vmul.f32 v5, v4  }
0x63f: {  	s15 =	simm.s32 $0x10  }
0x640: {  	s16 =	simm.s32 $0x80;
	v4 =	vld [tilespmem:s15+$0x1000];
	v5 =	vadd.f32 v5, v6  }
.LBB2_110:
0x641: {  	p3 =	sne.s32 s16, $0xFC0;
	v6 =	vld [tilespmem:s15+$0x1800]  }
0x642: {  	[tilespmem:s5+$0x1C00] =	vst v5;
	s5 =	smov.u32 s15  }
0x643: {  	v5 =	vld [tilespmem:s5+$0x1C00]  }
.Ltmp58:
0x644: {  	(pc) =	sbr.rel @p3 .LBB2_110-.Ltmp58, $4  }
0x645: {  	_ = 	snop  }
0x646: {  	v6 =	vmul.f32 v6, v4  }
0x647: {  	s15 =	sshra.s32 s16, $0x2  }
0x648: {  	s16 =	sadd.s32 $0x40, s16;
	v4 =	vld [tilespmem:s15+$0x1000];
	v5 =	vadd.f32 v6, v5  }
0x649: {  	v6 =	vld [tilespmem:s15+$0x1800]  }
0x64a: {  	[tilespmem:s5+$0x1C00] =	vst v5  }
0x64b: {  	v5 =	vld [tilespmem:s15+$0x1C00];
	_ =	sdelay $0x2  }
0x64c: {  	v4 =	vmul.f32 v6, v4;
	_ =	sdelay $0x1  }
0x64d: {  	v4 =	vadd.f32 v4, v5;
	_ =	sdelay $0x1  }
0x64e: {  	[tilespmem:s15+$0x1C00] =	vst v4  }
.LBB2_112:
.Ltmp59:
0x64f: {  	(pc) =	sbr.rel @!p5 .LBB2_116-.Ltmp59, $1  }
0x650: {  	_ =	sdelay $0x3  }
0x651: {  	s5 =	simm.s32 $0x0  }
0x652: {  	v4 =	vld [tilespmem:s5+$0x2000];
	_ =	sdelay $0x4  }
0x653: {  	v4 =	vadd.s32 $0xD, v4;
	_ =	sdelay $0x3  }
0x654: {  	v7 =	vld [tilespmem:s5+$0x2400]  }
0x655: {  	v4 =	vld.idx.msk [tilespmem:v4+s22+$0x0], $0xffff;
	_ =	sdelay $0x1  }
0x656: {  	v5 =	vld [tilespmem:s5+$0x1000]  }
0x657: {  	s15 =	simm.s32 $0x10;
	s16 =	simm.s32 $0x80;
	v6 =	vld [tilespmem:s5+$0x1800]  }
.LBB2_114:
0x658: {  	p3 =	sne.s32 s16, $0xFC0;
	v8 =	vld [tilespmem:s15+$0x2000]  }
0x659: {  	v4 =	vmul.f32 v7, v4  }
0x65a: {  	v7 =	vld [tilespmem:s5+$0x1C00]  }
0x65b: {  	v4 =	vadd.f32 v4, v5;
	_ =	sdelay $0x1  }
0x65c: {  	v5 =	vadd.s32 $0xD, v8;
	v4 =	vmul.f32 v6, v4;
	_ =	sdelay $0x1  }
0x65d: {  	v4 =	vadd.f32 v4, v7;
	_ =	sdelay $0x1  }
0x65e: {  	[tilespmem:s5+$0x1C00] =	vst v4;
	s5 =	smov.u32 s15  }
.Ltmp60:
0x65f: {  	v4 =	vld.idx.msk [tilespmem:v5+s22+$0x0], $0xffff;
	(pc) =	sbr.rel @p3 .LBB2_114-.Ltmp60, $3  }
0x660: {  	v7 =	vld [tilespmem:s5+$0x2400];
	_ =	sdelay $0x1  }
0x661: {  	v5 =	vld [tilespmem:s5+$0x1000]  }
0x662: {  	s15 =	sshra.s32 s16, $0x2;
	s16 =	sadd.s32 $0x40, s16;
	v6 =	vld [tilespmem:s5+$0x1800]  }
0x663: {  	v8 =	vld [tilespmem:s15+$0x2000]  }
0x664: {  	v4 =	vmul.f32 v7, v4  }
0x665: {  	v61 =	vld [tilespmem:s5+$0x1C00]  }
0x666: {  	v4 =	vadd.f32 v4, v5;
	_ =	sdelay $0x1  }
0x667: {  	v5 =	vadd.s32 $0xD, v8;
	v4 =	vmul.f32 v6, v4;
	_ =	sdelay $0x1  }
0x668: {  	v4 =	vadd.f32 v4, v61;
	_ =	sdelay $0x1  }
0x669: {  	[tilespmem:s5+$0x1C00] =	vst v4  }
0x66a: {  	v4 =	vld.idx.msk [tilespmem:v5+s22+$0x0], $0xffff  }
0x66b: {  	v5 =	vld [tilespmem:s15+$0x2400];
	_ =	sdelay $0x1  }
0x66c: {  	v62 =	vld [tilespmem:s15+$0x1000];
	_ =	sdelay $0x1  }
0x66d: {  	v63 =	vld [tilespmem:s15+$0x1800]  }
0x66e: {  	v4 =	vmul.f32 v5, v4  }
0x66f: {  	v5 =	vld [tilespmem:s15+$0x1C00]  }
0x670: {  	v4 =	vadd.f32 v4, v62;
	_ =	sdelay $0x1  }
0x671: {  	v4 =	vmul.f32 v63, v4;
	_ =	sdelay $0x1  }
0x672: {  	v4 =	vadd.f32 v4, v5;
	_ =	sdelay $0x1  }
0x673: {  	[tilespmem:s15+$0x1C00] =	vst v4  }
.LBB2_116:
0x674: {  	_ =	swait.ge [sflag:s25], $0x400  }
0x675: {  	[sflag:s25] =	ssyncset.done $0x0  }
0x676: {  	s0 =	simm.s32 @p0 $0x1;
	[sflag:s25] =	ssyncadd.s32 $0xFFFFFC00  }
0x677: {  	_ =	swait.ge @p0 [sflag:s0], $0x1040  }
0x678: {  	[sflag:s0] =	ssyncset.done @p0 $0x0  }
0x679: {  	s3 =	simm.s32 @p1 $0x1;
	[sflag:s0] =	ssyncadd.s32 @p0 $0xFFFFEFC0  }
0x67a: {  	_ =	swait.ge @p1 [sflag:s3], $0x10A0  }
0x67b: {  	[sflag:s3] =	ssyncset.done @p1 $0x0  }
0x67c: {  	[sflag:s3] =	ssyncadd.s32 @p1 $0xFFFFEF60  }
0x67d: {  	_ =	swait.ge @p0 [sflag:s0], $0x1040  }
0x67e: {  	[sflag:s0] =	ssyncset.done @p0 $0x0  }
0x67f: {  	[sflag:s0] =	ssyncadd.s32 @p0 $0xFFFFEFC0  }
0x680: {  	_ =	swait.ge @p1 [sflag:s3], $0x10A0  }
0x681: {  	[sflag:s3] =	ssyncset.done @p1 $0x0  }
0x682: {  	[sflag:s3] =	ssyncadd.s32 @p1 $0xFFFFEF60  }
0x683: {  	[bflag:$0x0] =	sbarrier.arrive $0xFFFF  }
0x684: {  	[tilespmem:s28], [sflag:$0x3] =	stream.indirect.gather [spmem:s29], $0x1, s26, s21, $0xb8;
	[tilespmem:$0x15588] =	vst v63  }
0x685: {  	_ =	swait.ge [sflag:s25], $0x400  }
0x686: {  	[sflag:s25] =	ssyncset.done $0x0  }
0x687: {  	s5 =	simm.s32 @!p2 $0x2;
	[sflag:s25] =	ssyncadd.s32 $0xFFFFFC00  }
0x688: {  	_ =	swait.ge @!p2 [sflag:s5], $0x30E0  }
0x689: {  	[sflag:s5] =	ssyncset.done @!p2 $0x0  }
0x68a: {  	[sflag:s5] =	ssyncadd.s32 @!p2 $0xFFFFCF20  }
0x68b: {  	[bflag:$0x0] =	sbarrier.arrive $0xFFFF  }
0x68c: {  	s11 =	sld [smem:$0x7B8];
	_ =	sdelay $0x1  }
0x68d: {  	s10 =	simm.s32 @p0 $0x80;
	s5 =	simm.s32 @p0 $0x10  }
0x68e: {  	[spmem:s7@s5], [sflag:s6] =	dma.strided @p0 [hbm:s11@s10], $0x1040, s0, $0x10   }
0x68f: {  	s1 =	sld [smem:$0x7EA];
	_ =	sdelay $0x1  }
0x690: {  	s7 =	simm.s32 @p1 $0x10;
	s11 =	simm.s32 @p1 $0x80  }
0x691: {  	[spmem:s9@s7], [sflag:s8] =	dma.strided @p1 [hbm:s1@s11], $0x10A0, s3, $0x10   }
0x692: {  	s9 =	sld [smem:$0x7B9];
	_ =	sdelay $0x2  }
0x693: {  	[spmem:s12@s5], [sflag:s6] =	dma.strided @p0 [hbm:s9@s10], $0x1040, s0, $0x10   }
.Ltmp61:
0x694: {  	s0 =	sld [smem:$0x7EB];
	(pc) =	sbr.rel @p4 .LBB2_120-.Ltmp61, $3  }
0x695: {  	_ =	sdelay $0x1  }
0x696: {  	[spmem:s14@s7], [sflag:s8] =	dma.strided @p1 [hbm:s0@s11], $0x10A0, s3, $0x10   }
0x697: {  	[tilespmem:s30], [sflag:$0x3] =	stream.indirect.gather [spmem:s2], $0x1, s21, s21, $0xb8;
	[tilespmem:$0x15588] =	vst v63  }
0x698: {  	s5 =	simm.s32 $0x0  }
0x699: {  	v4 =	vld [tilespmem:s5+$0xC00]  }
0x69a: {  	v5 =	vld [tilespmem:s5+$0x1400];
	_ =	sdelay $0x1  }
0x69b: {  	v6 =	vld [tilespmem:s5+$0x1C00];
	_ =	sdelay $0x2  }
0x69c: {  	v5 =	vmul.f32 v5, v4  }
0x69d: {  	s6 =	simm.s32 $0x10  }
0x69e: {  	s7 =	simm.s32 $0x80;
	v4 =	vld [tilespmem:s6+$0xC00];
	v5 =	vadd.f32 v5, v6  }
.LBB2_118:
0x69f: {  	p3 =	sne.s32 s7, $0xFC0;
	v6 =	vld [tilespmem:s6+$0x1400]  }
0x6a0: {  	[tilespmem:s5+$0x1C00] =	vst v5;
	s5 =	smov.u32 s6  }
0x6a1: {  	v5 =	vld [tilespmem:s5+$0x1C00]  }
.Ltmp62:
0x6a2: {  	(pc) =	sbr.rel @p3 .LBB2_118-.Ltmp62, $4  }
0x6a3: {  	_ = 	snop  }
0x6a4: {  	v6 =	vmul.f32 v6, v4  }
0x6a5: {  	s6 =	sshra.s32 s7, $0x2  }
0x6a6: {  	s7 =	sadd.s32 $0x40, s7;
	v4 =	vld [tilespmem:s6+$0xC00];
	v5 =	vadd.f32 v6, v5  }
0x6a7: {  	v6 =	vld [tilespmem:s6+$0x1400]  }
0x6a8: {  	[tilespmem:s5+$0x1C00] =	vst v5  }
0x6a9: {  	v5 =	vld [tilespmem:s6+$0x1C00];
	_ =	sdelay $0x2  }
0x6aa: {  	v4 =	vmul.f32 v6, v4;
	_ =	sdelay $0x1  }
0x6ab: {  	v4 =	vadd.f32 v4, v5;
	_ =	sdelay $0x1  }
0x6ac: {  	[tilespmem:s6+$0x1C00] =	vst v4  }
.LBB2_120:
.Ltmp63:
0x6ad: {  	(pc) =	sbr.rel @!p5 .LBB2_124-.Ltmp63, $1  }
0x6ae: {  	_ =	sdelay $0x3  }
0x6af: {  	s5 =	simm.s32 $0x0  }
0x6b0: {  	v4 =	vld [tilespmem:s5+$0x2000];
	_ =	sdelay $0x4  }
0x6b1: {  	v4 =	vadd.s32 $0xE, v4;
	_ =	sdelay $0x3  }
0x6b2: {  	v7 =	vld [tilespmem:s5+$0x2400]  }
0x6b3: {  	v4 =	vld.idx.msk [tilespmem:v4+s22+$0x0], $0xffff;
	_ =	sdelay $0x1  }
0x6b4: {  	v5 =	vld [tilespmem:s5+$0xC00]  }
0x6b5: {  	s6 =	simm.s32 $0x10;
	s7 =	simm.s32 $0x80;
	v6 =	vld [tilespmem:s5+$0x1400]  }
.LBB2_122:
0x6b6: {  	p3 =	sne.s32 s7, $0xFC0;
	v8 =	vld [tilespmem:s6+$0x2000]  }
0x6b7: {  	v4 =	vmul.f32 v7, v4  }
0x6b8: {  	v7 =	vld [tilespmem:s5+$0x1C00]  }
0x6b9: {  	v4 =	vadd.f32 v4, v5;
	_ =	sdelay $0x1  }
0x6ba: {  	v5 =	vadd.s32 $0xE, v8;
	v4 =	vmul.f32 v6, v4;
	_ =	sdelay $0x1  }
0x6bb: {  	v4 =	vadd.f32 v4, v7;
	_ =	sdelay $0x1  }
0x6bc: {  	[tilespmem:s5+$0x1C00] =	vst v4;
	s5 =	smov.u32 s6  }
.Ltmp64:
0x6bd: {  	v4 =	vld.idx.msk [tilespmem:v5+s22+$0x0], $0xffff;
	(pc) =	sbr.rel @p3 .LBB2_122-.Ltmp64, $3  }
0x6be: {  	v7 =	vld [tilespmem:s5+$0x2400];
	_ =	sdelay $0x1  }
0x6bf: {  	v5 =	vld [tilespmem:s5+$0xC00]  }
0x6c0: {  	s6 =	sshra.s32 s7, $0x2;
	s7 =	sadd.s32 $0x40, s7;
	v6 =	vld [tilespmem:s5+$0x1400]  }
0x6c1: {  	v8 =	vld [tilespmem:s6+$0x2000]  }
0x6c2: {  	v4 =	vmul.f32 v7, v4  }
0x6c3: {  	v61 =	vld [tilespmem:s5+$0x1C00]  }
0x6c4: {  	v4 =	vadd.f32 v4, v5;
	_ =	sdelay $0x1  }
0x6c5: {  	v5 =	vadd.s32 $0xE, v8;
	v4 =	vmul.f32 v6, v4;
	_ =	sdelay $0x1  }
0x6c6: {  	v4 =	vadd.f32 v4, v61;
	_ =	sdelay $0x1  }
0x6c7: {  	[tilespmem:s5+$0x1C00] =	vst v4  }
0x6c8: {  	v4 =	vld.idx.msk [tilespmem:v5+s22+$0x0], $0xffff  }
0x6c9: {  	v5 =	vld [tilespmem:s6+$0x2400];
	_ =	sdelay $0x1  }
0x6ca: {  	v62 =	vld [tilespmem:s6+$0xC00];
	_ =	sdelay $0x1  }
0x6cb: {  	v63 =	vld [tilespmem:s6+$0x1400]  }
0x6cc: {  	v4 =	vmul.f32 v5, v4  }
0x6cd: {  	v5 =	vld [tilespmem:s6+$0x1C00]  }
0x6ce: {  	v4 =	vadd.f32 v4, v62;
	_ =	sdelay $0x1  }
0x6cf: {  	v4 =	vmul.f32 v63, v4;
	_ =	sdelay $0x1  }
0x6d0: {  	v4 =	vadd.f32 v4, v5;
	_ =	sdelay $0x1  }
0x6d1: {  	[tilespmem:s6+$0x1C00] =	vst v4  }
.LBB2_124:
0x6d2: {  	_ =	swait.ge [sflag:s25], $0x400  }
0x6d3: {  	[sflag:s25] =	ssyncset.done $0x0  }
0x6d4: {  	s0 =	simm.s32 @p0 $0x1;
	[sflag:s25] =	ssyncadd.s32 $0xFFFFFC00  }
0x6d5: {  	_ =	swait.ge @p0 [sflag:s0], $0x1040  }
0x6d6: {  	[sflag:s0] =	ssyncset.done @p0 $0x0  }
0x6d7: {  	s3 =	simm.s32 @p1 $0x1;
	[sflag:s0] =	ssyncadd.s32 @p0 $0xFFFFEFC0  }
0x6d8: {  	_ =	swait.ge @p1 [sflag:s3], $0x10A0  }
0x6d9: {  	[sflag:s3] =	ssyncset.done @p1 $0x0  }
0x6da: {  	[sflag:s3] =	ssyncadd.s32 @p1 $0xFFFFEF60  }
0x6db: {  	_ =	swait.ge @p0 [sflag:s0], $0x1040  }
0x6dc: {  	[sflag:s0] =	ssyncset.done @p0 $0x0  }
0x6dd: {  	[sflag:s0] =	ssyncadd.s32 @p0 $0xFFFFEFC0  }
0x6de: {  	_ =	swait.ge @p1 [sflag:s3], $0x10A0  }
0x6df: {  	[sflag:s3] =	ssyncset.done @p1 $0x0  }
0x6e0: {  	[sflag:s3] =	ssyncadd.s32 @p1 $0xFFFFEF60  }
.Ltmp65:
0x6e1: {  	[bflag:$0x0] =	sbarrier.arrive $0xFFFF;
	(pc) =	sbr.rel @p4 .LBB2_128-.Ltmp65, $4  }
0x6e2: {  	[tilespmem:s31], [sflag:$0x3] =	stream.indirect.gather [spmem:s29], $0x1, s26, s21, $0xb8;
	[tilespmem:$0x15588] =	vst v63  }
0x6e3: {  	_ =	swait.ge [sflag:s25], $0x400  }
0x6e4: {  	[sflag:s25] =	ssyncset.done $0x0  }
0x6e5: {  	[sflag:s25] =	ssyncadd.s32 $0xFFFFFC00  }
0x6e6: {  	s5 =	simm.s32 $0x0  }
0x6e7: {  	v4 =	vld [tilespmem:s5+$0x1000]  }
0x6e8: {  	v5 =	vld [tilespmem:s5+$0x1800];
	_ =	sdelay $0x1  }
0x6e9: {  	v6 =	vld [tilespmem:s5+$0x1C00];
	_ =	sdelay $0x2  }
0x6ea: {  	v5 =	vmul.f32 v5, v4  }
0x6eb: {  	s6 =	simm.s32 $0x10  }
0x6ec: {  	s7 =	simm.s32 $0x80;
	v4 =	vld [tilespmem:s6+$0x1000];
	v5 =	vadd.f32 v5, v6  }
.LBB2_126:
0x6ed: {  	p1 =	sne.s32 s7, $0xFC0;
	v6 =	vld [tilespmem:s6+$0x1800]  }
0x6ee: {  	[tilespmem:s5+$0x1C00] =	vst v5;
	s5 =	smov.u32 s6  }
0x6ef: {  	v5 =	vld [tilespmem:s5+$0x1C00]  }
.Ltmp66:
0x6f0: {  	(pc) =	sbr.rel @p1 .LBB2_126-.Ltmp66, $4  }
0x6f1: {  	_ = 	snop  }
0x6f2: {  	v6 =	vmul.f32 v6, v4  }
0x6f3: {  	s6 =	sshra.s32 s7, $0x2  }
0x6f4: {  	s7 =	sadd.s32 $0x40, s7;
	v4 =	vld [tilespmem:s6+$0x1000];
	v5 =	vadd.f32 v6, v5  }
0x6f5: {  	v6 =	vld [tilespmem:s6+$0x1800]  }
0x6f6: {  	[tilespmem:s5+$0x1C00] =	vst v5  }
0x6f7: {  	v5 =	vld [tilespmem:s6+$0x1C00];
	_ =	sdelay $0x2  }
0x6f8: {  	v4 =	vmul.f32 v6, v4;
	_ =	sdelay $0x1  }
0x6f9: {  	v4 =	vadd.f32 v4, v5;
	_ =	sdelay $0x1  }
0x6fa: {  	[tilespmem:s6+$0x1C00] =	vst v4  }
.LBB2_128:
.Ltmp67:
0x6fb: {  	(pc) =	sbr.rel @!p5 .LBB2_132-.Ltmp67, $1  }
0x6fc: {  	_ =	sdelay $0x3  }
0x6fd: {  	s5 =	simm.s32 $0x0  }
0x6fe: {  	v4 =	vld [tilespmem:s5+$0x2000];
	_ =	sdelay $0x4  }
0x6ff: {  	v4 =	vadd.s32 $0xF, v4;
	_ =	sdelay $0x3  }
0x700: {  	v7 =	vld [tilespmem:s5+$0x2400]  }
0x701: {  	v4 =	vld.idx.msk [tilespmem:v4+s22+$0x0], $0xffff;
	_ =	sdelay $0x1  }
0x702: {  	v5 =	vld [tilespmem:s5+$0x1000]  }
0x703: {  	s6 =	simm.s32 $0x10;
	s7 =	simm.s32 $0x80;
	v6 =	vld [tilespmem:s5+$0x1800]  }
.LBB2_130:
0x704: {  	p1 =	sne.s32 s7, $0xFC0;
	v8 =	vld [tilespmem:s6+$0x2000]  }
0x705: {  	v4 =	vmul.f32 v7, v4  }
0x706: {  	v7 =	vld [tilespmem:s5+$0x1C00]  }
0x707: {  	v4 =	vadd.f32 v4, v5;
	_ =	sdelay $0x1  }
0x708: {  	v4 =	vmul.f32 v6, v4;
	v5 =	vadd.s32 $0xF, v8;
	_ =	sdelay $0x1  }
0x709: {  	v4 =	vadd.f32 v4, v7;
	_ =	sdelay $0x1  }
0x70a: {  	[tilespmem:s5+$0x1C00] =	vst v4;
	s5 =	smov.u32 s6  }
.Ltmp68:
0x70b: {  	v4 =	vld.idx.msk [tilespmem:v5+s22+$0x0], $0xffff;
	(pc) =	sbr.rel @p1 .LBB2_130-.Ltmp68, $3  }
0x70c: {  	v7 =	vld [tilespmem:s5+$0x2400];
	_ =	sdelay $0x1  }
0x70d: {  	v5 =	vld [tilespmem:s5+$0x1000]  }
0x70e: {  	s6 =	sshra.s32 s7, $0x2;
	s7 =	sadd.s32 $0x40, s7;
	v6 =	vld [tilespmem:s5+$0x1800]  }
.Ltmp69:
0x70f: {  	_ = 	snop;
	(pc) =	sbr.rel .LBB2_131-.Ltmp69, $1  }
0x710: {  	_ =	sdelay $0x3  }
.LBB2_133:
0x711: {  	_ =	sfence.sel $0x180000  }
0x712: {  	[bflag:$0x0] =	sbarrier.arrive $0xFFFF  }
0x713: {  	_ =	strace $0x90000047  }
0x714: {  	s0 =	stileid.u32;
	[bflag:$0x2] =	sbarrier.arrive $0xFFFF  }
0x715: {  	p0 =	sne.s32 s0, $0x0;
	s0 =	rddreg [dreg:$0x9]  }
0x716: {  	s0 =	sadd.s32 @!p0 $0x100000, s0  }
0x717: {  	[sflag:s0] =	ssyncadd.tile.s32 @!p0 $0x1;
	_ =	shalt  }
.Lfunc_end2:
_tile_overlayer_lowered:
.L_overlay_start_2:
0x718: {  	(tag) =	ssettag $0x2  }
0x719: {  	s0 =	rddreg [dreg:$0x0];
	s2 =	stileid.u32  }
0x71a: {  	s1 =	rddreg [dreg:$0x1];
	p0 =	sne.s32 s2, $0x0  }
0x71b: {  	s3 =	rddreg [dreg:$0x2];
	[bflag:$0x3] =	sbarrier.arrive $0xFFFF;
	s2 =	simm.s32 @!p0 $0x1C04  }
0x71c: {  	[timem:s3], [sflag:s2] =	dma.local @!p0 [hbm:s0], s1  }
0x71d: {  	s0 =	simm.s32 @!p0 $0x4  }
0x71e: {  	_ =	swait.ge @!p0 [sflag:s0], s1  }
0x71f: {  	s1 =	ssub.s32 @!p0 $0x0, s1;
	[sflag:s0] =	ssyncset.done @!p0 $0x0  }
0x720: {  	[sflag:s0] =	ssyncadd.s32 @!p0 s1  }
0x721: {  	[bflag:$0x3] =	sbarrier.arrive $0xFFFF  }
0x722: {  	_ =	shalt  }

// kernel: kernel.7.cloned.1.call-start
scs
__scs_entry_jumppad:
0x0: {  	(pc) =	sbr.rel $0x88, $3  }
0x1: {  	(tag) =	ssettag $0x0;
	lr =	simm.s32 $0x1  }
0x2: {  	[smem:$0x3F9D] =	sst lr;
	_ =	strace $0xD0000000  }
0x3: {  	_ = 	snop  }
0x4: {  	_ = 	snop  }
0x5: {  	_ = 	snop  }
0x6: {  	_ = 	snop  }
0x7: {  	_ = 	snop  }
__scs_overlays_trampoline_lowered:
0x8: {  	[smem:$0x3FAC] =	sst s0  }
0x9: {  	[smem:$0x3FAD] =	sst s1  }
0xa: {  	[smem:$0x3FAE] =	sst s2  }
0xb: {  	[smem:$0x3FAF] =	sst s3  }
0xc: {  	[smem:$0x3FB0] =	sst s4  }
0xd: {  	[smem:$0x3FB1] =	sst s5  }
0xe: {  	[smem:$0x3FB2] =	sst s6  }
0xf: {  	[smem:$0x3FB3] =	sst s7  }
0x10: {  	[smem:$0x3FB4] =	sst s8  }
0x11: {  	[smem:$0x3FB5] =	sst s9;
	s0 =	simm.s32 @!p0 $0x0  }
0x12: {  	s1 =	sld [smem:$0x3F9B];
	s0 =	simm.s32 @p0 $0x1  }
0x13: {  	[smem:$0x3FB6] =	sst s0;
	s0 =	simm.s32 @!p1 $0x0  }
0x14: {  	s2 =	sld [smem:$0x3F9A];
	s0 =	simm.s32 @p1 $0x1  }
0x15: {  	[smem:$0x3FB7] =	sst s0;
	s0 =	simm.s32 @!p2 $0x0  }
0x16: {  	s3 =	sld [smem:$0x3FDB];
	s0 =	simm.s32 @p2 $0x1  }
0x17: {  	s4 =	simm.s32 $0x1BF5;
	[smem:$0x3FB9] =	sst s0  }
0x18: {  	s0 =	sld [smem:$0x3F9C];
	_ =	swait.ge [sflag:s4], $0x0  }
0x19: {  	s7 =	sld [smem:$0x3F9D]  }
0x1a: {  	s8 =	sadd.s32 $0xFFFFE003, lr  }
0x1b: {  	s9 =	sadd.s32 $0xFFFFFEF7, lr;
	s5 =	simm.s32 $0xFFFFFFFF;
	p2 =	slt.u32 s8, $0xFFFFF086  }
0x1c: {  	p1 =	slt.u32 s9, $0xF7A;
	s5 =	simm.s32 @!p2 $0x0  }
0x1d: {  	s5 =	simm.s32 @p1 $0x1;
	p0 =	seq.s32 s7, s2  }
0x1e: {  	s7 =	smul.u32 @!p0 $0xF7A, s2;
	p2 =	seq.s32 @!p0 s5, $0x0  }
0x1f: {  	s9 =	smul.u32 $0xF7A, s1;
	s8 =	simm.s32 @!p0 $0x1BF5;
	p2 =	por !p2, p0  }
0x20: {  	[sflag:s8] =	ssyncset.s32 @!p0 $0xFFFFF086;
	s6 =	sadd.s32 @!p0 s3, s7;
	s7 =	simm.s32 @!p0 $0x108  }
0x21: {  	s3 =	sadd.s32 s3, s9;
	s6 =	sadd.s32 @!p0 $0x88, s6;
	s7 =	simm.s32 @p2 $0x1082  }
0x22: {  	[simem:s7], [sflag:s8] =	dma.local @!p0 [hbm:s6], $0xF7A  }
0x23: {  	s9 =	sor.u32 $0xD0000000, s2;
	s6 =	simm.s32 $0x108;
	_ =	swait.ge @!p0 [sflag:s8], $0x0  }
0x24: {  	s3 =	sadd.s32 $0x88, s3;
	s6 =	simm.s32 @!p1 $0x1082;
	[sflag:s4] =	ssyncset.s32 $0xFFFFF086  }
0x25: {  	[simem:s6], [sflag:s4] =	dma.local [hbm:s3], $0xF7A  }
0x26: {  	[smem:$0x3F9D] =	sst s1;
	(tag) =	ssettag s2;
	_ =	strace s9  }
0x27: {  	s1 =	sld [smem:$0x3FAD]  }
0x28: {  	s2 =	sld [smem:$0x3FAE]  }
0x29: {  	s4 =	sld [smem:$0x3FB0]  }
0x2a: {  	p0 =	seq.s32 s5, $0x0;
	s5 =	sld [smem:$0x3FB1]  }
0x2b: {  	s6 =	sld [smem:$0x3FB2]  }
0x2c: {  	s7 =	sld [smem:$0x3FB3]  }
0x2d: {  	s3 =	simm.s32 $0x108;
	s8 =	sld [smem:$0x3FB4]  }
0x2e: {  	s3 =	simm.s32 @!p0 $0x1082;
	s9 =	sld [smem:$0x3FB5]  }
0x2f: {  	lr =	sadd.s32 s0, s3;
	s0 =	sld [smem:$0x3FAC]  }
0x30: {  	s3 =	sld [smem:$0x3FAF]  }
0x31: {  	[smem:$0x3FB8] =	sst s10  }
0x32: {  	s10 =	sld [smem:$0x3FB6];
	_ =	sdelay $0x3  }
0x33: {  	p0 =	seq.s32 s10, $0x1;
	s10 =	sld [smem:$0x3FB8];
	_ =	sdelay $0x3  }
0x34: {  	[smem:$0x3FB8] =	sst s10  }
0x35: {  	s10 =	sld [smem:$0x3FB7];
	_ =	sdelay $0x3  }
0x36: {  	p1 =	seq.s32 s10, $0x1;
	s10 =	sld [smem:$0x3FB8];
	_ =	sdelay $0x3  }
0x37: {  	[smem:$0x3FB8] =	sst s10  }
0x38: {  	s10 =	sld [smem:$0x3FB9]  }
0x39: {  	_ = 	snop;
	(pc) =	sbr.ind lr, $3  }
0x3a: {  	_ = 	snop  }
0x3b: {  	_ = 	snop  }
0x3c: {  	p2 =	seq.s32 s10, $0x1;
	s10 =	sld [smem:$0x3FB8]  }
0x3d: {  	_ =	shalt  }
0x3e: {  	_ =	shalt  }
0x3f: {  	_ =	shalt  }
0x40: {  	_ =	shalt  }
0x41: {  	_ =	shalt  }
0x42: {  	_ =	shalt  }
0x43: {  	_ =	shalt  }
0x44: {  	_ =	shalt  }
0x45: {  	_ =	shalt  }
0x46: {  	_ =	shalt  }
0x47: {  	_ =	shalt  }
0x48: {  	_ =	shalt  }
0x49: {  	_ =	shalt  }
0x4a: {  	_ =	shalt  }
0x4b: {  	_ =	shalt  }
0x4c: {  	_ =	shalt  }
0x4d: {  	_ =	shalt  }
0x4e: {  	_ =	shalt  }
0x4f: {  	_ =	shalt  }
0x50: {  	_ =	shalt  }
0x51: {  	_ =	shalt  }
0x52: {  	_ =	shalt  }
0x53: {  	_ =	shalt  }
0x54: {  	_ =	shalt  }
0x55: {  	_ =	shalt  }
0x56: {  	_ =	shalt  }
0x57: {  	_ =	shalt  }
0x58: {  	_ =	shalt  }
0x59: {  	_ =	shalt  }
0x5a: {  	_ =	shalt  }
0x5b: {  	_ =	shalt  }
0x5c: {  	_ =	shalt  }
0x5d: {  	_ =	shalt  }
0x5e: {  	_ =	shalt  }
0x5f: {  	_ =	shalt  }
0x60: {  	_ =	shalt  }
0x61: {  	_ =	shalt  }
0x62: {  	_ =	shalt  }
0x63: {  	_ =	shalt  }
0x64: {  	_ =	shalt  }
0x65: {  	_ =	shalt  }
0x66: {  	_ =	shalt  }
0x67: {  	_ =	shalt  }
0x68: {  	_ =	shalt  }
0x69: {  	_ =	shalt  }
0x6a: {  	_ =	shalt  }
0x6b: {  	_ =	shalt  }
0x6c: {  	_ =	shalt  }
0x6d: {  	_ =	shalt  }
0x6e: {  	_ =	shalt  }
0x6f: {  	_ =	shalt  }
0x70: {  	_ =	shalt  }
0x71: {  	_ =	shalt  }
0x72: {  	_ =	shalt  }
0x73: {  	_ =	shalt  }
0x74: {  	_ =	shalt  }
0x75: {  	_ =	shalt  }
0x76: {  	_ =	shalt  }
0x77: {  	_ =	shalt  }
0x78: {  	_ =	shalt  }
0x79: {  	_ =	shalt  }
0x7a: {  	_ =	shalt  }
0x7b: {  	_ =	shalt  }
0x7c: {  	_ =	shalt  }
0x7d: {  	_ =	shalt  }
0x7e: {  	_ =	shalt  }
0x7f: {  	_ =	shalt  }
0x80: {  	_ =	shalt  }
0x81: {  	_ =	shalt  }
0x82: {  	_ =	shalt  }
0x83: {  	_ =	shalt  }
0x84: {  	_ =	shalt  }
0x85: {  	_ =	shalt  }
0x86: {  	_ =	shalt  }
0x87: {  	_ =	shalt  }
.Lfunc_end0:
.L_simem_size_0:
called_computation.1_lowered:
.L_overlay_start_0:
0x88: {  	s2 =	sld [smem:$0x3FD9]  }
0x89: {  	s3 =	sld [smem:$0x3FFE];
	_ =	sdelay $0x1  }
0x8a: {  	s1 =	srdreg.scid  }
0x8b: {  	s0 =	sand.u32 $0x1, s1  }
0x8c: {  	s17 =	sshll.u32 s0, $0xA;
	s2 =	sadd.s32 s3, s2  }
0x8d: {  	s2 =	sadd.s32 s2, s17  }
0x8e: {  	[smem:$0x3FC4] =	sst s2  }
0x8f: {  	_ = 	snop  }
0x90: {  	s2 =	sld [smem:$0x3FD0];
	(tm) =	ssettm $0x1  }
0x91: {  	s18 =	sld [smem:$0x3FFB];
	_ =	sdelay $0x3  }
0x92: {  	_ =	strace s18  }
0x93: {  	s3 =	sld [smem:$0x3FFC];
	_ =	sdelay $0x3  }
0x94: {  	_ =	strace s3  }
0x95: {  	s3 =	sld [smem:$0x3FFD];
	_ =	sdelay $0x3  }
0x96: {  	_ =	strace s3  }
0x97: {  	_ =	strace $0x8FFFFFFF  }
0x98: {  	s19 =	sld [smem:$0x3FDB];
	_ =	sdelay $0x1  }
0x99: {  	s4 =	simm.s32 $_scs_section_size  }
0x9a: {  	s5 =	simm.s32 $_size__tile_overlayer_lowered;
	s6 =	simm.s32 $_tile_overlayer_lowered  }
0x9b: {  	s22 =	simm.s32 $0x1BFF;
	s21 =	sshll.u32 s6, $0x1;
	s3 =	sadd.s32 s4, s19  }
0x9c: {  	s7 =	simm.s32 $0x0;
	s20 =	sshll.u32 s5, $0x1;
	s5 =	sadd.s32 s21, s3  }
0x9d: {  	[timem:s7], [sflag:s22] =	dma.local [hbm:s5], s20  }
0x9e: {  	_ =	swait.ge [sflag:s22], s20  }
0x9f: {  	s4 =	ssub.s32 $0x0, s20;
	[sflag:s22] =	ssyncset.done $0x0  }
0xa0: {  	[sflag:s22] =	ssyncadd.s32 s4;
	_ =	sdelay $0x1  }
0xa1: {  	s23 =	simm.s32 $0x1B8B  }
0xa2: {  	_ =	swait.ge [sflag:s23], $0x1  }
0xa3: {  	[sflag:s23] =	ssyncset.done $0x0  }
0xa4: {  	s25 =	simm.s32 $0x1B8E;
	s24 =	sld [smem:$0x3FFE];
	[sflag:s23] =	ssyncadd.s32 $0xFFFFFFFF  }
0xa5: {  	s26 =	simm.s32 $execute0_lowered;
	[smem:$0x3FD2] =	sst s25  }
0xa6: {  	s5 =	sshll.u32 s26, $0x1;
	_ =	strace $0x80000049;
	[dreg:$0x1] =	wrdreg $0xFFFFFFFF  }
0xa7: {  	s28 =	simm.s32 $_size_execute0_lowered;
	s3 =	sadd.s32 s3, s5;
	[dreg:$0x0] =	wrdreg $0x0  }
0xa8: {  	s5 =	sshll.u32 s28, $0x1;
	[dreg:$0x2] =	wrdreg s3  }
0xa9: {  	[dreg:$0x3] =	wrdreg s5  }
0xaa: {  	[dreg:$0x4] =	wrdreg $0xC0  }
0xab: {  	_ =	task [dreg:s7], $0x5FFFF  }
0xac: {  	[dreg:$0x1] =	wrdreg $0xFFFFFFFF  }
0xad: {  	[dreg:$0x0] =	wrdreg $0x60  }
0xae: {  	[dreg:$0x2] =	wrdreg s24  }
0xaf: {  	[dreg:$0x3] =	wrdreg s2  }
0xb0: {  	[dreg:$0x4] =	wrdreg $0x9  }
0xb1: {  	_ =	task.clear_ibuf [dreg:s7], $0x5FFFF;
	_ =	strace $0x90000049  }
0xb2: {  	s29 =	simm.s32 $0x9;
	_ =	strace $0x8000004B  }
0xb3: {  	_ =	swait.ge [sflag:s29], $0x1  }
0xb4: {  	[sflag:s29] =	ssyncadd.s32 $0xFFFFFFFF  }
0xb5: {  	_ =	strace $0x9000004B  }
0xb6: {  	_ =	sfence  }
0xb7: {  	s30 =	sld [smem:$0x0];
	_ =	sdelay $0x2  }
0xb8: {  	s31 =	sshll.u32 s1, $0xD;
	s1 =	sshrl.u32 s1, $0x2  }
0xb9: {  	s3 =	sand.u32 $0x4000, s31;
	s1 =	sadd.s32 s1, s30  }
0xba: {  	s0 =	sor.u32 s3, s0;
	s1 =	sshll.u32 s1, $0x11  }
0xbb: {  	s0 =	sor.u32 s1, s0  }
0xbc: {  	s0 =	sadd.s32 $0x8F2B, s0  }
0xbd: {  	[sflag:s0] =	ssyncadd.remote.s32 $0x1  }
0xbe: {  	_ =	sfence.sel $0xFFFF  }
0xbf: {  	[dreg:$0x0] =	wrdreg $0xFFFFFFFF;
	(pc) =	sbr.abs _section_cstart, $3  }
0xc0: {  	[dreg:$0x1] =	wrdreg $0xFFFFFFFF  }
0xc1: {  	_ =	task.clear_ibuf [dreg:s7], $0x2FFFF;
	_ =	strace $0x9FFFFFFF  }
0xc2: {  	(tm) =	ssettm $0x7FFFFFFF  }
0xc3: {  	_ =	shalt  }
tec
execute0_lowered:
.L_overlay_start_1:
0x0: {  	(tag) =	ssettag $0x1  }
0x1: {  	s3 =	rddreg [dreg:$0x0]  }
0x2: {  	s5 =	rddreg [dreg:$0x1];
	s2 =	srdreg.scid  }
0x3: {  	s0 =	rddreg [dreg:$0x2];
	s1 =	stileid.u32;
	s9 =	simm.s32 $0x1  }
0x4: {  	s10 =	simm.s32 $0x200;
	s11 =	simm.s32 $0x0;
	s4 =	sand.u32 $0x1, s2  }
0x5: {  	s2 =	simm.s32 $0x0;
	s6 =	sshll.u32 s1, $0xA;
	s7 =	sshll.u32 s4, $0x9  }
0x6: {  	[smem:$0x7FF] =	sst s2;
	s4 =	ssub.s32 $0x2, s4;
	s6 =	sor.u32 s7, s6  }
0x7: {  	_ =	strace $0x8000004A;
	s8 =	sshrl.u32 s4, $0x1;
	s7 =	sshrl.u32 s6, $0x2  }
0x8: {  	s8 =	ssub.s32 s4, s8;
	s6 =	sshrl.u32 s6, $0x3;
	s7 =	sadd.s32 s7, s3  }
0x9: {  	s5 =	sadd.s32 s5, s6;
	s6 =	smax.u32 s8, $0x1;
	s8 =	simm.s32 $0x100  }
0xa: {  	s3 =	sadd.s32 $0x800, s7;
	s4 =	sadd.s32 $0x810, s7;
	s7 =	simm.s32 $0x80  }
.LBB2_1:
0xb: {  	[tilespmem:s2], [sflag:$0x1] =	stream.strided.gather [hbm4b:s3+s7], $0x200, s8, s7, $0x38;
	[tilespmem:$0x400] =	vst v63  }
0xc: {  	_ =	swait.ge [sflag:s9], $0x200  }
0xd: {  	[sflag:s9] =	ssyncset.done $0x0  }
0xe: {  	[sflag:s9] =	ssyncadd.s32 $0xFFFFFE00  }
0xf: {  	[tilespmem:s10], [sflag:$0x1] =	stream.strided.gather [hbm4b:s4+s7], $0x200, s8, s7, $0x38;
	[tilespmem:$0x400] =	vst v63  }
0x10: {  	_ =	swait.ge [sflag:s9], $0x200  }
0x11: {  	[sflag:s9] =	ssyncset.done $0x0  }
0x12: {  	s12 =	simm.s32 $0x0;
	[sflag:s9] =	ssyncadd.s32 $0xFFFFFE00  }
0x13: {  	s13 =	simm.s32 $0x40;
	v0 =	vld [tilespmem:s12+$0x200]  }
.LBB2_2:
0x14: {  	p0 =	sne.s32 s13, $0x7C0;
	v1 =	vld [tilespmem:s12+$0x0];
	_ =	sdelay $0x2  }
.Ltmp0:
0x15: {  	(pc) =	sbr.rel @p0 .LBB2_2-.Ltmp0, $4  }
0x16: {  	_ = 	snop  }
0x17: {  	v1 =	vadd.f32 v0, v1  }
0x18: {  	s14 =	sshra.s32 s13, $0x2  }
0x19: {  	s13 =	sadd.s32 $0x40, s13;
	v0 =	vld [tilespmem:s14+$0x200];
	[tilespmem:s12+$0x0] =	vst v1;
	s12 =	smov.u32 s14  }
0x1a: {  	v1 =	vld [tilespmem:s12+$0x0];
	_ =	sdelay $0x4  }
0x1b: {  	s11 =	sadd.s32 $0x1, s11;
	v0 =	vadd.f32 v0, v1  }
0x1c: {  	p0 =	sne.s32 s11, s6  }
.Ltmp1:
0x1d: {  	[tilespmem:s12+$0x0] =	vst v0;
	(pc) =	sbr.rel @p0 .LBB2_1-.Ltmp1, $4  }
0x1e: {  	[hbm4b:s5+s2] =	stream.linear.scatter [tilespmem:s2], [sflag:$0x1], $0x200, $0x38;
	[tilespmem:$0x400] =	vst v63  }
0x1f: {  	_ =	swait.ge [sflag:s9], $0x200  }
0x20: {  	[sflag:s9] =	ssyncset.done $0x0  }
0x21: {  	[sflag:s9] =	ssyncadd.s32 $0xFFFFFE00  }
0x22: {  	_ =	sfence.sel $0x180000  }
0x23: {  	[bflag:$0x0] =	sbarrier.arrive $0xFFFF  }
0x24: {  	p0 =	sne.s32 s1, $0x0;
	_ =	strace $0x9000004A  }
0x25: {  	s0 =	sadd.s32 @!p0 $0x100000, s0;
	[bflag:$0x2] =	sbarrier.arrive $0xFFFF  }
0x26: {  	[sflag:s0] =	ssyncadd.tile.s32 @!p0 $0x1;
	_ =	shalt  }
.Lfunc_end2:
_tile_overlayer_lowered:
.L_overlay_start_2:
0x27: {  	(tag) =	ssettag $0x2  }
0x28: {  	s0 =	rddreg [dreg:$0x0];
	s2 =	stileid.u32  }
0x29: {  	s1 =	rddreg [dreg:$0x1];
	p0 =	sne.s32 s2, $0x0  }
0x2a: {  	s3 =	rddreg [dreg:$0x2];
	[bflag:$0x3] =	sbarrier.arrive $0xFFFF;
	s2 =	simm.s32 @!p0 $0x1C01  }
0x2b: {  	[timem:s3], [sflag:s2] =	dma.local @!p0 [hbm:s0], s1  }
0x2c: {  	s0 =	simm.s32 @!p0 $0x1  }
0x2d: {  	_ =	swait.ge @!p0 [sflag:s0], s1  }
0x2e: {  	s1 =	ssub.s32 @!p0 $0x0, s1;
	[sflag:s0] =	ssyncset.done @!p0 $0x0  }
0x2f: {  	[sflag:s0] =	ssyncadd.s32 @!p0 s1  }
0x30: {  	[bflag:$0x3] =	sbarrier.arrive $0xFFFF  }
0x31: {  	_ =	shalt  }

</sc_bundles>
